<compile_context>
chip_gen: v7x
topology: tpu7x:2x2x1
jax: 0.10.2.dev20260603
libtpu: 0.0.44.dev20260713+nightly
codegen_flags: <defaults>
</compile_context>

<pallas_src>
import jax
import jax.numpy as jnp
from jax import lax
from jax.experimental import pallas as pl
from jax.experimental.pallas import tpu as pltpu
from jax.experimental.pallas import tpu_sc as plsc

NC = 2
NS = 16
NW = NC * NS
W = 128
RING = 6


def _sc_segment_sum(n_tables, Npad, ER, with_deg):
    SUB = Npad // NS
    base_rows = ER // NW
    extra = ER - base_rows * NW
    mesh = plsc.VectorSubcoreMesh(core_axis_name="c", subcore_axis_name="s",
                                  num_cores=NC, num_subcores=NS)
    MAXR = base_rows + (1 if extra else 0)

    def body(*refs):
        it = iter(refs)
        tables = [next(it) for _ in range(n_tables)]
        edges = next(it)
        outs = [next(it) for _ in range(n_tables)]
        degout = next(it) if with_deg else None
        accs = [next(it) for _ in range(n_tables)]
        dacc = next(it) if with_deg else None
        srcv = next(it)
        dstv = next(it)
        rows = [[next(it) for _ in range(RING)] for _ in range(n_tables)]
        onesv = next(it) if with_deg else None
        zb = next(it)
        gsems = [[next(it) for _ in range(RING)] for _ in range(n_tables)]
        ssems = [[next(it) for _ in range(RING)] for _ in range(n_tables)]
        dsem = next(it) if with_deg else None

        cid = lax.axis_index("c")
        sid = lax.axis_index("s")
        wid = sid * NC + cid

        zero16 = jnp.zeros((16,), jnp.float32)

        def zrow(i, carry):
            zb[i, :] = zero16
            return carry
        lax.fori_loop(0, SUB, zrow, 0)

        if with_deg:
            one16 = jnp.ones((16,), jnp.float32)

            def orow(i, carry):
                onesv[i, :] = one16
                return carry
            lax.fori_loop(0, W, orow, 0)

        for t in range(n_tables):
            pltpu.sync_copy(zb, accs[t].at[pl.ds(sid * SUB, SUB)])
        if with_deg:
            pltpu.sync_copy(zb, dacc.at[pl.ds(sid * SUB, SUB)])
        plsc.subcore_barrier()

        nrows = base_rows + jnp.where(wid < extra, 1, 0)
        r0 = wid * base_rows + jnp.minimum(wid, extra)
        pltpu.sync_copy(edges.at[0, pl.ds(r0, base_rows)],
                        srcv.at[pl.ds(0, base_rows)])
        pltpu.sync_copy(edges.at[1, pl.ds(r0, base_rows)],
                        dstv.at[pl.ds(0, base_rows)])
        if extra:
            @pl.when(wid < extra)
            def _():
                pltpu.sync_copy(edges.at[0, pl.ds(r0 + base_rows, 1)],
                                srcv.at[pl.ds(base_rows, 1)])
                pltpu.sync_copy(edges.at[1, pl.ds(r0 + base_rows, 1)],
                                dstv.at[pl.ds(base_rows, 1)])

        def gat(j, b):
            return [pltpu.make_async_copy(tables[t].at[srcv.at[j]], rows[t][b],
                                          gsems[t][b])
                    for t in range(n_tables)]

        def sca(j, b):
            return [pltpu.make_async_copy(rows[t][b], accs[t].at[dstv.at[j]],
                                          ssems[t][b])
                    for t in range(n_tables)]

        for k in range(RING - 1):
            for cp in gat(k, k):
                cp.start()

        def _pipe_body(j, b):
            for t in range(n_tables):
                gat(j, b)[t].wait()
            for cp in sca(j, b):
                cp.start(add=True)
            if with_deg:
                pltpu.make_async_copy(onesv, dacc.at[dstv.at[j]],
                                      dsem).start(add=True)

                @pl.when(j >= 1)
                def _():
                    pltpu.make_async_copy(onesv, dacc.at[dstv.at[0]],
                                          dsem).wait()
            ob = (b + RING - 1) % RING

            @pl.when(j + (RING - 1) < nrows)
            def _():
                @pl.when(j >= 1)
                def _():
                    for t in range(n_tables):
                        sca(0, ob)[t].wait()
                for cp in gat(j + (RING - 1), ob):
                    cp.start()

        def pipe(j, carry):
            def mk(b):
                def f(_):
                    _pipe_body(j, b)
                    return 0
                return f
            lax.switch(lax.rem(j, RING), [mk(b) for b in range(RING)], 0)
            return carry

        lax.fori_loop(0, nrows, pipe, 0)
        for b in range(RING):
            for t in range(n_tables):
                sca(0, b)[t].wait()
        if with_deg:
            pltpu.make_async_copy(onesv, dacc.at[dstv.at[0]], dsem).wait()
        plsc.subcore_barrier()

        for t in range(n_tables):
            pltpu.sync_copy(accs[t].at[pl.ds(sid * SUB, SUB)], zb)
            pltpu.sync_copy(zb, outs[t].at[cid, pl.ds(sid * SUB, SUB)])
        if with_deg:
            pltpu.sync_copy(dacc.at[pl.ds(sid * SUB, SUB)], zb)
            pltpu.sync_copy(zb, degout.at[cid, pl.ds(sid * SUB, SUB)])

    out_type = [jax.ShapeDtypeStruct((NC, Npad, 16), jnp.float32)
                for _ in range(n_tables)]
    if with_deg:
        out_type.append(jax.ShapeDtypeStruct((NC, Npad, 16), jnp.float32))
    scratch = [pltpu.VMEM_SHARED((Npad, 16), jnp.float32)
               for _ in range(n_tables)]
    if with_deg:
        scratch.append(pltpu.VMEM_SHARED((Npad, 16), jnp.float32))
    scratch += [
        pltpu.VMEM((MAXR, W), jnp.int32),
        pltpu.VMEM((MAXR, W), jnp.int32),
    ]
    scratch += [pltpu.VMEM((W, 16), jnp.float32)
                for _ in range(RING * n_tables)]
    if with_deg:
        scratch.append(pltpu.VMEM((W, 16), jnp.float32))
    scratch.append(pltpu.VMEM((SUB, 16), jnp.float32))
    scratch += [pltpu.SemaphoreType.DMA
                for _ in range(2 * RING * n_tables)]
    if with_deg:
        scratch.append(pltpu.SemaphoreType.DMA)
    return pl.kernel(body, out_type=tuple(out_type), mesh=mesh,
                     scratch_types=tuple(scratch),
                     compiler_params=pltpu.CompilerParams(
                         use_tc_tiling_on_sc=False))


_DN = (((1,), (0,)), ((), ()))


def _tc_lin(x, wl, wr, m):
    n, d = x.shape
    ng = n // 8

    def body(x_ref, wl_ref, wr_ref, xl_ref, xr_ref):
        xa = x_ref[...].reshape(ng, 8 * d)
        wlT = wl_ref[...]
        wrT = wr_ref[...]
        for out_ref, wT in ((xl_ref, wlT), (xr_ref, wrT)):
            for a in range(8):
                blk = lax.dot_general(xa[:, a * d:(a + 1) * d], wT, _DN,
                                      preferred_element_type=jnp.float32)
                out_ref[0:ng, a * 16:(a + 1) * 16] = blk
            if m > ng:
                out_ref[ng:m, :] = jnp.zeros((m - ng, 128), jnp.float32)

    return pl.pallas_call(
        body,
        out_shape=[jax.ShapeDtypeStruct((m, 128), jnp.float32)] * 2,
    )(x, wl.T, wr.T)


def _tc_mid(p, dp, xrp, b1, b_mats):
    m = xrp.shape[0]

    def body(p_ref, d_ref, xr_ref, b_ref, b1m, b2m, b3m, b4m,
             hlo_ref, hhi_ref, rlo_ref, rhi_ref):
        deg = jnp.maximum(d_ref[0] + d_ref[1], 1.0)
        h = (p_ref[0] + p_ref[1]) / deg + b_ref[...] + xr_ref[...]
        h = jnp.maximum(h, 0.0)
        hlo_ref[...] = lax.dot_general(h, b1m[...], _DN,
                                       preferred_element_type=jnp.float32)
        hhi_ref[...] = lax.dot_general(h, b2m[...], _DN,
                                       preferred_element_type=jnp.float32)
        rlo_ref[...] = lax.dot_general(h, b3m[...], _DN,
                                       preferred_element_type=jnp.float32)
        rhi_ref[...] = lax.dot_general(h, b4m[...], _DN,
                                       preferred_element_type=jnp.float32)

    return pl.pallas_call(
        body,
        out_shape=[jax.ShapeDtypeStruct((m, 128), jnp.float32)] * 4,
    )(p, dp, xrp, b1, *b_mats)


def _tc_final(qlo, qhi, dp, rlo, rhi, b2lo, b2hi, ss):
    m = rlo.shape[0]

    def body(qlo_ref, qhi_ref, d_ref, rlo_ref, rhi_ref, blo_ref, bhi_ref,
             ss_ref, olo_ref, ohi_ref):
        deg = jnp.maximum(d_ref[0] + d_ref[1], 1.0)
        zlo = (qlo_ref[0] + qlo_ref[1]) / deg + blo_ref[...] + rlo_ref[...]
        zhi = (qhi_ref[0] + qhi_ref[1]) / deg + bhi_ref[...] + rhi_ref[...]
        mx = jnp.max(jnp.maximum(zlo, zhi), axis=1, keepdims=True)
        elo = jnp.exp(zlo - mx)
        ehi = jnp.exp(zhi - mx)
        s = lax.dot_general(elo + ehi, ss_ref[...], _DN,
                            preferred_element_type=jnp.float32)
        lse = mx + jnp.log(s)
        olo_ref[...] = zlo - lse
        ohi_ref[...] = zhi - lse

    return pl.pallas_call(
        body,
        out_shape=[jax.ShapeDtypeStruct((m, 128), jnp.float32)] * 2,
    )(qlo, qhi, dp, rlo, rhi, b2lo, b2hi, ss)


def kernel(x, edge_index, W1l, b1l, W1r, W2l, b2l, W2r):
    N, D = x.shape
    E = edge_index.shape[1]
    H = W1l.shape[0]
    C = W2l.shape[0]

    Npad = -(-N // 128) * 128
    M = Npad // 8
    assert E % W == 0
    ER = E // W
    e3 = edge_index.reshape(2, ER, W)

    eye8 = jnp.eye(8, dtype=jnp.float32)
    b_mats = [jnp.kron(eye8, W2l.T[:, :16]),
              jnp.kron(eye8, W2l.T[:, 16:]),
              jnp.kron(eye8, W2r.T[:, :16]),
              jnp.kron(eye8, W2r.T[:, 16:])]
    ss = jnp.kron(eye8, jnp.ones((16, 16), jnp.float32))
    b1_128 = jnp.tile(b1l, 8).reshape(1, 128)
    b2lo = jnp.tile(b2l[:16], 8).reshape(1, 128)
    b2hi = jnp.tile(b2l[16:], 8).reshape(1, 128)

    xlp, xrp = _tc_lin(x, W1l, W1r, M)
    p1, dp = _sc_segment_sum(1, Npad, ER, True)(
        xlp.reshape(Npad, 16), e3)
    hlo, hhi, rlo, rhi = _tc_mid(p1.reshape(NC, M, 128),
                                 dp.reshape(NC, M, 128), xrp, b1_128, b_mats)
    qlo, qhi = _sc_segment_sum(2, Npad, ER, False)(
        hlo.reshape(Npad, 16), hhi.reshape(Npad, 16), e3)
    olo, ohi = _tc_final(qlo.reshape(NC, M, 128), qhi.reshape(NC, M, 128),
                         dp.reshape(NC, M, 128), rlo, rhi, b2lo, b2hi, ss)
    out = jnp.concatenate([olo.reshape(Npad, 16), ohi.reshape(Npad, 16)],
                          axis=1)
    return out[:N]

# --- scband reference (transcript-rebuilt; emitter-appended) ---
"""Pipeline reference for scband-graph-sage-88502096101394 (READ-ONLY COPY).

The authoritative reference and input builder live on the scoring server;
editing this copy changes nothing except your own understanding.
"""

import jax, jax.numpy as jnp
import numpy as np

N = 10000
E = 320000
D = 128
H = 16
C = 32


def setup_inputs(seed: int = 0) -> dict:
    key = jax.random.key(seed)
    ks = jax.random.split(key, 9)
    x = jax.random.normal(ks[0], (N, D), dtype=jnp.float32)
    edge_index = jax.random.randint(ks[1], (2, E), 0, N, dtype=jnp.int32)
    # SAGEConv layer 1: lin_l (neighbors, with bias), lin_r (root, no bias)
    W1l = jax.random.normal(ks[2], (H, D), dtype=jnp.float32) * (1.0 / np.sqrt(D))
    b1l = jnp.zeros((H,), dtype=jnp.float32)
    W1r = jax.random.normal(ks[3], (H, D), dtype=jnp.float32) * (1.0 / np.sqrt(D))
    # SAGEConv layer 2
    W2l = jax.random.normal(ks[4], (C, H), dtype=jnp.float32) * (1.0 / np.sqrt(H))
    b2l = jnp.zeros((C,), dtype=jnp.float32)
    W2r = jax.random.normal(ks[5], (C, H), dtype=jnp.float32) * (1.0 / np.sqrt(H))
    return {"x": x, "edge_index": edge_index, "W1l": W1l, "b1l": b1l, "W1r": W1r,
            "W2l": W2l, "b2l": b2l, "W2r": W2r}


def _sage_conv(x, edge_index, Wl, bl, Wr, num_nodes):
    # PyG SAGEConv with mean aggregation:
    # out = lin_l(mean_{j in N(i)} x_j) + lin_r(x_i)
    src = edge_index[0]
    dst = edge_index[1]
    msg = jnp.take(x, src, axis=0)                                   # gather [E, d]
    agg_sum = jax.ops.segment_sum(msg, dst, num_segments=num_nodes)  # scatter-add
    deg = jax.ops.segment_sum(jnp.ones((edge_index.shape[1],), x.dtype), dst,
                              num_segments=num_nodes)
    agg_mean = agg_sum / jnp.clip(deg, 1.0, None)[:, None]
    return agg_mean @ Wl.T + bl + x @ Wr.T


def reference(x, edge_index, W1l, b1l, W1r, W2l, b2l, W2r):
    num_nodes = x.shape[0]
    h = _sage_conv(x, edge_index, W1l, b1l, W1r, num_nodes)
    h = jax.nn.relu(h)
    # F.dropout(training=self.training): identity in eval mode (deterministic reference)
    out = _sage_conv(h, edge_index, W2l, b2l, W2r, num_nodes)
    return jax.nn.log_softmax(out, axis=1)

if __name__ == "__main__":
    import jax
    _d = setup_inputs()
    print(jax.jit(kernel)(*tuple(_d.values())))

</pallas_src>

<mosaic_0001>
#map = affine_map<(d0, d1) -> (0, 0)>
#map1 = affine_map<(d0, d1) -> (0, 0, 0)>
module attributes {stable_mosaic.version = 14 : i64} {
  func.func @body(%arg0: i32, %arg1: i32, %arg2: memref<10112x16xf32, #tpu.memory_space<hbm>>, %arg3: memref<10112x16xf32, #tpu.memory_space<hbm>>, %arg4: memref<2x2500x128xi32, #tpu.memory_space<hbm>>, %arg5: memref<2x10112x16xf32, #tpu.memory_space<hbm>>, %arg6: memref<2x10112x16xf32, #tpu.memory_space<hbm>>, %arg7: memref<10112x16xf32, #tpu.memory_space<vmem_shared>>, %arg8: memref<10112x16xf32, #tpu.memory_space<vmem_shared>>, %arg9: memref<79x128xi32, #tpu.memory_space<vmem>>, %arg10: memref<79x128xi32, #tpu.memory_space<vmem>>, %arg11: memref<128x16xf32, #tpu.memory_space<vmem>>, %arg12: memref<128x16xf32, #tpu.memory_space<vmem>>, %arg13: memref<128x16xf32, #tpu.memory_space<vmem>>, %arg14: memref<128x16xf32, #tpu.memory_space<vmem>>, %arg15: memref<128x16xf32, #tpu.memory_space<vmem>>, %arg16: memref<128x16xf32, #tpu.memory_space<vmem>>, %arg17: memref<128x16xf32, #tpu.memory_space<vmem>>, %arg18: memref<128x16xf32, #tpu.memory_space<vmem>>, %arg19: memref<128x16xf32, #tpu.memory_space<vmem>>, %arg20: memref<128x16xf32, #tpu.memory_space<vmem>>, %arg21: memref<128x16xf32, #tpu.memory_space<vmem>>, %arg22: memref<128x16xf32, #tpu.memory_space<vmem>>, %arg23: memref<632x16xf32, #tpu.memory_space<vmem>>, %arg24: memref<!tpu.dma_semaphore, #tpu.memory_space<semaphore_mem>>, %arg25: memref<!tpu.dma_semaphore, #tpu.memory_space<semaphore_mem>>, %arg26: memref<!tpu.dma_semaphore, #tpu.memory_space<semaphore_mem>>, %arg27: memref<!tpu.dma_semaphore, #tpu.memory_space<semaphore_mem>>, %arg28: memref<!tpu.dma_semaphore, #tpu.memory_space<semaphore_mem>>, %arg29: memref<!tpu.dma_semaphore, #tpu.memory_space<semaphore_mem>>, %arg30: memref<!tpu.dma_semaphore, #tpu.memory_space<semaphore_mem>>, %arg31: memref<!tpu.dma_semaphore, #tpu.memory_space<semaphore_mem>>, %arg32: memref<!tpu.dma_semaphore, #tpu.memory_space<semaphore_mem>>, %arg33: memref<!tpu.dma_semaphore, #tpu.memory_space<semaphore_mem>>, %arg34: memref<!tpu.dma_semaphore, #tpu.memory_space<semaphore_mem>>, %arg35: memref<!tpu.dma_semaphore, #tpu.memory_space<semaphore_mem>>, %arg36: memref<!tpu.dma_semaphore, #tpu.memory_space<semaphore_mem>>, %arg37: memref<!tpu.dma_semaphore, #tpu.memory_space<semaphore_mem>>, %arg38: memref<!tpu.dma_semaphore, #tpu.memory_space<semaphore_mem>>, %arg39: memref<!tpu.dma_semaphore, #tpu.memory_space<semaphore_mem>>, %arg40: memref<!tpu.dma_semaphore, #tpu.memory_space<semaphore_mem>>, %arg41: memref<!tpu.dma_semaphore, #tpu.memory_space<semaphore_mem>>, %arg42: memref<!tpu.dma_semaphore, #tpu.memory_space<semaphore_mem>>, %arg43: memref<!tpu.dma_semaphore, #tpu.memory_space<semaphore_mem>>, %arg44: memref<!tpu.dma_semaphore, #tpu.memory_space<semaphore_mem>>, %arg45: memref<!tpu.dma_semaphore, #tpu.memory_space<semaphore_mem>>, %arg46: memref<!tpu.dma_semaphore, #tpu.memory_space<semaphore_mem>>, %arg47: memref<!tpu.dma_semaphore, #tpu.memory_space<semaphore_mem>>) attributes {dimension_semantics = [#tpu.dimension_semantics<core_parallel>, #tpu.dimension_semantics<subcore_parallel>], iteration_bounds = array<i64: 2, 16>, scalar_prefetch = 0 : i64, scratch_operands = 41 : i64, tpu.core_type = #tpu.core_type<sc_vector_subcore>, window_params = [{transform_indices = #map}, {transform_indices = #map}, {transform_indices = #map1}, {transform_indices = #map1}, {transform_indices = #map1}]} {
    %mul3A = arith.constant 2 : i32
    %mul3A_0 = arith.muli %arg1, %mul3A : i32
    %add3A = arith.addi %mul3A_0, %arg0 : i32
    %broadcast_in_dim3A = arith.constant 0.000000e+00 : f32
    %broadcast_in_dim3A_1 = vector.broadcast %broadcast_in_dim3A : f32 to vector<16xf32>
    %scan3A = arith.constant 0 : i32
    %scan3A_2 = arith.constant 0 : i32
    %scan3A_3 = arith.constant 632 : i32
    %scan3A_4 = arith.addi %scan3A_2, %scan3A_3 : i32
    %scan3A_5 = arith.constant 1 : i32
    scf.for %scan3A_193 = %scan3A_2 to %scan3A_4 step %scan3A_5  : i32 {
      %swap3A = arith.index_cast %scan3A_193 : i32 to index
      %swap3A_194 = arith.constant 0 : index
      %swap3A_195 = tpu.vector_load %arg23[%swap3A, %swap3A_194] {strides = array<i32>} : memref<632x16xf32, #tpu.memory_space<vmem>>, vector<1x16xf32>,
      %swap3A_196 = vector.shape_cast %swap3A_195 : vector<1x16xf32> to vector<16xf32>
      %swap3A_197 = vector.shape_cast %broadcast_in_dim3A_1 : vector<16xf32> to vector<1x16xf32>
      tpu.vector_store %arg23[%swap3A, %swap3A_194], %swap3A_197 {strides = array<i32>} : memref<632x16xf32, #tpu.memory_space<vmem>>, vector<1x16xf32>,
    }
    %scan3A_6 = arith.constant 632 : i32
    %mul3A_7 = arith.constant 632 : i32
    %mul3A_8 = arith.muli %arg1, %mul3A_7 : i32
    "tpu.region"() ({
      %run_scoped3A_193 = tpu.sem_alloc : memref<!tpu.dma_semaphore, #tpu.memory_space<semaphore_mem>>
      %dma_start3A_194 = arith.constant 0 : i32
      %dma_start3A_195 = tpu.memref_slice %arg7[%mul3A_8, %dma_start3A_194] : memref<10112x16xf32, #tpu.memory_space<vmem_shared>> -> memref<632x16xf32, #tpu.memory_space<vmem_shared>>
      %dma_start3A_196 = arith.constant 0 : i32
      %dma_start3A_197 = tpu.memref_slice %arg7[%mul3A_8, %dma_start3A_196] : memref<10112x16xf32, #tpu.memory_space<vmem_shared>> -> memref<632x16xf32, #tpu.memory_space<vmem_shared>>
      tpu.enqueue_dma source(%arg23 : memref<632x16xf32, #tpu.memory_space<vmem>>) target(%dma_start3A_197 : memref<632x16xf32, #tpu.memory_space<vmem_shared>>) target_semaphore(%run_scoped3A_193 : memref<!tpu.dma_semaphore, #tpu.memory_space<semaphore_mem>>)
      %dma_wait3A_198 = arith.constant 0 : i32
      %dma_wait3A_199 = tpu.memref_slice %arg7[%mul3A_8, %dma_wait3A_198] : memref<10112x16xf32, #tpu.memory_space<vmem_shared>> -> memref<632x16xf32, #tpu.memory_space<vmem_shared>>
      %dma_wait3A_200 = arith.constant 0 : i32
      %dma_wait3A_201 = tpu.memref_slice %arg7[%mul3A_8, %dma_wait3A_200] : memref<10112x16xf32, #tpu.memory_space<vmem_shared>> -> memref<632x16xf32, #tpu.memory_space<vmem_shared>>
      tpu.wait_dma2 semaphore(%run_scoped3A_193 : memref<!tpu.dma_semaphore, #tpu.memory_space<semaphore_mem>>) src(%arg23 : memref<632x16xf32, #tpu.memory_space<vmem>>) dst(%dma_wait3A_201 : memref<632x16xf32, #tpu.memory_space<vmem_shared>>)
      tpu.yield
    }) : () -> ()
    %mul3A_9 = arith.constant 632 : i32
    %mul3A_10 = arith.muli %arg1, %mul3A_9 : i32
    "tpu.region"() ({
      %run_scoped3A_193 = tpu.sem_alloc : memref<!tpu.dma_semaphore, #tpu.memory_space<semaphore_mem>>
      %dma_start3A_194 = arith.constant 0 : i32
      %dma_start3A_195 = tpu.memref_slice %arg8[%mul3A_10, %dma_start3A_194] : memref<10112x16xf32, #tpu.memory_space<vmem_shared>> -> memref<632x16xf32, #tpu.memory_space<vmem_shared>>
      %dma_start3A_196 = arith.constant 0 : i32
      %dma_start3A_197 = tpu.memref_slice %arg8[%mul3A_10, %dma_start3A_196] : memref<10112x16xf32, #tpu.memory_space<vmem_shared>> -> memref<632x16xf32, #tpu.memory_space<vmem_shared>>
      tpu.enqueue_dma source(%arg23 : memref<632x16xf32, #tpu.memory_space<vmem>>) target(%dma_start3A_197 : memref<632x16xf32, #tpu.memory_space<vmem_shared>>) target_semaphore(%run_scoped3A_193 : memref<!tpu.dma_semaphore, #tpu.memory_space<semaphore_mem>>)
      %dma_wait3A_198 = arith.constant 0 : i32
      %dma_wait3A_199 = tpu.memref_slice %arg8[%mul3A_10, %dma_wait3A_198] : memref<10112x16xf32, #tpu.memory_space<vmem_shared>> -> memref<632x16xf32, #tpu.memory_space<vmem_shared>>
      %dma_wait3A_200 = arith.constant 0 : i32
      %dma_wait3A_201 = tpu.memref_slice %arg8[%mul3A_10, %dma_wait3A_200] : memref<10112x16xf32, #tpu.memory_space<vmem_shared>> -> memref<632x16xf32, #tpu.memory_space<vmem_shared>>
      tpu.wait_dma2 semaphore(%run_scoped3A_193 : memref<!tpu.dma_semaphore, #tpu.memory_space<semaphore_mem>>) src(%arg23 : memref<632x16xf32, #tpu.memory_space<vmem>>) dst(%dma_wait3A_201 : memref<632x16xf32, #tpu.memory_space<vmem_shared>>)
      tpu.yield
    }) : () -> ()
    %barrier3A = arith.constant 0 : index
    tpu.barrier barrier_id(%barrier3A)
    %lt3A = arith.constant 4 : i32
    %lt3A_11 = arith.cmpi slt, %add3A, %lt3A : i32
    %jit3A = arith.constant 1 : i32
    %jit3A_12 = arith.constant 0 : i32
    %select_n3A = arith.select %lt3A_11, %jit3A, %jit3A_12 : i32
    %add3A_13 = arith.constant 78 : i32
    %add3A_14 = arith.addi %add3A_13, %select_n3A : i32
    %mul3A_15 = arith.constant 78 : i32
    %mul3A_16 = arith.muli %add3A, %mul3A_15 : i32
    %min3A = arith.constant 4 : i32
    %min3A_17 = arith.minsi %add3A, %min3A : i32
    %add3A_18 = arith.addi %mul3A_16, %min3A_17 : i32
    %run_scoped3A = arith.constant 0 : i32
    "tpu.region"() ({
      %run_scoped3A_193 = tpu.sem_alloc : memref<!tpu.dma_semaphore, #tpu.memory_space<semaphore_mem>>
      %dma_start3A_194 = arith.constant 0 : i32
      %dma_start3A_195 = arith.constant 0 : i32
      %dma_start3A_196 = tpu.memref_slice %arg9[%dma_start3A_194, %dma_start3A_195] : memref<79x128xi32, #tpu.memory_space<vmem>> -> memref<78x128xi32, #tpu.memory_space<vmem>>
      %dma_start3A_197 = arith.constant 0 : i32
      %dma_start3A_198 = tpu.memref_slice %arg4[%run_scoped3A, %add3A_18, %dma_start3A_197] : memref<2x2500x128xi32, #tpu.memory_space<hbm>> -> memref<1x78x128xi32, #tpu.memory_space<hbm>>
      %dma_start3A_199 = tpu.memref_squeeze %dma_start3A_198 : memref<1x78x128xi32, #tpu.memory_space<hbm>> -> memref<78x128xi32, #tpu.memory_space<hbm>>
      %dma_start3A_200 = arith.constant 0 : i32
      %dma_start3A_201 = arith.constant 0 : i32
      %dma_start3A_202 = tpu.memref_slice %arg9[%dma_start3A_200, %dma_start3A_201] : memref<79x128xi32, #tpu.memory_space<vmem>> -> memref<78x128xi32, #tpu.memory_space<vmem>>
      %dma_start3A_203 = arith.constant 0 : i32
      %dma_start3A_204 = tpu.memref_slice %arg4[%run_scoped3A, %add3A_18, %dma_start3A_203] : memref<2x2500x128xi32, #tpu.memory_space<hbm>> -> memref<1x78x128xi32, #tpu.memory_space<hbm>>
      %dma_start3A_205 = tpu.memref_squeeze %dma_start3A_204 : memref<1x78x128xi32, #tpu.memory_space<hbm>> -> memref<78x128xi32, #tpu.memory_space<hbm>>
      tpu.enqueue_dma source(%dma_start3A_205 : memref<78x128xi32, #tpu.memory_space<hbm>>) target(%dma_start3A_202 : memref<78x128xi32, #tpu.memory_space<vmem>>) target_semaphore(%run_scoped3A_193 : memref<!tpu.dma_semaphore, #tpu.memory_space<semaphore_mem>>)
      %dma_wait3A_206 = arith.constant 0 : i32
      %dma_wait3A_207 = arith.constant 0 : i32
      %dma_wait3A_208 = tpu.memref_slice %arg9[%dma_wait3A_206, %dma_wait3A_207] : memref<79x128xi32, #tpu.memory_space<vmem>> -> memref<78x128xi32, #tpu.memory_space<vmem>>
      %dma_wait3A_209 = arith.constant 0 : i32
      %dma_wait3A_210 = tpu.memref_slice %arg4[%run_scoped3A, %add3A_18, %dma_wait3A_209] : memref<2x2500x128xi32, #tpu.memory_space<hbm>> -> memref<1x78x128xi32, #tpu.memory_space<hbm>>
      %dma_wait3A_211 = tpu.memref_squeeze %dma_wait3A_210 : memref<1x78x128xi32, #tpu.memory_space<hbm>> -> memref<78x128xi32, #tpu.memory_space<hbm>>
      %dma_wait3A_212 = arith.constant 0 : i32
      %dma_wait3A_213 = arith.constant 0 : i32
      %dma_wait3A_214 = tpu.memref_slice %arg9[%dma_wait3A_212, %dma_wait3A_213] : memref<79x128xi32, #tpu.memory_space<vmem>> -> memref<78x128xi32, #tpu.memory_space<vmem>>
      %dma_wait3A_215 = arith.constant 0 : i32
      %dma_wait3A_216 = tpu.memref_slice %arg4[%run_scoped3A, %add3A_18, %dma_wait3A_215] : memref<2x2500x128xi32, #tpu.memory_space<hbm>> -> memref<1x78x128xi32, #tpu.memory_space<hbm>>
      %dma_wait3A_217 = tpu.memref_squeeze %dma_wait3A_216 : memref<1x78x128xi32, #tpu.memory_space<hbm>> -> memref<78x128xi32, #tpu.memory_space<hbm>>
      tpu.wait_dma2 semaphore(%run_scoped3A_193 : memref<!tpu.dma_semaphore, #tpu.memory_space<semaphore_mem>>) src(%dma_wait3A_217 : memref<78x128xi32, #tpu.memory_space<hbm>>) dst(%dma_wait3A_214 : memref<78x128xi32, #tpu.memory_space<vmem>>)
      tpu.yield
    }) : () -> ()
    %run_scoped3A_19 = arith.constant 1 : i32
    "tpu.region"() ({
      %run_scoped3A_193 = tpu.sem_alloc : memref<!tpu.dma_semaphore, #tpu.memory_space<semaphore_mem>>
      %dma_start3A_194 = arith.constant 0 : i32
      %dma_start3A_195 = arith.constant 0 : i32
      %dma_start3A_196 = tpu.memref_slice %arg10[%dma_start3A_194, %dma_start3A_195] : memref<79x128xi32, #tpu.memory_space<vmem>> -> memref<78x128xi32, #tpu.memory_space<vmem>>
      %dma_start3A_197 = arith.constant 0 : i32
      %dma_start3A_198 = tpu.memref_slice %arg4[%run_scoped3A_19, %add3A_18, %dma_start3A_197] : memref<2x2500x128xi32, #tpu.memory_space<hbm>> -> memref<1x78x128xi32, #tpu.memory_space<hbm>>
      %dma_start3A_199 = tpu.memref_squeeze %dma_start3A_198 : memref<1x78x128xi32, #tpu.memory_space<hbm>> -> memref<78x128xi32, #tpu.memory_space<hbm>>
      %dma_start3A_200 = arith.constant 0 : i32
      %dma_start3A_201 = arith.constant 0 : i32
      %dma_start3A_202 = tpu.memref_slice %arg10[%dma_start3A_200, %dma_start3A_201] : memref<79x128xi32, #tpu.memory_space<vmem>> -> memref<78x128xi32, #tpu.memory_space<vmem>>
      %dma_start3A_203 = arith.constant 0 : i32
      %dma_start3A_204 = tpu.memref_slice %arg4[%run_scoped3A_19, %add3A_18, %dma_start3A_203] : memref<2x2500x128xi32, #tpu.memory_space<hbm>> -> memref<1x78x128xi32, #tpu.memory_space<hbm>>
      %dma_start3A_205 = tpu.memref_squeeze %dma_start3A_204 : memref<1x78x128xi32, #tpu.memory_space<hbm>> -> memref<78x128xi32, #tpu.memory_space<hbm>>
      tpu.enqueue_dma source(%dma_start3A_205 : memref<78x128xi32, #tpu.memory_space<hbm>>) target(%dma_start3A_202 : memref<78x128xi32, #tpu.memory_space<vmem>>) target_semaphore(%run_scoped3A_193 : memref<!tpu.dma_semaphore, #tpu.memory_space<semaphore_mem>>)
      %dma_wait3A_206 = arith.constant 0 : i32
      %dma_wait3A_207 = arith.constant 0 : i32
      %dma_wait3A_208 = tpu.memref_slice %arg10[%dma_wait3A_206, %dma_wait3A_207] : memref<79x128xi32, #tpu.memory_space<vmem>> -> memref<78x128xi32, #tpu.memory_space<vmem>>
      %dma_wait3A_209 = arith.constant 0 : i32
      %dma_wait3A_210 = tpu.memref_slice %arg4[%run_scoped3A_19, %add3A_18, %dma_wait3A_209] : memref<2x2500x128xi32, #tpu.memory_space<hbm>> -> memref<1x78x128xi32, #tpu.memory_space<hbm>>
      %dma_wait3A_211 = tpu.memref_squeeze %dma_wait3A_210 : memref<1x78x128xi32, #tpu.memory_space<hbm>> -> memref<78x128xi32, #tpu.memory_space<hbm>>
      %dma_wait3A_212 = arith.constant 0 : i32
      %dma_wait3A_213 = arith.constant 0 : i32
      %dma_wait3A_214 = tpu.memref_slice %arg10[%dma_wait3A_212, %dma_wait3A_213] : memref<79x128xi32, #tpu.memory_space<vmem>> -> memref<78x128xi32, #tpu.memory_space<vmem>>
      %dma_wait3A_215 = arith.constant 0 : i32
      %dma_wait3A_216 = tpu.memref_slice %arg4[%run_scoped3A_19, %add3A_18, %dma_wait3A_215] : memref<2x2500x128xi32, #tpu.memory_space<hbm>> -> memref<1x78x128xi32, #tpu.memory_space<hbm>>
      %dma_wait3A_217 = tpu.memref_squeeze %dma_wait3A_216 : memref<1x78x128xi32, #tpu.memory_space<hbm>> -> memref<78x128xi32, #tpu.memory_space<hbm>>
      tpu.wait_dma2 semaphore(%run_scoped3A_193 : memref<!tpu.dma_semaphore, #tpu.memory_space<semaphore_mem>>) src(%dma_wait3A_217 : memref<78x128xi32, #tpu.memory_space<hbm>>) dst(%dma_wait3A_214 : memref<78x128xi32, #tpu.memory_space<vmem>>)
      tpu.yield
    }) : () -> ()
    %lt3A_20 = arith.constant 4 : i32
    %lt3A_21 = arith.cmpi slt, %add3A, %lt3A_20 : i32
    %convert_element_type3A = arith.extui %lt3A_21 : i1 to i32
    %cond3A = arith.constant 0 : i32
    %cond3A_22 = arith.cmpi ne, %convert_element_type3A, %cond3A : i32
    scf.if %cond3A_22 {
      %add3A_193 = arith.constant 78 : i32
      %add3A_194 = arith.addi %add3A_18, %add3A_193 : i32
      %run_scoped3A_195 = arith.constant 0 : i32
      "tpu.region"() ({
        %run_scoped3A_199 = tpu.sem_alloc : memref<!tpu.dma_semaphore, #tpu.memory_space<semaphore_mem>>
        %dma_start3A_200 = arith.constant 78 : i32
        %dma_start3A_201 = arith.constant 0 : i32
        %dma_start3A_202 = tpu.memref_slice %arg9[%dma_start3A_200, %dma_start3A_201] : memref<79x128xi32, #tpu.memory_space<vmem>> -> memref<1x128xi32, #tpu.memory_space<vmem>>
        %dma_start3A_203 = arith.constant 0 : i32
        %dma_start3A_204 = tpu.memref_slice %arg4[%run_scoped3A_195, %add3A_194, %dma_start3A_203] : memref<2x2500x128xi32, #tpu.memory_space<hbm>> -> memref<1x1x128xi32, #tpu.memory_space<hbm>>
        %dma_start3A_205 = tpu.memref_squeeze %dma_start3A_204 : memref<1x1x128xi32, #tpu.memory_space<hbm>> -> memref<1x128xi32, #tpu.memory_space<hbm>>
        %dma_start3A_206 = arith.constant 78 : i32
        %dma_start3A_207 = arith.constant 0 : i32
        %dma_start3A_208 = tpu.memref_slice %arg9[%dma_start3A_206, %dma_start3A_207] : memref<79x128xi32, #tpu.memory_space<vmem>> -> memref<1x128xi32, #tpu.memory_space<vmem>>
        %dma_start3A_209 = arith.constant 0 : i32
        %dma_start3A_210 = tpu.memref_slice %arg4[%run_scoped3A_195, %add3A_194, %dma_start3A_209] : memref<2x2500x128xi32, #tpu.memory_space<hbm>> -> memref<1x1x128xi32, #tpu.memory_space<hbm>>
        %dma_start3A_211 = tpu.memref_squeeze %dma_start3A_210 : memref<1x1x128xi32, #tpu.memory_space<hbm>> -> memref<1x128xi32, #tpu.memory_space<hbm>>
        tpu.enqueue_dma source(%dma_start3A_211 : memref<1x128xi32, #tpu.memory_space<hbm>>) target(%dma_start3A_208 : memref<1x128xi32, #tpu.memory_space<vmem>>) target_semaphore(%run_scoped3A_199 : memref<!tpu.dma_semaphore, #tpu.memory_space<semaphore_mem>>)
        %dma_wait3A_212 = arith.constant 78 : i32
        %dma_wait3A_213 = arith.constant 0 : i32
        %dma_wait3A_214 = tpu.memref_slice %arg9[%dma_wait3A_212, %dma_wait3A_213] : memref<79x128xi32, #tpu.memory_space<vmem>> -> memref<1x128xi32, #tpu.memory_space<vmem>>
        %dma_wait3A_215 = arith.constant 0 : i32
        %dma_wait3A_216 = tpu.memref_slice %arg4[%run_scoped3A_195, %add3A_194, %dma_wait3A_215] : memref<2x2500x128xi32, #tpu.memory_space<hbm>> -> memref<1x1x128xi32, #tpu.memory_space<hbm>>
        %dma_wait3A_217 = tpu.memref_squeeze %dma_wait3A_216 : memref<1x1x128xi32, #tpu.memory_space<hbm>> -> memref<1x128xi32, #tpu.memory_space<hbm>>
        %dma_wait3A_218 = arith.constant 78 : i32
        %dma_wait3A_219 = arith.constant 0 : i32
        %dma_wait3A_220 = tpu.memref_slice %arg9[%dma_wait3A_218, %dma_wait3A_219] : memref<79x128xi32, #tpu.memory_space<vmem>> -> memref<1x128xi32, #tpu.memory_space<vmem>>
        %dma_wait3A_221 = arith.constant 0 : i32
        %dma_wait3A_222 = tpu.memref_slice %arg4[%run_scoped3A_195, %add3A_194, %dma_wait3A_221] : memref<2x2500x128xi32, #tpu.memory_space<hbm>> -> memref<1x1x128xi32, #tpu.memory_space<hbm>>
        %dma_wait3A_223 = tpu.memref_squeeze %dma_wait3A_222 : memref<1x1x128xi32, #tpu.memory_space<hbm>> -> memref<1x128xi32, #tpu.memory_space<hbm>>
        tpu.wait_dma2 semaphore(%run_scoped3A_199 : memref<!tpu.dma_semaphore, #tpu.memory_space<semaphore_mem>>) src(%dma_wait3A_223 : memref<1x128xi32, #tpu.memory_space<hbm>>) dst(%dma_wait3A_220 : memref<1x128xi32, #tpu.memory_space<vmem>>)
        tpu.yield
      }) : () -> ()
      %add3A_196 = arith.constant 78 : i32
      %add3A_197 = arith.addi %add3A_18, %add3A_196 : i32
      %run_scoped3A_198 = arith.constant 1 : i32
      "tpu.region"() ({
        %run_scoped3A_199 = tpu.sem_alloc : memref<!tpu.dma_semaphore, #tpu.memory_space<semaphore_mem>>
        %dma_start3A_200 = arith.constant 78 : i32
        %dma_start3A_201 = arith.constant 0 : i32
        %dma_start3A_202 = tpu.memref_slice %arg10[%dma_start3A_200, %dma_start3A_201] : memref<79x128xi32, #tpu.memory_space<vmem>> -> memref<1x128xi32, #tpu.memory_space<vmem>>
        %dma_start3A_203 = arith.constant 0 : i32
        %dma_start3A_204 = tpu.memref_slice %arg4[%run_scoped3A_198, %add3A_197, %dma_start3A_203] : memref<2x2500x128xi32, #tpu.memory_space<hbm>> -> memref<1x1x128xi32, #tpu.memory_space<hbm>>
        %dma_start3A_205 = tpu.memref_squeeze %dma_start3A_204 : memref<1x1x128xi32, #tpu.memory_space<hbm>> -> memref<1x128xi32, #tpu.memory_space<hbm>>
        %dma_start3A_206 = arith.constant 78 : i32
        %dma_start3A_207 = arith.constant 0 : i32
        %dma_start3A_208 = tpu.memref_slice %arg10[%dma_start3A_206, %dma_start3A_207] : memref<79x128xi32, #tpu.memory_space<vmem>> -> memref<1x128xi32, #tpu.memory_space<vmem>>
        %dma_start3A_209 = arith.constant 0 : i32
        %dma_start3A_210 = tpu.memref_slice %arg4[%run_scoped3A_198, %add3A_197, %dma_start3A_209] : memref<2x2500x128xi32, #tpu.memory_space<hbm>> -> memref<1x1x128xi32, #tpu.memory_space<hbm>>
        %dma_start3A_211 = tpu.memref_squeeze %dma_start3A_210 : memref<1x1x128xi32, #tpu.memory_space<hbm>> -> memref<1x128xi32, #tpu.memory_space<hbm>>
        tpu.enqueue_dma source(%dma_start3A_211 : memref<1x128xi32, #tpu.memory_space<hbm>>) target(%dma_start3A_208 : memref<1x128xi32, #tpu.memory_space<vmem>>) target_semaphore(%run_scoped3A_199 : memref<!tpu.dma_semaphore, #tpu.memory_space<semaphore_mem>>)
        %dma_wait3A_212 = arith.constant 78 : i32
        %dma_wait3A_213 = arith.constant 0 : i32
        %dma_wait3A_214 = tpu.memref_slice %arg10[%dma_wait3A_212, %dma_wait3A_213] : memref<79x128xi32, #tpu.memory_space<vmem>> -> memref<1x128xi32, #tpu.memory_space<vmem>>
        %dma_wait3A_215 = arith.constant 0 : i32
        %dma_wait3A_216 = tpu.memref_slice %arg4[%run_scoped3A_198, %add3A_197, %dma_wait3A_215] : memref<2x2500x128xi32, #tpu.memory_space<hbm>> -> memref<1x1x128xi32, #tpu.memory_space<hbm>>
        %dma_wait3A_217 = tpu.memref_squeeze %dma_wait3A_216 : memref<1x1x128xi32, #tpu.memory_space<hbm>> -> memref<1x128xi32, #tpu.memory_space<hbm>>
        %dma_wait3A_218 = arith.constant 78 : i32
        %dma_wait3A_219 = arith.constant 0 : i32
        %dma_wait3A_220 = tpu.memref_slice %arg10[%dma_wait3A_218, %dma_wait3A_219] : memref<79x128xi32, #tpu.memory_space<vmem>> -> memref<1x128xi32, #tpu.memory_space<vmem>>
        %dma_wait3A_221 = arith.constant 0 : i32
        %dma_wait3A_222 = tpu.memref_slice %arg4[%run_scoped3A_198, %add3A_197, %dma_wait3A_221] : memref<2x2500x128xi32, #tpu.memory_space<hbm>> -> memref<1x1x128xi32, #tpu.memory_space<hbm>>
        %dma_wait3A_223 = tpu.memref_squeeze %dma_wait3A_222 : memref<1x1x128xi32, #tpu.memory_space<hbm>> -> memref<1x128xi32, #tpu.memory_space<hbm>>
        tpu.wait_dma2 semaphore(%run_scoped3A_199 : memref<!tpu.dma_semaphore, #tpu.memory_space<semaphore_mem>>) src(%dma_wait3A_223 : memref<1x128xi32, #tpu.memory_space<hbm>>) dst(%dma_wait3A_220 : memref<1x128xi32, #tpu.memory_space<vmem>>)
        tpu.yield
      }) : () -> ()
    } else {
    }
    %dma_start3A = arith.constant 0 : i32
    %dma_start3A_23 = arith.constant 0 : i32
    %dma_start3A_24 = tpu.memref_slice %arg9[%dma_start3A, %dma_start3A_23] : memref<79x128xi32, #tpu.memory_space<vmem>> -> memref<1x128xi32, #tpu.memory_space<vmem>>
    %dma_start3A_25 = tpu.memref_squeeze %dma_start3A_24 : memref<1x128xi32, #tpu.memory_space<vmem>> -> memref<128xi32, #tpu.memory_space<vmem>>
    %dma_start3A_26 = arith.constant 0 : i32
    %dma_start3A_27 = arith.constant 0 : i32
    %dma_start3A_28 = tpu.memref_slice %arg2[%dma_start3A_26, %dma_start3A_27] : memref<10112x16xf32, #tpu.memory_space<hbm>> -> memref<10112x16xf32, #tpu.memory_space<hbm>>
    tpu.enqueue_indirect_dma source(%dma_start3A_28 : memref<10112x16xf32, #tpu.memory_space<hbm>>) target(%arg11 : memref<128x16xf32, #tpu.memory_space<vmem>>) offsets(%dma_start3A_25 : memref<128xi32, #tpu.memory_space<vmem>>) semaphore(%arg24 : memref<!tpu.dma_semaphore, #tpu.memory_space<semaphore_mem>>)
    %dma_start3A_29 = arith.constant 0 : i32
    %dma_start3A_30 = arith.constant 0 : i32
    %dma_start3A_31 = tpu.memref_slice %arg9[%dma_start3A_29, %dma_start3A_30] : memref<79x128xi32, #tpu.memory_space<vmem>> -> memref<1x128xi32, #tpu.memory_space<vmem>>
    %dma_start3A_32 = tpu.memref_squeeze %dma_start3A_31 : memref<1x128xi32, #tpu.memory_space<vmem>> -> memref<128xi32, #tpu.memory_space<vmem>>
    %dma_start3A_33 = arith.constant 0 : i32
    %dma_start3A_34 = arith.constant 0 : i32
    %dma_start3A_35 = tpu.memref_slice %arg3[%dma_start3A_33, %dma_start3A_34] : memref<10112x16xf32, #tpu.memory_space<hbm>> -> memref<10112x16xf32, #tpu.memory_space<hbm>>
    tpu.enqueue_indirect_dma source(%dma_start3A_35 : memref<10112x16xf32, #tpu.memory_space<hbm>>) target(%arg17 : memref<128x16xf32, #tpu.memory_space<vmem>>) offsets(%dma_start3A_32 : memref<128xi32, #tpu.memory_space<vmem>>) semaphore(%arg30 : memref<!tpu.dma_semaphore, #tpu.memory_space<semaphore_mem>>)
    %dma_start3A_36 = arith.constant 1 : i32
    %dma_start3A_37 = arith.constant 0 : i32
    %dma_start3A_38 = tpu.memref_slice %arg9[%dma_start3A_36, %dma_start3A_37] : memref<79x128xi32, #tpu.memory_space<vmem>> -> memref<1x128xi32, #tpu.memory_space<vmem>>
    %dma_start3A_39 = tpu.memref_squeeze %dma_start3A_38 : memref<1x128xi32, #tpu.memory_space<vmem>> -> memref<128xi32, #tpu.memory_space<vmem>>
    %dma_start3A_40 = arith.constant 0 : i32
    %dma_start3A_41 = arith.constant 0 : i32
    %dma_start3A_42 = tpu.memref_slice %arg2[%dma_start3A_40, %dma_start3A_41] : memref<10112x16xf32, #tpu.memory_space<hbm>> -> memref<10112x16xf32, #tpu.memory_space<hbm>>
    tpu.enqueue_indirect_dma source(%dma_start3A_42 : memref<10112x16xf32, #tpu.memory_space<hbm>>) target(%arg12 : memref<128x16xf32, #tpu.memory_space<vmem>>) offsets(%dma_start3A_39 : memref<128xi32, #tpu.memory_space<vmem>>) semaphore(%arg25 : memref<!tpu.dma_semaphore, #tpu.memory_space<semaphore_mem>>)
    %dma_start3A_43 = arith.constant 1 : i32
    %dma_start3A_44 = arith.constant 0 : i32
    %dma_start3A_45 = tpu.memref_slice %arg9[%dma_start3A_43, %dma_start3A_44] : memref<79x128xi32, #tpu.memory_space<vmem>> -> memref<1x128xi32, #tpu.memory_space<vmem>>
    %dma_start3A_46 = tpu.memref_squeeze %dma_start3A_45 : memref<1x128xi32, #tpu.memory_space<vmem>> -> memref<128xi32, #tpu.memory_space<vmem>>
    %dma_start3A_47 = arith.constant 0 : i32
    %dma_start3A_48 = arith.constant 0 : i32
    %dma_start3A_49 = tpu.memref_slice %arg3[%dma_start3A_47, %dma_start3A_48] : memref<10112x16xf32, #tpu.memory_space<hbm>> -> memref<10112x16xf32, #tpu.memory_space<hbm>>
    tpu.enqueue_indirect_dma source(%dma_start3A_49 : memref<10112x16xf32, #tpu.memory_space<hbm>>) target(%arg18 : memref<128x16xf32, #tpu.memory_space<vmem>>) offsets(%dma_start3A_46 : memref<128xi32, #tpu.memory_space<vmem>>) semaphore(%arg31 : memref<!tpu.dma_semaphore, #tpu.memory_space<semaphore_mem>>)
    %dma_start3A_50 = arith.constant 2 : i32
    %dma_start3A_51 = arith.constant 0 : i32
    %dma_start3A_52 = tpu.memref_slice %arg9[%dma_start3A_50, %dma_start3A_51] : memref<79x128xi32, #tpu.memory_space<vmem>> -> memref<1x128xi32, #tpu.memory_space<vmem>>
    %dma_start3A_53 = tpu.memref_squeeze %dma_start3A_52 : memref<1x128xi32, #tpu.memory_space<vmem>> -> memref<128xi32, #tpu.memory_space<vmem>>
    %dma_start3A_54 = arith.constant 0 : i32
    %dma_start3A_55 = arith.constant 0 : i32
    %dma_start3A_56 = tpu.memref_slice %arg2[%dma_start3A_54, %dma_start3A_55] : memref<10112x16xf32, #tpu.memory_space<hbm>> -> memref<10112x16xf32, #tpu.memory_space<hbm>>
    tpu.enqueue_indirect_dma source(%dma_start3A_56 : memref<10112x16xf32, #tpu.memory_space<hbm>>) target(%arg13 : memref<128x16xf32, #tpu.memory_space<vmem>>) offsets(%dma_start3A_53 : memref<128xi32, #tpu.memory_space<vmem>>) semaphore(%arg26 : memref<!tpu.dma_semaphore, #tpu.memory_space<semaphore_mem>>)
    %dma_start3A_57 = arith.constant 2 : i32
    %dma_start3A_58 = arith.constant 0 : i32
    %dma_start3A_59 = tpu.memref_slice %arg9[%dma_start3A_57, %dma_start3A_58] : memref<79x128xi32, #tpu.memory_space<vmem>> -> memref<1x128xi32, #tpu.memory_space<vmem>>
    %dma_start3A_60 = tpu.memref_squeeze %dma_start3A_59 : memref<1x128xi32, #tpu.memory_space<vmem>> -> memref<128xi32, #tpu.memory_space<vmem>>
    %dma_start3A_61 = arith.constant 0 : i32
    %dma_start3A_62 = arith.constant 0 : i32
    %dma_start3A_63 = tpu.memref_slice %arg3[%dma_start3A_61, %dma_start3A_62] : memref<10112x16xf32, #tpu.memory_space<hbm>> -> memref<10112x16xf32, #tpu.memory_space<hbm>>
    tpu.enqueue_indirect_dma source(%dma_start3A_63 : memref<10112x16xf32, #tpu.memory_space<hbm>>) target(%arg19 : memref<128x16xf32, #tpu.memory_space<vmem>>) offsets(%dma_start3A_60 : memref<128xi32, #tpu.memory_space<vmem>>) semaphore(%arg32 : memref<!tpu.dma_semaphore, #tpu.memory_space<semaphore_mem>>)
    %dma_start3A_64 = arith.constant 3 : i32
    %dma_start3A_65 = arith.constant 0 : i32
    %dma_start3A_66 = tpu.memref_slice %arg9[%dma_start3A_64, %dma_start3A_65] : memref<79x128xi32, #tpu.memory_space<vmem>> -> memref<1x128xi32, #tpu.memory_space<vmem>>
    %dma_start3A_67 = tpu.memref_squeeze %dma_start3A_66 : memref<1x128xi32, #tpu.memory_space<vmem>> -> memref<128xi32, #tpu.memory_space<vmem>>
    %dma_start3A_68 = arith.constant 0 : i32
    %dma_start3A_69 = arith.constant 0 : i32
    %dma_start3A_70 = tpu.memref_slice %arg2[%dma_start3A_68, %dma_start3A_69] : memref<10112x16xf32, #tpu.memory_space<hbm>> -> memref<10112x16xf32, #tpu.memory_space<hbm>>
    tpu.enqueue_indirect_dma source(%dma_start3A_70 : memref<10112x16xf32, #tpu.memory_space<hbm>>) target(%arg14 : memref<128x16xf32, #tpu.memory_space<vmem>>) offsets(%dma_start3A_67 : memref<128xi32, #tpu.memory_space<vmem>>) semaphore(%arg27 : memref<!tpu.dma_semaphore, #tpu.memory_space<semaphore_mem>>)
    %dma_start3A_71 = arith.constant 3 : i32
    %dma_start3A_72 = arith.constant 0 : i32
    %dma_start3A_73 = tpu.memref_slice %arg9[%dma_start3A_71, %dma_start3A_72] : memref<79x128xi32, #tpu.memory_space<vmem>> -> memref<1x128xi32, #tpu.memory_space<vmem>>
    %dma_start3A_74 = tpu.memref_squeeze %dma_start3A_73 : memref<1x128xi32, #tpu.memory_space<vmem>> -> memref<128xi32, #tpu.memory_space<vmem>>
    %dma_start3A_75 = arith.constant 0 : i32
    %dma_start3A_76 = arith.constant 0 : i32
    %dma_start3A_77 = tpu.memref_slice %arg3[%dma_start3A_75, %dma_start3A_76] : memref<10112x16xf32, #tpu.memory_space<hbm>> -> memref<10112x16xf32, #tpu.memory_space<hbm>>
    tpu.enqueue_indirect_dma source(%dma_start3A_77 : memref<10112x16xf32, #tpu.memory_space<hbm>>) target(%arg20 : memref<128x16xf32, #tpu.memory_space<vmem>>) offsets(%dma_start3A_74 : memref<128xi32, #tpu.memory_space<vmem>>) semaphore(%arg33 : memref<!tpu.dma_semaphore, #tpu.memory_space<semaphore_mem>>)
    %dma_start3A_78 = arith.constant 4 : i32
    %dma_start3A_79 = arith.constant 0 : i32
    %dma_start3A_80 = tpu.memref_slice %arg9[%dma_start3A_78, %dma_start3A_79] : memref<79x128xi32, #tpu.memory_space<vmem>> -> memref<1x128xi32, #tpu.memory_space<vmem>>
    %dma_start3A_81 = tpu.memref_squeeze %dma_start3A_80 : memref<1x128xi32, #tpu.memory_space<vmem>> -> memref<128xi32, #tpu.memory_space<vmem>>
    %dma_start3A_82 = arith.constant 0 : i32
    %dma_start3A_83 = arith.constant 0 : i32
    %dma_start3A_84 = tpu.memref_slice %arg2[%dma_start3A_82, %dma_start3A_83] : memref<10112x16xf32, #tpu.memory_space<hbm>> -> memref<10112x16xf32, #tpu.memory_space<hbm>>
    tpu.enqueue_indirect_dma source(%dma_start3A_84 : memref<10112x16xf32, #tpu.memory_space<hbm>>) target(%arg15 : memref<128x16xf32, #tpu.memory_space<vmem>>) offsets(%dma_start3A_81 : memref<128xi32, #tpu.memory_space<vmem>>) semaphore(%arg28 : memref<!tpu.dma_semaphore, #tpu.memory_space<semaphore_mem>>)
    %dma_start3A_85 = arith.constant 4 : i32
    %dma_start3A_86 = arith.constant 0 : i32
    %dma_start3A_87 = tpu.memref_slice %arg9[%dma_start3A_85, %dma_start3A_86] : memref<79x128xi32, #tpu.memory_space<vmem>> -> memref<1x128xi32, #tpu.memory_space<vmem>>
    %dma_start3A_88 = tpu.memref_squeeze %dma_start3A_87 : memref<1x128xi32, #tpu.memory_space<vmem>> -> memref<128xi32, #tpu.memory_space<vmem>>
    %dma_start3A_89 = arith.constant 0 : i32
    %dma_start3A_90 = arith.constant 0 : i32
    %dma_start3A_91 = tpu.memref_slice %arg3[%dma_start3A_89, %dma_start3A_90] : memref<10112x16xf32, #tpu.memory_space<hbm>> -> memref<10112x16xf32, #tpu.memory_space<hbm>>
    tpu.enqueue_indirect_dma source(%dma_start3A_91 : memref<10112x16xf32, #tpu.memory_space<hbm>>) target(%arg21 : memref<128x16xf32, #tpu.memory_space<vmem>>) offsets(%dma_start3A_88 : memref<128xi32, #tpu.memory_space<vmem>>) semaphore(%arg34 : memref<!tpu.dma_semaphore, #tpu.memory_space<semaphore_mem>>)
    %while3A = arith.constant 0 : i32
    %while3A_92 = arith.constant 0 : i32
    %while3A_93 = arith.subi %add3A_14, %while3A_92 : i32
    %while3A_94 = arith.addi %while3A_92, %while3A_93 : i32
    %while3A_95 = arith.constant 1 : i32
    %while3A_96 = arith.divsi %while3A_93, %while3A_95 : i32
    %while3A_97 = arith.muli %while3A_96, %while3A_95 : i32
    %while3A_98 = arith.addi %while3A_92, %while3A_97 : i32
    %while3A_99 = arith.constant 1 : i32
    scf.for %while3A_193 = %while3A_92 to %while3A_98 step %while3A_99  : i32 {
      %rem3A = arith.constant 6 : i32
      %rem3A_194 = arith.remsi %while3A_193, %rem3A : i32
      %clamp3A = arith.constant 0 : i32
      %clamp3A_195 = arith.constant 5 : i32
      %clamp3A_196 = arith.maxsi %rem3A_194, %clamp3A : i32
      %clamp3A_197 = arith.minsi %clamp3A_196, %clamp3A_195 : i32
      %cond3A_198 = arith.constant 0 : i32
      %cond3A_199 = arith.constant 0 : i32
      %cond3A_200 = arith.cmpi ne, %clamp3A_197, %cond3A_199 : i32
      %cond3A_201 = scf.if %cond3A_200 -> (i32) {
        %cond3A_202 = arith.constant 1 : i32
        %cond3A_203 = arith.subi %clamp3A_197, %cond3A_202 : i32
        %cond3A_204 = arith.constant 0 : i32
        %cond3A_205 = arith.cmpi ne, %cond3A_203, %cond3A_204 : i32
        %cond3A_206 = scf.if %cond3A_205 -> (i32) {
          %cond3A_207 = arith.constant 1 : i32
          %cond3A_208 = arith.subi %cond3A_203, %cond3A_207 : i32
          %cond3A_209 = arith.constant 0 : i32
          %cond3A_210 = arith.cmpi ne, %cond3A_208, %cond3A_209 : i32
          %cond3A_211 = scf.if %cond3A_210 -> (i32) {
            %cond3A_212 = arith.constant 1 : i32
            %cond3A_213 = arith.subi %cond3A_208, %cond3A_212 : i32
            %cond3A_214 = arith.constant 0 : i32
            %cond3A_215 = arith.cmpi ne, %cond3A_213, %cond3A_214 : i32
            %cond3A_216 = scf.if %cond3A_215 -> (i32) {
              %cond3A_217 = arith.constant 1 : i32
              %cond3A_218 = arith.subi %cond3A_213, %cond3A_217 : i32
              %cond3A_219 = arith.constant 0 : i32
              %cond3A_220 = arith.cmpi ne, %cond3A_218, %cond3A_219 : i32
              %cond3A_221 = scf.if %cond3A_220 -> (i32) {
                %dma_wait3A_222 = arith.constant 0 : i32
                %dma_wait3A_223 = tpu.memref_slice %arg9[%while3A_193, %dma_wait3A_222] : memref<79x128xi32, #tpu.memory_space<vmem>> -> memref<1x128xi32, #tpu.memory_space<vmem>>
                %dma_wait3A_224 = tpu.memref_squeeze %dma_wait3A_223 : memref<1x128xi32, #tpu.memory_space<vmem>> -> memref<128xi32, #tpu.memory_space<vmem>>
                %dma_wait3A_225 = arith.constant 0 : i32
                %dma_wait3A_226 = arith.constant 0 : i32
                %dma_wait3A_227 = tpu.memref_slice %arg2[%dma_wait3A_225, %dma_wait3A_226] : memref<10112x16xf32, #tpu.memory_space<hbm>> -> memref<10112x16xf32, #tpu.memory_space<hbm>>
                tpu.wait_indirect_dma semaphore(%arg29 : memref<!tpu.dma_semaphore, #tpu.memory_space<semaphore_mem>>) src(%dma_wait3A_227 : memref<10112x16xf32, #tpu.memory_space<hbm>>) dst(%arg16 : memref<128x16xf32, #tpu.memory_space<vmem>>)
                %dma_wait3A_228 = arith.constant 0 : i32
                %dma_wait3A_229 = tpu.memref_slice %arg9[%while3A_193, %dma_wait3A_228] : memref<79x128xi32, #tpu.memory_space<vmem>> -> memref<1x128xi32, #tpu.memory_space<vmem>>
                %dma_wait3A_230 = tpu.memref_squeeze %dma_wait3A_229 : memref<1x128xi32, #tpu.memory_space<vmem>> -> memref<128xi32, #tpu.memory_space<vmem>>
                %dma_wait3A_231 = arith.constant 0 : i32
                %dma_wait3A_232 = arith.constant 0 : i32
                %dma_wait3A_233 = tpu.memref_slice %arg3[%dma_wait3A_231, %dma_wait3A_232] : memref<10112x16xf32, #tpu.memory_space<hbm>> -> memref<10112x16xf32, #tpu.memory_space<hbm>>
                tpu.wait_indirect_dma semaphore(%arg35 : memref<!tpu.dma_semaphore, #tpu.memory_space<semaphore_mem>>) src(%dma_wait3A_233 : memref<10112x16xf32, #tpu.memory_space<hbm>>) dst(%arg22 : memref<128x16xf32, #tpu.memory_space<vmem>>)
                %dma_start3A_234 = arith.constant 0 : i32
                %dma_start3A_235 = tpu.memref_slice %arg10[%while3A_193, %dma_start3A_234] : memref<79x128xi32, #tpu.memory_space<vmem>> -> memref<1x128xi32, #tpu.memory_space<vmem>>
                %dma_start3A_236 = tpu.memref_squeeze %dma_start3A_235 : memref<1x128xi32, #tpu.memory_space<vmem>> -> memref<128xi32, #tpu.memory_space<vmem>>
                %dma_start3A_237 = arith.constant 0 : i32
                %dma_start3A_238 = arith.constant 0 : i32
                %dma_start3A_239 = tpu.memref_slice %arg7[%dma_start3A_237, %dma_start3A_238] : memref<10112x16xf32, #tpu.memory_space<vmem_shared>> -> memref<10112x16xf32, #tpu.memory_space<vmem_shared>>
                tpu.enqueue_indirect_dma source(%arg16 : memref<128x16xf32, #tpu.memory_space<vmem>>) target(%dma_start3A_239 : memref<10112x16xf32, #tpu.memory_space<vmem_shared>>) offsets(%dma_start3A_236 : memref<128xi32, #tpu.memory_space<vmem>>) semaphore(%arg41 : memref<!tpu.dma_semaphore, #tpu.memory_space<semaphore_mem>>) {add = true}
                %dma_start3A_240 = arith.constant 0 : i32
                %dma_start3A_241 = tpu.memref_slice %arg10[%while3A_193, %dma_start3A_240] : memref<79x128xi32, #tpu.memory_space<vmem>> -> memref<1x128xi32, #tpu.memory_space<vmem>>
                %dma_start3A_242 = tpu.memref_squeeze %dma_start3A_241 : memref<1x128xi32, #tpu.memory_space<vmem>> -> memref<128xi32, #tpu.memory_space<vmem>>
                %dma_start3A_243 = arith.constant 0 : i32
                %dma_start3A_244 = arith.constant 0 : i32
                %dma_start3A_245 = tpu.memref_slice %arg8[%dma_start3A_243, %dma_start3A_244] : memref<10112x16xf32, #tpu.memory_space<vmem_shared>> -> memref<10112x16xf32, #tpu.memory_space<vmem_shared>>
                tpu.enqueue_indirect_dma source(%arg22 : memref<128x16xf32, #tpu.memory_space<vmem>>) target(%dma_start3A_245 : memref<10112x16xf32, #tpu.memory_space<vmem_shared>>) offsets(%dma_start3A_242 : memref<128xi32, #tpu.memory_space<vmem>>) semaphore(%arg47 : memref<!tpu.dma_semaphore, #tpu.memory_space<semaphore_mem>>) {add = true}
                %add3A_246 = arith.constant 5 : i32
                %add3A_247 = arith.addi %while3A_193, %add3A_246 : i32
                %lt3A_248 = arith.cmpi slt, %add3A_247, %add3A_14 : i32
                %convert_element_type3A_249 = arith.extui %lt3A_248 : i1 to i32
                %cond3A_250 = arith.constant 0 : i32
                %cond3A_251 = arith.cmpi ne, %convert_element_type3A_249, %cond3A_250 : i32
                scf.if %cond3A_251 {
                  %ge3A = arith.constant 1 : i32
                  %ge3A_253 = arith.cmpi sge, %while3A_193, %ge3A : i32
                  %convert_element_type3A_254 = arith.extui %ge3A_253 : i1 to i32
                  %cond3A_255 = arith.constant 0 : i32
                  %cond3A_256 = arith.cmpi ne, %convert_element_type3A_254, %cond3A_255 : i32
                  scf.if %cond3A_256 {
                    %dma_wait3A_271 = arith.constant 0 : i32
                    %dma_wait3A_272 = arith.constant 0 : i32
                    %dma_wait3A_273 = tpu.memref_slice %arg10[%dma_wait3A_271, %dma_wait3A_272] : memref<79x128xi32, #tpu.memory_space<vmem>> -> memref<1x128xi32, #tpu.memory_space<vmem>>
                    %dma_wait3A_274 = tpu.memref_squeeze %dma_wait3A_273 : memref<1x128xi32, #tpu.memory_space<vmem>> -> memref<128xi32, #tpu.memory_space<vmem>>
                    %dma_wait3A_275 = arith.constant 0 : i32
                    %dma_wait3A_276 = arith.constant 0 : i32
                    %dma_wait3A_277 = tpu.memref_slice %arg7[%dma_wait3A_275, %dma_wait3A_276] : memref<10112x16xf32, #tpu.memory_space<vmem_shared>> -> memref<10112x16xf32, #tpu.memory_space<vmem_shared>>
                    tpu.wait_indirect_dma semaphore(%arg40 : memref<!tpu.dma_semaphore, #tpu.memory_space<semaphore_mem>>) src(%arg15 : memref<128x16xf32, #tpu.memory_space<vmem>>) dst(%dma_wait3A_277 : memref<10112x16xf32, #tpu.memory_space<vmem_shared>>)
                    %dma_wait3A_278 = arith.constant 0 : i32
                    %dma_wait3A_279 = arith.constant 0 : i32
                    %dma_wait3A_280 = tpu.memref_slice %arg10[%dma_wait3A_278, %dma_wait3A_279] : memref<79x128xi32, #tpu.memory_space<vmem>> -> memref<1x128xi32, #tpu.memory_space<vmem>>
                    %dma_wait3A_281 = tpu.memref_squeeze %dma_wait3A_280 : memref<1x128xi32, #tpu.memory_space<vmem>> -> memref<128xi32, #tpu.memory_space<vmem>>
                    %dma_wait3A_282 = arith.constant 0 : i32
                    %dma_wait3A_283 = arith.constant 0 : i32
                    %dma_wait3A_284 = tpu.memref_slice %arg8[%dma_wait3A_282, %dma_wait3A_283] : memref<10112x16xf32, #tpu.memory_space<vmem_shared>> -> memref<10112x16xf32, #tpu.memory_space<vmem_shared>>
                    tpu.wait_indirect_dma semaphore(%arg46 : memref<!tpu.dma_semaphore, #tpu.memory_space<semaphore_mem>>) src(%arg21 : memref<128x16xf32, #tpu.memory_space<vmem>>) dst(%dma_wait3A_284 : memref<10112x16xf32, #tpu.memory_space<vmem_shared>>)
                  } else {
                  }
                  %add3A_257 = arith.constant 5 : i32
                  %add3A_258 = arith.addi %while3A_193, %add3A_257 : i32
                  %dma_start3A_259 = arith.constant 0 : i32
                  %dma_start3A_260 = tpu.memref_slice %arg9[%add3A_258, %dma_start3A_259] : memref<79x128xi32, #tpu.memory_space<vmem>> -> memref<1x128xi32, #tpu.memory_space<vmem>>
                  %dma_start3A_261 = tpu.memref_squeeze %dma_start3A_260 : memref<1x128xi32, #tpu.memory_space<vmem>> -> memref<128xi32, #tpu.memory_space<vmem>>
                  %dma_start3A_262 = arith.constant 0 : i32
                  %dma_start3A_263 = arith.constant 0 : i32
                  %dma_start3A_264 = tpu.memref_slice %arg2[%dma_start3A_262, %dma_start3A_263] : memref<10112x16xf32, #tpu.memory_space<hbm>> -> memref<10112x16xf32, #tpu.memory_space<hbm>>
                  tpu.enqueue_indirect_dma source(%dma_start3A_264 : memref<10112x16xf32, #tpu.memory_space<hbm>>) target(%arg15 : memref<128x16xf32, #tpu.memory_space<vmem>>) offsets(%dma_start3A_261 : memref<128xi32, #tpu.memory_space<vmem>>) semaphore(%arg28 : memref<!tpu.dma_semaphore, #tpu.memory_space<semaphore_mem>>)
                  %dma_start3A_265 = arith.constant 0 : i32
                  %dma_start3A_266 = tpu.memref_slice %arg9[%add3A_258, %dma_start3A_265] : memref<79x128xi32, #tpu.memory_space<vmem>> -> memref<1x128xi32, #tpu.memory_space<vmem>>
                  %dma_start3A_267 = tpu.memref_squeeze %dma_start3A_266 : memref<1x128xi32, #tpu.memory_space<vmem>> -> memref<128xi32, #tpu.memory_space<vmem>>
                  %dma_start3A_268 = arith.constant 0 : i32
                  %dma_start3A_269 = arith.constant 0 : i32
                  %dma_start3A_270 = tpu.memref_slice %arg3[%dma_start3A_268, %dma_start3A_269] : memref<10112x16xf32, #tpu.memory_space<hbm>> -> memref<10112x16xf32, #tpu.memory_space<hbm>>
                  tpu.enqueue_indirect_dma source(%dma_start3A_270 : memref<10112x16xf32, #tpu.memory_space<hbm>>) target(%arg21 : memref<128x16xf32, #tpu.memory_space<vmem>>) offsets(%dma_start3A_267 : memref<128xi32, #tpu.memory_space<vmem>>) semaphore(%arg34 : memref<!tpu.dma_semaphore, #tpu.memory_space<semaphore_mem>>)
                } else {
                }
                %cond3A_252 = arith.constant 0 : i32
                scf.yield %cond3A_252 : i32
              } else {
                %dma_wait3A_222 = arith.constant 0 : i32
                %dma_wait3A_223 = tpu.memref_slice %arg9[%while3A_193, %dma_wait3A_222] : memref<79x128xi32, #tpu.memory_space<vmem>> -> memref<1x128xi32, #tpu.memory_space<vmem>>
                %dma_wait3A_224 = tpu.memref_squeeze %dma_wait3A_223 : memref<1x128xi32, #tpu.memory_space<vmem>> -> memref<128xi32, #tpu.memory_space<vmem>>
                %dma_wait3A_225 = arith.constant 0 : i32
                %dma_wait3A_226 = arith.constant 0 : i32
                %dma_wait3A_227 = tpu.memref_slice %arg2[%dma_wait3A_225, %dma_wait3A_226] : memref<10112x16xf32, #tpu.memory_space<hbm>> -> memref<10112x16xf32, #tpu.memory_space<hbm>>
                tpu.wait_indirect_dma semaphore(%arg28 : memref<!tpu.dma_semaphore, #tpu.memory_space<semaphore_mem>>) src(%dma_wait3A_227 : memref<10112x16xf32, #tpu.memory_space<hbm>>) dst(%arg15 : memref<128x16xf32, #tpu.memory_space<vmem>>)
                %dma_wait3A_228 = arith.constant 0 : i32
                %dma_wait3A_229 = tpu.memref_slice %arg9[%while3A_193, %dma_wait3A_228] : memref<79x128xi32, #tpu.memory_space<vmem>> -> memref<1x128xi32, #tpu.memory_space<vmem>>
                %dma_wait3A_230 = tpu.memref_squeeze %dma_wait3A_229 : memref<1x128xi32, #tpu.memory_space<vmem>> -> memref<128xi32, #tpu.memory_space<vmem>>
                %dma_wait3A_231 = arith.constant 0 : i32
                %dma_wait3A_232 = arith.constant 0 : i32
                %dma_wait3A_233 = tpu.memref_slice %arg3[%dma_wait3A_231, %dma_wait3A_232] : memref<10112x16xf32, #tpu.memory_space<hbm>> -> memref<10112x16xf32, #tpu.memory_space<hbm>>
                tpu.wait_indirect_dma semaphore(%arg34 : memref<!tpu.dma_semaphore, #tpu.memory_space<semaphore_mem>>) src(%dma_wait3A_233 : memref<10112x16xf32, #tpu.memory_space<hbm>>) dst(%arg21 : memref<128x16xf32, #tpu.memory_space<vmem>>)
                %dma_start3A_234 = arith.constant 0 : i32
                %dma_start3A_235 = tpu.memref_slice %arg10[%while3A_193, %dma_start3A_234] : memref<79x128xi32, #tpu.memory_space<vmem>> -> memref<1x128xi32, #tpu.memory_space<vmem>>
                %dma_start3A_236 = tpu.memref_squeeze %dma_start3A_235 : memref<1x128xi32, #tpu.memory_space<vmem>> -> memref<128xi32, #tpu.memory_space<vmem>>
                %dma_start3A_237 = arith.constant 0 : i32
                %dma_start3A_238 = arith.constant 0 : i32
                %dma_start3A_239 = tpu.memref_slice %arg7[%dma_start3A_237, %dma_start3A_238] : memref<10112x16xf32, #tpu.memory_space<vmem_shared>> -> memref<10112x16xf32, #tpu.memory_space<vmem_shared>>
                tpu.enqueue_indirect_dma source(%arg15 : memref<128x16xf32, #tpu.memory_space<vmem>>) target(%dma_start3A_239 : memref<10112x16xf32, #tpu.memory_space<vmem_shared>>) offsets(%dma_start3A_236 : memref<128xi32, #tpu.memory_space<vmem>>) semaphore(%arg40 : memref<!tpu.dma_semaphore, #tpu.memory_space<semaphore_mem>>) {add = true}
                %dma_start3A_240 = arith.constant 0 : i32
                %dma_start3A_241 = tpu.memref_slice %arg10[%while3A_193, %dma_start3A_240] : memref<79x128xi32, #tpu.memory_space<vmem>> -> memref<1x128xi32, #tpu.memory_space<vmem>>
                %dma_start3A_242 = tpu.memref_squeeze %dma_start3A_241 : memref<1x128xi32, #tpu.memory_space<vmem>> -> memref<128xi32, #tpu.memory_space<vmem>>
                %dma_start3A_243 = arith.constant 0 : i32
                %dma_start3A_244 = arith.constant 0 : i32
                %dma_start3A_245 = tpu.memref_slice %arg8[%dma_start3A_243, %dma_start3A_244] : memref<10112x16xf32, #tpu.memory_space<vmem_shared>> -> memref<10112x16xf32, #tpu.memory_space<vmem_shared>>
                tpu.enqueue_indirect_dma source(%arg21 : memref<128x16xf32, #tpu.memory_space<vmem>>) target(%dma_start3A_245 : memref<10112x16xf32, #tpu.memory_space<vmem_shared>>) offsets(%dma_start3A_242 : memref<128xi32, #tpu.memory_space<vmem>>) semaphore(%arg46 : memref<!tpu.dma_semaphore, #tpu.memory_space<semaphore_mem>>) {add = true}
                %add3A_246 = arith.constant 5 : i32
                %add3A_247 = arith.addi %while3A_193, %add3A_246 : i32
                %lt3A_248 = arith.cmpi slt, %add3A_247, %add3A_14 : i32
                %convert_element_type3A_249 = arith.extui %lt3A_248 : i1 to i32
                %cond3A_250 = arith.constant 0 : i32
                %cond3A_251 = arith.cmpi ne, %convert_element_type3A_249, %cond3A_250 : i32
                scf.if %cond3A_251 {
                  %ge3A = arith.constant 1 : i32
                  %ge3A_253 = arith.cmpi sge, %while3A_193, %ge3A : i32
                  %convert_element_type3A_254 = arith.extui %ge3A_253 : i1 to i32
                  %cond3A_255 = arith.constant 0 : i32
                  %cond3A_256 = arith.cmpi ne, %convert_element_type3A_254, %cond3A_255 : i32
                  scf.if %cond3A_256 {
                    %dma_wait3A_271 = arith.constant 0 : i32
                    %dma_wait3A_272 = arith.constant 0 : i32
                    %dma_wait3A_273 = tpu.memref_slice %arg10[%dma_wait3A_271, %dma_wait3A_272] : memref<79x128xi32, #tpu.memory_space<vmem>> -> memref<1x128xi32, #tpu.memory_space<vmem>>
                    %dma_wait3A_274 = tpu.memref_squeeze %dma_wait3A_273 : memref<1x128xi32, #tpu.memory_space<vmem>> -> memref<128xi32, #tpu.memory_space<vmem>>
                    %dma_wait3A_275 = arith.constant 0 : i32
                    %dma_wait3A_276 = arith.constant 0 : i32
                    %dma_wait3A_277 = tpu.memref_slice %arg7[%dma_wait3A_275, %dma_wait3A_276] : memref<10112x16xf32, #tpu.memory_space<vmem_shared>> -> memref<10112x16xf32, #tpu.memory_space<vmem_shared>>
                    tpu.wait_indirect_dma semaphore(%arg39 : memref<!tpu.dma_semaphore, #tpu.memory_space<semaphore_mem>>) src(%arg14 : memref<128x16xf32, #tpu.memory_space<vmem>>) dst(%dma_wait3A_277 : memref<10112x16xf32, #tpu.memory_space<vmem_shared>>)
                    %dma_wait3A_278 = arith.constant 0 : i32
                    %dma_wait3A_279 = arith.constant 0 : i32
                    %dma_wait3A_280 = tpu.memref_slice %arg10[%dma_wait3A_278, %dma_wait3A_279] : memref<79x128xi32, #tpu.memory_space<vmem>> -> memref<1x128xi32, #tpu.memory_space<vmem>>
                    %dma_wait3A_281 = tpu.memref_squeeze %dma_wait3A_280 : memref<1x128xi32, #tpu.memory_space<vmem>> -> memref<128xi32, #tpu.memory_space<vmem>>
                    %dma_wait3A_282 = arith.constant 0 : i32
                    %dma_wait3A_283 = arith.constant 0 : i32
                    %dma_wait3A_284 = tpu.memref_slice %arg8[%dma_wait3A_282, %dma_wait3A_283] : memref<10112x16xf32, #tpu.memory_space<vmem_shared>> -> memref<10112x16xf32, #tpu.memory_space<vmem_shared>>
                    tpu.wait_indirect_dma semaphore(%arg45 : memref<!tpu.dma_semaphore, #tpu.memory_space<semaphore_mem>>) src(%arg20 : memref<128x16xf32, #tpu.memory_space<vmem>>) dst(%dma_wait3A_284 : memref<10112x16xf32, #tpu.memory_space<vmem_shared>>)
                  } else {
                  }
                  %add3A_257 = arith.constant 5 : i32
                  %add3A_258 = arith.addi %while3A_193, %add3A_257 : i32
                  %dma_start3A_259 = arith.constant 0 : i32
                  %dma_start3A_260 = tpu.memref_slice %arg9[%add3A_258, %dma_start3A_259] : memref<79x128xi32, #tpu.memory_space<vmem>> -> memref<1x128xi32, #tpu.memory_space<vmem>>
                  %dma_start3A_261 = tpu.memref_squeeze %dma_start3A_260 : memref<1x128xi32, #tpu.memory_space<vmem>> -> memref<128xi32, #tpu.memory_space<vmem>>
                  %dma_start3A_262 = arith.constant 0 : i32
                  %dma_start3A_263 = arith.constant 0 : i32
                  %dma_start3A_264 = tpu.memref_slice %arg2[%dma_start3A_262, %dma_start3A_263] : memref<10112x16xf32, #tpu.memory_space<hbm>> -> memref<10112x16xf32, #tpu.memory_space<hbm>>
                  tpu.enqueue_indirect_dma source(%dma_start3A_264 : memref<10112x16xf32, #tpu.memory_space<hbm>>) target(%arg14 : memref<128x16xf32, #tpu.memory_space<vmem>>) offsets(%dma_start3A_261 : memref<128xi32, #tpu.memory_space<vmem>>) semaphore(%arg27 : memref<!tpu.dma_semaphore, #tpu.memory_space<semaphore_mem>>)
                  %dma_start3A_265 = arith.constant 0 : i32
                  %dma_start3A_266 = tpu.memref_slice %arg9[%add3A_258, %dma_start3A_265] : memref<79x128xi32, #tpu.memory_space<vmem>> -> memref<1x128xi32, #tpu.memory_space<vmem>>
                  %dma_start3A_267 = tpu.memref_squeeze %dma_start3A_266 : memref<1x128xi32, #tpu.memory_space<vmem>> -> memref<128xi32, #tpu.memory_space<vmem>>
                  %dma_start3A_268 = arith.constant 0 : i32
                  %dma_start3A_269 = arith.constant 0 : i32
                  %dma_start3A_270 = tpu.memref_slice %arg3[%dma_start3A_268, %dma_start3A_269] : memref<10112x16xf32, #tpu.memory_space<hbm>> -> memref<10112x16xf32, #tpu.memory_space<hbm>>
                  tpu.enqueue_indirect_dma source(%dma_start3A_270 : memref<10112x16xf32, #tpu.memory_space<hbm>>) target(%arg20 : memref<128x16xf32, #tpu.memory_space<vmem>>) offsets(%dma_start3A_267 : memref<128xi32, #tpu.memory_space<vmem>>) semaphore(%arg33 : memref<!tpu.dma_semaphore, #tpu.memory_space<semaphore_mem>>)
                } else {
                }
                %cond3A_252 = arith.constant 0 : i32
                scf.yield %cond3A_252 : i32
              }
              scf.yield %cond3A_221 : i32
            } else {
              %dma_wait3A_217 = arith.constant 0 : i32
              %dma_wait3A_218 = tpu.memref_slice %arg9[%while3A_193, %dma_wait3A_217] : memref<79x128xi32, #tpu.memory_space<vmem>> -> memref<1x128xi32, #tpu.memory_space<vmem>>
              %dma_wait3A_219 = tpu.memref_squeeze %dma_wait3A_218 : memref<1x128xi32, #tpu.memory_space<vmem>> -> memref<128xi32, #tpu.memory_space<vmem>>
              %dma_wait3A_220 = arith.constant 0 : i32
              %dma_wait3A_221 = arith.constant 0 : i32
              %dma_wait3A_222 = tpu.memref_slice %arg2[%dma_wait3A_220, %dma_wait3A_221] : memref<10112x16xf32, #tpu.memory_space<hbm>> -> memref<10112x16xf32, #tpu.memory_space<hbm>>
              tpu.wait_indirect_dma semaphore(%arg27 : memref<!tpu.dma_semaphore, #tpu.memory_space<semaphore_mem>>) src(%dma_wait3A_222 : memref<10112x16xf32, #tpu.memory_space<hbm>>) dst(%arg14 : memref<128x16xf32, #tpu.memory_space<vmem>>)
              %dma_wait3A_223 = arith.constant 0 : i32
              %dma_wait3A_224 = tpu.memref_slice %arg9[%while3A_193, %dma_wait3A_223] : memref<79x128xi32, #tpu.memory_space<vmem>> -> memref<1x128xi32, #tpu.memory_space<vmem>>
              %dma_wait3A_225 = tpu.memref_squeeze %dma_wait3A_224 : memref<1x128xi32, #tpu.memory_space<vmem>> -> memref<128xi32, #tpu.memory_space<vmem>>
              %dma_wait3A_226 = arith.constant 0 : i32
              %dma_wait3A_227 = arith.constant 0 : i32
              %dma_wait3A_228 = tpu.memref_slice %arg3[%dma_wait3A_226, %dma_wait3A_227] : memref<10112x16xf32, #tpu.memory_space<hbm>> -> memref<10112x16xf32, #tpu.memory_space<hbm>>
              tpu.wait_indirect_dma semaphore(%arg33 : memref<!tpu.dma_semaphore, #tpu.memory_space<semaphore_mem>>) src(%dma_wait3A_228 : memref<10112x16xf32, #tpu.memory_space<hbm>>) dst(%arg20 : memref<128x16xf32, #tpu.memory_space<vmem>>)
              %dma_start3A_229 = arith.constant 0 : i32
              %dma_start3A_230 = tpu.memref_slice %arg10[%while3A_193, %dma_start3A_229] : memref<79x128xi32, #tpu.memory_space<vmem>> -> memref<1x128xi32, #tpu.memory_space<vmem>>
              %dma_start3A_231 = tpu.memref_squeeze %dma_start3A_230 : memref<1x128xi32, #tpu.memory_space<vmem>> -> memref<128xi32, #tpu.memory_space<vmem>>
              %dma_start3A_232 = arith.constant 0 : i32
              %dma_start3A_233 = arith.constant 0 : i32
              %dma_start3A_234 = tpu.memref_slice %arg7[%dma_start3A_232, %dma_start3A_233] : memref<10112x16xf32, #tpu.memory_space<vmem_shared>> -> memref<10112x16xf32, #tpu.memory_space<vmem_shared>>
              tpu.enqueue_indirect_dma source(%arg14 : memref<128x16xf32, #tpu.memory_space<vmem>>) target(%dma_start3A_234 : memref<10112x16xf32, #tpu.memory_space<vmem_shared>>) offsets(%dma_start3A_231 : memref<128xi32, #tpu.memory_space<vmem>>) semaphore(%arg39 : memref<!tpu.dma_semaphore, #tpu.memory_space<semaphore_mem>>) {add = true}
              %dma_start3A_235 = arith.constant 0 : i32
              %dma_start3A_236 = tpu.memref_slice %arg10[%while3A_193, %dma_start3A_235] : memref<79x128xi32, #tpu.memory_space<vmem>> -> memref<1x128xi32, #tpu.memory_space<vmem>>
              %dma_start3A_237 = tpu.memref_squeeze %dma_start3A_236 : memref<1x128xi32, #tpu.memory_space<vmem>> -> memref<128xi32, #tpu.memory_space<vmem>>
              %dma_start3A_238 = arith.constant 0 : i32
              %dma_start3A_239 = arith.constant 0 : i32
              %dma_start3A_240 = tpu.memref_slice %arg8[%dma_start3A_238, %dma_start3A_239] : memref<10112x16xf32, #tpu.memory_space<vmem_shared>> -> memref<10112x16xf32, #tpu.memory_space<vmem_shared>>
              tpu.enqueue_indirect_dma source(%arg20 : memref<128x16xf32, #tpu.memory_space<vmem>>) target(%dma_start3A_240 : memref<10112x16xf32, #tpu.memory_space<vmem_shared>>) offsets(%dma_start3A_237 : memref<128xi32, #tpu.memory_space<vmem>>) semaphore(%arg45 : memref<!tpu.dma_semaphore, #tpu.memory_space<semaphore_mem>>) {add = true}
              %add3A_241 = arith.constant 5 : i32
              %add3A_242 = arith.addi %while3A_193, %add3A_241 : i32
              %lt3A_243 = arith.cmpi slt, %add3A_242, %add3A_14 : i32
              %convert_element_type3A_244 = arith.extui %lt3A_243 : i1 to i32
              %cond3A_245 = arith.constant 0 : i32
              %cond3A_246 = arith.cmpi ne, %convert_element_type3A_244, %cond3A_245 : i32
              scf.if %cond3A_246 {
                %ge3A = arith.constant 1 : i32
                %ge3A_248 = arith.cmpi sge, %while3A_193, %ge3A : i32
                %convert_element_type3A_249 = arith.extui %ge3A_248 : i1 to i32
                %cond3A_250 = arith.constant 0 : i32
                %cond3A_251 = arith.cmpi ne, %convert_element_type3A_249, %cond3A_250 : i32
                scf.if %cond3A_251 {
                  %dma_wait3A_266 = arith.constant 0 : i32
                  %dma_wait3A_267 = arith.constant 0 : i32
                  %dma_wait3A_268 = tpu.memref_slice %arg10[%dma_wait3A_266, %dma_wait3A_267] : memref<79x128xi32, #tpu.memory_space<vmem>> -> memref<1x128xi32, #tpu.memory_space<vmem>>
                  %dma_wait3A_269 = tpu.memref_squeeze %dma_wait3A_268 : memref<1x128xi32, #tpu.memory_space<vmem>> -> memref<128xi32, #tpu.memory_space<vmem>>
                  %dma_wait3A_270 = arith.constant 0 : i32
                  %dma_wait3A_271 = arith.constant 0 : i32
                  %dma_wait3A_272 = tpu.memref_slice %arg7[%dma_wait3A_270, %dma_wait3A_271] : memref<10112x16xf32, #tpu.memory_space<vmem_shared>> -> memref<10112x16xf32, #tpu.memory_space<vmem_shared>>
                  tpu.wait_indirect_dma semaphore(%arg38 : memref<!tpu.dma_semaphore, #tpu.memory_space<semaphore_mem>>) src(%arg13 : memref<128x16xf32, #tpu.memory_space<vmem>>) dst(%dma_wait3A_272 : memref<10112x16xf32, #tpu.memory_space<vmem_shared>>)
                  %dma_wait3A_273 = arith.constant 0 : i32
                  %dma_wait3A_274 = arith.constant 0 : i32
                  %dma_wait3A_275 = tpu.memref_slice %arg10[%dma_wait3A_273, %dma_wait3A_274] : memref<79x128xi32, #tpu.memory_space<vmem>> -> memref<1x128xi32, #tpu.memory_space<vmem>>
                  %dma_wait3A_276 = tpu.memref_squeeze %dma_wait3A_275 : memref<1x128xi32, #tpu.memory_space<vmem>> -> memref<128xi32, #tpu.memory_space<vmem>>
                  %dma_wait3A_277 = arith.constant 0 : i32
                  %dma_wait3A_278 = arith.constant 0 : i32
                  %dma_wait3A_279 = tpu.memref_slice %arg8[%dma_wait3A_277, %dma_wait3A_278] : memref<10112x16xf32, #tpu.memory_space<vmem_shared>> -> memref<10112x16xf32, #tpu.memory_space<vmem_shared>>
                  tpu.wait_indirect_dma semaphore(%arg44 : memref<!tpu.dma_semaphore, #tpu.memory_space<semaphore_mem>>) src(%arg19 : memref<128x16xf32, #tpu.memory_space<vmem>>) dst(%dma_wait3A_279 : memref<10112x16xf32, #tpu.memory_space<vmem_shared>>)
                } else {
                }
                %add3A_252 = arith.constant 5 : i32
                %add3A_253 = arith.addi %while3A_193, %add3A_252 : i32
                %dma_start3A_254 = arith.constant 0 : i32
                %dma_start3A_255 = tpu.memref_slice %arg9[%add3A_253, %dma_start3A_254] : memref<79x128xi32, #tpu.memory_space<vmem>> -> memref<1x128xi32, #tpu.memory_space<vmem>>
                %dma_start3A_256 = tpu.memref_squeeze %dma_start3A_255 : memref<1x128xi32, #tpu.memory_space<vmem>> -> memref<128xi32, #tpu.memory_space<vmem>>
                %dma_start3A_257 = arith.constant 0 : i32
                %dma_start3A_258 = arith.constant 0 : i32
                %dma_start3A_259 = tpu.memref_slice %arg2[%dma_start3A_257, %dma_start3A_258] : memref<10112x16xf32, #tpu.memory_space<hbm>> -> memref<10112x16xf32, #tpu.memory_space<hbm>>
                tpu.enqueue_indirect_dma source(%dma_start3A_259 : memref<10112x16xf32, #tpu.memory_space<hbm>>) target(%arg13 : memref<128x16xf32, #tpu.memory_space<vmem>>) offsets(%dma_start3A_256 : memref<128xi32, #tpu.memory_space<vmem>>) semaphore(%arg26 : memref<!tpu.dma_semaphore, #tpu.memory_space<semaphore_mem>>)
                %dma_start3A_260 = arith.constant 0 : i32
                %dma_start3A_261 = tpu.memref_slice %arg9[%add3A_253, %dma_start3A_260] : memref<79x128xi32, #tpu.memory_space<vmem>> -> memref<1x128xi32, #tpu.memory_space<vmem>>
                %dma_start3A_262 = tpu.memref_squeeze %dma_start3A_261 : memref<1x128xi32, #tpu.memory_space<vmem>> -> memref<128xi32, #tpu.memory_space<vmem>>
                %dma_start3A_263 = arith.constant 0 : i32
                %dma_start3A_264 = arith.constant 0 : i32
                %dma_start3A_265 = tpu.memref_slice %arg3[%dma_start3A_263, %dma_start3A_264] : memref<10112x16xf32, #tpu.memory_space<hbm>> -> memref<10112x16xf32, #tpu.memory_space<hbm>>
                tpu.enqueue_indirect_dma source(%dma_start3A_265 : memref<10112x16xf32, #tpu.memory_space<hbm>>) target(%arg19 : memref<128x16xf32, #tpu.memory_space<vmem>>) offsets(%dma_start3A_262 : memref<128xi32, #tpu.memory_space<vmem>>) semaphore(%arg32 : memref<!tpu.dma_semaphore, #tpu.memory_space<semaphore_mem>>)
              } else {
              }
              %cond3A_247 = arith.constant 0 : i32
              scf.yield %cond3A_247 : i32
            }
            scf.yield %cond3A_216 : i32
          } else {
            %dma_wait3A_212 = arith.constant 0 : i32
            %dma_wait3A_213 = tpu.memref_slice %arg9[%while3A_193, %dma_wait3A_212] : memref<79x128xi32, #tpu.memory_space<vmem>> -> memref<1x128xi32, #tpu.memory_space<vmem>>
            %dma_wait3A_214 = tpu.memref_squeeze %dma_wait3A_213 : memref<1x128xi32, #tpu.memory_space<vmem>> -> memref<128xi32, #tpu.memory_space<vmem>>
            %dma_wait3A_215 = arith.constant 0 : i32
            %dma_wait3A_216 = arith.constant 0 : i32
            %dma_wait3A_217 = tpu.memref_slice %arg2[%dma_wait3A_215, %dma_wait3A_216] : memref<10112x16xf32, #tpu.memory_space<hbm>> -> memref<10112x16xf32, #tpu.memory_space<hbm>>
            tpu.wait_indirect_dma semaphore(%arg26 : memref<!tpu.dma_semaphore, #tpu.memory_space<semaphore_mem>>) src(%dma_wait3A_217 : memref<10112x16xf32, #tpu.memory_space<hbm>>) dst(%arg13 : memref<128x16xf32, #tpu.memory_space<vmem>>)
            %dma_wait3A_218 = arith.constant 0 : i32
            %dma_wait3A_219 = tpu.memref_slice %arg9[%while3A_193, %dma_wait3A_218] : memref<79x128xi32, #tpu.memory_space<vmem>> -> memref<1x128xi32, #tpu.memory_space<vmem>>
            %dma_wait3A_220 = tpu.memref_squeeze %dma_wait3A_219 : memref<1x128xi32, #tpu.memory_space<vmem>> -> memref<128xi32, #tpu.memory_space<vmem>>
            %dma_wait3A_221 = arith.constant 0 : i32
            %dma_wait3A_222 = arith.constant 0 : i32
            %dma_wait3A_223 = tpu.memref_slice %arg3[%dma_wait3A_221, %dma_wait3A_222] : memref<10112x16xf32, #tpu.memory_space<hbm>> -> memref<10112x16xf32, #tpu.memory_space<hbm>>
            tpu.wait_indirect_dma semaphore(%arg32 : memref<!tpu.dma_semaphore, #tpu.memory_space<semaphore_mem>>) src(%dma_wait3A_223 : memref<10112x16xf32, #tpu.memory_space<hbm>>) dst(%arg19 : memref<128x16xf32, #tpu.memory_space<vmem>>)
            %dma_start3A_224 = arith.constant 0 : i32
            %dma_start3A_225 = tpu.memref_slice %arg10[%while3A_193, %dma_start3A_224] : memref<79x128xi32, #tpu.memory_space<vmem>> -> memref<1x128xi32, #tpu.memory_space<vmem>>
            %dma_start3A_226 = tpu.memref_squeeze %dma_start3A_225 : memref<1x128xi32, #tpu.memory_space<vmem>> -> memref<128xi32, #tpu.memory_space<vmem>>
            %dma_start3A_227 = arith.constant 0 : i32
            %dma_start3A_228 = arith.constant 0 : i32
            %dma_start3A_229 = tpu.memref_slice %arg7[%dma_start3A_227, %dma_start3A_228] : memref<10112x16xf32, #tpu.memory_space<vmem_shared>> -> memref<10112x16xf32, #tpu.memory_space<vmem_shared>>
            tpu.enqueue_indirect_dma source(%arg13 : memref<128x16xf32, #tpu.memory_space<vmem>>) target(%dma_start3A_229 : memref<10112x16xf32, #tpu.memory_space<vmem_shared>>) offsets(%dma_start3A_226 : memref<128xi32, #tpu.memory_space<vmem>>) semaphore(%arg38 : memref<!tpu.dma_semaphore, #tpu.memory_space<semaphore_mem>>) {add = true}
            %dma_start3A_230 = arith.constant 0 : i32
            %dma_start3A_231 = tpu.memref_slice %arg10[%while3A_193, %dma_start3A_230] : memref<79x128xi32, #tpu.memory_space<vmem>> -> memref<1x128xi32, #tpu.memory_space<vmem>>
            %dma_start3A_232 = tpu.memref_squeeze %dma_start3A_231 : memref<1x128xi32, #tpu.memory_space<vmem>> -> memref<128xi32, #tpu.memory_space<vmem>>
            %dma_start3A_233 = arith.constant 0 : i32
            %dma_start3A_234 = arith.constant 0 : i32
            %dma_start3A_235 = tpu.memref_slice %arg8[%dma_start3A_233, %dma_start3A_234] : memref<10112x16xf32, #tpu.memory_space<vmem_shared>> -> memref<10112x16xf32, #tpu.memory_space<vmem_shared>>
            tpu.enqueue_indirect_dma source(%arg19 : memref<128x16xf32, #tpu.memory_space<vmem>>) target(%dma_start3A_235 : memref<10112x16xf32, #tpu.memory_space<vmem_shared>>) offsets(%dma_start3A_232 : memref<128xi32, #tpu.memory_space<vmem>>) semaphore(%arg44 : memref<!tpu.dma_semaphore, #tpu.memory_space<semaphore_mem>>) {add = true}
            %add3A_236 = arith.constant 5 : i32
            %add3A_237 = arith.addi %while3A_193, %add3A_236 : i32
            %lt3A_238 = arith.cmpi slt, %add3A_237, %add3A_14 : i32
            %convert_element_type3A_239 = arith.extui %lt3A_238 : i1 to i32
            %cond3A_240 = arith.constant 0 : i32
            %cond3A_241 = arith.cmpi ne, %convert_element_type3A_239, %cond3A_240 : i32
            scf.if %cond3A_241 {
              %ge3A = arith.constant 1 : i32
              %ge3A_243 = arith.cmpi sge, %while3A_193, %ge3A : i32
              %convert_element_type3A_244 = arith.extui %ge3A_243 : i1 to i32
              %cond3A_245 = arith.constant 0 : i32
              %cond3A_246 = arith.cmpi ne, %convert_element_type3A_244, %cond3A_245 : i32
              scf.if %cond3A_246 {
                %dma_wait3A_261 = arith.constant 0 : i32
                %dma_wait3A_262 = arith.constant 0 : i32
                %dma_wait3A_263 = tpu.memref_slice %arg10[%dma_wait3A_261, %dma_wait3A_262] : memref<79x128xi32, #tpu.memory_space<vmem>> -> memref<1x128xi32, #tpu.memory_space<vmem>>
                %dma_wait3A_264 = tpu.memref_squeeze %dma_wait3A_263 : memref<1x128xi32, #tpu.memory_space<vmem>> -> memref<128xi32, #tpu.memory_space<vmem>>
                %dma_wait3A_265 = arith.constant 0 : i32
                %dma_wait3A_266 = arith.constant 0 : i32
                %dma_wait3A_267 = tpu.memref_slice %arg7[%dma_wait3A_265, %dma_wait3A_266] : memref<10112x16xf32, #tpu.memory_space<vmem_shared>> -> memref<10112x16xf32, #tpu.memory_space<vmem_shared>>
                tpu.wait_indirect_dma semaphore(%arg37 : memref<!tpu.dma_semaphore, #tpu.memory_space<semaphore_mem>>) src(%arg12 : memref<128x16xf32, #tpu.memory_space<vmem>>) dst(%dma_wait3A_267 : memref<10112x16xf32, #tpu.memory_space<vmem_shared>>)
                %dma_wait3A_268 = arith.constant 0 : i32
                %dma_wait3A_269 = arith.constant 0 : i32
                %dma_wait3A_270 = tpu.memref_slice %arg10[%dma_wait3A_268, %dma_wait3A_269] : memref<79x128xi32, #tpu.memory_space<vmem>> -> memref<1x128xi32, #tpu.memory_space<vmem>>
                %dma_wait3A_271 = tpu.memref_squeeze %dma_wait3A_270 : memref<1x128xi32, #tpu.memory_space<vmem>> -> memref<128xi32, #tpu.memory_space<vmem>>
                %dma_wait3A_272 = arith.constant 0 : i32
                %dma_wait3A_273 = arith.constant 0 : i32
                %dma_wait3A_274 = tpu.memref_slice %arg8[%dma_wait3A_272, %dma_wait3A_273] : memref<10112x16xf32, #tpu.memory_space<vmem_shared>> -> memref<10112x16xf32, #tpu.memory_space<vmem_shared>>
                tpu.wait_indirect_dma semaphore(%arg43 : memref<!tpu.dma_semaphore, #tpu.memory_space<semaphore_mem>>) src(%arg18 : memref<128x16xf32, #tpu.memory_space<vmem>>) dst(%dma_wait3A_274 : memref<10112x16xf32, #tpu.memory_space<vmem_shared>>)
              } else {
              }
              %add3A_247 = arith.constant 5 : i32
              %add3A_248 = arith.addi %while3A_193, %add3A_247 : i32
              %dma_start3A_249 = arith.constant 0 : i32
              %dma_start3A_250 = tpu.memref_slice %arg9[%add3A_248, %dma_start3A_249] : memref<79x128xi32, #tpu.memory_space<vmem>> -> memref<1x128xi32, #tpu.memory_space<vmem>>
              %dma_start3A_251 = tpu.memref_squeeze %dma_start3A_250 : memref<1x128xi32, #tpu.memory_space<vmem>> -> memref<128xi32, #tpu.memory_space<vmem>>
              %dma_start3A_252 = arith.constant 0 : i32
              %dma_start3A_253 = arith.constant 0 : i32
              %dma_start3A_254 = tpu.memref_slice %arg2[%dma_start3A_252, %dma_start3A_253] : memref<10112x16xf32, #tpu.memory_space<hbm>> -> memref<10112x16xf32, #tpu.memory_space<hbm>>
              tpu.enqueue_indirect_dma source(%dma_start3A_254 : memref<10112x16xf32, #tpu.memory_space<hbm>>) target(%arg12 : memref<128x16xf32, #tpu.memory_space<vmem>>) offsets(%dma_start3A_251 : memref<128xi32, #tpu.memory_space<vmem>>) semaphore(%arg25 : memref<!tpu.dma_semaphore, #tpu.memory_space<semaphore_mem>>)
              %dma_start3A_255 = arith.constant 0 : i32
              %dma_start3A_256 = tpu.memref_slice %arg9[%add3A_248, %dma_start3A_255] : memref<79x128xi32, #tpu.memory_space<vmem>> -> memref<1x128xi32, #tpu.memory_space<vmem>>
              %dma_start3A_257 = tpu.memref_squeeze %dma_start3A_256 : memref<1x128xi32, #tpu.memory_space<vmem>> -> memref<128xi32, #tpu.memory_space<vmem>>
              %dma_start3A_258 = arith.constant 0 : i32
              %dma_start3A_259 = arith.constant 0 : i32
              %dma_start3A_260 = tpu.memref_slice %arg3[%dma_start3A_258, %dma_start3A_259] : memref<10112x16xf32, #tpu.memory_space<hbm>> -> memref<10112x16xf32, #tpu.memory_space<hbm>>
              tpu.enqueue_indirect_dma source(%dma_start3A_260 : memref<10112x16xf32, #tpu.memory_space<hbm>>) target(%arg18 : memref<128x16xf32, #tpu.memory_space<vmem>>) offsets(%dma_start3A_257 : memref<128xi32, #tpu.memory_space<vmem>>) semaphore(%arg31 : memref<!tpu.dma_semaphore, #tpu.memory_space<semaphore_mem>>)
            } else {
            }
            %cond3A_242 = arith.constant 0 : i32
            scf.yield %cond3A_242 : i32
          }
          scf.yield %cond3A_211 : i32
        } else {
          %dma_wait3A_207 = arith.constant 0 : i32
          %dma_wait3A_208 = tpu.memref_slice %arg9[%while3A_193, %dma_wait3A_207] : memref<79x128xi32, #tpu.memory_space<vmem>> -> memref<1x128xi32, #tpu.memory_space<vmem>>
          %dma_wait3A_209 = tpu.memref_squeeze %dma_wait3A_208 : memref<1x128xi32, #tpu.memory_space<vmem>> -> memref<128xi32, #tpu.memory_space<vmem>>
          %dma_wait3A_210 = arith.constant 0 : i32
          %dma_wait3A_211 = arith.constant 0 : i32
          %dma_wait3A_212 = tpu.memref_slice %arg2[%dma_wait3A_210, %dma_wait3A_211] : memref<10112x16xf32, #tpu.memory_space<hbm>> -> memref<10112x16xf32, #tpu.memory_space<hbm>>
          tpu.wait_indirect_dma semaphore(%arg25 : memref<!tpu.dma_semaphore, #tpu.memory_space<semaphore_mem>>) src(%dma_wait3A_212 : memref<10112x16xf32, #tpu.memory_space<hbm>>) dst(%arg12 : memref<128x16xf32, #tpu.memory_space<vmem>>)
          %dma_wait3A_213 = arith.constant 0 : i32
          %dma_wait3A_214 = tpu.memref_slice %arg9[%while3A_193, %dma_wait3A_213] : memref<79x128xi32, #tpu.memory_space<vmem>> -> memref<1x128xi32, #tpu.memory_space<vmem>>
          %dma_wait3A_215 = tpu.memref_squeeze %dma_wait3A_214 : memref<1x128xi32, #tpu.memory_space<vmem>> -> memref<128xi32, #tpu.memory_space<vmem>>
          %dma_wait3A_216 = arith.constant 0 : i32
          %dma_wait3A_217 = arith.constant 0 : i32
          %dma_wait3A_218 = tpu.memref_slice %arg3[%dma_wait3A_216, %dma_wait3A_217] : memref<10112x16xf32, #tpu.memory_space<hbm>> -> memref<10112x16xf32, #tpu.memory_space<hbm>>
          tpu.wait_indirect_dma semaphore(%arg31 : memref<!tpu.dma_semaphore, #tpu.memory_space<semaphore_mem>>) src(%dma_wait3A_218 : memref<10112x16xf32, #tpu.memory_space<hbm>>) dst(%arg18 : memref<128x16xf32, #tpu.memory_space<vmem>>)
          %dma_start3A_219 = arith.constant 0 : i32
          %dma_start3A_220 = tpu.memref_slice %arg10[%while3A_193, %dma_start3A_219] : memref<79x128xi32, #tpu.memory_space<vmem>> -> memref<1x128xi32, #tpu.memory_space<vmem>>
          %dma_start3A_221 = tpu.memref_squeeze %dma_start3A_220 : memref<1x128xi32, #tpu.memory_space<vmem>> -> memref<128xi32, #tpu.memory_space<vmem>>
          %dma_start3A_222 = arith.constant 0 : i32
          %dma_start3A_223 = arith.constant 0 : i32
          %dma_start3A_224 = tpu.memref_slice %arg7[%dma_start3A_222, %dma_start3A_223] : memref<10112x16xf32, #tpu.memory_space<vmem_shared>> -> memref<10112x16xf32, #tpu.memory_space<vmem_shared>>
          tpu.enqueue_indirect_dma source(%arg12 : memref<128x16xf32, #tpu.memory_space<vmem>>) target(%dma_start3A_224 : memref<10112x16xf32, #tpu.memory_space<vmem_shared>>) offsets(%dma_start3A_221 : memref<128xi32, #tpu.memory_space<vmem>>) semaphore(%arg37 : memref<!tpu.dma_semaphore, #tpu.memory_space<semaphore_mem>>) {add = true}
          %dma_start3A_225 = arith.constant 0 : i32
          %dma_start3A_226 = tpu.memref_slice %arg10[%while3A_193, %dma_start3A_225] : memref<79x128xi32, #tpu.memory_space<vmem>> -> memref<1x128xi32, #tpu.memory_space<vmem>>
          %dma_start3A_227 = tpu.memref_squeeze %dma_start3A_226 : memref<1x128xi32, #tpu.memory_space<vmem>> -> memref<128xi32, #tpu.memory_space<vmem>>
          %dma_start3A_228 = arith.constant 0 : i32
          %dma_start3A_229 = arith.constant 0 : i32
          %dma_start3A_230 = tpu.memref_slice %arg8[%dma_start3A_228, %dma_start3A_229] : memref<10112x16xf32, #tpu.memory_space<vmem_shared>> -> memref<10112x16xf32, #tpu.memory_space<vmem_shared>>
          tpu.enqueue_indirect_dma source(%arg18 : memref<128x16xf32, #tpu.memory_space<vmem>>) target(%dma_start3A_230 : memref<10112x16xf32, #tpu.memory_space<vmem_shared>>) offsets(%dma_start3A_227 : memref<128xi32, #tpu.memory_space<vmem>>) semaphore(%arg43 : memref<!tpu.dma_semaphore, #tpu.memory_space<semaphore_mem>>) {add = true}
          %add3A_231 = arith.constant 5 : i32
          %add3A_232 = arith.addi %while3A_193, %add3A_231 : i32
          %lt3A_233 = arith.cmpi slt, %add3A_232, %add3A_14 : i32
          %convert_element_type3A_234 = arith.extui %lt3A_233 : i1 to i32
          %cond3A_235 = arith.constant 0 : i32
          %cond3A_236 = arith.cmpi ne, %convert_element_type3A_234, %cond3A_235 : i32
          scf.if %cond3A_236 {
            %ge3A = arith.constant 1 : i32
            %ge3A_238 = arith.cmpi sge, %while3A_193, %ge3A : i32
            %convert_element_type3A_239 = arith.extui %ge3A_238 : i1 to i32
            %cond3A_240 = arith.constant 0 : i32
            %cond3A_241 = arith.cmpi ne, %convert_element_type3A_239, %cond3A_240 : i32
            scf.if %cond3A_241 {
              %dma_wait3A_256 = arith.constant 0 : i32
              %dma_wait3A_257 = arith.constant 0 : i32
              %dma_wait3A_258 = tpu.memref_slice %arg10[%dma_wait3A_256, %dma_wait3A_257] : memref<79x128xi32, #tpu.memory_space<vmem>> -> memref<1x128xi32, #tpu.memory_space<vmem>>
              %dma_wait3A_259 = tpu.memref_squeeze %dma_wait3A_258 : memref<1x128xi32, #tpu.memory_space<vmem>> -> memref<128xi32, #tpu.memory_space<vmem>>
              %dma_wait3A_260 = arith.constant 0 : i32
              %dma_wait3A_261 = arith.constant 0 : i32
              %dma_wait3A_262 = tpu.memref_slice %arg7[%dma_wait3A_260, %dma_wait3A_261] : memref<10112x16xf32, #tpu.memory_space<vmem_shared>> -> memref<10112x16xf32, #tpu.memory_space<vmem_shared>>
              tpu.wait_indirect_dma semaphore(%arg36 : memref<!tpu.dma_semaphore, #tpu.memory_space<semaphore_mem>>) src(%arg11 : memref<128x16xf32, #tpu.memory_space<vmem>>) dst(%dma_wait3A_262 : memref<10112x16xf32, #tpu.memory_space<vmem_shared>>)
              %dma_wait3A_263 = arith.constant 0 : i32
              %dma_wait3A_264 = arith.constant 0 : i32
              %dma_wait3A_265 = tpu.memref_slice %arg10[%dma_wait3A_263, %dma_wait3A_264] : memref<79x128xi32, #tpu.memory_space<vmem>> -> memref<1x128xi32, #tpu.memory_space<vmem>>
              %dma_wait3A_266 = tpu.memref_squeeze %dma_wait3A_265 : memref<1x128xi32, #tpu.memory_space<vmem>> -> memref<128xi32, #tpu.memory_space<vmem>>
              %dma_wait3A_267 = arith.constant 0 : i32
              %dma_wait3A_268 = arith.constant 0 : i32
              %dma_wait3A_269 = tpu.memref_slice %arg8[%dma_wait3A_267, %dma_wait3A_268] : memref<10112x16xf32, #tpu.memory_space<vmem_shared>> -> memref<10112x16xf32, #tpu.memory_space<vmem_shared>>
              tpu.wait_indirect_dma semaphore(%arg42 : memref<!tpu.dma_semaphore, #tpu.memory_space<semaphore_mem>>) src(%arg17 : memref<128x16xf32, #tpu.memory_space<vmem>>) dst(%dma_wait3A_269 : memref<10112x16xf32, #tpu.memory_space<vmem_shared>>)
            } else {
            }
            %add3A_242 = arith.constant 5 : i32
            %add3A_243 = arith.addi %while3A_193, %add3A_242 : i32
            %dma_start3A_244 = arith.constant 0 : i32
            %dma_start3A_245 = tpu.memref_slice %arg9[%add3A_243, %dma_start3A_244] : memref<79x128xi32, #tpu.memory_space<vmem>> -> memref<1x128xi32, #tpu.memory_space<vmem>>
            %dma_start3A_246 = tpu.memref_squeeze %dma_start3A_245 : memref<1x128xi32, #tpu.memory_space<vmem>> -> memref<128xi32, #tpu.memory_space<vmem>>
            %dma_start3A_247 = arith.constant 0 : i32
            %dma_start3A_248 = arith.constant 0 : i32
            %dma_start3A_249 = tpu.memref_slice %arg2[%dma_start3A_247, %dma_start3A_248] : memref<10112x16xf32, #tpu.memory_space<hbm>> -> memref<10112x16xf32, #tpu.memory_space<hbm>>
            tpu.enqueue_indirect_dma source(%dma_start3A_249 : memref<10112x16xf32, #tpu.memory_space<hbm>>) target(%arg11 : memref<128x16xf32, #tpu.memory_space<vmem>>) offsets(%dma_start3A_246 : memref<128xi32, #tpu.memory_space<vmem>>) semaphore(%arg24 : memref<!tpu.dma_semaphore, #tpu.memory_space<semaphore_mem>>)
            %dma_start3A_250 = arith.constant 0 : i32
            %dma_start3A_251 = tpu.memref_slice %arg9[%add3A_243, %dma_start3A_250] : memref<79x128xi32, #tpu.memory_space<vmem>> -> memref<1x128xi32, #tpu.memory_space<vmem>>
            %dma_start3A_252 = tpu.memref_squeeze %dma_start3A_251 : memref<1x128xi32, #tpu.memory_space<vmem>> -> memref<128xi32, #tpu.memory_space<vmem>>
            %dma_start3A_253 = arith.constant 0 : i32
            %dma_start3A_254 = arith.constant 0 : i32
            %dma_start3A_255 = tpu.memref_slice %arg3[%dma_start3A_253, %dma_start3A_254] : memref<10112x16xf32, #tpu.memory_space<hbm>> -> memref<10112x16xf32, #tpu.memory_space<hbm>>
            tpu.enqueue_indirect_dma source(%dma_start3A_255 : memref<10112x16xf32, #tpu.memory_space<hbm>>) target(%arg17 : memref<128x16xf32, #tpu.memory_space<vmem>>) offsets(%dma_start3A_252 : memref<128xi32, #tpu.memory_space<vmem>>) semaphore(%arg30 : memref<!tpu.dma_semaphore, #tpu.memory_space<semaphore_mem>>)
          } else {
          }
          %cond3A_237 = arith.constant 0 : i32
          scf.yield %cond3A_237 : i32
        }
        scf.yield %cond3A_206 : i32
      } else {
        %dma_wait3A_202 = arith.constant 0 : i32
        %dma_wait3A_203 = tpu.memref_slice %arg9[%while3A_193, %dma_wait3A_202] : memref<79x128xi32, #tpu.memory_space<vmem>> -> memref<1x128xi32, #tpu.memory_space<vmem>>
        %dma_wait3A_204 = tpu.memref_squeeze %dma_wait3A_203 : memref<1x128xi32, #tpu.memory_space<vmem>> -> memref<128xi32, #tpu.memory_space<vmem>>
        %dma_wait3A_205 = arith.constant 0 : i32
        %dma_wait3A_206 = arith.constant 0 : i32
        %dma_wait3A_207 = tpu.memref_slice %arg2[%dma_wait3A_205, %dma_wait3A_206] : memref<10112x16xf32, #tpu.memory_space<hbm>> -> memref<10112x16xf32, #tpu.memory_space<hbm>>
        tpu.wait_indirect_dma semaphore(%arg24 : memref<!tpu.dma_semaphore, #tpu.memory_space<semaphore_mem>>) src(%dma_wait3A_207 : memref<10112x16xf32, #tpu.memory_space<hbm>>) dst(%arg11 : memref<128x16xf32, #tpu.memory_space<vmem>>)
        %dma_wait3A_208 = arith.constant 0 : i32
        %dma_wait3A_209 = tpu.memref_slice %arg9[%while3A_193, %dma_wait3A_208] : memref<79x128xi32, #tpu.memory_space<vmem>> -> memref<1x128xi32, #tpu.memory_space<vmem>>
        %dma_wait3A_210 = tpu.memref_squeeze %dma_wait3A_209 : memref<1x128xi32, #tpu.memory_space<vmem>> -> memref<128xi32, #tpu.memory_space<vmem>>
        %dma_wait3A_211 = arith.constant 0 : i32
        %dma_wait3A_212 = arith.constant 0 : i32
        %dma_wait3A_213 = tpu.memref_slice %arg3[%dma_wait3A_211, %dma_wait3A_212] : memref<10112x16xf32, #tpu.memory_space<hbm>> -> memref<10112x16xf32, #tpu.memory_space<hbm>>
        tpu.wait_indirect_dma semaphore(%arg30 : memref<!tpu.dma_semaphore, #tpu.memory_space<semaphore_mem>>) src(%dma_wait3A_213 : memref<10112x16xf32, #tpu.memory_space<hbm>>) dst(%arg17 : memref<128x16xf32, #tpu.memory_space<vmem>>)
        %dma_start3A_214 = arith.constant 0 : i32
        %dma_start3A_215 = tpu.memref_slice %arg10[%while3A_193, %dma_start3A_214] : memref<79x128xi32, #tpu.memory_space<vmem>> -> memref<1x128xi32, #tpu.memory_space<vmem>>
        %dma_start3A_216 = tpu.memref_squeeze %dma_start3A_215 : memref<1x128xi32, #tpu.memory_space<vmem>> -> memref<128xi32, #tpu.memory_space<vmem>>
        %dma_start3A_217 = arith.constant 0 : i32
        %dma_start3A_218 = arith.constant 0 : i32
        %dma_start3A_219 = tpu.memref_slice %arg7[%dma_start3A_217, %dma_start3A_218] : memref<10112x16xf32, #tpu.memory_space<vmem_shared>> -> memref<10112x16xf32, #tpu.memory_space<vmem_shared>>
        tpu.enqueue_indirect_dma source(%arg11 : memref<128x16xf32, #tpu.memory_space<vmem>>) target(%dma_start3A_219 : memref<10112x16xf32, #tpu.memory_space<vmem_shared>>) offsets(%dma_start3A_216 : memref<128xi32, #tpu.memory_space<vmem>>) semaphore(%arg36 : memref<!tpu.dma_semaphore, #tpu.memory_space<semaphore_mem>>) {add = true}
        %dma_start3A_220 = arith.constant 0 : i32
        %dma_start3A_221 = tpu.memref_slice %arg10[%while3A_193, %dma_start3A_220] : memref<79x128xi32, #tpu.memory_space<vmem>> -> memref<1x128xi32, #tpu.memory_space<vmem>>
        %dma_start3A_222 = tpu.memref_squeeze %dma_start3A_221 : memref<1x128xi32, #tpu.memory_space<vmem>> -> memref<128xi32, #tpu.memory_space<vmem>>
        %dma_start3A_223 = arith.constant 0 : i32
        %dma_start3A_224 = arith.constant 0 : i32
        %dma_start3A_225 = tpu.memref_slice %arg8[%dma_start3A_223, %dma_start3A_224] : memref<10112x16xf32, #tpu.memory_space<vmem_shared>> -> memref<10112x16xf32, #tpu.memory_space<vmem_shared>>
        tpu.enqueue_indirect_dma source(%arg17 : memref<128x16xf32, #tpu.memory_space<vmem>>) target(%dma_start3A_225 : memref<10112x16xf32, #tpu.memory_space<vmem_shared>>) offsets(%dma_start3A_222 : memref<128xi32, #tpu.memory_space<vmem>>) semaphore(%arg42 : memref<!tpu.dma_semaphore, #tpu.memory_space<semaphore_mem>>) {add = true}
        %add3A_226 = arith.constant 5 : i32
        %add3A_227 = arith.addi %while3A_193, %add3A_226 : i32
        %lt3A_228 = arith.cmpi slt, %add3A_227, %add3A_14 : i32
        %convert_element_type3A_229 = arith.extui %lt3A_228 : i1 to i32
        %cond3A_230 = arith.constant 0 : i32
        %cond3A_231 = arith.cmpi ne, %convert_element_type3A_229, %cond3A_230 : i32
        scf.if %cond3A_231 {
          %ge3A = arith.constant 1 : i32
          %ge3A_233 = arith.cmpi sge, %while3A_193, %ge3A : i32
          %convert_element_type3A_234 = arith.extui %ge3A_233 : i1 to i32
          %cond3A_235 = arith.constant 0 : i32
          %cond3A_236 = arith.cmpi ne, %convert_element_type3A_234, %cond3A_235 : i32
          scf.if %cond3A_236 {
            %dma_wait3A_251 = arith.constant 0 : i32
            %dma_wait3A_252 = arith.constant 0 : i32
            %dma_wait3A_253 = tpu.memref_slice %arg10[%dma_wait3A_251, %dma_wait3A_252] : memref<79x128xi32, #tpu.memory_space<vmem>> -> memref<1x128xi32, #tpu.memory_space<vmem>>
            %dma_wait3A_254 = tpu.memref_squeeze %dma_wait3A_253 : memref<1x128xi32, #tpu.memory_space<vmem>> -> memref<128xi32, #tpu.memory_space<vmem>>
            %dma_wait3A_255 = arith.constant 0 : i32
            %dma_wait3A_256 = arith.constant 0 : i32
            %dma_wait3A_257 = tpu.memref_slice %arg7[%dma_wait3A_255, %dma_wait3A_256] : memref<10112x16xf32, #tpu.memory_space<vmem_shared>> -> memref<10112x16xf32, #tpu.memory_space<vmem_shared>>
            tpu.wait_indirect_dma semaphore(%arg41 : memref<!tpu.dma_semaphore, #tpu.memory_space<semaphore_mem>>) src(%arg16 : memref<128x16xf32, #tpu.memory_space<vmem>>) dst(%dma_wait3A_257 : memref<10112x16xf32, #tpu.memory_space<vmem_shared>>)
            %dma_wait3A_258 = arith.constant 0 : i32
            %dma_wait3A_259 = arith.constant 0 : i32
            %dma_wait3A_260 = tpu.memref_slice %arg10[%dma_wait3A_258, %dma_wait3A_259] : memref<79x128xi32, #tpu.memory_space<vmem>> -> memref<1x128xi32, #tpu.memory_space<vmem>>
            %dma_wait3A_261 = tpu.memref_squeeze %dma_wait3A_260 : memref<1x128xi32, #tpu.memory_space<vmem>> -> memref<128xi32, #tpu.memory_space<vmem>>
            %dma_wait3A_262 = arith.constant 0 : i32
            %dma_wait3A_263 = arith.constant 0 : i32
            %dma_wait3A_264 = tpu.memref_slice %arg8[%dma_wait3A_262, %dma_wait3A_263] : memref<10112x16xf32, #tpu.memory_space<vmem_shared>> -> memref<10112x16xf32, #tpu.memory_space<vmem_shared>>
            tpu.wait_indirect_dma semaphore(%arg47 : memref<!tpu.dma_semaphore, #tpu.memory_space<semaphore_mem>>) src(%arg22 : memref<128x16xf32, #tpu.memory_space<vmem>>) dst(%dma_wait3A_264 : memref<10112x16xf32, #tpu.memory_space<vmem_shared>>)
          } else {
          }
          %add3A_237 = arith.constant 5 : i32
          %add3A_238 = arith.addi %while3A_193, %add3A_237 : i32
          %dma_start3A_239 = arith.constant 0 : i32
          %dma_start3A_240 = tpu.memref_slice %arg9[%add3A_238, %dma_start3A_239] : memref<79x128xi32, #tpu.memory_space<vmem>> -> memref<1x128xi32, #tpu.memory_space<vmem>>
          %dma_start3A_241 = tpu.memref_squeeze %dma_start3A_240 : memref<1x128xi32, #tpu.memory_space<vmem>> -> memref<128xi32, #tpu.memory_space<vmem>>
          %dma_start3A_242 = arith.constant 0 : i32
          %dma_start3A_243 = arith.constant 0 : i32
          %dma_start3A_244 = tpu.memref_slice %arg2[%dma_start3A_242, %dma_start3A_243] : memref<10112x16xf32, #tpu.memory_space<hbm>> -> memref<10112x16xf32, #tpu.memory_space<hbm>>
          tpu.enqueue_indirect_dma source(%dma_start3A_244 : memref<10112x16xf32, #tpu.memory_space<hbm>>) target(%arg16 : memref<128x16xf32, #tpu.memory_space<vmem>>) offsets(%dma_start3A_241 : memref<128xi32, #tpu.memory_space<vmem>>) semaphore(%arg29 : memref<!tpu.dma_semaphore, #tpu.memory_space<semaphore_mem>>)
          %dma_start3A_245 = arith.constant 0 : i32
          %dma_start3A_246 = tpu.memref_slice %arg9[%add3A_238, %dma_start3A_245] : memref<79x128xi32, #tpu.memory_space<vmem>> -> memref<1x128xi32, #tpu.memory_space<vmem>>
          %dma_start3A_247 = tpu.memref_squeeze %dma_start3A_246 : memref<1x128xi32, #tpu.memory_space<vmem>> -> memref<128xi32, #tpu.memory_space<vmem>>
          %dma_start3A_248 = arith.constant 0 : i32
          %dma_start3A_249 = arith.constant 0 : i32
          %dma_start3A_250 = tpu.memref_slice %arg3[%dma_start3A_248, %dma_start3A_249] : memref<10112x16xf32, #tpu.memory_space<hbm>> -> memref<10112x16xf32, #tpu.memory_space<hbm>>
          tpu.enqueue_indirect_dma source(%dma_start3A_250 : memref<10112x16xf32, #tpu.memory_space<hbm>>) target(%arg22 : memref<128x16xf32, #tpu.memory_space<vmem>>) offsets(%dma_start3A_247 : memref<128xi32, #tpu.memory_space<vmem>>) semaphore(%arg35 : memref<!tpu.dma_semaphore, #tpu.memory_space<semaphore_mem>>)
        } else {
        }
        %cond3A_232 = arith.constant 0 : i32
        scf.yield %cond3A_232 : i32
      }
    }
    %while3A_100 = arith.constant 1 : i32
    scf.for %while3A_193 = %while3A_98 to %while3A_94 step %while3A_100  : i32 {
      %rem3A = arith.constant 6 : i32
      %rem3A_194 = arith.remsi %while3A_193, %rem3A : i32
      %clamp3A = arith.constant 0 : i32
      %clamp3A_195 = arith.constant 5 : i32
      %clamp3A_196 = arith.maxsi %rem3A_194, %clamp3A : i32
      %clamp3A_197 = arith.minsi %clamp3A_196, %clamp3A_195 : i32
      %cond3A_198 = arith.constant 0 : i32
      %cond3A_199 = arith.constant 0 : i32
      %cond3A_200 = arith.cmpi ne, %clamp3A_197, %cond3A_199 : i32
      %cond3A_201 = scf.if %cond3A_200 -> (i32) {
        %cond3A_202 = arith.constant 1 : i32
        %cond3A_203 = arith.subi %clamp3A_197, %cond3A_202 : i32
        %cond3A_204 = arith.constant 0 : i32
        %cond3A_205 = arith.cmpi ne, %cond3A_203, %cond3A_204 : i32
        %cond3A_206 = scf.if %cond3A_205 -> (i32) {
          %cond3A_207 = arith.constant 1 : i32
          %cond3A_208 = arith.subi %cond3A_203, %cond3A_207 : i32
          %cond3A_209 = arith.constant 0 : i32
          %cond3A_210 = arith.cmpi ne, %cond3A_208, %cond3A_209 : i32
          %cond3A_211 = scf.if %cond3A_210 -> (i32) {
            %cond3A_212 = arith.constant 1 : i32
            %cond3A_213 = arith.subi %cond3A_208, %cond3A_212 : i32
            %cond3A_214 = arith.constant 0 : i32
            %cond3A_215 = arith.cmpi ne, %cond3A_213, %cond3A_214 : i32
            %cond3A_216 = scf.if %cond3A_215 -> (i32) {
              %cond3A_217 = arith.constant 1 : i32
              %cond3A_218 = arith.subi %cond3A_213, %cond3A_217 : i32
              %cond3A_219 = arith.constant 0 : i32
              %cond3A_220 = arith.cmpi ne, %cond3A_218, %cond3A_219 : i32
              %cond3A_221 = scf.if %cond3A_220 -> (i32) {
                %dma_wait3A_222 = arith.constant 0 : i32
                %dma_wait3A_223 = tpu.memref_slice %arg9[%while3A_193, %dma_wait3A_222] : memref<79x128xi32, #tpu.memory_space<vmem>> -> memref<1x128xi32, #tpu.memory_space<vmem>>
                %dma_wait3A_224 = tpu.memref_squeeze %dma_wait3A_223 : memref<1x128xi32, #tpu.memory_space<vmem>> -> memref<128xi32, #tpu.memory_space<vmem>>
                %dma_wait3A_225 = arith.constant 0 : i32
                %dma_wait3A_226 = arith.constant 0 : i32
                %dma_wait3A_227 = tpu.memref_slice %arg2[%dma_wait3A_225, %dma_wait3A_226] : memref<10112x16xf32, #tpu.memory_space<hbm>> -> memref<10112x16xf32, #tpu.memory_space<hbm>>
                tpu.wait_indirect_dma semaphore(%arg29 : memref<!tpu.dma_semaphore, #tpu.memory_space<semaphore_mem>>) src(%dma_wait3A_227 : memref<10112x16xf32, #tpu.memory_space<hbm>>) dst(%arg16 : memref<128x16xf32, #tpu.memory_space<vmem>>)
                %dma_wait3A_228 = arith.constant 0 : i32
                %dma_wait3A_229 = tpu.memref_slice %arg9[%while3A_193, %dma_wait3A_228] : memref<79x128xi32, #tpu.memory_space<vmem>> -> memref<1x128xi32, #tpu.memory_space<vmem>>
                %dma_wait3A_230 = tpu.memref_squeeze %dma_wait3A_229 : memref<1x128xi32, #tpu.memory_space<vmem>> -> memref<128xi32, #tpu.memory_space<vmem>>
                %dma_wait3A_231 = arith.constant 0 : i32
                %dma_wait3A_232 = arith.constant 0 : i32
                %dma_wait3A_233 = tpu.memref_slice %arg3[%dma_wait3A_231, %dma_wait3A_232] : memref<10112x16xf32, #tpu.memory_space<hbm>> -> memref<10112x16xf32, #tpu.memory_space<hbm>>
                tpu.wait_indirect_dma semaphore(%arg35 : memref<!tpu.dma_semaphore, #tpu.memory_space<semaphore_mem>>) src(%dma_wait3A_233 : memref<10112x16xf32, #tpu.memory_space<hbm>>) dst(%arg22 : memref<128x16xf32, #tpu.memory_space<vmem>>)
                %dma_start3A_234 = arith.constant 0 : i32
                %dma_start3A_235 = tpu.memref_slice %arg10[%while3A_193, %dma_start3A_234] : memref<79x128xi32, #tpu.memory_space<vmem>> -> memref<1x128xi32, #tpu.memory_space<vmem>>
                %dma_start3A_236 = tpu.memref_squeeze %dma_start3A_235 : memref<1x128xi32, #tpu.memory_space<vmem>> -> memref<128xi32, #tpu.memory_space<vmem>>
                %dma_start3A_237 = arith.constant 0 : i32
                %dma_start3A_238 = arith.constant 0 : i32
                %dma_start3A_239 = tpu.memref_slice %arg7[%dma_start3A_237, %dma_start3A_238] : memref<10112x16xf32, #tpu.memory_space<vmem_shared>> -> memref<10112x16xf32, #tpu.memory_space<vmem_shared>>
                tpu.enqueue_indirect_dma source(%arg16 : memref<128x16xf32, #tpu.memory_space<vmem>>) target(%dma_start3A_239 : memref<10112x16xf32, #tpu.memory_space<vmem_shared>>) offsets(%dma_start3A_236 : memref<128xi32, #tpu.memory_space<vmem>>) semaphore(%arg41 : memref<!tpu.dma_semaphore, #tpu.memory_space<semaphore_mem>>) {add = true}
                %dma_start3A_240 = arith.constant 0 : i32
                %dma_start3A_241 = tpu.memref_slice %arg10[%while3A_193, %dma_start3A_240] : memref<79x128xi32, #tpu.memory_space<vmem>> -> memref<1x128xi32, #tpu.memory_space<vmem>>
                %dma_start3A_242 = tpu.memref_squeeze %dma_start3A_241 : memref<1x128xi32, #tpu.memory_space<vmem>> -> memref<128xi32, #tpu.memory_space<vmem>>
                %dma_start3A_243 = arith.constant 0 : i32
                %dma_start3A_244 = arith.constant 0 : i32
                %dma_start3A_245 = tpu.memref_slice %arg8[%dma_start3A_243, %dma_start3A_244] : memref<10112x16xf32, #tpu.memory_space<vmem_shared>> -> memref<10112x16xf32, #tpu.memory_space<vmem_shared>>
                tpu.enqueue_indirect_dma source(%arg22 : memref<128x16xf32, #tpu.memory_space<vmem>>) target(%dma_start3A_245 : memref<10112x16xf32, #tpu.memory_space<vmem_shared>>) offsets(%dma_start3A_242 : memref<128xi32, #tpu.memory_space<vmem>>) semaphore(%arg47 : memref<!tpu.dma_semaphore, #tpu.memory_space<semaphore_mem>>) {add = true}
                %add3A_246 = arith.constant 5 : i32
                %add3A_247 = arith.addi %while3A_193, %add3A_246 : i32
                %lt3A_248 = arith.cmpi slt, %add3A_247, %add3A_14 : i32
                %convert_element_type3A_249 = arith.extui %lt3A_248 : i1 to i32
                %cond3A_250 = arith.constant 0 : i32
                %cond3A_251 = arith.cmpi ne, %convert_element_type3A_249, %cond3A_250 : i32
                scf.if %cond3A_251 {
                  %ge3A = arith.constant 1 : i32
                  %ge3A_253 = arith.cmpi sge, %while3A_193, %ge3A : i32
                  %convert_element_type3A_254 = arith.extui %ge3A_253 : i1 to i32
                  %cond3A_255 = arith.constant 0 : i32
                  %cond3A_256 = arith.cmpi ne, %convert_element_type3A_254, %cond3A_255 : i32
                  scf.if %cond3A_256 {
                    %dma_wait3A_271 = arith.constant 0 : i32
                    %dma_wait3A_272 = arith.constant 0 : i32
                    %dma_wait3A_273 = tpu.memref_slice %arg10[%dma_wait3A_271, %dma_wait3A_272] : memref<79x128xi32, #tpu.memory_space<vmem>> -> memref<1x128xi32, #tpu.memory_space<vmem>>
                    %dma_wait3A_274 = tpu.memref_squeeze %dma_wait3A_273 : memref<1x128xi32, #tpu.memory_space<vmem>> -> memref<128xi32, #tpu.memory_space<vmem>>
                    %dma_wait3A_275 = arith.constant 0 : i32
                    %dma_wait3A_276 = arith.constant 0 : i32
                    %dma_wait3A_277 = tpu.memref_slice %arg7[%dma_wait3A_275, %dma_wait3A_276] : memref<10112x16xf32, #tpu.memory_space<vmem_shared>> -> memref<10112x16xf32, #tpu.memory_space<vmem_shared>>
                    tpu.wait_indirect_dma semaphore(%arg40 : memref<!tpu.dma_semaphore, #tpu.memory_space<semaphore_mem>>) src(%arg15 : memref<128x16xf32, #tpu.memory_space<vmem>>) dst(%dma_wait3A_277 : memref<10112x16xf32, #tpu.memory_space<vmem_shared>>)
                    %dma_wait3A_278 = arith.constant 0 : i32
                    %dma_wait3A_279 = arith.constant 0 : i32
                    %dma_wait3A_280 = tpu.memref_slice %arg10[%dma_wait3A_278, %dma_wait3A_279] : memref<79x128xi32, #tpu.memory_space<vmem>> -> memref<1x128xi32, #tpu.memory_space<vmem>>
                    %dma_wait3A_281 = tpu.memref_squeeze %dma_wait3A_280 : memref<1x128xi32, #tpu.memory_space<vmem>> -> memref<128xi32, #tpu.memory_space<vmem>>
                    %dma_wait3A_282 = arith.constant 0 : i32
                    %dma_wait3A_283 = arith.constant 0 : i32
                    %dma_wait3A_284 = tpu.memref_slice %arg8[%dma_wait3A_282, %dma_wait3A_283] : memref<10112x16xf32, #tpu.memory_space<vmem_shared>> -> memref<10112x16xf32, #tpu.memory_space<vmem_shared>>
                    tpu.wait_indirect_dma semaphore(%arg46 : memref<!tpu.dma_semaphore, #tpu.memory_space<semaphore_mem>>) src(%arg21 : memref<128x16xf32, #tpu.memory_space<vmem>>) dst(%dma_wait3A_284 : memref<10112x16xf32, #tpu.memory_space<vmem_shared>>)
                  } else {
                  }
                  %add3A_257 = arith.constant 5 : i32
                  %add3A_258 = arith.addi %while3A_193, %add3A_257 : i32
                  %dma_start3A_259 = arith.constant 0 : i32
                  %dma_start3A_260 = tpu.memref_slice %arg9[%add3A_258, %dma_start3A_259] : memref<79x128xi32, #tpu.memory_space<vmem>> -> memref<1x128xi32, #tpu.memory_space<vmem>>
                  %dma_start3A_261 = tpu.memref_squeeze %dma_start3A_260 : memref<1x128xi32, #tpu.memory_space<vmem>> -> memref<128xi32, #tpu.memory_space<vmem>>
                  %dma_start3A_262 = arith.constant 0 : i32
                  %dma_start3A_263 = arith.constant 0 : i32
                  %dma_start3A_264 = tpu.memref_slice %arg2[%dma_start3A_262, %dma_start3A_263] : memref<10112x16xf32, #tpu.memory_space<hbm>> -> memref<10112x16xf32, #tpu.memory_space<hbm>>
                  tpu.enqueue_indirect_dma source(%dma_start3A_264 : memref<10112x16xf32, #tpu.memory_space<hbm>>) target(%arg15 : memref<128x16xf32, #tpu.memory_space<vmem>>) offsets(%dma_start3A_261 : memref<128xi32, #tpu.memory_space<vmem>>) semaphore(%arg28 : memref<!tpu.dma_semaphore, #tpu.memory_space<semaphore_mem>>)
                  %dma_start3A_265 = arith.constant 0 : i32
                  %dma_start3A_266 = tpu.memref_slice %arg9[%add3A_258, %dma_start3A_265] : memref<79x128xi32, #tpu.memory_space<vmem>> -> memref<1x128xi32, #tpu.memory_space<vmem>>
                  %dma_start3A_267 = tpu.memref_squeeze %dma_start3A_266 : memref<1x128xi32, #tpu.memory_space<vmem>> -> memref<128xi32, #tpu.memory_space<vmem>>
                  %dma_start3A_268 = arith.constant 0 : i32
                  %dma_start3A_269 = arith.constant 0 : i32
                  %dma_start3A_270 = tpu.memref_slice %arg3[%dma_start3A_268, %dma_start3A_269] : memref<10112x16xf32, #tpu.memory_space<hbm>> -> memref<10112x16xf32, #tpu.memory_space<hbm>>
                  tpu.enqueue_indirect_dma source(%dma_start3A_270 : memref<10112x16xf32, #tpu.memory_space<hbm>>) target(%arg21 : memref<128x16xf32, #tpu.memory_space<vmem>>) offsets(%dma_start3A_267 : memref<128xi32, #tpu.memory_space<vmem>>) semaphore(%arg34 : memref<!tpu.dma_semaphore, #tpu.memory_space<semaphore_mem>>)
                } else {
                }
                %cond3A_252 = arith.constant 0 : i32
                scf.yield %cond3A_252 : i32
              } else {
                %dma_wait3A_222 = arith.constant 0 : i32
                %dma_wait3A_223 = tpu.memref_slice %arg9[%while3A_193, %dma_wait3A_222] : memref<79x128xi32, #tpu.memory_space<vmem>> -> memref<1x128xi32, #tpu.memory_space<vmem>>
                %dma_wait3A_224 = tpu.memref_squeeze %dma_wait3A_223 : memref<1x128xi32, #tpu.memory_space<vmem>> -> memref<128xi32, #tpu.memory_space<vmem>>
                %dma_wait3A_225 = arith.constant 0 : i32
                %dma_wait3A_226 = arith.constant 0 : i32
                %dma_wait3A_227 = tpu.memref_slice %arg2[%dma_wait3A_225, %dma_wait3A_226] : memref<10112x16xf32, #tpu.memory_space<hbm>> -> memref<10112x16xf32, #tpu.memory_space<hbm>>
                tpu.wait_indirect_dma semaphore(%arg28 : memref<!tpu.dma_semaphore, #tpu.memory_space<semaphore_mem>>) src(%dma_wait3A_227 : memref<10112x16xf32, #tpu.memory_space<hbm>>) dst(%arg15 : memref<128x16xf32, #tpu.memory_space<vmem>>)
                %dma_wait3A_228 = arith.constant 0 : i32
                %dma_wait3A_229 = tpu.memref_slice %arg9[%while3A_193, %dma_wait3A_228] : memref<79x128xi32, #tpu.memory_space<vmem>> -> memref<1x128xi32, #tpu.memory_space<vmem>>
                %dma_wait3A_230 = tpu.memref_squeeze %dma_wait3A_229 : memref<1x128xi32, #tpu.memory_space<vmem>> -> memref<128xi32, #tpu.memory_space<vmem>>
                %dma_wait3A_231 = arith.constant 0 : i32
                %dma_wait3A_232 = arith.constant 0 : i32
                %dma_wait3A_233 = tpu.memref_slice %arg3[%dma_wait3A_231, %dma_wait3A_232] : memref<10112x16xf32, #tpu.memory_space<hbm>> -> memref<10112x16xf32, #tpu.memory_space<hbm>>
                tpu.wait_indirect_dma semaphore(%arg34 : memref<!tpu.dma_semaphore, #tpu.memory_space<semaphore_mem>>) src(%dma_wait3A_233 : memref<10112x16xf32, #tpu.memory_space<hbm>>) dst(%arg21 : memref<128x16xf32, #tpu.memory_space<vmem>>)
                %dma_start3A_234 = arith.constant 0 : i32
                %dma_start3A_235 = tpu.memref_slice %arg10[%while3A_193, %dma_start3A_234] : memref<79x128xi32, #tpu.memory_space<vmem>> -> memref<1x128xi32, #tpu.memory_space<vmem>>
                %dma_start3A_236 = tpu.memref_squeeze %dma_start3A_235 : memref<1x128xi32, #tpu.memory_space<vmem>> -> memref<128xi32, #tpu.memory_space<vmem>>
                %dma_start3A_237 = arith.constant 0 : i32
                %dma_start3A_238 = arith.constant 0 : i32
                %dma_start3A_239 = tpu.memref_slice %arg7[%dma_start3A_237, %dma_start3A_238] : memref<10112x16xf32, #tpu.memory_space<vmem_shared>> -> memref<10112x16xf32, #tpu.memory_space<vmem_shared>>
                tpu.enqueue_indirect_dma source(%arg15 : memref<128x16xf32, #tpu.memory_space<vmem>>) target(%dma_start3A_239 : memref<10112x16xf32, #tpu.memory_space<vmem_shared>>) offsets(%dma_start3A_236 : memref<128xi32, #tpu.memory_space<vmem>>) semaphore(%arg40 : memref<!tpu.dma_semaphore, #tpu.memory_space<semaphore_mem>>) {add = true}
                %dma_start3A_240 = arith.constant 0 : i32
                %dma_start3A_241 = tpu.memref_slice %arg10[%while3A_193, %dma_start3A_240] : memref<79x128xi32, #tpu.memory_space<vmem>> -> memref<1x128xi32, #tpu.memory_space<vmem>>
                %dma_start3A_242 = tpu.memref_squeeze %dma_start3A_241 : memref<1x128xi32, #tpu.memory_space<vmem>> -> memref<128xi32, #tpu.memory_space<vmem>>
                %dma_start3A_243 = arith.constant 0 : i32
                %dma_start3A_244 = arith.constant 0 : i32
                %dma_start3A_245 = tpu.memref_slice %arg8[%dma_start3A_243, %dma_start3A_244] : memref<10112x16xf32, #tpu.memory_space<vmem_shared>> -> memref<10112x16xf32, #tpu.memory_space<vmem_shared>>
                tpu.enqueue_indirect_dma source(%arg21 : memref<128x16xf32, #tpu.memory_space<vmem>>) target(%dma_start3A_245 : memref<10112x16xf32, #tpu.memory_space<vmem_shared>>) offsets(%dma_start3A_242 : memref<128xi32, #tpu.memory_space<vmem>>) semaphore(%arg46 : memref<!tpu.dma_semaphore, #tpu.memory_space<semaphore_mem>>) {add = true}
                %add3A_246 = arith.constant 5 : i32
                %add3A_247 = arith.addi %while3A_193, %add3A_246 : i32
                %lt3A_248 = arith.cmpi slt, %add3A_247, %add3A_14 : i32
                %convert_element_type3A_249 = arith.extui %lt3A_248 : i1 to i32
                %cond3A_250 = arith.constant 0 : i32
                %cond3A_251 = arith.cmpi ne, %convert_element_type3A_249, %cond3A_250 : i32
                scf.if %cond3A_251 {
                  %ge3A = arith.constant 1 : i32
                  %ge3A_253 = arith.cmpi sge, %while3A_193, %ge3A : i32
                  %convert_element_type3A_254 = arith.extui %ge3A_253 : i1 to i32
                  %cond3A_255 = arith.constant 0 : i32
                  %cond3A_256 = arith.cmpi ne, %convert_element_type3A_254, %cond3A_255 : i32
                  scf.if %cond3A_256 {
                    %dma_wait3A_271 = arith.constant 0 : i32
                    %dma_wait3A_272 = arith.constant 0 : i32
                    %dma_wait3A_273 = tpu.memref_slice %arg10[%dma_wait3A_271, %dma_wait3A_272] : memref<79x128xi32, #tpu.memory_space<vmem>> -> memref<1x128xi32, #tpu.memory_space<vmem>>
                    %dma_wait3A_274 = tpu.memref_squeeze %dma_wait3A_273 : memref<1x128xi32, #tpu.memory_space<vmem>> -> memref<128xi32, #tpu.memory_space<vmem>>
                    %dma_wait3A_275 = arith.constant 0 : i32
                    %dma_wait3A_276 = arith.constant 0 : i32
                    %dma_wait3A_277 = tpu.memref_slice %arg7[%dma_wait3A_275, %dma_wait3A_276] : memref<10112x16xf32, #tpu.memory_space<vmem_shared>> -> memref<10112x16xf32, #tpu.memory_space<vmem_shared>>
                    tpu.wait_indirect_dma semaphore(%arg39 : memref<!tpu.dma_semaphore, #tpu.memory_space<semaphore_mem>>) src(%arg14 : memref<128x16xf32, #tpu.memory_space<vmem>>) dst(%dma_wait3A_277 : memref<10112x16xf32, #tpu.memory_space<vmem_shared>>)
                    %dma_wait3A_278 = arith.constant 0 : i32
                    %dma_wait3A_279 = arith.constant 0 : i32
                    %dma_wait3A_280 = tpu.memref_slice %arg10[%dma_wait3A_278, %dma_wait3A_279] : memref<79x128xi32, #tpu.memory_space<vmem>> -> memref<1x128xi32, #tpu.memory_space<vmem>>
                    %dma_wait3A_281 = tpu.memref_squeeze %dma_wait3A_280 : memref<1x128xi32, #tpu.memory_space<vmem>> -> memref<128xi32, #tpu.memory_space<vmem>>
                    %dma_wait3A_282 = arith.constant 0 : i32
                    %dma_wait3A_283 = arith.constant 0 : i32
                    %dma_wait3A_284 = tpu.memref_slice %arg8[%dma_wait3A_282, %dma_wait3A_283] : memref<10112x16xf32, #tpu.memory_space<vmem_shared>> -> memref<10112x16xf32, #tpu.memory_space<vmem_shared>>
                    tpu.wait_indirect_dma semaphore(%arg45 : memref<!tpu.dma_semaphore, #tpu.memory_space<semaphore_mem>>) src(%arg20 : memref<128x16xf32, #tpu.memory_space<vmem>>) dst(%dma_wait3A_284 : memref<10112x16xf32, #tpu.memory_space<vmem_shared>>)
                  } else {
                  }
                  %add3A_257 = arith.constant 5 : i32
                  %add3A_258 = arith.addi %while3A_193, %add3A_257 : i32
                  %dma_start3A_259 = arith.constant 0 : i32
                  %dma_start3A_260 = tpu.memref_slice %arg9[%add3A_258, %dma_start3A_259] : memref<79x128xi32, #tpu.memory_space<vmem>> -> memref<1x128xi32, #tpu.memory_space<vmem>>
                  %dma_start3A_261 = tpu.memref_squeeze %dma_start3A_260 : memref<1x128xi32, #tpu.memory_space<vmem>> -> memref<128xi32, #tpu.memory_space<vmem>>
                  %dma_start3A_262 = arith.constant 0 : i32
                  %dma_start3A_263 = arith.constant 0 : i32
                  %dma_start3A_264 = tpu.memref_slice %arg2[%dma_start3A_262, %dma_start3A_263] : memref<10112x16xf32, #tpu.memory_space<hbm>> -> memref<10112x16xf32, #tpu.memory_space<hbm>>
                  tpu.enqueue_indirect_dma source(%dma_start3A_264 : memref<10112x16xf32, #tpu.memory_space<hbm>>) target(%arg14 : memref<128x16xf32, #tpu.memory_space<vmem>>) offsets(%dma_start3A_261 : memref<128xi32, #tpu.memory_space<vmem>>) semaphore(%arg27 : memref<!tpu.dma_semaphore, #tpu.memory_space<semaphore_mem>>)
                  %dma_start3A_265 = arith.constant 0 : i32
                  %dma_start3A_266 = tpu.memref_slice %arg9[%add3A_258, %dma_start3A_265] : memref<79x128xi32, #tpu.memory_space<vmem>> -> memref<1x128xi32, #tpu.memory_space<vmem>>
                  %dma_start3A_267 = tpu.memref_squeeze %dma_start3A_266 : memref<1x128xi32, #tpu.memory_space<vmem>> -> memref<128xi32, #tpu.memory_space<vmem>>
                  %dma_start3A_268 = arith.constant 0 : i32
                  %dma_start3A_269 = arith.constant 0 : i32
                  %dma_start3A_270 = tpu.memref_slice %arg3[%dma_start3A_268, %dma_start3A_269] : memref<10112x16xf32, #tpu.memory_space<hbm>> -> memref<10112x16xf32, #tpu.memory_space<hbm>>
                  tpu.enqueue_indirect_dma source(%dma_start3A_270 : memref<10112x16xf32, #tpu.memory_space<hbm>>) target(%arg20 : memref<128x16xf32, #tpu.memory_space<vmem>>) offsets(%dma_start3A_267 : memref<128xi32, #tpu.memory_space<vmem>>) semaphore(%arg33 : memref<!tpu.dma_semaphore, #tpu.memory_space<semaphore_mem>>)
                } else {
                }
                %cond3A_252 = arith.constant 0 : i32
                scf.yield %cond3A_252 : i32
              }
              scf.yield %cond3A_221 : i32
            } else {
              %dma_wait3A_217 = arith.constant 0 : i32
              %dma_wait3A_218 = tpu.memref_slice %arg9[%while3A_193, %dma_wait3A_217] : memref<79x128xi32, #tpu.memory_space<vmem>> -> memref<1x128xi32, #tpu.memory_space<vmem>>
              %dma_wait3A_219 = tpu.memref_squeeze %dma_wait3A_218 : memref<1x128xi32, #tpu.memory_space<vmem>> -> memref<128xi32, #tpu.memory_space<vmem>>
              %dma_wait3A_220 = arith.constant 0 : i32
              %dma_wait3A_221 = arith.constant 0 : i32
              %dma_wait3A_222 = tpu.memref_slice %arg2[%dma_wait3A_220, %dma_wait3A_221] : memref<10112x16xf32, #tpu.memory_space<hbm>> -> memref<10112x16xf32, #tpu.memory_space<hbm>>
              tpu.wait_indirect_dma semaphore(%arg27 : memref<!tpu.dma_semaphore, #tpu.memory_space<semaphore_mem>>) src(%dma_wait3A_222 : memref<10112x16xf32, #tpu.memory_space<hbm>>) dst(%arg14 : memref<128x16xf32, #tpu.memory_space<vmem>>)
              %dma_wait3A_223 = arith.constant 0 : i32
              %dma_wait3A_224 = tpu.memref_slice %arg9[%while3A_193, %dma_wait3A_223] : memref<79x128xi32, #tpu.memory_space<vmem>> -> memref<1x128xi32, #tpu.memory_space<vmem>>
              %dma_wait3A_225 = tpu.memref_squeeze %dma_wait3A_224 : memref<1x128xi32, #tpu.memory_space<vmem>> -> memref<128xi32, #tpu.memory_space<vmem>>
              %dma_wait3A_226 = arith.constant 0 : i32
              %dma_wait3A_227 = arith.constant 0 : i32
              %dma_wait3A_228 = tpu.memref_slice %arg3[%dma_wait3A_226, %dma_wait3A_227] : memref<10112x16xf32, #tpu.memory_space<hbm>> -> memref<10112x16xf32, #tpu.memory_space<hbm>>
              tpu.wait_indirect_dma semaphore(%arg33 : memref<!tpu.dma_semaphore, #tpu.memory_space<semaphore_mem>>) src(%dma_wait3A_228 : memref<10112x16xf32, #tpu.memory_space<hbm>>) dst(%arg20 : memref<128x16xf32, #tpu.memory_space<vmem>>)
              %dma_start3A_229 = arith.constant 0 : i32
              %dma_start3A_230 = tpu.memref_slice %arg10[%while3A_193, %dma_start3A_229] : memref<79x128xi32, #tpu.memory_space<vmem>> -> memref<1x128xi32, #tpu.memory_space<vmem>>
              %dma_start3A_231 = tpu.memref_squeeze %dma_start3A_230 : memref<1x128xi32, #tpu.memory_space<vmem>> -> memref<128xi32, #tpu.memory_space<vmem>>
              %dma_start3A_232 = arith.constant 0 : i32
              %dma_start3A_233 = arith.constant 0 : i32
              %dma_start3A_234 = tpu.memref_slice %arg7[%dma_start3A_232, %dma_start3A_233] : memref<10112x16xf32, #tpu.memory_space<vmem_shared>> -> memref<10112x16xf32, #tpu.memory_space<vmem_shared>>
              tpu.enqueue_indirect_dma source(%arg14 : memref<128x16xf32, #tpu.memory_space<vmem>>) target(%dma_start3A_234 : memref<10112x16xf32, #tpu.memory_space<vmem_shared>>) offsets(%dma_start3A_231 : memref<128xi32, #tpu.memory_space<vmem>>) semaphore(%arg39 : memref<!tpu.dma_semaphore, #tpu.memory_space<semaphore_mem>>) {add = true}
              %dma_start3A_235 = arith.constant 0 : i32
              %dma_start3A_236 = tpu.memref_slice %arg10[%while3A_193, %dma_start3A_235] : memref<79x128xi32, #tpu.memory_space<vmem>> -> memref<1x128xi32, #tpu.memory_space<vmem>>
              %dma_start3A_237 = tpu.memref_squeeze %dma_start3A_236 : memref<1x128xi32, #tpu.memory_space<vmem>> -> memref<128xi32, #tpu.memory_space<vmem>>
              %dma_start3A_238 = arith.constant 0 : i32
              %dma_start3A_239 = arith.constant 0 : i32
              %dma_start3A_240 = tpu.memref_slice %arg8[%dma_start3A_238, %dma_start3A_239] : memref<10112x16xf32, #tpu.memory_space<vmem_shared>> -> memref<10112x16xf32, #tpu.memory_space<vmem_shared>>
              tpu.enqueue_indirect_dma source(%arg20 : memref<128x16xf32, #tpu.memory_space<vmem>>) target(%dma_start3A_240 : memref<10112x16xf32, #tpu.memory_space<vmem_shared>>) offsets(%dma_start3A_237 : memref<128xi32, #tpu.memory_space<vmem>>) semaphore(%arg45 : memref<!tpu.dma_semaphore, #tpu.memory_space<semaphore_mem>>) {add = true}
              %add3A_241 = arith.constant 5 : i32
              %add3A_242 = arith.addi %while3A_193, %add3A_241 : i32
              %lt3A_243 = arith.cmpi slt, %add3A_242, %add3A_14 : i32
              %convert_element_type3A_244 = arith.extui %lt3A_243 : i1 to i32
              %cond3A_245 = arith.constant 0 : i32
              %cond3A_246 = arith.cmpi ne, %convert_element_type3A_244, %cond3A_245 : i32
              scf.if %cond3A_246 {
                %ge3A = arith.constant 1 : i32
                %ge3A_248 = arith.cmpi sge, %while3A_193, %ge3A : i32
                %convert_element_type3A_249 = arith.extui %ge3A_248 : i1 to i32
                %cond3A_250 = arith.constant 0 : i32
                %cond3A_251 = arith.cmpi ne, %convert_element_type3A_249, %cond3A_250 : i32
                scf.if %cond3A_251 {
                  %dma_wait3A_266 = arith.constant 0 : i32
                  %dma_wait3A_267 = arith.constant 0 : i32
                  %dma_wait3A_268 = tpu.memref_slice %arg10[%dma_wait3A_266, %dma_wait3A_267] : memref<79x128xi32, #tpu.memory_space<vmem>> -> memref<1x128xi32, #tpu.memory_space<vmem>>
                  %dma_wait3A_269 = tpu.memref_squeeze %dma_wait3A_268 : memref<1x128xi32, #tpu.memory_space<vmem>> -> memref<128xi32, #tpu.memory_space<vmem>>
                  %dma_wait3A_270 = arith.constant 0 : i32
                  %dma_wait3A_271 = arith.constant 0 : i32
                  %dma_wait3A_272 = tpu.memref_slice %arg7[%dma_wait3A_270, %dma_wait3A_271] : memref<10112x16xf32, #tpu.memory_space<vmem_shared>> -> memref<10112x16xf32, #tpu.memory_space<vmem_shared>>
                  tpu.wait_indirect_dma semaphore(%arg38 : memref<!tpu.dma_semaphore, #tpu.memory_space<semaphore_mem>>) src(%arg13 : memref<128x16xf32, #tpu.memory_space<vmem>>) dst(%dma_wait3A_272 : memref<10112x16xf32, #tpu.memory_space<vmem_shared>>)
                  %dma_wait3A_273 = arith.constant 0 : i32
                  %dma_wait3A_274 = arith.constant 0 : i32
                  %dma_wait3A_275 = tpu.memref_slice %arg10[%dma_wait3A_273, %dma_wait3A_274] : memref<79x128xi32, #tpu.memory_space<vmem>> -> memref<1x128xi32, #tpu.memory_space<vmem>>
                  %dma_wait3A_276 = tpu.memref_squeeze %dma_wait3A_275 : memref<1x128xi32, #tpu.memory_space<vmem>> -> memref<128xi32, #tpu.memory_space<vmem>>
                  %dma_wait3A_277 = arith.constant 0 : i32
                  %dma_wait3A_278 = arith.constant 0 : i32
                  %dma_wait3A_279 = tpu.memref_slice %arg8[%dma_wait3A_277, %dma_wait3A_278] : memref<10112x16xf32, #tpu.memory_space<vmem_shared>> -> memref<10112x16xf32, #tpu.memory_space<vmem_shared>>
                  tpu.wait_indirect_dma semaphore(%arg44 : memref<!tpu.dma_semaphore, #tpu.memory_space<semaphore_mem>>) src(%arg19 : memref<128x16xf32, #tpu.memory_space<vmem>>) dst(%dma_wait3A_279 : memref<10112x16xf32, #tpu.memory_space<vmem_shared>>)
                } else {
                }
                %add3A_252 = arith.constant 5 : i32
                %add3A_253 = arith.addi %while3A_193, %add3A_252 : i32
                %dma_start3A_254 = arith.constant 0 : i32
                %dma_start3A_255 = tpu.memref_slice %arg9[%add3A_253, %dma_start3A_254] : memref<79x128xi32, #tpu.memory_space<vmem>> -> memref<1x128xi32, #tpu.memory_space<vmem>>
                %dma_start3A_256 = tpu.memref_squeeze %dma_start3A_255 : memref<1x128xi32, #tpu.memory_space<vmem>> -> memref<128xi32, #tpu.memory_space<vmem>>
                %dma_start3A_257 = arith.constant 0 : i32
                %dma_start3A_258 = arith.constant 0 : i32
                %dma_start3A_259 = tpu.memref_slice %arg2[%dma_start3A_257, %dma_start3A_258] : memref<10112x16xf32, #tpu.memory_space<hbm>> -> memref<10112x16xf32, #tpu.memory_space<hbm>>
                tpu.enqueue_indirect_dma source(%dma_start3A_259 : memref<10112x16xf32, #tpu.memory_space<hbm>>) target(%arg13 : memref<128x16xf32, #tpu.memory_space<vmem>>) offsets(%dma_start3A_256 : memref<128xi32, #tpu.memory_space<vmem>>) semaphore(%arg26 : memref<!tpu.dma_semaphore, #tpu.memory_space<semaphore_mem>>)
                %dma_start3A_260 = arith.constant 0 : i32
                %dma_start3A_261 = tpu.memref_slice %arg9[%add3A_253, %dma_start3A_260] : memref<79x128xi32, #tpu.memory_space<vmem>> -> memref<1x128xi32, #tpu.memory_space<vmem>>
                %dma_start3A_262 = tpu.memref_squeeze %dma_start3A_261 : memref<1x128xi32, #tpu.memory_space<vmem>> -> memref<128xi32, #tpu.memory_space<vmem>>
                %dma_start3A_263 = arith.constant 0 : i32
                %dma_start3A_264 = arith.constant 0 : i32
                %dma_start3A_265 = tpu.memref_slice %arg3[%dma_start3A_263, %dma_start3A_264] : memref<10112x16xf32, #tpu.memory_space<hbm>> -> memref<10112x16xf32, #tpu.memory_space<hbm>>
                tpu.enqueue_indirect_dma source(%dma_start3A_265 : memref<10112x16xf32, #tpu.memory_space<hbm>>) target(%arg19 : memref<128x16xf32, #tpu.memory_space<vmem>>) offsets(%dma_start3A_262 : memref<128xi32, #tpu.memory_space<vmem>>) semaphore(%arg32 : memref<!tpu.dma_semaphore, #tpu.memory_space<semaphore_mem>>)
              } else {
              }
              %cond3A_247 = arith.constant 0 : i32
              scf.yield %cond3A_247 : i32
            }
            scf.yield %cond3A_216 : i32
          } else {
            %dma_wait3A_212 = arith.constant 0 : i32
            %dma_wait3A_213 = tpu.memref_slice %arg9[%while3A_193, %dma_wait3A_212] : memref<79x128xi32, #tpu.memory_space<vmem>> -> memref<1x128xi32, #tpu.memory_space<vmem>>
            %dma_wait3A_214 = tpu.memref_squeeze %dma_wait3A_213 : memref<1x128xi32, #tpu.memory_space<vmem>> -> memref<128xi32, #tpu.memory_space<vmem>>
            %dma_wait3A_215 = arith.constant 0 : i32
            %dma_wait3A_216 = arith.constant 0 : i32
            %dma_wait3A_217 = tpu.memref_slice %arg2[%dma_wait3A_215, %dma_wait3A_216] : memref<10112x16xf32, #tpu.memory_space<hbm>> -> memref<10112x16xf32, #tpu.memory_space<hbm>>
            tpu.wait_indirect_dma semaphore(%arg26 : memref<!tpu.dma_semaphore, #tpu.memory_space<semaphore_mem>>) src(%dma_wait3A_217 : memref<10112x16xf32, #tpu.memory_space<hbm>>) dst(%arg13 : memref<128x16xf32, #tpu.memory_space<vmem>>)
            %dma_wait3A_218 = arith.constant 0 : i32
            %dma_wait3A_219 = tpu.memref_slice %arg9[%while3A_193, %dma_wait3A_218] : memref<79x128xi32, #tpu.memory_space<vmem>> -> memref<1x128xi32, #tpu.memory_space<vmem>>
            %dma_wait3A_220 = tpu.memref_squeeze %dma_wait3A_219 : memref<1x128xi32, #tpu.memory_space<vmem>> -> memref<128xi32, #tpu.memory_space<vmem>>
            %dma_wait3A_221 = arith.constant 0 : i32
            %dma_wait3A_222 = arith.constant 0 : i32
            %dma_wait3A_223 = tpu.memref_slice %arg3[%dma_wait3A_221, %dma_wait3A_222] : memref<10112x16xf32, #tpu.memory_space<hbm>> -> memref<10112x16xf32, #tpu.memory_space<hbm>>
            tpu.wait_indirect_dma semaphore(%arg32 : memref<!tpu.dma_semaphore, #tpu.memory_space<semaphore_mem>>) src(%dma_wait3A_223 : memref<10112x16xf32, #tpu.memory_space<hbm>>) dst(%arg19 : memref<128x16xf32, #tpu.memory_space<vmem>>)
            %dma_start3A_224 = arith.constant 0 : i32
            %dma_start3A_225 = tpu.memref_slice %arg10[%while3A_193, %dma_start3A_224] : memref<79x128xi32, #tpu.memory_space<vmem>> -> memref<1x128xi32, #tpu.memory_space<vmem>>
            %dma_start3A_226 = tpu.memref_squeeze %dma_start3A_225 : memref<1x128xi32, #tpu.memory_space<vmem>> -> memref<128xi32, #tpu.memory_space<vmem>>
            %dma_start3A_227 = arith.constant 0 : i32
            %dma_start3A_228 = arith.constant 0 : i32
            %dma_start3A_229 = tpu.memref_slice %arg7[%dma_start3A_227, %dma_start3A_228] : memref<10112x16xf32, #tpu.memory_space<vmem_shared>> -> memref<10112x16xf32, #tpu.memory_space<vmem_shared>>
            tpu.enqueue_indirect_dma source(%arg13 : memref<128x16xf32, #tpu.memory_space<vmem>>) target(%dma_start3A_229 : memref<10112x16xf32, #tpu.memory_space<vmem_shared>>) offsets(%dma_start3A_226 : memref<128xi32, #tpu.memory_space<vmem>>) semaphore(%arg38 : memref<!tpu.dma_semaphore, #tpu.memory_space<semaphore_mem>>) {add = true}
            %dma_start3A_230 = arith.constant 0 : i32
            %dma_start3A_231 = tpu.memref_slice %arg10[%while3A_193, %dma_start3A_230] : memref<79x128xi32, #tpu.memory_space<vmem>> -> memref<1x128xi32, #tpu.memory_space<vmem>>
            %dma_start3A_232 = tpu.memref_squeeze %dma_start3A_231 : memref<1x128xi32, #tpu.memory_space<vmem>> -> memref<128xi32, #tpu.memory_space<vmem>>
            %dma_start3A_233 = arith.constant 0 : i32
            %dma_start3A_234 = arith.constant 0 : i32
            %dma_start3A_235 = tpu.memref_slice %arg8[%dma_start3A_233, %dma_start3A_234] : memref<10112x16xf32, #tpu.memory_space<vmem_shared>> -> memref<10112x16xf32, #tpu.memory_space<vmem_shared>>
            tpu.enqueue_indirect_dma source(%arg19 : memref<128x16xf32, #tpu.memory_space<vmem>>) target(%dma_start3A_235 : memref<10112x16xf32, #tpu.memory_space<vmem_shared>>) offsets(%dma_start3A_232 : memref<128xi32, #tpu.memory_space<vmem>>) semaphore(%arg44 : memref<!tpu.dma_semaphore, #tpu.memory_space<semaphore_mem>>) {add = true}
            %add3A_236 = arith.constant 5 : i32
            %add3A_237 = arith.addi %while3A_193, %add3A_236 : i32
            %lt3A_238 = arith.cmpi slt, %add3A_237, %add3A_14 : i32
            %convert_element_type3A_239 = arith.extui %lt3A_238 : i1 to i32
            %cond3A_240 = arith.constant 0 : i32
            %cond3A_241 = arith.cmpi ne, %convert_element_type3A_239, %cond3A_240 : i32
            scf.if %cond3A_241 {
              %ge3A = arith.constant 1 : i32
              %ge3A_243 = arith.cmpi sge, %while3A_193, %ge3A : i32
              %convert_element_type3A_244 = arith.extui %ge3A_243 : i1 to i32
              %cond3A_245 = arith.constant 0 : i32
              %cond3A_246 = arith.cmpi ne, %convert_element_type3A_244, %cond3A_245 : i32
              scf.if %cond3A_246 {
                %dma_wait3A_261 = arith.constant 0 : i32
                %dma_wait3A_262 = arith.constant 0 : i32
                %dma_wait3A_263 = tpu.memref_slice %arg10[%dma_wait3A_261, %dma_wait3A_262] : memref<79x128xi32, #tpu.memory_space<vmem>> -> memref<1x128xi32, #tpu.memory_space<vmem>>
                %dma_wait3A_264 = tpu.memref_squeeze %dma_wait3A_263 : memref<1x128xi32, #tpu.memory_space<vmem>> -> memref<128xi32, #tpu.memory_space<vmem>>
                %dma_wait3A_265 = arith.constant 0 : i32
                %dma_wait3A_266 = arith.constant 0 : i32
                %dma_wait3A_267 = tpu.memref_slice %arg7[%dma_wait3A_265, %dma_wait3A_266] : memref<10112x16xf32, #tpu.memory_space<vmem_shared>> -> memref<10112x16xf32, #tpu.memory_space<vmem_shared>>
                tpu.wait_indirect_dma semaphore(%arg37 : memref<!tpu.dma_semaphore, #tpu.memory_space<semaphore_mem>>) src(%arg12 : memref<128x16xf32, #tpu.memory_space<vmem>>) dst(%dma_wait3A_267 : memref<10112x16xf32, #tpu.memory_space<vmem_shared>>)
                %dma_wait3A_268 = arith.constant 0 : i32
                %dma_wait3A_269 = arith.constant 0 : i32
                %dma_wait3A_270 = tpu.memref_slice %arg10[%dma_wait3A_268, %dma_wait3A_269] : memref<79x128xi32, #tpu.memory_space<vmem>> -> memref<1x128xi32, #tpu.memory_space<vmem>>
                %dma_wait3A_271 = tpu.memref_squeeze %dma_wait3A_270 : memref<1x128xi32, #tpu.memory_space<vmem>> -> memref<128xi32, #tpu.memory_space<vmem>>
                %dma_wait3A_272 = arith.constant 0 : i32
                %dma_wait3A_273 = arith.constant 0 : i32
                %dma_wait3A_274 = tpu.memref_slice %arg8[%dma_wait3A_272, %dma_wait3A_273] : memref<10112x16xf32, #tpu.memory_space<vmem_shared>> -> memref<10112x16xf32, #tpu.memory_space<vmem_shared>>
                tpu.wait_indirect_dma semaphore(%arg43 : memref<!tpu.dma_semaphore, #tpu.memory_space<semaphore_mem>>) src(%arg18 : memref<128x16xf32, #tpu.memory_space<vmem>>) dst(%dma_wait3A_274 : memref<10112x16xf32, #tpu.memory_space<vmem_shared>>)
              } else {
              }
              %add3A_247 = arith.constant 5 : i32
              %add3A_248 = arith.addi %while3A_193, %add3A_247 : i32
              %dma_start3A_249 = arith.constant 0 : i32
              %dma_start3A_250 = tpu.memref_slice %arg9[%add3A_248, %dma_start3A_249] : memref<79x128xi32, #tpu.memory_space<vmem>> -> memref<1x128xi32, #tpu.memory_space<vmem>>
              %dma_start3A_251 = tpu.memref_squeeze %dma_start3A_250 : memref<1x128xi32, #tpu.memory_space<vmem>> -> memref<128xi32, #tpu.memory_space<vmem>>
              %dma_start3A_252 = arith.constant 0 : i32
              %dma_start3A_253 = arith.constant 0 : i32
              %dma_start3A_254 = tpu.memref_slice %arg2[%dma_start3A_252, %dma_start3A_253] : memref<10112x16xf32, #tpu.memory_space<hbm>> -> memref<10112x16xf32, #tpu.memory_space<hbm>>
              tpu.enqueue_indirect_dma source(%dma_start3A_254 : memref<10112x16xf32, #tpu.memory_space<hbm>>) target(%arg12 : memref<128x16xf32, #tpu.memory_space<vmem>>) offsets(%dma_start3A_251 : memref<128xi32, #tpu.memory_space<vmem>>) semaphore(%arg25 : memref<!tpu.dma_semaphore, #tpu.memory_space<semaphore_mem>>)
              %dma_start3A_255 = arith.constant 0 : i32
              %dma_start3A_256 = tpu.memref_slice %arg9[%add3A_248, %dma_start3A_255] : memref<79x128xi32, #tpu.memory_space<vmem>> -> memref<1x128xi32, #tpu.memory_space<vmem>>
              %dma_start3A_257 = tpu.memref_squeeze %dma_start3A_256 : memref<1x128xi32, #tpu.memory_space<vmem>> -> memref<128xi32, #tpu.memory_space<vmem>>
              %dma_start3A_258 = arith.constant 0 : i32
              %dma_start3A_259 = arith.constant 0 : i32
              %dma_start3A_260 = tpu.memref_slice %arg3[%dma_start3A_258, %dma_start3A_259] : memref<10112x16xf32, #tpu.memory_space<hbm>> -> memref<10112x16xf32, #tpu.memory_space<hbm>>
              tpu.enqueue_indirect_dma source(%dma_start3A_260 : memref<10112x16xf32, #tpu.memory_space<hbm>>) target(%arg18 : memref<128x16xf32, #tpu.memory_space<vmem>>) offsets(%dma_start3A_257 : memref<128xi32, #tpu.memory_space<vmem>>) semaphore(%arg31 : memref<!tpu.dma_semaphore, #tpu.memory_space<semaphore_mem>>)
            } else {
            }
            %cond3A_242 = arith.constant 0 : i32
            scf.yield %cond3A_242 : i32
          }
          scf.yield %cond3A_211 : i32
        } else {
          %dma_wait3A_207 = arith.constant 0 : i32
          %dma_wait3A_208 = tpu.memref_slice %arg9[%while3A_193, %dma_wait3A_207] : memref<79x128xi32, #tpu.memory_space<vmem>> -> memref<1x128xi32, #tpu.memory_space<vmem>>
          %dma_wait3A_209 = tpu.memref_squeeze %dma_wait3A_208 : memref<1x128xi32, #tpu.memory_space<vmem>> -> memref<128xi32, #tpu.memory_space<vmem>>
          %dma_wait3A_210 = arith.constant 0 : i32
          %dma_wait3A_211 = arith.constant 0 : i32
          %dma_wait3A_212 = tpu.memref_slice %arg2[%dma_wait3A_210, %dma_wait3A_211] : memref<10112x16xf32, #tpu.memory_space<hbm>> -> memref<10112x16xf32, #tpu.memory_space<hbm>>
          tpu.wait_indirect_dma semaphore(%arg25 : memref<!tpu.dma_semaphore, #tpu.memory_space<semaphore_mem>>) src(%dma_wait3A_212 : memref<10112x16xf32, #tpu.memory_space<hbm>>) dst(%arg12 : memref<128x16xf32, #tpu.memory_space<vmem>>)
          %dma_wait3A_213 = arith.constant 0 : i32
          %dma_wait3A_214 = tpu.memref_slice %arg9[%while3A_193, %dma_wait3A_213] : memref<79x128xi32, #tpu.memory_space<vmem>> -> memref<1x128xi32, #tpu.memory_space<vmem>>
          %dma_wait3A_215 = tpu.memref_squeeze %dma_wait3A_214 : memref<1x128xi32, #tpu.memory_space<vmem>> -> memref<128xi32, #tpu.memory_space<vmem>>
          %dma_wait3A_216 = arith.constant 0 : i32
          %dma_wait3A_217 = arith.constant 0 : i32
          %dma_wait3A_218 = tpu.memref_slice %arg3[%dma_wait3A_216, %dma_wait3A_217] : memref<10112x16xf32, #tpu.memory_space<hbm>> -> memref<10112x16xf32, #tpu.memory_space<hbm>>
          tpu.wait_indirect_dma semaphore(%arg31 : memref<!tpu.dma_semaphore, #tpu.memory_space<semaphore_mem>>) src(%dma_wait3A_218 : memref<10112x16xf32, #tpu.memory_space<hbm>>) dst(%arg18 : memref<128x16xf32, #tpu.memory_space<vmem>>)
          %dma_start3A_219 = arith.constant 0 : i32
          %dma_start3A_220 = tpu.memref_slice %arg10[%while3A_193, %dma_start3A_219] : memref<79x128xi32, #tpu.memory_space<vmem>> -> memref<1x128xi32, #tpu.memory_space<vmem>>
          %dma_start3A_221 = tpu.memref_squeeze %dma_start3A_220 : memref<1x128xi32, #tpu.memory_space<vmem>> -> memref<128xi32, #tpu.memory_space<vmem>>
          %dma_start3A_222 = arith.constant 0 : i32
          %dma_start3A_223 = arith.constant 0 : i32
          %dma_start3A_224 = tpu.memref_slice %arg7[%dma_start3A_222, %dma_start3A_223] : memref<10112x16xf32, #tpu.memory_space<vmem_shared>> -> memref<10112x16xf32, #tpu.memory_space<vmem_shared>>
          tpu.enqueue_indirect_dma source(%arg12 : memref<128x16xf32, #tpu.memory_space<vmem>>) target(%dma_start3A_224 : memref<10112x16xf32, #tpu.memory_space<vmem_shared>>) offsets(%dma_start3A_221 : memref<128xi32, #tpu.memory_space<vmem>>) semaphore(%arg37 : memref<!tpu.dma_semaphore, #tpu.memory_space<semaphore_mem>>) {add = true}
          %dma_start3A_225 = arith.constant 0 : i32
          %dma_start3A_226 = tpu.memref_slice %arg10[%while3A_193, %dma_start3A_225] : memref<79x128xi32, #tpu.memory_space<vmem>> -> memref<1x128xi32, #tpu.memory_space<vmem>>
          %dma_start3A_227 = tpu.memref_squeeze %dma_start3A_226 : memref<1x128xi32, #tpu.memory_space<vmem>> -> memref<128xi32, #tpu.memory_space<vmem>>
          %dma_start3A_228 = arith.constant 0 : i32
          %dma_start3A_229 = arith.constant 0 : i32
          %dma_start3A_230 = tpu.memref_slice %arg8[%dma_start3A_228, %dma_start3A_229] : memref<10112x16xf32, #tpu.memory_space<vmem_shared>> -> memref<10112x16xf32, #tpu.memory_space<vmem_shared>>
          tpu.enqueue_indirect_dma source(%arg18 : memref<128x16xf32, #tpu.memory_space<vmem>>) target(%dma_start3A_230 : memref<10112x16xf32, #tpu.memory_space<vmem_shared>>) offsets(%dma_start3A_227 : memref<128xi32, #tpu.memory_space<vmem>>) semaphore(%arg43 : memref<!tpu.dma_semaphore, #tpu.memory_space<semaphore_mem>>) {add = true}
          %add3A_231 = arith.constant 5 : i32
          %add3A_232 = arith.addi %while3A_193, %add3A_231 : i32
          %lt3A_233 = arith.cmpi slt, %add3A_232, %add3A_14 : i32
          %convert_element_type3A_234 = arith.extui %lt3A_233 : i1 to i32
          %cond3A_235 = arith.constant 0 : i32
          %cond3A_236 = arith.cmpi ne, %convert_element_type3A_234, %cond3A_235 : i32
          scf.if %cond3A_236 {
            %ge3A = arith.constant 1 : i32
            %ge3A_238 = arith.cmpi sge, %while3A_193, %ge3A : i32
            %convert_element_type3A_239 = arith.extui %ge3A_238 : i1 to i32
            %cond3A_240 = arith.constant 0 : i32
            %cond3A_241 = arith.cmpi ne, %convert_element_type3A_239, %cond3A_240 : i32
            scf.if %cond3A_241 {
              %dma_wait3A_256 = arith.constant 0 : i32
              %dma_wait3A_257 = arith.constant 0 : i32
              %dma_wait3A_258 = tpu.memref_slice %arg10[%dma_wait3A_256, %dma_wait3A_257] : memref<79x128xi32, #tpu.memory_space<vmem>> -> memref<1x128xi32, #tpu.memory_space<vmem>>
              %dma_wait3A_259 = tpu.memref_squeeze %dma_wait3A_258 : memref<1x128xi32, #tpu.memory_space<vmem>> -> memref<128xi32, #tpu.memory_space<vmem>>
              %dma_wait3A_260 = arith.constant 0 : i32
              %dma_wait3A_261 = arith.constant 0 : i32
              %dma_wait3A_262 = tpu.memref_slice %arg7[%dma_wait3A_260, %dma_wait3A_261] : memref<10112x16xf32, #tpu.memory_space<vmem_shared>> -> memref<10112x16xf32, #tpu.memory_space<vmem_shared>>
              tpu.wait_indirect_dma semaphore(%arg36 : memref<!tpu.dma_semaphore, #tpu.memory_space<semaphore_mem>>) src(%arg11 : memref<128x16xf32, #tpu.memory_space<vmem>>) dst(%dma_wait3A_262 : memref<10112x16xf32, #tpu.memory_space<vmem_shared>>)
              %dma_wait3A_263 = arith.constant 0 : i32
              %dma_wait3A_264 = arith.constant 0 : i32
              %dma_wait3A_265 = tpu.memref_slice %arg10[%dma_wait3A_263, %dma_wait3A_264] : memref<79x128xi32, #tpu.memory_space<vmem>> -> memref<1x128xi32, #tpu.memory_space<vmem>>
              %dma_wait3A_266 = tpu.memref_squeeze %dma_wait3A_265 : memref<1x128xi32, #tpu.memory_space<vmem>> -> memref<128xi32, #tpu.memory_space<vmem>>
              %dma_wait3A_267 = arith.constant 0 : i32
              %dma_wait3A_268 = arith.constant 0 : i32
              %dma_wait3A_269 = tpu.memref_slice %arg8[%dma_wait3A_267, %dma_wait3A_268] : memref<10112x16xf32, #tpu.memory_space<vmem_shared>> -> memref<10112x16xf32, #tpu.memory_space<vmem_shared>>
              tpu.wait_indirect_dma semaphore(%arg42 : memref<!tpu.dma_semaphore, #tpu.memory_space<semaphore_mem>>) src(%arg17 : memref<128x16xf32, #tpu.memory_space<vmem>>) dst(%dma_wait3A_269 : memref<10112x16xf32, #tpu.memory_space<vmem_shared>>)
            } else {
            }
            %add3A_242 = arith.constant 5 : i32
            %add3A_243 = arith.addi %while3A_193, %add3A_242 : i32
            %dma_start3A_244 = arith.constant 0 : i32
            %dma_start3A_245 = tpu.memref_slice %arg9[%add3A_243, %dma_start3A_244] : memref<79x128xi32, #tpu.memory_space<vmem>> -> memref<1x128xi32, #tpu.memory_space<vmem>>
            %dma_start3A_246 = tpu.memref_squeeze %dma_start3A_245 : memref<1x128xi32, #tpu.memory_space<vmem>> -> memref<128xi32, #tpu.memory_space<vmem>>
            %dma_start3A_247 = arith.constant 0 : i32
            %dma_start3A_248 = arith.constant 0 : i32
            %dma_start3A_249 = tpu.memref_slice %arg2[%dma_start3A_247, %dma_start3A_248] : memref<10112x16xf32, #tpu.memory_space<hbm>> -> memref<10112x16xf32, #tpu.memory_space<hbm>>
            tpu.enqueue_indirect_dma source(%dma_start3A_249 : memref<10112x16xf32, #tpu.memory_space<hbm>>) target(%arg11 : memref<128x16xf32, #tpu.memory_space<vmem>>) offsets(%dma_start3A_246 : memref<128xi32, #tpu.memory_space<vmem>>) semaphore(%arg24 : memref<!tpu.dma_semaphore, #tpu.memory_space<semaphore_mem>>)
            %dma_start3A_250 = arith.constant 0 : i32
            %dma_start3A_251 = tpu.memref_slice %arg9[%add3A_243, %dma_start3A_250] : memref<79x128xi32, #tpu.memory_space<vmem>> -> memref<1x128xi32, #tpu.memory_space<vmem>>
            %dma_start3A_252 = tpu.memref_squeeze %dma_start3A_251 : memref<1x128xi32, #tpu.memory_space<vmem>> -> memref<128xi32, #tpu.memory_space<vmem>>
            %dma_start3A_253 = arith.constant 0 : i32
            %dma_start3A_254 = arith.constant 0 : i32
            %dma_start3A_255 = tpu.memref_slice %arg3[%dma_start3A_253, %dma_start3A_254] : memref<10112x16xf32, #tpu.memory_space<hbm>> -> memref<10112x16xf32, #tpu.memory_space<hbm>>
            tpu.enqueue_indirect_dma source(%dma_start3A_255 : memref<10112x16xf32, #tpu.memory_space<hbm>>) target(%arg17 : memref<128x16xf32, #tpu.memory_space<vmem>>) offsets(%dma_start3A_252 : memref<128xi32, #tpu.memory_space<vmem>>) semaphore(%arg30 : memref<!tpu.dma_semaphore, #tpu.memory_space<semaphore_mem>>)
          } else {
          }
          %cond3A_237 = arith.constant 0 : i32
          scf.yield %cond3A_237 : i32
        }
        scf.yield %cond3A_206 : i32
      } else {
        %dma_wait3A_202 = arith.constant 0 : i32
        %dma_wait3A_203 = tpu.memref_slice %arg9[%while3A_193, %dma_wait3A_202] : memref<79x128xi32, #tpu.memory_space<vmem>> -> memref<1x128xi32, #tpu.memory_space<vmem>>
        %dma_wait3A_204 = tpu.memref_squeeze %dma_wait3A_203 : memref<1x128xi32, #tpu.memory_space<vmem>> -> memref<128xi32, #tpu.memory_space<vmem>>
        %dma_wait3A_205 = arith.constant 0 : i32
        %dma_wait3A_206 = arith.constant 0 : i32
        %dma_wait3A_207 = tpu.memref_slice %arg2[%dma_wait3A_205, %dma_wait3A_206] : memref<10112x16xf32, #tpu.memory_space<hbm>> -> memref<10112x16xf32, #tpu.memory_space<hbm>>
        tpu.wait_indirect_dma semaphore(%arg24 : memref<!tpu.dma_semaphore, #tpu.memory_space<semaphore_mem>>) src(%dma_wait3A_207 : memref<10112x16xf32, #tpu.memory_space<hbm>>) dst(%arg11 : memref<128x16xf32, #tpu.memory_space<vmem>>)
        %dma_wait3A_208 = arith.constant 0 : i32
        %dma_wait3A_209 = tpu.memref_slice %arg9[%while3A_193, %dma_wait3A_208] : memref<79x128xi32, #tpu.memory_space<vmem>> -> memref<1x128xi32, #tpu.memory_space<vmem>>
        %dma_wait3A_210 = tpu.memref_squeeze %dma_wait3A_209 : memref<1x128xi32, #tpu.memory_space<vmem>> -> memref<128xi32, #tpu.memory_space<vmem>>
        %dma_wait3A_211 = arith.constant 0 : i32
        %dma_wait3A_212 = arith.constant 0 : i32
        %dma_wait3A_213 = tpu.memref_slice %arg3[%dma_wait3A_211, %dma_wait3A_212] : memref<10112x16xf32, #tpu.memory_space<hbm>> -> memref<10112x16xf32, #tpu.memory_space<hbm>>
        tpu.wait_indirect_dma semaphore(%arg30 : memref<!tpu.dma_semaphore, #tpu.memory_space<semaphore_mem>>) src(%dma_wait3A_213 : memref<10112x16xf32, #tpu.memory_space<hbm>>) dst(%arg17 : memref<128x16xf32, #tpu.memory_space<vmem>>)
        %dma_start3A_214 = arith.constant 0 : i32
        %dma_start3A_215 = tpu.memref_slice %arg10[%while3A_193, %dma_start3A_214] : memref<79x128xi32, #tpu.memory_space<vmem>> -> memref<1x128xi32, #tpu.memory_space<vmem>>
        %dma_start3A_216 = tpu.memref_squeeze %dma_start3A_215 : memref<1x128xi32, #tpu.memory_space<vmem>> -> memref<128xi32, #tpu.memory_space<vmem>>
        %dma_start3A_217 = arith.constant 0 : i32
        %dma_start3A_218 = arith.constant 0 : i32
        %dma_start3A_219 = tpu.memref_slice %arg7[%dma_start3A_217, %dma_start3A_218] : memref<10112x16xf32, #tpu.memory_space<vmem_shared>> -> memref<10112x16xf32, #tpu.memory_space<vmem_shared>>
        tpu.enqueue_indirect_dma source(%arg11 : memref<128x16xf32, #tpu.memory_space<vmem>>) target(%dma_start3A_219 : memref<10112x16xf32, #tpu.memory_space<vmem_shared>>) offsets(%dma_start3A_216 : memref<128xi32, #tpu.memory_space<vmem>>) semaphore(%arg36 : memref<!tpu.dma_semaphore, #tpu.memory_space<semaphore_mem>>) {add = true}
        %dma_start3A_220 = arith.constant 0 : i32
        %dma_start3A_221 = tpu.memref_slice %arg10[%while3A_193, %dma_start3A_220] : memref<79x128xi32, #tpu.memory_space<vmem>> -> memref<1x128xi32, #tpu.memory_space<vmem>>
        %dma_start3A_222 = tpu.memref_squeeze %dma_start3A_221 : memref<1x128xi32, #tpu.memory_space<vmem>> -> memref<128xi32, #tpu.memory_space<vmem>>
        %dma_start3A_223 = arith.constant 0 : i32
        %dma_start3A_224 = arith.constant 0 : i32
        %dma_start3A_225 = tpu.memref_slice %arg8[%dma_start3A_223, %dma_start3A_224] : memref<10112x16xf32, #tpu.memory_space<vmem_shared>> -> memref<10112x16xf32, #tpu.memory_space<vmem_shared>>
        tpu.enqueue_indirect_dma source(%arg17 : memref<128x16xf32, #tpu.memory_space<vmem>>) target(%dma_start3A_225 : memref<10112x16xf32, #tpu.memory_space<vmem_shared>>) offsets(%dma_start3A_222 : memref<128xi32, #tpu.memory_space<vmem>>) semaphore(%arg42 : memref<!tpu.dma_semaphore, #tpu.memory_space<semaphore_mem>>) {add = true}
        %add3A_226 = arith.constant 5 : i32
        %add3A_227 = arith.addi %while3A_193, %add3A_226 : i32
        %lt3A_228 = arith.cmpi slt, %add3A_227, %add3A_14 : i32
        %convert_element_type3A_229 = arith.extui %lt3A_228 : i1 to i32
        %cond3A_230 = arith.constant 0 : i32
        %cond3A_231 = arith.cmpi ne, %convert_element_type3A_229, %cond3A_230 : i32
        scf.if %cond3A_231 {
          %ge3A = arith.constant 1 : i32
          %ge3A_233 = arith.cmpi sge, %while3A_193, %ge3A : i32
          %convert_element_type3A_234 = arith.extui %ge3A_233 : i1 to i32
          %cond3A_235 = arith.constant 0 : i32
          %cond3A_236 = arith.cmpi ne, %convert_element_type3A_234, %cond3A_235 : i32
          scf.if %cond3A_236 {
            %dma_wait3A_251 = arith.constant 0 : i32
            %dma_wait3A_252 = arith.constant 0 : i32
            %dma_wait3A_253 = tpu.memref_slice %arg10[%dma_wait3A_251, %dma_wait3A_252] : memref<79x128xi32, #tpu.memory_space<vmem>> -> memref<1x128xi32, #tpu.memory_space<vmem>>
            %dma_wait3A_254 = tpu.memref_squeeze %dma_wait3A_253 : memref<1x128xi32, #tpu.memory_space<vmem>> -> memref<128xi32, #tpu.memory_space<vmem>>
            %dma_wait3A_255 = arith.constant 0 : i32
            %dma_wait3A_256 = arith.constant 0 : i32
            %dma_wait3A_257 = tpu.memref_slice %arg7[%dma_wait3A_255, %dma_wait3A_256] : memref<10112x16xf32, #tpu.memory_space<vmem_shared>> -> memref<10112x16xf32, #tpu.memory_space<vmem_shared>>
            tpu.wait_indirect_dma semaphore(%arg41 : memref<!tpu.dma_semaphore, #tpu.memory_space<semaphore_mem>>) src(%arg16 : memref<128x16xf32, #tpu.memory_space<vmem>>) dst(%dma_wait3A_257 : memref<10112x16xf32, #tpu.memory_space<vmem_shared>>)
            %dma_wait3A_258 = arith.constant 0 : i32
            %dma_wait3A_259 = arith.constant 0 : i32
            %dma_wait3A_260 = tpu.memref_slice %arg10[%dma_wait3A_258, %dma_wait3A_259] : memref<79x128xi32, #tpu.memory_space<vmem>> -> memref<1x128xi32, #tpu.memory_space<vmem>>
            %dma_wait3A_261 = tpu.memref_squeeze %dma_wait3A_260 : memref<1x128xi32, #tpu.memory_space<vmem>> -> memref<128xi32, #tpu.memory_space<vmem>>
            %dma_wait3A_262 = arith.constant 0 : i32
            %dma_wait3A_263 = arith.constant 0 : i32
            %dma_wait3A_264 = tpu.memref_slice %arg8[%dma_wait3A_262, %dma_wait3A_263] : memref<10112x16xf32, #tpu.memory_space<vmem_shared>> -> memref<10112x16xf32, #tpu.memory_space<vmem_shared>>
            tpu.wait_indirect_dma semaphore(%arg47 : memref<!tpu.dma_semaphore, #tpu.memory_space<semaphore_mem>>) src(%arg22 : memref<128x16xf32, #tpu.memory_space<vmem>>) dst(%dma_wait3A_264 : memref<10112x16xf32, #tpu.memory_space<vmem_shared>>)
          } else {
          }
          %add3A_237 = arith.constant 5 : i32
          %add3A_238 = arith.addi %while3A_193, %add3A_237 : i32
          %dma_start3A_239 = arith.constant 0 : i32
          %dma_start3A_240 = tpu.memref_slice %arg9[%add3A_238, %dma_start3A_239] : memref<79x128xi32, #tpu.memory_space<vmem>> -> memref<1x128xi32, #tpu.memory_space<vmem>>
          %dma_start3A_241 = tpu.memref_squeeze %dma_start3A_240 : memref<1x128xi32, #tpu.memory_space<vmem>> -> memref<128xi32, #tpu.memory_space<vmem>>
          %dma_start3A_242 = arith.constant 0 : i32
          %dma_start3A_243 = arith.constant 0 : i32
          %dma_start3A_244 = tpu.memref_slice %arg2[%dma_start3A_242, %dma_start3A_243] : memref<10112x16xf32, #tpu.memory_space<hbm>> -> memref<10112x16xf32, #tpu.memory_space<hbm>>
          tpu.enqueue_indirect_dma source(%dma_start3A_244 : memref<10112x16xf32, #tpu.memory_space<hbm>>) target(%arg16 : memref<128x16xf32, #tpu.memory_space<vmem>>) offsets(%dma_start3A_241 : memref<128xi32, #tpu.memory_space<vmem>>) semaphore(%arg29 : memref<!tpu.dma_semaphore, #tpu.memory_space<semaphore_mem>>)
          %dma_start3A_245 = arith.constant 0 : i32
          %dma_start3A_246 = tpu.memref_slice %arg9[%add3A_238, %dma_start3A_245] : memref<79x128xi32, #tpu.memory_space<vmem>> -> memref<1x128xi32, #tpu.memory_space<vmem>>
          %dma_start3A_247 = tpu.memref_squeeze %dma_start3A_246 : memref<1x128xi32, #tpu.memory_space<vmem>> -> memref<128xi32, #tpu.memory_space<vmem>>
          %dma_start3A_248 = arith.constant 0 : i32
          %dma_start3A_249 = arith.constant 0 : i32
          %dma_start3A_250 = tpu.memref_slice %arg3[%dma_start3A_248, %dma_start3A_249] : memref<10112x16xf32, #tpu.memory_space<hbm>> -> memref<10112x16xf32, #tpu.memory_space<hbm>>
          tpu.enqueue_indirect_dma source(%dma_start3A_250 : memref<10112x16xf32, #tpu.memory_space<hbm>>) target(%arg22 : memref<128x16xf32, #tpu.memory_space<vmem>>) offsets(%dma_start3A_247 : memref<128xi32, #tpu.memory_space<vmem>>) semaphore(%arg35 : memref<!tpu.dma_semaphore, #tpu.memory_space<semaphore_mem>>)
        } else {
        }
        %cond3A_232 = arith.constant 0 : i32
        scf.yield %cond3A_232 : i32
      }
    }
    %dma_wait3A = arith.constant 0 : i32
    %dma_wait3A_101 = arith.constant 0 : i32
    %dma_wait3A_102 = tpu.memref_slice %arg10[%dma_wait3A, %dma_wait3A_101] : memref<79x128xi32, #tpu.memory_space<vmem>> -> memref<1x128xi32, #tpu.memory_space<vmem>>
    %dma_wait3A_103 = tpu.memref_squeeze %dma_wait3A_102 : memref<1x128xi32, #tpu.memory_space<vmem>> -> memref<128xi32, #tpu.memory_space<vmem>>
    %dma_wait3A_104 = arith.constant 0 : i32
    %dma_wait3A_105 = arith.constant 0 : i32
    %dma_wait3A_106 = tpu.memref_slice %arg7[%dma_wait3A_104, %dma_wait3A_105] : memref<10112x16xf32, #tpu.memory_space<vmem_shared>> -> memref<10112x16xf32, #tpu.memory_space<vmem_shared>>
    tpu.wait_indirect_dma semaphore(%arg36 : memref<!tpu.dma_semaphore, #tpu.memory_space<semaphore_mem>>) src(%arg11 : memref<128x16xf32, #tpu.memory_space<vmem>>) dst(%dma_wait3A_106 : memref<10112x16xf32, #tpu.memory_space<vmem_shared>>)
    %dma_wait3A_107 = arith.constant 0 : i32
    %dma_wait3A_108 = arith.constant 0 : i32
    %dma_wait3A_109 = tpu.memref_slice %arg10[%dma_wait3A_107, %dma_wait3A_108] : memref<79x128xi32, #tpu.memory_space<vmem>> -> memref<1x128xi32, #tpu.memory_space<vmem>>
    %dma_wait3A_110 = tpu.memref_squeeze %dma_wait3A_109 : memref<1x128xi32, #tpu.memory_space<vmem>> -> memref<128xi32, #tpu.memory_space<vmem>>
    %dma_wait3A_111 = arith.constant 0 : i32
    %dma_wait3A_112 = arith.constant 0 : i32
    %dma_wait3A_113 = tpu.memref_slice %arg8[%dma_wait3A_111, %dma_wait3A_112] : memref<10112x16xf32, #tpu.memory_space<vmem_shared>> -> memref<10112x16xf32, #tpu.memory_space<vmem_shared>>
    tpu.wait_indirect_dma semaphore(%arg42 : memref<!tpu.dma_semaphore, #tpu.memory_space<semaphore_mem>>) src(%arg17 : memref<128x16xf32, #tpu.memory_space<vmem>>) dst(%dma_wait3A_113 : memref<10112x16xf32, #tpu.memory_space<vmem_shared>>)
    %dma_wait3A_114 = arith.constant 0 : i32
    %dma_wait3A_115 = arith.constant 0 : i32
    %dma_wait3A_116 = tpu.memref_slice %arg10[%dma_wait3A_114, %dma_wait3A_115] : memref<79x128xi32, #tpu.memory_space<vmem>> -> memref<1x128xi32, #tpu.memory_space<vmem>>
    %dma_wait3A_117 = tpu.memref_squeeze %dma_wait3A_116 : memref<1x128xi32, #tpu.memory_space<vmem>> -> memref<128xi32, #tpu.memory_space<vmem>>
    %dma_wait3A_118 = arith.constant 0 : i32
    %dma_wait3A_119 = arith.constant 0 : i32
    %dma_wait3A_120 = tpu.memref_slice %arg7[%dma_wait3A_118, %dma_wait3A_119] : memref<10112x16xf32, #tpu.memory_space<vmem_shared>> -> memref<10112x16xf32, #tpu.memory_space<vmem_shared>>
    tpu.wait_indirect_dma semaphore(%arg37 : memref<!tpu.dma_semaphore, #tpu.memory_space<semaphore_mem>>) src(%arg12 : memref<128x16xf32, #tpu.memory_space<vmem>>) dst(%dma_wait3A_120 : memref<10112x16xf32, #tpu.memory_space<vmem_shared>>)
    %dma_wait3A_121 = arith.constant 0 : i32
    %dma_wait3A_122 = arith.constant 0 : i32
    %dma_wait3A_123 = tpu.memref_slice %arg10[%dma_wait3A_121, %dma_wait3A_122] : memref<79x128xi32, #tpu.memory_space<vmem>> -> memref<1x128xi32, #tpu.memory_space<vmem>>
    %dma_wait3A_124 = tpu.memref_squeeze %dma_wait3A_123 : memref<1x128xi32, #tpu.memory_space<vmem>> -> memref<128xi32, #tpu.memory_space<vmem>>
    %dma_wait3A_125 = arith.constant 0 : i32
    %dma_wait3A_126 = arith.constant 0 : i32
    %dma_wait3A_127 = tpu.memref_slice %arg8[%dma_wait3A_125, %dma_wait3A_126] : memref<10112x16xf32, #tpu.memory_space<vmem_shared>> -> memref<10112x16xf32, #tpu.memory_space<vmem_shared>>
    tpu.wait_indirect_dma semaphore(%arg43 : memref<!tpu.dma_semaphore, #tpu.memory_space<semaphore_mem>>) src(%arg18 : memref<128x16xf32, #tpu.memory_space<vmem>>) dst(%dma_wait3A_127 : memref<10112x16xf32, #tpu.memory_space<vmem_shared>>)
    %dma_wait3A_128 = arith.constant 0 : i32
    %dma_wait3A_129 = arith.constant 0 : i32
    %dma_wait3A_130 = tpu.memref_slice %arg10[%dma_wait3A_128, %dma_wait3A_129] : memref<79x128xi32, #tpu.memory_space<vmem>> -> memref<1x128xi32, #tpu.memory_space<vmem>>
    %dma_wait3A_131 = tpu.memref_squeeze %dma_wait3A_130 : memref<1x128xi32, #tpu.memory_space<vmem>> -> memref<128xi32, #tpu.memory_space<vmem>>
    %dma_wait3A_132 = arith.constant 0 : i32
    %dma_wait3A_133 = arith.constant 0 : i32
    %dma_wait3A_134 = tpu.memref_slice %arg7[%dma_wait3A_132, %dma_wait3A_133] : memref<10112x16xf32, #tpu.memory_space<vmem_shared>> -> memref<10112x16xf32, #tpu.memory_space<vmem_shared>>
    tpu.wait_indirect_dma semaphore(%arg38 : memref<!tpu.dma_semaphore, #tpu.memory_space<semaphore_mem>>) src(%arg13 : memref<128x16xf32, #tpu.memory_space<vmem>>) dst(%dma_wait3A_134 : memref<10112x16xf32, #tpu.memory_space<vmem_shared>>)
    %dma_wait3A_135 = arith.constant 0 : i32
    %dma_wait3A_136 = arith.constant 0 : i32
    %dma_wait3A_137 = tpu.memref_slice %arg10[%dma_wait3A_135, %dma_wait3A_136] : memref<79x128xi32, #tpu.memory_space<vmem>> -> memref<1x128xi32, #tpu.memory_space<vmem>>
    %dma_wait3A_138 = tpu.memref_squeeze %dma_wait3A_137 : memref<1x128xi32, #tpu.memory_space<vmem>> -> memref<128xi32, #tpu.memory_space<vmem>>
    %dma_wait3A_139 = arith.constant 0 : i32
    %dma_wait3A_140 = arith.constant 0 : i32
    %dma_wait3A_141 = tpu.memref_slice %arg8[%dma_wait3A_139, %dma_wait3A_140] : memref<10112x16xf32, #tpu.memory_space<vmem_shared>> -> memref<10112x16xf32, #tpu.memory_space<vmem_shared>>
    tpu.wait_indirect_dma semaphore(%arg44 : memref<!tpu.dma_semaphore, #tpu.memory_space<semaphore_mem>>) src(%arg19 : memref<128x16xf32, #tpu.memory_space<vmem>>) dst(%dma_wait3A_141 : memref<10112x16xf32, #tpu.memory_space<vmem_shared>>)
    %dma_wait3A_142 = arith.constant 0 : i32
    %dma_wait3A_143 = arith.constant 0 : i32
    %dma_wait3A_144 = tpu.memref_slice %arg10[%dma_wait3A_142, %dma_wait3A_143] : memref<79x128xi32, #tpu.memory_space<vmem>> -> memref<1x128xi32, #tpu.memory_space<vmem>>
    %dma_wait3A_145 = tpu.memref_squeeze %dma_wait3A_144 : memref<1x128xi32, #tpu.memory_space<vmem>> -> memref<128xi32, #tpu.memory_space<vmem>>
    %dma_wait3A_146 = arith.constant 0 : i32
    %dma_wait3A_147 = arith.constant 0 : i32
    %dma_wait3A_148 = tpu.memref_slice %arg7[%dma_wait3A_146, %dma_wait3A_147] : memref<10112x16xf32, #tpu.memory_space<vmem_shared>> -> memref<10112x16xf32, #tpu.memory_space<vmem_shared>>
    tpu.wait_indirect_dma semaphore(%arg39 : memref<!tpu.dma_semaphore, #tpu.memory_space<semaphore_mem>>) src(%arg14 : memref<128x16xf32, #tpu.memory_space<vmem>>) dst(%dma_wait3A_148 : memref<10112x16xf32, #tpu.memory_space<vmem_shared>>)
    %dma_wait3A_149 = arith.constant 0 : i32
    %dma_wait3A_150 = arith.constant 0 : i32
    %dma_wait3A_151 = tpu.memref_slice %arg10[%dma_wait3A_149, %dma_wait3A_150] : memref<79x128xi32, #tpu.memory_space<vmem>> -> memref<1x128xi32, #tpu.memory_space<vmem>>
    %dma_wait3A_152 = tpu.memref_squeeze %dma_wait3A_151 : memref<1x128xi32, #tpu.memory_space<vmem>> -> memref<128xi32, #tpu.memory_space<vmem>>
    %dma_wait3A_153 = arith.constant 0 : i32
    %dma_wait3A_154 = arith.constant 0 : i32
    %dma_wait3A_155 = tpu.memref_slice %arg8[%dma_wait3A_153, %dma_wait3A_154] : memref<10112x16xf32, #tpu.memory_space<vmem_shared>> -> memref<10112x16xf32, #tpu.memory_space<vmem_shared>>
    tpu.wait_indirect_dma semaphore(%arg45 : memref<!tpu.dma_semaphore, #tpu.memory_space<semaphore_mem>>) src(%arg20 : memref<128x16xf32, #tpu.memory_space<vmem>>) dst(%dma_wait3A_155 : memref<10112x16xf32, #tpu.memory_space<vmem_shared>>)
    %dma_wait3A_156 = arith.constant 0 : i32
    %dma_wait3A_157 = arith.constant 0 : i32
    %dma_wait3A_158 = tpu.memref_slice %arg10[%dma_wait3A_156, %dma_wait3A_157] : memref<79x128xi32, #tpu.memory_space<vmem>> -> memref<1x128xi32, #tpu.memory_space<vmem>>
    %dma_wait3A_159 = tpu.memref_squeeze %dma_wait3A_158 : memref<1x128xi32, #tpu.memory_space<vmem>> -> memref<128xi32, #tpu.memory_space<vmem>>
    %dma_wait3A_160 = arith.constant 0 : i32
    %dma_wait3A_161 = arith.constant 0 : i32
    %dma_wait3A_162 = tpu.memref_slice %arg7[%dma_wait3A_160, %dma_wait3A_161] : memref<10112x16xf32, #tpu.memory_space<vmem_shared>> -> memref<10112x16xf32, #tpu.memory_space<vmem_shared>>
    tpu.wait_indirect_dma semaphore(%arg40 : memref<!tpu.dma_semaphore, #tpu.memory_space<semaphore_mem>>) src(%arg15 : memref<128x16xf32, #tpu.memory_space<vmem>>) dst(%dma_wait3A_162 : memref<10112x16xf32, #tpu.memory_space<vmem_shared>>)
    %dma_wait3A_163 = arith.constant 0 : i32
    %dma_wait3A_164 = arith.constant 0 : i32
    %dma_wait3A_165 = tpu.memref_slice %arg10[%dma_wait3A_163, %dma_wait3A_164] : memref<79x128xi32, #tpu.memory_space<vmem>> -> memref<1x128xi32, #tpu.memory_space<vmem>>
    %dma_wait3A_166 = tpu.memref_squeeze %dma_wait3A_165 : memref<1x128xi32, #tpu.memory_space<vmem>> -> memref<128xi32, #tpu.memory_space<vmem>>
    %dma_wait3A_167 = arith.constant 0 : i32
    %dma_wait3A_168 = arith.constant 0 : i32
    %dma_wait3A_169 = tpu.memref_slice %arg8[%dma_wait3A_167, %dma_wait3A_168] : memref<10112x16xf32, #tpu.memory_space<vmem_shared>> -> memref<10112x16xf32, #tpu.memory_space<vmem_shared>>
    tpu.wait_indirect_dma semaphore(%arg46 : memref<!tpu.dma_semaphore, #tpu.memory_space<semaphore_mem>>) src(%arg21 : memref<128x16xf32, #tpu.memory_space<vmem>>) dst(%dma_wait3A_169 : memref<10112x16xf32, #tpu.memory_space<vmem_shared>>)
    %dma_wait3A_170 = arith.constant 0 : i32
    %dma_wait3A_171 = arith.constant 0 : i32
    %dma_wait3A_172 = tpu.memref_slice %arg10[%dma_wait3A_170, %dma_wait3A_171] : memref<79x128xi32, #tpu.memory_space<vmem>> -> memref<1x128xi32, #tpu.memory_space<vmem>>
    %dma_wait3A_173 = tpu.memref_squeeze %dma_wait3A_172 : memref<1x128xi32, #tpu.memory_space<vmem>> -> memref<128xi32, #tpu.memory_space<vmem>>
    %dma_wait3A_174 = arith.constant 0 : i32
    %dma_wait3A_175 = arith.constant 0 : i32
    %dma_wait3A_176 = tpu.memref_slice %arg7[%dma_wait3A_174, %dma_wait3A_175] : memref<10112x16xf32, #tpu.memory_space<vmem_shared>> -> memref<10112x16xf32, #tpu.memory_space<vmem_shared>>
    tpu.wait_indirect_dma semaphore(%arg41 : memref<!tpu.dma_semaphore, #tpu.memory_space<semaphore_mem>>) src(%arg16 : memref<128x16xf32, #tpu.memory_space<vmem>>) dst(%dma_wait3A_176 : memref<10112x16xf32, #tpu.memory_space<vmem_shared>>)
    %dma_wait3A_177 = arith.constant 0 : i32
    %dma_wait3A_178 = arith.constant 0 : i32
    %dma_wait3A_179 = tpu.memref_slice %arg10[%dma_wait3A_177, %dma_wait3A_178] : memref<79x128xi32, #tpu.memory_space<vmem>> -> memref<1x128xi32, #tpu.memory_space<vmem>>
    %dma_wait3A_180 = tpu.memref_squeeze %dma_wait3A_179 : memref<1x128xi32, #tpu.memory_space<vmem>> -> memref<128xi32, #tpu.memory_space<vmem>>
    %dma_wait3A_181 = arith.constant 0 : i32
    %dma_wait3A_182 = arith.constant 0 : i32
    %dma_wait3A_183 = tpu.memref_slice %arg8[%dma_wait3A_181, %dma_wait3A_182] : memref<10112x16xf32, #tpu.memory_space<vmem_shared>> -> memref<10112x16xf32, #tpu.memory_space<vmem_shared>>
    tpu.wait_indirect_dma semaphore(%arg47 : memref<!tpu.dma_semaphore, #tpu.memory_space<semaphore_mem>>) src(%arg22 : memref<128x16xf32, #tpu.memory_space<vmem>>) dst(%dma_wait3A_183 : memref<10112x16xf32, #tpu.memory_space<vmem_shared>>)
    %barrier3A_184 = arith.constant 0 : index
    tpu.barrier barrier_id(%barrier3A_184)
    %mul3A_185 = arith.constant 632 : i32
    %mul3A_186 = arith.muli %arg1, %mul3A_185 : i32
    "tpu.region"() ({
      %run_scoped3A_193 = tpu.sem_alloc : memref<!tpu.dma_semaphore, #tpu.memory_space<semaphore_mem>>
      %dma_start3A_194 = arith.constant 0 : i32
      %dma_start3A_195 = tpu.memref_slice %arg7[%mul3A_186, %dma_start3A_194] : memref<10112x16xf32, #tpu.memory_space<vmem_shared>> -> memref<632x16xf32, #tpu.memory_space<vmem_shared>>
      %dma_start3A_196 = arith.constant 0 : i32
      %dma_start3A_197 = tpu.memref_slice %arg7[%mul3A_186, %dma_start3A_196] : memref<10112x16xf32, #tpu.memory_space<vmem_shared>> -> memref<632x16xf32, #tpu.memory_space<vmem_shared>>
      tpu.enqueue_dma source(%dma_start3A_197 : memref<632x16xf32, #tpu.memory_space<vmem_shared>>) target(%arg23 : memref<632x16xf32, #tpu.memory_space<vmem>>) target_semaphore(%run_scoped3A_193 : memref<!tpu.dma_semaphore, #tpu.memory_space<semaphore_mem>>)
      %dma_wait3A_198 = arith.constant 0 : i32
      %dma_wait3A_199 = tpu.memref_slice %arg7[%mul3A_186, %dma_wait3A_198] : memref<10112x16xf32, #tpu.memory_space<vmem_shared>> -> memref<632x16xf32, #tpu.memory_space<vmem_shared>>
      %dma_wait3A_200 = arith.constant 0 : i32
      %dma_wait3A_201 = tpu.memref_slice %arg7[%mul3A_186, %dma_wait3A_200] : memref<10112x16xf32, #tpu.memory_space<vmem_shared>> -> memref<632x16xf32, #tpu.memory_space<vmem_shared>>
      tpu.wait_dma2 semaphore(%run_scoped3A_193 : memref<!tpu.dma_semaphore, #tpu.memory_space<semaphore_mem>>) src(%dma_wait3A_201 : memref<632x16xf32, #tpu.memory_space<vmem_shared>>) dst(%arg23 : memref<632x16xf32, #tpu.memory_space<vmem>>)
      tpu.yield
    }) : () -> ()
    %mul3A_187 = arith.constant 632 : i32
    %mul3A_188 = arith.muli %arg1, %mul3A_187 : i32
    "tpu.region"() ({
      %run_scoped3A_193 = tpu.sem_alloc : memref<!tpu.dma_semaphore, #tpu.memory_space<semaphore_mem>>
      %dma_start3A_194 = arith.constant 0 : i32
      %dma_start3A_195 = tpu.memref_slice %arg5[%arg0, %mul3A_188, %dma_start3A_194] : memref<2x10112x16xf32, #tpu.memory_space<hbm>> -> memref<1x632x16xf32, #tpu.memory_space<hbm>>
      %dma_start3A_196 = tpu.memref_squeeze %dma_start3A_195 : memref<1x632x16xf32, #tpu.memory_space<hbm>> -> memref<632x16xf32, #tpu.memory_space<hbm>>
      %dma_start3A_197 = arith.constant 0 : i32
      %dma_start3A_198 = tpu.memref_slice %arg5[%arg0, %mul3A_188, %dma_start3A_197] : memref<2x10112x16xf32, #tpu.memory_space<hbm>> -> memref<1x632x16xf32, #tpu.memory_space<hbm>>
      %dma_start3A_199 = tpu.memref_squeeze %dma_start3A_198 : memref<1x632x16xf32, #tpu.memory_space<hbm>> -> memref<632x16xf32, #tpu.memory_space<hbm>>
      tpu.enqueue_dma source(%arg23 : memref<632x16xf32, #tpu.memory_space<vmem>>) target(%dma_start3A_199 : memref<632x16xf32, #tpu.memory_space<hbm>>) target_semaphore(%run_scoped3A_193 : memref<!tpu.dma_semaphore, #tpu.memory_space<semaphore_mem>>)
      %dma_wait3A_200 = arith.constant 0 : i32
      %dma_wait3A_201 = tpu.memref_slice %arg5[%arg0, %mul3A_188, %dma_wait3A_200] : memref<2x10112x16xf32, #tpu.memory_space<hbm>> -> memref<1x632x16xf32, #tpu.memory_space<hbm>>
      %dma_wait3A_202 = tpu.memref_squeeze %dma_wait3A_201 : memref<1x632x16xf32, #tpu.memory_space<hbm>> -> memref<632x16xf32, #tpu.memory_space<hbm>>
      %dma_wait3A_203 = arith.constant 0 : i32
      %dma_wait3A_204 = tpu.memref_slice %arg5[%arg0, %mul3A_188, %dma_wait3A_203] : memref<2x10112x16xf32, #tpu.memory_space<hbm>> -> memref<1x632x16xf32, #tpu.memory_space<hbm>>
      %dma_wait3A_205 = tpu.memref_squeeze %dma_wait3A_204 : memref<1x632x16xf32, #tpu.memory_space<hbm>> -> memref<632x16xf32, #tpu.memory_space<hbm>>
      tpu.wait_dma2 semaphore(%run_scoped3A_193 : memref<!tpu.dma_semaphore, #tpu.memory_space<semaphore_mem>>) src(%arg23 : memref<632x16xf32, #tpu.memory_space<vmem>>) dst(%dma_wait3A_205 : memref<632x16xf32, #tpu.memory_space<hbm>>)
      tpu.yield
    }) : () -> ()
    %mul3A_189 = arith.constant 632 : i32
    %mul3A_190 = arith.muli %arg1, %mul3A_189 : i32
    "tpu.region"() ({
      %run_scoped3A_193 = tpu.sem_alloc : memref<!tpu.dma_semaphore, #tpu.memory_space<semaphore_mem>>
      %dma_start3A_194 = arith.constant 0 : i32
      %dma_start3A_195 = tpu.memref_slice %arg8[%mul3A_190, %dma_start3A_194] : memref<10112x16xf32, #tpu.memory_space<vmem_shared>> -> memref<632x16xf32, #tpu.memory_space<vmem_shared>>
      %dma_start3A_196 = arith.constant 0 : i32
      %dma_start3A_197 = tpu.memref_slice %arg8[%mul3A_190, %dma_start3A_196] : memref<10112x16xf32, #tpu.memory_space<vmem_shared>> -> memref<632x16xf32, #tpu.memory_space<vmem_shared>>
      tpu.enqueue_dma source(%dma_start3A_197 : memref<632x16xf32, #tpu.memory_space<vmem_shared>>) target(%arg23 : memref<632x16xf32, #tpu.memory_space<vmem>>) target_semaphore(%run_scoped3A_193 : memref<!tpu.dma_semaphore, #tpu.memory_space<semaphore_mem>>)
      %dma_wait3A_198 = arith.constant 0 : i32
      %dma_wait3A_199 = tpu.memref_slice %arg8[%mul3A_190, %dma_wait3A_198] : memref<10112x16xf32, #tpu.memory_space<vmem_shared>> -> memref<632x16xf32, #tpu.memory_space<vmem_shared>>
      %dma_wait3A_200 = arith.constant 0 : i32
      %dma_wait3A_201 = tpu.memref_slice %arg8[%mul3A_190, %dma_wait3A_200] : memref<10112x16xf32, #tpu.memory_space<vmem_shared>> -> memref<632x16xf32, #tpu.memory_space<vmem_shared>>
      tpu.wait_dma2 semaphore(%run_scoped3A_193 : memref<!tpu.dma_semaphore, #tpu.memory_space<semaphore_mem>>) src(%dma_wait3A_201 : memref<632x16xf32, #tpu.memory_space<vmem_shared>>) dst(%arg23 : memref<632x16xf32, #tpu.memory_space<vmem>>)
      tpu.yield
    }) : () -> ()
    %mul3A_191 = arith.constant 632 : i32
    %mul3A_192 = arith.muli %arg1, %mul3A_191 : i32
    "tpu.region"() ({
      %run_scoped3A_193 = tpu.sem_alloc : memref<!tpu.dma_semaphore, #tpu.memory_space<semaphore_mem>>
      %dma_start3A_194 = arith.constant 0 : i32
      %dma_start3A_195 = tpu.memref_slice %arg6[%arg0, %mul3A_192, %dma_start3A_194] : memref<2x10112x16xf32, #tpu.memory_space<hbm>> -> memref<1x632x16xf32, #tpu.memory_space<hbm>>
      %dma_start3A_196 = tpu.memref_squeeze %dma_start3A_195 : memref<1x632x16xf32, #tpu.memory_space<hbm>> -> memref<632x16xf32, #tpu.memory_space<hbm>>
      %dma_start3A_197 = arith.constant 0 : i32
      %dma_start3A_198 = tpu.memref_slice %arg6[%arg0, %mul3A_192, %dma_start3A_197] : memref<2x10112x16xf32, #tpu.memory_space<hbm>> -> memref<1x632x16xf32, #tpu.memory_space<hbm>>
      %dma_start3A_199 = tpu.memref_squeeze %dma_start3A_198 : memref<1x632x16xf32, #tpu.memory_space<hbm>> -> memref<632x16xf32, #tpu.memory_space<hbm>>
      tpu.enqueue_dma source(%arg23 : memref<632x16xf32, #tpu.memory_space<vmem>>) target(%dma_start3A_199 : memref<632x16xf32, #tpu.memory_space<hbm>>) target_semaphore(%run_scoped3A_193 : memref<!tpu.dma_semaphore, #tpu.memory_space<semaphore_mem>>)
      %dma_wait3A_200 = arith.constant 0 : i32
      %dma_wait3A_201 = tpu.memref_slice %arg6[%arg0, %mul3A_192, %dma_wait3A_200] : memref<2x10112x16xf32, #tpu.memory_space<hbm>> -> memref<1x632x16xf32, #tpu.memory_space<hbm>>
      %dma_wait3A_202 = tpu.memref_squeeze %dma_wait3A_201 : memref<1x632x16xf32, #tpu.memory_space<hbm>> -> memref<632x16xf32, #tpu.memory_space<hbm>>
      %dma_wait3A_203 = arith.constant 0 : i32
      %dma_wait3A_204 = tpu.memref_slice %arg6[%arg0, %mul3A_192, %dma_wait3A_203] : memref<2x10112x16xf32, #tpu.memory_space<hbm>> -> memref<1x632x16xf32, #tpu.memory_space<hbm>>
      %dma_wait3A_205 = tpu.memref_squeeze %dma_wait3A_204 : memref<1x632x16xf32, #tpu.memory_space<hbm>> -> memref<632x16xf32, #tpu.memory_space<hbm>>
      tpu.wait_dma2 semaphore(%run_scoped3A_193 : memref<!tpu.dma_semaphore, #tpu.memory_space<semaphore_mem>>) src(%arg23 : memref<632x16xf32, #tpu.memory_space<vmem>>) dst(%dma_wait3A_205 : memref<632x16xf32, #tpu.memory_space<hbm>>)
      tpu.yield
    }) : () -> ()
    return
  }
}

#map = affine_map<(d0, d1) -> (0, 0)>
#map1 = affine_map<(d0, d1) -> (0, 0, 0)>
module attributes {stable_mosaic.version = 14 : i64} {
  func.func @body(%arg0: i32, %arg1: i32, %arg2: memref<10112x16xf32, #tpu.memory_space<hbm>>, %arg3: memref<2x2500x128xi32, #tpu.memory_space<hbm>>, %arg4: memref<2x10112x16xf32, #tpu.memory_space<hbm>>, %arg5: memref<2x10112x16xf32, #tpu.memory_space<hbm>>, %arg6: memref<10112x16xf32, #tpu.memory_space<vmem_shared>>, %arg7: memref<10112x16xf32, #tpu.memory_space<vmem_shared>>, %arg8: memref<79x128xi32, #tpu.memory_space<vmem>>, %arg9: memref<79x128xi32, #tpu.memory_space<vmem>>, %arg10: memref<128x16xf32, #tpu.memory_space<vmem>>, %arg11: memref<128x16xf32, #tpu.memory_space<vmem>>, %arg12: memref<128x16xf32, #tpu.memory_space<vmem>>, %arg13: memref<128x16xf32, #tpu.memory_space<vmem>>, %arg14: memref<128x16xf32, #tpu.memory_space<vmem>>, %arg15: memref<128x16xf32, #tpu.memory_space<vmem>>, %arg16: memref<128x16xf32, #tpu.memory_space<vmem>>, %arg17: memref<632x16xf32, #tpu.memory_space<vmem>>, %arg18: memref<!tpu.dma_semaphore, #tpu.memory_space<semaphore_mem>>, %arg19: memref<!tpu.dma_semaphore, #tpu.memory_space<semaphore_mem>>, %arg20: memref<!tpu.dma_semaphore, #tpu.memory_space<semaphore_mem>>, %arg21: memref<!tpu.dma_semaphore, #tpu.memory_space<semaphore_mem>>, %arg22: memref<!tpu.dma_semaphore, #tpu.memory_space<semaphore_mem>>, %arg23: memref<!tpu.dma_semaphore, #tpu.memory_space<semaphore_mem>>, %arg24: memref<!tpu.dma_semaphore, #tpu.memory_space<semaphore_mem>>, %arg25: memref<!tpu.dma_semaphore, #tpu.memory_space<semaphore_mem>>, %arg26: memref<!tpu.dma_semaphore, #tpu.memory_space<semaphore_mem>>, %arg27: memref<!tpu.dma_semaphore, #tpu.memory_space<semaphore_mem>>, %arg28: memref<!tpu.dma_semaphore, #tpu.memory_space<semaphore_mem>>, %arg29: memref<!tpu.dma_semaphore, #tpu.memory_space<semaphore_mem>>, %arg30: memref<!tpu.dma_semaphore, #tpu.memory_space<semaphore_mem>>) attributes {dimension_semantics = [#tpu.dimension_semantics<core_parallel>, #tpu.dimension_semantics<subcore_parallel>], iteration_bounds = array<i64: 2, 16>, scalar_prefetch = 0 : i64, scratch_operands = 25 : i64, tpu.core_type = #tpu.core_type<sc_vector_subcore>, window_params = [{transform_indices = #map}, {transform_indices = #map1}, {transform_indices = #map1}, {transform_indices = #map1}]} {
    %mul3A = arith.constant 2 : i32
    %mul3A_0 = arith.muli %arg1, %mul3A : i32
    %add3A = arith.addi %mul3A_0, %arg0 : i32
    %broadcast_in_dim3A = arith.constant 0.000000e+00 : f32
    %broadcast_in_dim3A_1 = vector.broadcast %broadcast_in_dim3A : f32 to vector<16xf32>
    %scan3A = arith.constant 0 : i32
    %scan3A_2 = arith.constant 0 : i32
    %scan3A_3 = arith.constant 632 : i32
    %scan3A_4 = arith.addi %scan3A_2, %scan3A_3 : i32
    %scan3A_5 = arith.constant 1 : i32
    scf.for %scan3A_131 = %scan3A_2 to %scan3A_4 step %scan3A_5  : i32 {
      %swap3A = arith.index_cast %scan3A_131 : i32 to index
      %swap3A_132 = arith.constant 0 : index
      %swap3A_133 = tpu.vector_load %arg17[%swap3A, %swap3A_132] {strides = array<i32>} : memref<632x16xf32, #tpu.memory_space<vmem>>, vector<1x16xf32>,
      %swap3A_134 = vector.shape_cast %swap3A_133 : vector<1x16xf32> to vector<16xf32>
      %swap3A_135 = vector.shape_cast %broadcast_in_dim3A_1 : vector<16xf32> to vector<1x16xf32>
      tpu.vector_store %arg17[%swap3A, %swap3A_132], %swap3A_135 {strides = array<i32>} : memref<632x16xf32, #tpu.memory_space<vmem>>, vector<1x16xf32>,
    }
    %scan3A_6 = arith.constant 632 : i32
    %broadcast_in_dim3A_7 = arith.constant 1.000000e+00 : f32
    %broadcast_in_dim3A_8 = vector.broadcast %broadcast_in_dim3A_7 : f32 to vector<16xf32>
    %scan3A_9 = arith.constant 0 : i32
    %scan3A_10 = arith.constant 0 : i32
    %scan3A_11 = arith.constant 128 : i32
    %scan3A_12 = arith.addi %scan3A_10, %scan3A_11 : i32
    %scan3A_13 = arith.constant 1 : i32
    scf.for %scan3A_131 = %scan3A_10 to %scan3A_12 step %scan3A_13  : i32 {
      %swap3A = arith.index_cast %scan3A_131 : i32 to index
      %swap3A_132 = arith.constant 0 : index
      %swap3A_133 = tpu.vector_load %arg16[%swap3A, %swap3A_132] {strides = array<i32>} : memref<128x16xf32, #tpu.memory_space<vmem>>, vector<1x16xf32>,
      %swap3A_134 = vector.shape_cast %swap3A_133 : vector<1x16xf32> to vector<16xf32>
      %swap3A_135 = vector.shape_cast %broadcast_in_dim3A_8 : vector<16xf32> to vector<1x16xf32>
      tpu.vector_store %arg16[%swap3A, %swap3A_132], %swap3A_135 {strides = array<i32>} : memref<128x16xf32, #tpu.memory_space<vmem>>, vector<1x16xf32>,
    }
    %scan3A_14 = arith.constant 128 : i32
    %mul3A_15 = arith.constant 632 : i32
    %mul3A_16 = arith.muli %arg1, %mul3A_15 : i32
    "tpu.region"() ({
      %run_scoped3A_131 = tpu.sem_alloc : memref<!tpu.dma_semaphore, #tpu.memory_space<semaphore_mem>>
      %dma_start3A_132 = arith.constant 0 : i32
      %dma_start3A_133 = tpu.memref_slice %arg6[%mul3A_16, %dma_start3A_132] : memref<10112x16xf32, #tpu.memory_space<vmem_shared>> -> memref<632x16xf32, #tpu.memory_space<vmem_shared>>
      %dma_start3A_134 = arith.constant 0 : i32
      %dma_start3A_135 = tpu.memref_slice %arg6[%mul3A_16, %dma_start3A_134] : memref<10112x16xf32, #tpu.memory_space<vmem_shared>> -> memref<632x16xf32, #tpu.memory_space<vmem_shared>>
      tpu.enqueue_dma source(%arg17 : memref<632x16xf32, #tpu.memory_space<vmem>>) target(%dma_start3A_135 : memref<632x16xf32, #tpu.memory_space<vmem_shared>>) target_semaphore(%run_scoped3A_131 : memref<!tpu.dma_semaphore, #tpu.memory_space<semaphore_mem>>)
      %dma_wait3A_136 = arith.constant 0 : i32
      %dma_wait3A_137 = tpu.memref_slice %arg6[%mul3A_16, %dma_wait3A_136] : memref<10112x16xf32, #tpu.memory_space<vmem_shared>> -> memref<632x16xf32, #tpu.memory_space<vmem_shared>>
      %dma_wait3A_138 = arith.constant 0 : i32
      %dma_wait3A_139 = tpu.memref_slice %arg6[%mul3A_16, %dma_wait3A_138] : memref<10112x16xf32, #tpu.memory_space<vmem_shared>> -> memref<632x16xf32, #tpu.memory_space<vmem_shared>>
      tpu.wait_dma2 semaphore(%run_scoped3A_131 : memref<!tpu.dma_semaphore, #tpu.memory_space<semaphore_mem>>) src(%arg17 : memref<632x16xf32, #tpu.memory_space<vmem>>) dst(%dma_wait3A_139 : memref<632x16xf32, #tpu.memory_space<vmem_shared>>)
      tpu.yield
    }) : () -> ()
    %mul3A_17 = arith.constant 632 : i32
    %mul3A_18 = arith.muli %arg1, %mul3A_17 : i32
    "tpu.region"() ({
      %run_scoped3A_131 = tpu.sem_alloc : memref<!tpu.dma_semaphore, #tpu.memory_space<semaphore_mem>>
      %dma_start3A_132 = arith.constant 0 : i32
      %dma_start3A_133 = tpu.memref_slice %arg7[%mul3A_18, %dma_start3A_132] : memref<10112x16xf32, #tpu.memory_space<vmem_shared>> -> memref<632x16xf32, #tpu.memory_space<vmem_shared>>
      %dma_start3A_134 = arith.constant 0 : i32
      %dma_start3A_135 = tpu.memref_slice %arg7[%mul3A_18, %dma_start3A_134] : memref<10112x16xf32, #tpu.memory_space<vmem_shared>> -> memref<632x16xf32, #tpu.memory_space<vmem_shared>>
      tpu.enqueue_dma source(%arg17 : memref<632x16xf32, #tpu.memory_space<vmem>>) target(%dma_start3A_135 : memref<632x16xf32, #tpu.memory_space<vmem_shared>>) target_semaphore(%run_scoped3A_131 : memref<!tpu.dma_semaphore, #tpu.memory_space<semaphore_mem>>)
      %dma_wait3A_136 = arith.constant 0 : i32
      %dma_wait3A_137 = tpu.memref_slice %arg7[%mul3A_18, %dma_wait3A_136] : memref<10112x16xf32, #tpu.memory_space<vmem_shared>> -> memref<632x16xf32, #tpu.memory_space<vmem_shared>>
      %dma_wait3A_138 = arith.constant 0 : i32
      %dma_wait3A_139 = tpu.memref_slice %arg7[%mul3A_18, %dma_wait3A_138] : memref<10112x16xf32, #tpu.memory_space<vmem_shared>> -> memref<632x16xf32, #tpu.memory_space<vmem_shared>>
      tpu.wait_dma2 semaphore(%run_scoped3A_131 : memref<!tpu.dma_semaphore, #tpu.memory_space<semaphore_mem>>) src(%arg17 : memref<632x16xf32, #tpu.memory_space<vmem>>) dst(%dma_wait3A_139 : memref<632x16xf32, #tpu.memory_space<vmem_shared>>)
      tpu.yield
    }) : () -> ()
    %barrier3A = arith.constant 0 : index
    tpu.barrier barrier_id(%barrier3A)
    %lt3A = arith.constant 4 : i32
    %lt3A_19 = arith.cmpi slt, %add3A, %lt3A : i32
    %jit3A = arith.constant 1 : i32
    %jit3A_20 = arith.constant 0 : i32
    %select_n3A = arith.select %lt3A_19, %jit3A, %jit3A_20 : i32
    %add3A_21 = arith.constant 78 : i32
    %add3A_22 = arith.addi %add3A_21, %select_n3A : i32
    %mul3A_23 = arith.constant 78 : i32
    %mul3A_24 = arith.muli %add3A, %mul3A_23 : i32
    %min3A = arith.constant 4 : i32
    %min3A_25 = arith.minsi %add3A, %min3A : i32
    %add3A_26 = arith.addi %mul3A_24, %min3A_25 : i32
    %run_scoped3A = arith.constant 0 : i32
    "tpu.region"() ({
      %run_scoped3A_131 = tpu.sem_alloc : memref<!tpu.dma_semaphore, #tpu.memory_space<semaphore_mem>>
      %dma_start3A_132 = arith.constant 0 : i32
      %dma_start3A_133 = arith.constant 0 : i32
      %dma_start3A_134 = tpu.memref_slice %arg8[%dma_start3A_132, %dma_start3A_133] : memref<79x128xi32, #tpu.memory_space<vmem>> -> memref<78x128xi32, #tpu.memory_space<vmem>>
      %dma_start3A_135 = arith.constant 0 : i32
      %dma_start3A_136 = tpu.memref_slice %arg3[%run_scoped3A, %add3A_26, %dma_start3A_135] : memref<2x2500x128xi32, #tpu.memory_space<hbm>> -> memref<1x78x128xi32, #tpu.memory_space<hbm>>
      %dma_start3A_137 = tpu.memref_squeeze %dma_start3A_136 : memref<1x78x128xi32, #tpu.memory_space<hbm>> -> memref<78x128xi32, #tpu.memory_space<hbm>>
      %dma_start3A_138 = arith.constant 0 : i32
      %dma_start3A_139 = arith.constant 0 : i32
      %dma_start3A_140 = tpu.memref_slice %arg8[%dma_start3A_138, %dma_start3A_139] : memref<79x128xi32, #tpu.memory_space<vmem>> -> memref<78x128xi32, #tpu.memory_space<vmem>>
      %dma_start3A_141 = arith.constant 0 : i32
      %dma_start3A_142 = tpu.memref_slice %arg3[%run_scoped3A, %add3A_26, %dma_start3A_141] : memref<2x2500x128xi32, #tpu.memory_space<hbm>> -> memref<1x78x128xi32, #tpu.memory_space<hbm>>
      %dma_start3A_143 = tpu.memref_squeeze %dma_start3A_142 : memref<1x78x128xi32, #tpu.memory_space<hbm>> -> memref<78x128xi32, #tpu.memory_space<hbm>>
      tpu.enqueue_dma source(%dma_start3A_143 : memref<78x128xi32, #tpu.memory_space<hbm>>) target(%dma_start3A_140 : memref<78x128xi32, #tpu.memory_space<vmem>>) target_semaphore(%run_scoped3A_131 : memref<!tpu.dma_semaphore, #tpu.memory_space<semaphore_mem>>)
      %dma_wait3A_144 = arith.constant 0 : i32
      %dma_wait3A_145 = arith.constant 0 : i32
      %dma_wait3A_146 = tpu.memref_slice %arg8[%dma_wait3A_144, %dma_wait3A_145] : memref<79x128xi32, #tpu.memory_space<vmem>> -> memref<78x128xi32, #tpu.memory_space<vmem>>
      %dma_wait3A_147 = arith.constant 0 : i32
      %dma_wait3A_148 = tpu.memref_slice %arg3[%run_scoped3A, %add3A_26, %dma_wait3A_147] : memref<2x2500x128xi32, #tpu.memory_space<hbm>> -> memref<1x78x128xi32, #tpu.memory_space<hbm>>
      %dma_wait3A_149 = tpu.memref_squeeze %dma_wait3A_148 : memref<1x78x128xi32, #tpu.memory_space<hbm>> -> memref<78x128xi32, #tpu.memory_space<hbm>>
      %dma_wait3A_150 = arith.constant 0 : i32
      %dma_wait3A_151 = arith.constant 0 : i32
      %dma_wait3A_152 = tpu.memref_slice %arg8[%dma_wait3A_150, %dma_wait3A_151] : memref<79x128xi32, #tpu.memory_space<vmem>> -> memref<78x128xi32, #tpu.memory_space<vmem>>
      %dma_wait3A_153 = arith.constant 0 : i32
      %dma_wait3A_154 = tpu.memref_slice %arg3[%run_scoped3A, %add3A_26, %dma_wait3A_153] : memref<2x2500x128xi32, #tpu.memory_space<hbm>> -> memref<1x78x128xi32, #tpu.memory_space<hbm>>
      %dma_wait3A_155 = tpu.memref_squeeze %dma_wait3A_154 : memref<1x78x128xi32, #tpu.memory_space<hbm>> -> memref<78x128xi32, #tpu.memory_space<hbm>>
      tpu.wait_dma2 semaphore(%run_scoped3A_131 : memref<!tpu.dma_semaphore, #tpu.memory_space<semaphore_mem>>) src(%dma_wait3A_155 : memref<78x128xi32, #tpu.memory_space<hbm>>) dst(%dma_wait3A_152 : memref<78x128xi32, #tpu.memory_space<vmem>>)
      tpu.yield
    }) : () -> ()
    %run_scoped3A_27 = arith.constant 1 : i32
    "tpu.region"() ({
      %run_scoped3A_131 = tpu.sem_alloc : memref<!tpu.dma_semaphore, #tpu.memory_space<semaphore_mem>>
      %dma_start3A_132 = arith.constant 0 : i32
      %dma_start3A_133 = arith.constant 0 : i32
      %dma_start3A_134 = tpu.memref_slice %arg9[%dma_start3A_132, %dma_start3A_133] : memref<79x128xi32, #tpu.memory_space<vmem>> -> memref<78x128xi32, #tpu.memory_space<vmem>>
      %dma_start3A_135 = arith.constant 0 : i32
      %dma_start3A_136 = tpu.memref_slice %arg3[%run_scoped3A_27, %add3A_26, %dma_start3A_135] : memref<2x2500x128xi32, #tpu.memory_space<hbm>> -> memref<1x78x128xi32, #tpu.memory_space<hbm>>
      %dma_start3A_137 = tpu.memref_squeeze %dma_start3A_136 : memref<1x78x128xi32, #tpu.memory_space<hbm>> -> memref<78x128xi32, #tpu.memory_space<hbm>>
      %dma_start3A_138 = arith.constant 0 : i32
      %dma_start3A_139 = arith.constant 0 : i32
      %dma_start3A_140 = tpu.memref_slice %arg9[%dma_start3A_138, %dma_start3A_139] : memref<79x128xi32, #tpu.memory_space<vmem>> -> memref<78x128xi32, #tpu.memory_space<vmem>>
      %dma_start3A_141 = arith.constant 0 : i32
      %dma_start3A_142 = tpu.memref_slice %arg3[%run_scoped3A_27, %add3A_26, %dma_start3A_141] : memref<2x2500x128xi32, #tpu.memory_space<hbm>> -> memref<1x78x128xi32, #tpu.memory_space<hbm>>
      %dma_start3A_143 = tpu.memref_squeeze %dma_start3A_142 : memref<1x78x128xi32, #tpu.memory_space<hbm>> -> memref<78x128xi32, #tpu.memory_space<hbm>>
      tpu.enqueue_dma source(%dma_start3A_143 : memref<78x128xi32, #tpu.memory_space<hbm>>) target(%dma_start3A_140 : memref<78x128xi32, #tpu.memory_space<vmem>>) target_semaphore(%run_scoped3A_131 : memref<!tpu.dma_semaphore, #tpu.memory_space<semaphore_mem>>)
      %dma_wait3A_144 = arith.constant 0 : i32
      %dma_wait3A_145 = arith.constant 0 : i32
      %dma_wait3A_146 = tpu.memref_slice %arg9[%dma_wait3A_144, %dma_wait3A_145] : memref<79x128xi32, #tpu.memory_space<vmem>> -> memref<78x128xi32, #tpu.memory_space<vmem>>
      %dma_wait3A_147 = arith.constant 0 : i32
      %dma_wait3A_148 = tpu.memref_slice %arg3[%run_scoped3A_27, %add3A_26, %dma_wait3A_147] : memref<2x2500x128xi32, #tpu.memory_space<hbm>> -> memref<1x78x128xi32, #tpu.memory_space<hbm>>
      %dma_wait3A_149 = tpu.memref_squeeze %dma_wait3A_148 : memref<1x78x128xi32, #tpu.memory_space<hbm>> -> memref<78x128xi32, #tpu.memory_space<hbm>>
      %dma_wait3A_150 = arith.constant 0 : i32
      %dma_wait3A_151 = arith.constant 0 : i32
      %dma_wait3A_152 = tpu.memref_slice %arg9[%dma_wait3A_150, %dma_wait3A_151] : memref<79x128xi32, #tpu.memory_space<vmem>> -> memref<78x128xi32, #tpu.memory_space<vmem>>
      %dma_wait3A_153 = arith.constant 0 : i32
      %dma_wait3A_154 = tpu.memref_slice %arg3[%run_scoped3A_27, %add3A_26, %dma_wait3A_153] : memref<2x2500x128xi32, #tpu.memory_space<hbm>> -> memref<1x78x128xi32, #tpu.memory_space<hbm>>
      %dma_wait3A_155 = tpu.memref_squeeze %dma_wait3A_154 : memref<1x78x128xi32, #tpu.memory_space<hbm>> -> memref<78x128xi32, #tpu.memory_space<hbm>>
      tpu.wait_dma2 semaphore(%run_scoped3A_131 : memref<!tpu.dma_semaphore, #tpu.memory_space<semaphore_mem>>) src(%dma_wait3A_155 : memref<78x128xi32, #tpu.memory_space<hbm>>) dst(%dma_wait3A_152 : memref<78x128xi32, #tpu.memory_space<vmem>>)
      tpu.yield
    }) : () -> ()
    %lt3A_28 = arith.constant 4 : i32
    %lt3A_29 = arith.cmpi slt, %add3A, %lt3A_28 : i32
    %convert_element_type3A = arith.extui %lt3A_29 : i1 to i32
    %cond3A = arith.constant 0 : i32
    %cond3A_30 = arith.cmpi ne, %convert_element_type3A, %cond3A : i32
    scf.if %cond3A_30 {
      %add3A_131 = arith.constant 78 : i32
      %add3A_132 = arith.addi %add3A_26, %add3A_131 : i32
      %run_scoped3A_133 = arith.constant 0 : i32
      "tpu.region"() ({
        %run_scoped3A_137 = tpu.sem_alloc : memref<!tpu.dma_semaphore, #tpu.memory_space<semaphore_mem>>
        %dma_start3A_138 = arith.constant 78 : i32
        %dma_start3A_139 = arith.constant 0 : i32
        %dma_start3A_140 = tpu.memref_slice %arg8[%dma_start3A_138, %dma_start3A_139] : memref<79x128xi32, #tpu.memory_space<vmem>> -> memref<1x128xi32, #tpu.memory_space<vmem>>
        %dma_start3A_141 = arith.constant 0 : i32
        %dma_start3A_142 = tpu.memref_slice %arg3[%run_scoped3A_133, %add3A_132, %dma_start3A_141] : memref<2x2500x128xi32, #tpu.memory_space<hbm>> -> memref<1x1x128xi32, #tpu.memory_space<hbm>>
        %dma_start3A_143 = tpu.memref_squeeze %dma_start3A_142 : memref<1x1x128xi32, #tpu.memory_space<hbm>> -> memref<1x128xi32, #tpu.memory_space<hbm>>
        %dma_start3A_144 = arith.constant 78 : i32
        %dma_start3A_145 = arith.constant 0 : i32
        %dma_start3A_146 = tpu.memref_slice %arg8[%dma_start3A_144, %dma_start3A_145] : memref<79x128xi32, #tpu.memory_space<vmem>> -> memref<1x128xi32, #tpu.memory_space<vmem>>
        %dma_start3A_147 = arith.constant 0 : i32
        %dma_start3A_148 = tpu.memref_slice %arg3[%run_scoped3A_133, %add3A_132, %dma_start3A_147] : memref<2x2500x128xi32, #tpu.memory_space<hbm>> -> memref<1x1x128xi32, #tpu.memory_space<hbm>>
        %dma_start3A_149 = tpu.memref_squeeze %dma_start3A_148 : memref<1x1x128xi32, #tpu.memory_space<hbm>> -> memref<1x128xi32, #tpu.memory_space<hbm>>
        tpu.enqueue_dma source(%dma_start3A_149 : memref<1x128xi32, #tpu.memory_space<hbm>>) target(%dma_start3A_146 : memref<1x128xi32, #tpu.memory_space<vmem>>) target_semaphore(%run_scoped3A_137 : memref<!tpu.dma_semaphore, #tpu.memory_space<semaphore_mem>>)
        %dma_wait3A_150 = arith.constant 78 : i32
        %dma_wait3A_151 = arith.constant 0 : i32
        %dma_wait3A_152 = tpu.memref_slice %arg8[%dma_wait3A_150, %dma_wait3A_151] : memref<79x128xi32, #tpu.memory_space<vmem>> -> memref<1x128xi32, #tpu.memory_space<vmem>>
        %dma_wait3A_153 = arith.constant 0 : i32
        %dma_wait3A_154 = tpu.memref_slice %arg3[%run_scoped3A_133, %add3A_132, %dma_wait3A_153] : memref<2x2500x128xi32, #tpu.memory_space<hbm>> -> memref<1x1x128xi32, #tpu.memory_space<hbm>>
        %dma_wait3A_155 = tpu.memref_squeeze %dma_wait3A_154 : memref<1x1x128xi32, #tpu.memory_space<hbm>> -> memref<1x128xi32, #tpu.memory_space<hbm>>
        %dma_wait3A_156 = arith.constant 78 : i32
        %dma_wait3A_157 = arith.constant 0 : i32
        %dma_wait3A_158 = tpu.memref_slice %arg8[%dma_wait3A_156, %dma_wait3A_157] : memref<79x128xi32, #tpu.memory_space<vmem>> -> memref<1x128xi32, #tpu.memory_space<vmem>>
        %dma_wait3A_159 = arith.constant 0 : i32
        %dma_wait3A_160 = tpu.memref_slice %arg3[%run_scoped3A_133, %add3A_132, %dma_wait3A_159] : memref<2x2500x128xi32, #tpu.memory_space<hbm>> -> memref<1x1x128xi32, #tpu.memory_space<hbm>>
        %dma_wait3A_161 = tpu.memref_squeeze %dma_wait3A_160 : memref<1x1x128xi32, #tpu.memory_space<hbm>> -> memref<1x128xi32, #tpu.memory_space<hbm>>
        tpu.wait_dma2 semaphore(%run_scoped3A_137 : memref<!tpu.dma_semaphore, #tpu.memory_space<semaphore_mem>>) src(%dma_wait3A_161 : memref<1x128xi32, #tpu.memory_space<hbm>>) dst(%dma_wait3A_158 : memref<1x128xi32, #tpu.memory_space<vmem>>)
        tpu.yield
      }) : () -> ()
      %add3A_134 = arith.constant 78 : i32
      %add3A_135 = arith.addi %add3A_26, %add3A_134 : i32
      %run_scoped3A_136 = arith.constant 1 : i32
      "tpu.region"() ({
        %run_scoped3A_137 = tpu.sem_alloc : memref<!tpu.dma_semaphore, #tpu.memory_space<semaphore_mem>>
        %dma_start3A_138 = arith.constant 78 : i32
        %dma_start3A_139 = arith.constant 0 : i32
        %dma_start3A_140 = tpu.memref_slice %arg9[%dma_start3A_138, %dma_start3A_139] : memref<79x128xi32, #tpu.memory_space<vmem>> -> memref<1x128xi32, #tpu.memory_space<vmem>>
        %dma_start3A_141 = arith.constant 0 : i32
        %dma_start3A_142 = tpu.memref_slice %arg3[%run_scoped3A_136, %add3A_135, %dma_start3A_141] : memref<2x2500x128xi32, #tpu.memory_space<hbm>> -> memref<1x1x128xi32, #tpu.memory_space<hbm>>
        %dma_start3A_143 = tpu.memref_squeeze %dma_start3A_142 : memref<1x1x128xi32, #tpu.memory_space<hbm>> -> memref<1x128xi32, #tpu.memory_space<hbm>>
        %dma_start3A_144 = arith.constant 78 : i32
        %dma_start3A_145 = arith.constant 0 : i32
        %dma_start3A_146 = tpu.memref_slice %arg9[%dma_start3A_144, %dma_start3A_145] : memref<79x128xi32, #tpu.memory_space<vmem>> -> memref<1x128xi32, #tpu.memory_space<vmem>>
        %dma_start3A_147 = arith.constant 0 : i32
        %dma_start3A_148 = tpu.memref_slice %arg3[%run_scoped3A_136, %add3A_135, %dma_start3A_147] : memref<2x2500x128xi32, #tpu.memory_space<hbm>> -> memref<1x1x128xi32, #tpu.memory_space<hbm>>
        %dma_start3A_149 = tpu.memref_squeeze %dma_start3A_148 : memref<1x1x128xi32, #tpu.memory_space<hbm>> -> memref<1x128xi32, #tpu.memory_space<hbm>>
        tpu.enqueue_dma source(%dma_start3A_149 : memref<1x128xi32, #tpu.memory_space<hbm>>) target(%dma_start3A_146 : memref<1x128xi32, #tpu.memory_space<vmem>>) target_semaphore(%run_scoped3A_137 : memref<!tpu.dma_semaphore, #tpu.memory_space<semaphore_mem>>)
        %dma_wait3A_150 = arith.constant 78 : i32
        %dma_wait3A_151 = arith.constant 0 : i32
        %dma_wait3A_152 = tpu.memref_slice %arg9[%dma_wait3A_150, %dma_wait3A_151] : memref<79x128xi32, #tpu.memory_space<vmem>> -> memref<1x128xi32, #tpu.memory_space<vmem>>
        %dma_wait3A_153 = arith.constant 0 : i32
        %dma_wait3A_154 = tpu.memref_slice %arg3[%run_scoped3A_136, %add3A_135, %dma_wait3A_153] : memref<2x2500x128xi32, #tpu.memory_space<hbm>> -> memref<1x1x128xi32, #tpu.memory_space<hbm>>
        %dma_wait3A_155 = tpu.memref_squeeze %dma_wait3A_154 : memref<1x1x128xi32, #tpu.memory_space<hbm>> -> memref<1x128xi32, #tpu.memory_space<hbm>>
        %dma_wait3A_156 = arith.constant 78 : i32
        %dma_wait3A_157 = arith.constant 0 : i32
        %dma_wait3A_158 = tpu.memref_slice %arg9[%dma_wait3A_156, %dma_wait3A_157] : memref<79x128xi32, #tpu.memory_space<vmem>> -> memref<1x128xi32, #tpu.memory_space<vmem>>
        %dma_wait3A_159 = arith.constant 0 : i32
        %dma_wait3A_160 = tpu.memref_slice %arg3[%run_scoped3A_136, %add3A_135, %dma_wait3A_159] : memref<2x2500x128xi32, #tpu.memory_space<hbm>> -> memref<1x1x128xi32, #tpu.memory_space<hbm>>
        %dma_wait3A_161 = tpu.memref_squeeze %dma_wait3A_160 : memref<1x1x128xi32, #tpu.memory_space<hbm>> -> memref<1x128xi32, #tpu.memory_space<hbm>>
        tpu.wait_dma2 semaphore(%run_scoped3A_137 : memref<!tpu.dma_semaphore, #tpu.memory_space<semaphore_mem>>) src(%dma_wait3A_161 : memref<1x128xi32, #tpu.memory_space<hbm>>) dst(%dma_wait3A_158 : memref<1x128xi32, #tpu.memory_space<vmem>>)
        tpu.yield
      }) : () -> ()
    } else {
    }
    %dma_start3A = arith.constant 0 : i32
    %dma_start3A_31 = arith.constant 0 : i32
    %dma_start3A_32 = tpu.memref_slice %arg8[%dma_start3A, %dma_start3A_31] : memref<79x128xi32, #tpu.memory_space<vmem>> -> memref<1x128xi32, #tpu.memory_space<vmem>>
    %dma_start3A_33 = tpu.memref_squeeze %dma_start3A_32 : memref<1x128xi32, #tpu.memory_space<vmem>> -> memref<128xi32, #tpu.memory_space<vmem>>
    %dma_start3A_34 = arith.constant 0 : i32
    %dma_start3A_35 = arith.constant 0 : i32
    %dma_start3A_36 = tpu.memref_slice %arg2[%dma_start3A_34, %dma_start3A_35] : memref<10112x16xf32, #tpu.memory_space<hbm>> -> memref<10112x16xf32, #tpu.memory_space<hbm>>
    tpu.enqueue_indirect_dma source(%dma_start3A_36 : memref<10112x16xf32, #tpu.memory_space<hbm>>) target(%arg10 : memref<128x16xf32, #tpu.memory_space<vmem>>) offsets(%dma_start3A_33 : memref<128xi32, #tpu.memory_space<vmem>>) semaphore(%arg18 : memref<!tpu.dma_semaphore, #tpu.memory_space<semaphore_mem>>)
    %dma_start3A_37 = arith.constant 1 : i32
    %dma_start3A_38 = arith.constant 0 : i32
    %dma_start3A_39 = tpu.memref_slice %arg8[%dma_start3A_37, %dma_start3A_38] : memref<79x128xi32, #tpu.memory_space<vmem>> -> memref<1x128xi32, #tpu.memory_space<vmem>>
    %dma_start3A_40 = tpu.memref_squeeze %dma_start3A_39 : memref<1x128xi32, #tpu.memory_space<vmem>> -> memref<128xi32, #tpu.memory_space<vmem>>
    %dma_start3A_41 = arith.constant 0 : i32
    %dma_start3A_42 = arith.constant 0 : i32
    %dma_start3A_43 = tpu.memref_slice %arg2[%dma_start3A_41, %dma_start3A_42] : memref<10112x16xf32, #tpu.memory_space<hbm>> -> memref<10112x16xf32, #tpu.memory_space<hbm>>
    tpu.enqueue_indirect_dma source(%dma_start3A_43 : memref<10112x16xf32, #tpu.memory_space<hbm>>) target(%arg11 : memref<128x16xf32, #tpu.memory_space<vmem>>) offsets(%dma_start3A_40 : memref<128xi32, #tpu.memory_space<vmem>>) semaphore(%arg19 : memref<!tpu.dma_semaphore, #tpu.memory_space<semaphore_mem>>)
    %dma_start3A_44 = arith.constant 2 : i32
    %dma_start3A_45 = arith.constant 0 : i32
    %dma_start3A_46 = tpu.memref_slice %arg8[%dma_start3A_44, %dma_start3A_45] : memref<79x128xi32, #tpu.memory_space<vmem>> -> memref<1x128xi32, #tpu.memory_space<vmem>>
    %dma_start3A_47 = tpu.memref_squeeze %dma_start3A_46 : memref<1x128xi32, #tpu.memory_space<vmem>> -> memref<128xi32, #tpu.memory_space<vmem>>
    %dma_start3A_48 = arith.constant 0 : i32
    %dma_start3A_49 = arith.constant 0 : i32
    %dma_start3A_50 = tpu.memref_slice %arg2[%dma_start3A_48, %dma_start3A_49] : memref<10112x16xf32, #tpu.memory_space<hbm>> -> memref<10112x16xf32, #tpu.memory_space<hbm>>
    tpu.enqueue_indirect_dma source(%dma_start3A_50 : memref<10112x16xf32, #tpu.memory_space<hbm>>) target(%arg12 : memref<128x16xf32, #tpu.memory_space<vmem>>) offsets(%dma_start3A_47 : memref<128xi32, #tpu.memory_space<vmem>>) semaphore(%arg20 : memref<!tpu.dma_semaphore, #tpu.memory_space<semaphore_mem>>)
    %dma_start3A_51 = arith.constant 3 : i32
    %dma_start3A_52 = arith.constant 0 : i32
    %dma_start3A_53 = tpu.memref_slice %arg8[%dma_start3A_51, %dma_start3A_52] : memref<79x128xi32, #tpu.memory_space<vmem>> -> memref<1x128xi32, #tpu.memory_space<vmem>>
    %dma_start3A_54 = tpu.memref_squeeze %dma_start3A_53 : memref<1x128xi32, #tpu.memory_space<vmem>> -> memref<128xi32, #tpu.memory_space<vmem>>
    %dma_start3A_55 = arith.constant 0 : i32
    %dma_start3A_56 = arith.constant 0 : i32
    %dma_start3A_57 = tpu.memref_slice %arg2[%dma_start3A_55, %dma_start3A_56] : memref<10112x16xf32, #tpu.memory_space<hbm>> -> memref<10112x16xf32, #tpu.memory_space<hbm>>
    tpu.enqueue_indirect_dma source(%dma_start3A_57 : memref<10112x16xf32, #tpu.memory_space<hbm>>) target(%arg13 : memref<128x16xf32, #tpu.memory_space<vmem>>) offsets(%dma_start3A_54 : memref<128xi32, #tpu.memory_space<vmem>>) semaphore(%arg21 : memref<!tpu.dma_semaphore, #tpu.memory_space<semaphore_mem>>)
    %dma_start3A_58 = arith.constant 4 : i32
    %dma_start3A_59 = arith.constant 0 : i32
    %dma_start3A_60 = tpu.memref_slice %arg8[%dma_start3A_58, %dma_start3A_59] : memref<79x128xi32, #tpu.memory_space<vmem>> -> memref<1x128xi32, #tpu.memory_space<vmem>>
    %dma_start3A_61 = tpu.memref_squeeze %dma_start3A_60 : memref<1x128xi32, #tpu.memory_space<vmem>> -> memref<128xi32, #tpu.memory_space<vmem>>
    %dma_start3A_62 = arith.constant 0 : i32
    %dma_start3A_63 = arith.constant 0 : i32
    %dma_start3A_64 = tpu.memref_slice %arg2[%dma_start3A_62, %dma_start3A_63] : memref<10112x16xf32, #tpu.memory_space<hbm>> -> memref<10112x16xf32, #tpu.memory_space<hbm>>
    tpu.enqueue_indirect_dma source(%dma_start3A_64 : memref<10112x16xf32, #tpu.memory_space<hbm>>) target(%arg14 : memref<128x16xf32, #tpu.memory_space<vmem>>) offsets(%dma_start3A_61 : memref<128xi32, #tpu.memory_space<vmem>>) semaphore(%arg22 : memref<!tpu.dma_semaphore, #tpu.memory_space<semaphore_mem>>)
    %while3A = arith.constant 0 : i32
    %while3A_65 = arith.constant 0 : i32
    %while3A_66 = arith.subi %add3A_22, %while3A_65 : i32
    %while3A_67 = arith.addi %while3A_65, %while3A_66 : i32
    %while3A_68 = arith.constant 1 : i32
    %while3A_69 = arith.divsi %while3A_66, %while3A_68 : i32
    %while3A_70 = arith.muli %while3A_69, %while3A_68 : i32
    %while3A_71 = arith.addi %while3A_65, %while3A_70 : i32
    %while3A_72 = arith.constant 1 : i32
    scf.for %while3A_131 = %while3A_65 to %while3A_71 step %while3A_72  : i32 {
      %rem3A = arith.constant 6 : i32
      %rem3A_132 = arith.remsi %while3A_131, %rem3A : i32
      %clamp3A = arith.constant 0 : i32
      %clamp3A_133 = arith.constant 5 : i32
      %clamp3A_134 = arith.maxsi %rem3A_132, %clamp3A : i32
      %clamp3A_135 = arith.minsi %clamp3A_134, %clamp3A_133 : i32
      %cond3A_136 = arith.constant 0 : i32
      %cond3A_137 = arith.constant 0 : i32
      %cond3A_138 = arith.cmpi ne, %clamp3A_135, %cond3A_137 : i32
      %cond3A_139 = scf.if %cond3A_138 -> (i32) {
        %cond3A_140 = arith.constant 1 : i32
        %cond3A_141 = arith.subi %clamp3A_135, %cond3A_140 : i32
        %cond3A_142 = arith.constant 0 : i32
        %cond3A_143 = arith.cmpi ne, %cond3A_141, %cond3A_142 : i32
        %cond3A_144 = scf.if %cond3A_143 -> (i32) {
          %cond3A_145 = arith.constant 1 : i32
          %cond3A_146 = arith.subi %cond3A_141, %cond3A_145 : i32
          %cond3A_147 = arith.constant 0 : i32
          %cond3A_148 = arith.cmpi ne, %cond3A_146, %cond3A_147 : i32
          %cond3A_149 = scf.if %cond3A_148 -> (i32) {
            %cond3A_150 = arith.constant 1 : i32
            %cond3A_151 = arith.subi %cond3A_146, %cond3A_150 : i32
            %cond3A_152 = arith.constant 0 : i32
            %cond3A_153 = arith.cmpi ne, %cond3A_151, %cond3A_152 : i32
            %cond3A_154 = scf.if %cond3A_153 -> (i32) {
              %cond3A_155 = arith.constant 1 : i32
              %cond3A_156 = arith.subi %cond3A_151, %cond3A_155 : i32
              %cond3A_157 = arith.constant 0 : i32
              %cond3A_158 = arith.cmpi ne, %cond3A_156, %cond3A_157 : i32
              %cond3A_159 = scf.if %cond3A_158 -> (i32) {
                %dma_wait3A_160 = arith.constant 0 : i32
                %dma_wait3A_161 = tpu.memref_slice %arg8[%while3A_131, %dma_wait3A_160] : memref<79x128xi32, #tpu.memory_space<vmem>> -> memref<1x128xi32, #tpu.memory_space<vmem>>
                %dma_wait3A_162 = tpu.memref_squeeze %dma_wait3A_161 : memref<1x128xi32, #tpu.memory_space<vmem>> -> memref<128xi32, #tpu.memory_space<vmem>>
                %dma_wait3A_163 = arith.constant 0 : i32
                %dma_wait3A_164 = arith.constant 0 : i32
                %dma_wait3A_165 = tpu.memref_slice %arg2[%dma_wait3A_163, %dma_wait3A_164] : memref<10112x16xf32, #tpu.memory_space<hbm>> -> memref<10112x16xf32, #tpu.memory_space<hbm>>
                tpu.wait_indirect_dma semaphore(%arg23 : memref<!tpu.dma_semaphore, #tpu.memory_space<semaphore_mem>>) src(%dma_wait3A_165 : memref<10112x16xf32, #tpu.memory_space<hbm>>) dst(%arg15 : memref<128x16xf32, #tpu.memory_space<vmem>>)
                %dma_start3A_166 = arith.constant 0 : i32
                %dma_start3A_167 = tpu.memref_slice %arg9[%while3A_131, %dma_start3A_166] : memref<79x128xi32, #tpu.memory_space<vmem>> -> memref<1x128xi32, #tpu.memory_space<vmem>>
                %dma_start3A_168 = tpu.memref_squeeze %dma_start3A_167 : memref<1x128xi32, #tpu.memory_space<vmem>> -> memref<128xi32, #tpu.memory_space<vmem>>
                %dma_start3A_169 = arith.constant 0 : i32
                %dma_start3A_170 = arith.constant 0 : i32
                %dma_start3A_171 = tpu.memref_slice %arg6[%dma_start3A_169, %dma_start3A_170] : memref<10112x16xf32, #tpu.memory_space<vmem_shared>> -> memref<10112x16xf32, #tpu.memory_space<vmem_shared>>
                tpu.enqueue_indirect_dma source(%arg15 : memref<128x16xf32, #tpu.memory_space<vmem>>) target(%dma_start3A_171 : memref<10112x16xf32, #tpu.memory_space<vmem_shared>>) offsets(%dma_start3A_168 : memref<128xi32, #tpu.memory_space<vmem>>) semaphore(%arg29 : memref<!tpu.dma_semaphore, #tpu.memory_space<semaphore_mem>>) {add = true}
                %dma_start3A_172 = arith.constant 0 : i32
                %dma_start3A_173 = tpu.memref_slice %arg9[%while3A_131, %dma_start3A_172] : memref<79x128xi32, #tpu.memory_space<vmem>> -> memref<1x128xi32, #tpu.memory_space<vmem>>
                %dma_start3A_174 = tpu.memref_squeeze %dma_start3A_173 : memref<1x128xi32, #tpu.memory_space<vmem>> -> memref<128xi32, #tpu.memory_space<vmem>>
                %dma_start3A_175 = arith.constant 0 : i32
                %dma_start3A_176 = arith.constant 0 : i32
                %dma_start3A_177 = tpu.memref_slice %arg7[%dma_start3A_175, %dma_start3A_176] : memref<10112x16xf32, #tpu.memory_space<vmem_shared>> -> memref<10112x16xf32, #tpu.memory_space<vmem_shared>>
                tpu.enqueue_indirect_dma source(%arg16 : memref<128x16xf32, #tpu.memory_space<vmem>>) target(%dma_start3A_177 : memref<10112x16xf32, #tpu.memory_space<vmem_shared>>) offsets(%dma_start3A_174 : memref<128xi32, #tpu.memory_space<vmem>>) semaphore(%arg30 : memref<!tpu.dma_semaphore, #tpu.memory_space<semaphore_mem>>) {add = true}
                %ge3A = arith.constant 1 : i32
                %ge3A_178 = arith.cmpi sge, %while3A_131, %ge3A : i32
                %convert_element_type3A_179 = arith.extui %ge3A_178 : i1 to i32
                %cond3A_180 = arith.constant 0 : i32
                %cond3A_181 = arith.cmpi ne, %convert_element_type3A_179, %cond3A_180 : i32
                scf.if %cond3A_181 {
                  %dma_wait3A_189 = arith.constant 0 : i32
                  %dma_wait3A_190 = arith.constant 0 : i32
                  %dma_wait3A_191 = tpu.memref_slice %arg9[%dma_wait3A_189, %dma_wait3A_190] : memref<79x128xi32, #tpu.memory_space<vmem>> -> memref<1x128xi32, #tpu.memory_space<vmem>>
                  %dma_wait3A_192 = tpu.memref_squeeze %dma_wait3A_191 : memref<1x128xi32, #tpu.memory_space<vmem>> -> memref<128xi32, #tpu.memory_space<vmem>>
                  %dma_wait3A_193 = arith.constant 0 : i32
                  %dma_wait3A_194 = arith.constant 0 : i32
                  %dma_wait3A_195 = tpu.memref_slice %arg7[%dma_wait3A_193, %dma_wait3A_194] : memref<10112x16xf32, #tpu.memory_space<vmem_shared>> -> memref<10112x16xf32, #tpu.memory_space<vmem_shared>>
                  tpu.wait_indirect_dma semaphore(%arg30 : memref<!tpu.dma_semaphore, #tpu.memory_space<semaphore_mem>>) src(%arg16 : memref<128x16xf32, #tpu.memory_space<vmem>>) dst(%dma_wait3A_195 : memref<10112x16xf32, #tpu.memory_space<vmem_shared>>)
                } else {
                }
                %add3A_182 = arith.constant 5 : i32
                %add3A_183 = arith.addi %while3A_131, %add3A_182 : i32
                %lt3A_184 = arith.cmpi slt, %add3A_183, %add3A_22 : i32
                %convert_element_type3A_185 = arith.extui %lt3A_184 : i1 to i32
                %cond3A_186 = arith.constant 0 : i32
                %cond3A_187 = arith.cmpi ne, %convert_element_type3A_185, %cond3A_186 : i32
                scf.if %cond3A_187 {
                  %ge3A_189 = arith.constant 1 : i32
                  %ge3A_190 = arith.cmpi sge, %while3A_131, %ge3A_189 : i32
                  %convert_element_type3A_191 = arith.extui %ge3A_190 : i1 to i32
                  %cond3A_192 = arith.constant 0 : i32
                  %cond3A_193 = arith.cmpi ne, %convert_element_type3A_191, %cond3A_192 : i32
                  scf.if %cond3A_193 {
                    %dma_wait3A_202 = arith.constant 0 : i32
                    %dma_wait3A_203 = arith.constant 0 : i32
                    %dma_wait3A_204 = tpu.memref_slice %arg9[%dma_wait3A_202, %dma_wait3A_203] : memref<79x128xi32, #tpu.memory_space<vmem>> -> memref<1x128xi32, #tpu.memory_space<vmem>>
                    %dma_wait3A_205 = tpu.memref_squeeze %dma_wait3A_204 : memref<1x128xi32, #tpu.memory_space<vmem>> -> memref<128xi32, #tpu.memory_space<vmem>>
                    %dma_wait3A_206 = arith.constant 0 : i32
                    %dma_wait3A_207 = arith.constant 0 : i32
                    %dma_wait3A_208 = tpu.memref_slice %arg6[%dma_wait3A_206, %dma_wait3A_207] : memref<10112x16xf32, #tpu.memory_space<vmem_shared>> -> memref<10112x16xf32, #tpu.memory_space<vmem_shared>>
                    tpu.wait_indirect_dma semaphore(%arg28 : memref<!tpu.dma_semaphore, #tpu.memory_space<semaphore_mem>>) src(%arg14 : memref<128x16xf32, #tpu.memory_space<vmem>>) dst(%dma_wait3A_208 : memref<10112x16xf32, #tpu.memory_space<vmem_shared>>)
                  } else {
                  }
                  %add3A_194 = arith.constant 5 : i32
                  %add3A_195 = arith.addi %while3A_131, %add3A_194 : i32
                  %dma_start3A_196 = arith.constant 0 : i32
                  %dma_start3A_197 = tpu.memref_slice %arg8[%add3A_195, %dma_start3A_196] : memref<79x128xi32, #tpu.memory_space<vmem>> -> memref<1x128xi32, #tpu.memory_space<vmem>>
                  %dma_start3A_198 = tpu.memref_squeeze %dma_start3A_197 : memref<1x128xi32, #tpu.memory_space<vmem>> -> memref<128xi32, #tpu.memory_space<vmem>>
                  %dma_start3A_199 = arith.constant 0 : i32
                  %dma_start3A_200 = arith.constant 0 : i32
                  %dma_start3A_201 = tpu.memref_slice %arg2[%dma_start3A_199, %dma_start3A_200] : memref<10112x16xf32, #tpu.memory_space<hbm>> -> memref<10112x16xf32, #tpu.memory_space<hbm>>
                  tpu.enqueue_indirect_dma source(%dma_start3A_201 : memref<10112x16xf32, #tpu.memory_space<hbm>>) target(%arg14 : memref<128x16xf32, #tpu.memory_space<vmem>>) offsets(%dma_start3A_198 : memref<128xi32, #tpu.memory_space<vmem>>) semaphore(%arg22 : memref<!tpu.dma_semaphore, #tpu.memory_space<semaphore_mem>>)
                } else {
                }
                %cond3A_188 = arith.constant 0 : i32
                scf.yield %cond3A_188 : i32
              } else {
                %dma_wait3A_160 = arith.constant 0 : i32
                %dma_wait3A_161 = tpu.memref_slice %arg8[%while3A_131, %dma_wait3A_160] : memref<79x128xi32, #tpu.memory_space<vmem>> -> memref<1x128xi32, #tpu.memory_space<vmem>>
                %dma_wait3A_162 = tpu.memref_squeeze %dma_wait3A_161 : memref<1x128xi32, #tpu.memory_space<vmem>> -> memref<128xi32, #tpu.memory_space<vmem>>
                %dma_wait3A_163 = arith.constant 0 : i32
                %dma_wait3A_164 = arith.constant 0 : i32
                %dma_wait3A_165 = tpu.memref_slice %arg2[%dma_wait3A_163, %dma_wait3A_164] : memref<10112x16xf32, #tpu.memory_space<hbm>> -> memref<10112x16xf32, #tpu.memory_space<hbm>>
                tpu.wait_indirect_dma semaphore(%arg22 : memref<!tpu.dma_semaphore, #tpu.memory_space<semaphore_mem>>) src(%dma_wait3A_165 : memref<10112x16xf32, #tpu.memory_space<hbm>>) dst(%arg14 : memref<128x16xf32, #tpu.memory_space<vmem>>)
                %dma_start3A_166 = arith.constant 0 : i32
                %dma_start3A_167 = tpu.memref_slice %arg9[%while3A_131, %dma_start3A_166] : memref<79x128xi32, #tpu.memory_space<vmem>> -> memref<1x128xi32, #tpu.memory_space<vmem>>
                %dma_start3A_168 = tpu.memref_squeeze %dma_start3A_167 : memref<1x128xi32, #tpu.memory_space<vmem>> -> memref<128xi32, #tpu.memory_space<vmem>>
                %dma_start3A_169 = arith.constant 0 : i32
                %dma_start3A_170 = arith.constant 0 : i32
                %dma_start3A_171 = tpu.memref_slice %arg6[%dma_start3A_169, %dma_start3A_170] : memref<10112x16xf32, #tpu.memory_space<vmem_shared>> -> memref<10112x16xf32, #tpu.memory_space<vmem_shared>>
                tpu.enqueue_indirect_dma source(%arg14 : memref<128x16xf32, #tpu.memory_space<vmem>>) target(%dma_start3A_171 : memref<10112x16xf32, #tpu.memory_space<vmem_shared>>) offsets(%dma_start3A_168 : memref<128xi32, #tpu.memory_space<vmem>>) semaphore(%arg28 : memref<!tpu.dma_semaphore, #tpu.memory_space<semaphore_mem>>) {add = true}
                %dma_start3A_172 = arith.constant 0 : i32
                %dma_start3A_173 = tpu.memref_slice %arg9[%while3A_131, %dma_start3A_172] : memref<79x128xi32, #tpu.memory_space<vmem>> -> memref<1x128xi32, #tpu.memory_space<vmem>>
                %dma_start3A_174 = tpu.memref_squeeze %dma_start3A_173 : memref<1x128xi32, #tpu.memory_space<vmem>> -> memref<128xi32, #tpu.memory_space<vmem>>
                %dma_start3A_175 = arith.constant 0 : i32
                %dma_start3A_176 = arith.constant 0 : i32
                %dma_start3A_177 = tpu.memref_slice %arg7[%dma_start3A_175, %dma_start3A_176] : memref<10112x16xf32, #tpu.memory_space<vmem_shared>> -> memref<10112x16xf32, #tpu.memory_space<vmem_shared>>
                tpu.enqueue_indirect_dma source(%arg16 : memref<128x16xf32, #tpu.memory_space<vmem>>) target(%dma_start3A_177 : memref<10112x16xf32, #tpu.memory_space<vmem_shared>>) offsets(%dma_start3A_174 : memref<128xi32, #tpu.memory_space<vmem>>) semaphore(%arg30 : memref<!tpu.dma_semaphore, #tpu.memory_space<semaphore_mem>>) {add = true}
                %ge3A = arith.constant 1 : i32
                %ge3A_178 = arith.cmpi sge, %while3A_131, %ge3A : i32
                %convert_element_type3A_179 = arith.extui %ge3A_178 : i1 to i32
                %cond3A_180 = arith.constant 0 : i32
                %cond3A_181 = arith.cmpi ne, %convert_element_type3A_179, %cond3A_180 : i32
                scf.if %cond3A_181 {
                  %dma_wait3A_189 = arith.constant 0 : i32
                  %dma_wait3A_190 = arith.constant 0 : i32
                  %dma_wait3A_191 = tpu.memref_slice %arg9[%dma_wait3A_189, %dma_wait3A_190] : memref<79x128xi32, #tpu.memory_space<vmem>> -> memref<1x128xi32, #tpu.memory_space<vmem>>
                  %dma_wait3A_192 = tpu.memref_squeeze %dma_wait3A_191 : memref<1x128xi32, #tpu.memory_space<vmem>> -> memref<128xi32, #tpu.memory_space<vmem>>
                  %dma_wait3A_193 = arith.constant 0 : i32
                  %dma_wait3A_194 = arith.constant 0 : i32
                  %dma_wait3A_195 = tpu.memref_slice %arg7[%dma_wait3A_193, %dma_wait3A_194] : memref<10112x16xf32, #tpu.memory_space<vmem_shared>> -> memref<10112x16xf32, #tpu.memory_space<vmem_shared>>
                  tpu.wait_indirect_dma semaphore(%arg30 : memref<!tpu.dma_semaphore, #tpu.memory_space<semaphore_mem>>) src(%arg16 : memref<128x16xf32, #tpu.memory_space<vmem>>) dst(%dma_wait3A_195 : memref<10112x16xf32, #tpu.memory_space<vmem_shared>>)
                } else {
                }
                %add3A_182 = arith.constant 5 : i32
                %add3A_183 = arith.addi %while3A_131, %add3A_182 : i32
                %lt3A_184 = arith.cmpi slt, %add3A_183, %add3A_22 : i32
                %convert_element_type3A_185 = arith.extui %lt3A_184 : i1 to i32
                %cond3A_186 = arith.constant 0 : i32
                %cond3A_187 = arith.cmpi ne, %convert_element_type3A_185, %cond3A_186 : i32
                scf.if %cond3A_187 {
                  %ge3A_189 = arith.constant 1 : i32
                  %ge3A_190 = arith.cmpi sge, %while3A_131, %ge3A_189 : i32
                  %convert_element_type3A_191 = arith.extui %ge3A_190 : i1 to i32
                  %cond3A_192 = arith.constant 0 : i32
                  %cond3A_193 = arith.cmpi ne, %convert_element_type3A_191, %cond3A_192 : i32
                  scf.if %cond3A_193 {
                    %dma_wait3A_202 = arith.constant 0 : i32
                    %dma_wait3A_203 = arith.constant 0 : i32
                    %dma_wait3A_204 = tpu.memref_slice %arg9[%dma_wait3A_202, %dma_wait3A_203] : memref<79x128xi32, #tpu.memory_space<vmem>> -> memref<1x128xi32, #tpu.memory_space<vmem>>
                    %dma_wait3A_205 = tpu.memref_squeeze %dma_wait3A_204 : memref<1x128xi32, #tpu.memory_space<vmem>> -> memref<128xi32, #tpu.memory_space<vmem>>
                    %dma_wait3A_206 = arith.constant 0 : i32
                    %dma_wait3A_207 = arith.constant 0 : i32
                    %dma_wait3A_208 = tpu.memref_slice %arg6[%dma_wait3A_206, %dma_wait3A_207] : memref<10112x16xf32, #tpu.memory_space<vmem_shared>> -> memref<10112x16xf32, #tpu.memory_space<vmem_shared>>
                    tpu.wait_indirect_dma semaphore(%arg27 : memref<!tpu.dma_semaphore, #tpu.memory_space<semaphore_mem>>) src(%arg13 : memref<128x16xf32, #tpu.memory_space<vmem>>) dst(%dma_wait3A_208 : memref<10112x16xf32, #tpu.memory_space<vmem_shared>>)
                  } else {
                  }
                  %add3A_194 = arith.constant 5 : i32
                  %add3A_195 = arith.addi %while3A_131, %add3A_194 : i32
                  %dma_start3A_196 = arith.constant 0 : i32
                  %dma_start3A_197 = tpu.memref_slice %arg8[%add3A_195, %dma_start3A_196] : memref<79x128xi32, #tpu.memory_space<vmem>> -> memref<1x128xi32, #tpu.memory_space<vmem>>
                  %dma_start3A_198 = tpu.memref_squeeze %dma_start3A_197 : memref<1x128xi32, #tpu.memory_space<vmem>> -> memref<128xi32, #tpu.memory_space<vmem>>
                  %dma_start3A_199 = arith.constant 0 : i32
                  %dma_start3A_200 = arith.constant 0 : i32
                  %dma_start3A_201 = tpu.memref_slice %arg2[%dma_start3A_199, %dma_start3A_200] : memref<10112x16xf32, #tpu.memory_space<hbm>> -> memref<10112x16xf32, #tpu.memory_space<hbm>>
                  tpu.enqueue_indirect_dma source(%dma_start3A_201 : memref<10112x16xf32, #tpu.memory_space<hbm>>) target(%arg13 : memref<128x16xf32, #tpu.memory_space<vmem>>) offsets(%dma_start3A_198 : memref<128xi32, #tpu.memory_space<vmem>>) semaphore(%arg21 : memref<!tpu.dma_semaphore, #tpu.memory_space<semaphore_mem>>)
                } else {
                }
                %cond3A_188 = arith.constant 0 : i32
                scf.yield %cond3A_188 : i32
              }
              scf.yield %cond3A_159 : i32
            } else {
              %dma_wait3A_155 = arith.constant 0 : i32
              %dma_wait3A_156 = tpu.memref_slice %arg8[%while3A_131, %dma_wait3A_155] : memref<79x128xi32, #tpu.memory_space<vmem>> -> memref<1x128xi32, #tpu.memory_space<vmem>>
              %dma_wait3A_157 = tpu.memref_squeeze %dma_wait3A_156 : memref<1x128xi32, #tpu.memory_space<vmem>> -> memref<128xi32, #tpu.memory_space<vmem>>
              %dma_wait3A_158 = arith.constant 0 : i32
              %dma_wait3A_159 = arith.constant 0 : i32
              %dma_wait3A_160 = tpu.memref_slice %arg2[%dma_wait3A_158, %dma_wait3A_159] : memref<10112x16xf32, #tpu.memory_space<hbm>> -> memref<10112x16xf32, #tpu.memory_space<hbm>>
              tpu.wait_indirect_dma semaphore(%arg21 : memref<!tpu.dma_semaphore, #tpu.memory_space<semaphore_mem>>) src(%dma_wait3A_160 : memref<10112x16xf32, #tpu.memory_space<hbm>>) dst(%arg13 : memref<128x16xf32, #tpu.memory_space<vmem>>)
              %dma_start3A_161 = arith.constant 0 : i32
              %dma_start3A_162 = tpu.memref_slice %arg9[%while3A_131, %dma_start3A_161] : memref<79x128xi32, #tpu.memory_space<vmem>> -> memref<1x128xi32, #tpu.memory_space<vmem>>
              %dma_start3A_163 = tpu.memref_squeeze %dma_start3A_162 : memref<1x128xi32, #tpu.memory_space<vmem>> -> memref<128xi32, #tpu.memory_space<vmem>>
              %dma_start3A_164 = arith.constant 0 : i32
              %dma_start3A_165 = arith.constant 0 : i32
              %dma_start3A_166 = tpu.memref_slice %arg6[%dma_start3A_164, %dma_start3A_165] : memref<10112x16xf32, #tpu.memory_space<vmem_shared>> -> memref<10112x16xf32, #tpu.memory_space<vmem_shared>>
              tpu.enqueue_indirect_dma source(%arg13 : memref<128x16xf32, #tpu.memory_space<vmem>>) target(%dma_start3A_166 : memref<10112x16xf32, #tpu.memory_space<vmem_shared>>) offsets(%dma_start3A_163 : memref<128xi32, #tpu.memory_space<vmem>>) semaphore(%arg27 : memref<!tpu.dma_semaphore, #tpu.memory_space<semaphore_mem>>) {add = true}
              %dma_start3A_167 = arith.constant 0 : i32
              %dma_start3A_168 = tpu.memref_slice %arg9[%while3A_131, %dma_start3A_167] : memref<79x128xi32, #tpu.memory_space<vmem>> -> memref<1x128xi32, #tpu.memory_space<vmem>>
              %dma_start3A_169 = tpu.memref_squeeze %dma_start3A_168 : memref<1x128xi32, #tpu.memory_space<vmem>> -> memref<128xi32, #tpu.memory_space<vmem>>
              %dma_start3A_170 = arith.constant 0 : i32
              %dma_start3A_171 = arith.constant 0 : i32
              %dma_start3A_172 = tpu.memref_slice %arg7[%dma_start3A_170, %dma_start3A_171] : memref<10112x16xf32, #tpu.memory_space<vmem_shared>> -> memref<10112x16xf32, #tpu.memory_space<vmem_shared>>
              tpu.enqueue_indirect_dma source(%arg16 : memref<128x16xf32, #tpu.memory_space<vmem>>) target(%dma_start3A_172 : memref<10112x16xf32, #tpu.memory_space<vmem_shared>>) offsets(%dma_start3A_169 : memref<128xi32, #tpu.memory_space<vmem>>) semaphore(%arg30 : memref<!tpu.dma_semaphore, #tpu.memory_space<semaphore_mem>>) {add = true}
              %ge3A = arith.constant 1 : i32
              %ge3A_173 = arith.cmpi sge, %while3A_131, %ge3A : i32
              %convert_element_type3A_174 = arith.extui %ge3A_173 : i1 to i32
              %cond3A_175 = arith.constant 0 : i32
              %cond3A_176 = arith.cmpi ne, %convert_element_type3A_174, %cond3A_175 : i32
              scf.if %cond3A_176 {
                %dma_wait3A_184 = arith.constant 0 : i32
                %dma_wait3A_185 = arith.constant 0 : i32
                %dma_wait3A_186 = tpu.memref_slice %arg9[%dma_wait3A_184, %dma_wait3A_185] : memref<79x128xi32, #tpu.memory_space<vmem>> -> memref<1x128xi32, #tpu.memory_space<vmem>>
                %dma_wait3A_187 = tpu.memref_squeeze %dma_wait3A_186 : memref<1x128xi32, #tpu.memory_space<vmem>> -> memref<128xi32, #tpu.memory_space<vmem>>
                %dma_wait3A_188 = arith.constant 0 : i32
                %dma_wait3A_189 = arith.constant 0 : i32
                %dma_wait3A_190 = tpu.memref_slice %arg7[%dma_wait3A_188, %dma_wait3A_189] : memref<10112x16xf32, #tpu.memory_space<vmem_shared>> -> memref<10112x16xf32, #tpu.memory_space<vmem_shared>>
                tpu.wait_indirect_dma semaphore(%arg30 : memref<!tpu.dma_semaphore, #tpu.memory_space<semaphore_mem>>) src(%arg16 : memref<128x16xf32, #tpu.memory_space<vmem>>) dst(%dma_wait3A_190 : memref<10112x16xf32, #tpu.memory_space<vmem_shared>>)
              } else {
              }
              %add3A_177 = arith.constant 5 : i32
              %add3A_178 = arith.addi %while3A_131, %add3A_177 : i32
              %lt3A_179 = arith.cmpi slt, %add3A_178, %add3A_22 : i32
              %convert_element_type3A_180 = arith.extui %lt3A_179 : i1 to i32
              %cond3A_181 = arith.constant 0 : i32
              %cond3A_182 = arith.cmpi ne, %convert_element_type3A_180, %cond3A_181 : i32
              scf.if %cond3A_182 {
                %ge3A_184 = arith.constant 1 : i32
                %ge3A_185 = arith.cmpi sge, %while3A_131, %ge3A_184 : i32
                %convert_element_type3A_186 = arith.extui %ge3A_185 : i1 to i32
                %cond3A_187 = arith.constant 0 : i32
                %cond3A_188 = arith.cmpi ne, %convert_element_type3A_186, %cond3A_187 : i32
                scf.if %cond3A_188 {
                  %dma_wait3A_197 = arith.constant 0 : i32
                  %dma_wait3A_198 = arith.constant 0 : i32
                  %dma_wait3A_199 = tpu.memref_slice %arg9[%dma_wait3A_197, %dma_wait3A_198] : memref<79x128xi32, #tpu.memory_space<vmem>> -> memref<1x128xi32, #tpu.memory_space<vmem>>
                  %dma_wait3A_200 = tpu.memref_squeeze %dma_wait3A_199 : memref<1x128xi32, #tpu.memory_space<vmem>> -> memref<128xi32, #tpu.memory_space<vmem>>
                  %dma_wait3A_201 = arith.constant 0 : i32
                  %dma_wait3A_202 = arith.constant 0 : i32
                  %dma_wait3A_203 = tpu.memref_slice %arg6[%dma_wait3A_201, %dma_wait3A_202] : memref<10112x16xf32, #tpu.memory_space<vmem_shared>> -> memref<10112x16xf32, #tpu.memory_space<vmem_shared>>
                  tpu.wait_indirect_dma semaphore(%arg26 : memref<!tpu.dma_semaphore, #tpu.memory_space<semaphore_mem>>) src(%arg12 : memref<128x16xf32, #tpu.memory_space<vmem>>) dst(%dma_wait3A_203 : memref<10112x16xf32, #tpu.memory_space<vmem_shared>>)
                } else {
                }
                %add3A_189 = arith.constant 5 : i32
                %add3A_190 = arith.addi %while3A_131, %add3A_189 : i32
                %dma_start3A_191 = arith.constant 0 : i32
                %dma_start3A_192 = tpu.memref_slice %arg8[%add3A_190, %dma_start3A_191] : memref<79x128xi32, #tpu.memory_space<vmem>> -> memref<1x128xi32, #tpu.memory_space<vmem>>
                %dma_start3A_193 = tpu.memref_squeeze %dma_start3A_192 : memref<1x128xi32, #tpu.memory_space<vmem>> -> memref<128xi32, #tpu.memory_space<vmem>>
                %dma_start3A_194 = arith.constant 0 : i32
                %dma_start3A_195 = arith.constant 0 : i32
                %dma_start3A_196 = tpu.memref_slice %arg2[%dma_start3A_194, %dma_start3A_195] : memref<10112x16xf32, #tpu.memory_space<hbm>> -> memref<10112x16xf32, #tpu.memory_space<hbm>>
                tpu.enqueue_indirect_dma source(%dma_start3A_196 : memref<10112x16xf32, #tpu.memory_space<hbm>>) target(%arg12 : memref<128x16xf32, #tpu.memory_space<vmem>>) offsets(%dma_start3A_193 : memref<128xi32, #tpu.memory_space<vmem>>) semaphore(%arg20 : memref<!tpu.dma_semaphore, #tpu.memory_space<semaphore_mem>>)
              } else {
              }
              %cond3A_183 = arith.constant 0 : i32
              scf.yield %cond3A_183 : i32
            }
            scf.yield %cond3A_154 : i32
          } else {
            %dma_wait3A_150 = arith.constant 0 : i32
            %dma_wait3A_151 = tpu.memref_slice %arg8[%while3A_131, %dma_wait3A_150] : memref<79x128xi32, #tpu.memory_space<vmem>> -> memref<1x128xi32, #tpu.memory_space<vmem>>
            %dma_wait3A_152 = tpu.memref_squeeze %dma_wait3A_151 : memref<1x128xi32, #tpu.memory_space<vmem>> -> memref<128xi32, #tpu.memory_space<vmem>>
            %dma_wait3A_153 = arith.constant 0 : i32
            %dma_wait3A_154 = arith.constant 0 : i32
            %dma_wait3A_155 = tpu.memref_slice %arg2[%dma_wait3A_153, %dma_wait3A_154] : memref<10112x16xf32, #tpu.memory_space<hbm>> -> memref<10112x16xf32, #tpu.memory_space<hbm>>
            tpu.wait_indirect_dma semaphore(%arg20 : memref<!tpu.dma_semaphore, #tpu.memory_space<semaphore_mem>>) src(%dma_wait3A_155 : memref<10112x16xf32, #tpu.memory_space<hbm>>) dst(%arg12 : memref<128x16xf32, #tpu.memory_space<vmem>>)
            %dma_start3A_156 = arith.constant 0 : i32
            %dma_start3A_157 = tpu.memref_slice %arg9[%while3A_131, %dma_start3A_156] : memref<79x128xi32, #tpu.memory_space<vmem>> -> memref<1x128xi32, #tpu.memory_space<vmem>>
            %dma_start3A_158 = tpu.memref_squeeze %dma_start3A_157 : memref<1x128xi32, #tpu.memory_space<vmem>> -> memref<128xi32, #tpu.memory_space<vmem>>
            %dma_start3A_159 = arith.constant 0 : i32
            %dma_start3A_160 = arith.constant 0 : i32
            %dma_start3A_161 = tpu.memref_slice %arg6[%dma_start3A_159, %dma_start3A_160] : memref<10112x16xf32, #tpu.memory_space<vmem_shared>> -> memref<10112x16xf32, #tpu.memory_space<vmem_shared>>
            tpu.enqueue_indirect_dma source(%arg12 : memref<128x16xf32, #tpu.memory_space<vmem>>) target(%dma_start3A_161 : memref<10112x16xf32, #tpu.memory_space<vmem_shared>>) offsets(%dma_start3A_158 : memref<128xi32, #tpu.memory_space<vmem>>) semaphore(%arg26 : memref<!tpu.dma_semaphore, #tpu.memory_space<semaphore_mem>>) {add = true}
            %dma_start3A_162 = arith.constant 0 : i32
            %dma_start3A_163 = tpu.memref_slice %arg9[%while3A_131, %dma_start3A_162] : memref<79x128xi32, #tpu.memory_space<vmem>> -> memref<1x128xi32, #tpu.memory_space<vmem>>
            %dma_start3A_164 = tpu.memref_squeeze %dma_start3A_163 : memref<1x128xi32, #tpu.memory_space<vmem>> -> memref<128xi32, #tpu.memory_space<vmem>>
            %dma_start3A_165 = arith.constant 0 : i32
            %dma_start3A_166 = arith.constant 0 : i32
            %dma_start3A_167 = tpu.memref_slice %arg7[%dma_start3A_165, %dma_start3A_166] : memref<10112x16xf32, #tpu.memory_space<vmem_shared>> -> memref<10112x16xf32, #tpu.memory_space<vmem_shared>>
            tpu.enqueue_indirect_dma source(%arg16 : memref<128x16xf32, #tpu.memory_space<vmem>>) target(%dma_start3A_167 : memref<10112x16xf32, #tpu.memory_space<vmem_shared>>) offsets(%dma_start3A_164 : memref<128xi32, #tpu.memory_space<vmem>>) semaphore(%arg30 : memref<!tpu.dma_semaphore, #tpu.memory_space<semaphore_mem>>) {add = true}
            %ge3A = arith.constant 1 : i32
            %ge3A_168 = arith.cmpi sge, %while3A_131, %ge3A : i32
            %convert_element_type3A_169 = arith.extui %ge3A_168 : i1 to i32
            %cond3A_170 = arith.constant 0 : i32
            %cond3A_171 = arith.cmpi ne, %convert_element_type3A_169, %cond3A_170 : i32
            scf.if %cond3A_171 {
              %dma_wait3A_179 = arith.constant 0 : i32
              %dma_wait3A_180 = arith.constant 0 : i32
              %dma_wait3A_181 = tpu.memref_slice %arg9[%dma_wait3A_179, %dma_wait3A_180] : memref<79x128xi32, #tpu.memory_space<vmem>> -> memref<1x128xi32, #tpu.memory_space<vmem>>
              %dma_wait3A_182 = tpu.memref_squeeze %dma_wait3A_181 : memref<1x128xi32, #tpu.memory_space<vmem>> -> memref<128xi32, #tpu.memory_space<vmem>>
              %dma_wait3A_183 = arith.constant 0 : i32
              %dma_wait3A_184 = arith.constant 0 : i32
              %dma_wait3A_185 = tpu.memref_slice %arg7[%dma_wait3A_183, %dma_wait3A_184] : memref<10112x16xf32, #tpu.memory_space<vmem_shared>> -> memref<10112x16xf32, #tpu.memory_space<vmem_shared>>
              tpu.wait_indirect_dma semaphore(%arg30 : memref<!tpu.dma_semaphore, #tpu.memory_space<semaphore_mem>>) src(%arg16 : memref<128x16xf32, #tpu.memory_space<vmem>>) dst(%dma_wait3A_185 : memref<10112x16xf32, #tpu.memory_space<vmem_shared>>)
            } else {
            }
            %add3A_172 = arith.constant 5 : i32
            %add3A_173 = arith.addi %while3A_131, %add3A_172 : i32
            %lt3A_174 = arith.cmpi slt, %add3A_173, %add3A_22 : i32
            %convert_element_type3A_175 = arith.extui %lt3A_174 : i1 to i32
            %cond3A_176 = arith.constant 0 : i32
            %cond3A_177 = arith.cmpi ne, %convert_element_type3A_175, %cond3A_176 : i32
            scf.if %cond3A_177 {
              %ge3A_179 = arith.constant 1 : i32
              %ge3A_180 = arith.cmpi sge, %while3A_131, %ge3A_179 : i32
              %convert_element_type3A_181 = arith.extui %ge3A_180 : i1 to i32
              %cond3A_182 = arith.constant 0 : i32
              %cond3A_183 = arith.cmpi ne, %convert_element_type3A_181, %cond3A_182 : i32
              scf.if %cond3A_183 {
                %dma_wait3A_192 = arith.constant 0 : i32
                %dma_wait3A_193 = arith.constant 0 : i32
                %dma_wait3A_194 = tpu.memref_slice %arg9[%dma_wait3A_192, %dma_wait3A_193] : memref<79x128xi32, #tpu.memory_space<vmem>> -> memref<1x128xi32, #tpu.memory_space<vmem>>
                %dma_wait3A_195 = tpu.memref_squeeze %dma_wait3A_194 : memref<1x128xi32, #tpu.memory_space<vmem>> -> memref<128xi32, #tpu.memory_space<vmem>>
                %dma_wait3A_196 = arith.constant 0 : i32
                %dma_wait3A_197 = arith.constant 0 : i32
                %dma_wait3A_198 = tpu.memref_slice %arg6[%dma_wait3A_196, %dma_wait3A_197] : memref<10112x16xf32, #tpu.memory_space<vmem_shared>> -> memref<10112x16xf32, #tpu.memory_space<vmem_shared>>
                tpu.wait_indirect_dma semaphore(%arg25 : memref<!tpu.dma_semaphore, #tpu.memory_space<semaphore_mem>>) src(%arg11 : memref<128x16xf32, #tpu.memory_space<vmem>>) dst(%dma_wait3A_198 : memref<10112x16xf32, #tpu.memory_space<vmem_shared>>)
              } else {
              }
              %add3A_184 = arith.constant 5 : i32
              %add3A_185 = arith.addi %while3A_131, %add3A_184 : i32
              %dma_start3A_186 = arith.constant 0 : i32
              %dma_start3A_187 = tpu.memref_slice %arg8[%add3A_185, %dma_start3A_186] : memref<79x128xi32, #tpu.memory_space<vmem>> -> memref<1x128xi32, #tpu.memory_space<vmem>>
              %dma_start3A_188 = tpu.memref_squeeze %dma_start3A_187 : memref<1x128xi32, #tpu.memory_space<vmem>> -> memref<128xi32, #tpu.memory_space<vmem>>
              %dma_start3A_189 = arith.constant 0 : i32
              %dma_start3A_190 = arith.constant 0 : i32
              %dma_start3A_191 = tpu.memref_slice %arg2[%dma_start3A_189, %dma_start3A_190] : memref<10112x16xf32, #tpu.memory_space<hbm>> -> memref<10112x16xf32, #tpu.memory_space<hbm>>
              tpu.enqueue_indirect_dma source(%dma_start3A_191 : memref<10112x16xf32, #tpu.memory_space<hbm>>) target(%arg11 : memref<128x16xf32, #tpu.memory_space<vmem>>) offsets(%dma_start3A_188 : memref<128xi32, #tpu.memory_space<vmem>>) semaphore(%arg19 : memref<!tpu.dma_semaphore, #tpu.memory_space<semaphore_mem>>)
            } else {
            }
            %cond3A_178 = arith.constant 0 : i32
            scf.yield %cond3A_178 : i32
          }
          scf.yield %cond3A_149 : i32
        } else {
          %dma_wait3A_145 = arith.constant 0 : i32
          %dma_wait3A_146 = tpu.memref_slice %arg8[%while3A_131, %dma_wait3A_145] : memref<79x128xi32, #tpu.memory_space<vmem>> -> memref<1x128xi32, #tpu.memory_space<vmem>>
          %dma_wait3A_147 = tpu.memref_squeeze %dma_wait3A_146 : memref<1x128xi32, #tpu.memory_space<vmem>> -> memref<128xi32, #tpu.memory_space<vmem>>
          %dma_wait3A_148 = arith.constant 0 : i32
          %dma_wait3A_149 = arith.constant 0 : i32
          %dma_wait3A_150 = tpu.memref_slice %arg2[%dma_wait3A_148, %dma_wait3A_149] : memref<10112x16xf32, #tpu.memory_space<hbm>> -> memref<10112x16xf32, #tpu.memory_space<hbm>>
          tpu.wait_indirect_dma semaphore(%arg19 : memref<!tpu.dma_semaphore, #tpu.memory_space<semaphore_mem>>) src(%dma_wait3A_150 : memref<10112x16xf32, #tpu.memory_space<hbm>>) dst(%arg11 : memref<128x16xf32, #tpu.memory_space<vmem>>)
          %dma_start3A_151 = arith.constant 0 : i32
          %dma_start3A_152 = tpu.memref_slice %arg9[%while3A_131, %dma_start3A_151] : memref<79x128xi32, #tpu.memory_space<vmem>> -> memref<1x128xi32, #tpu.memory_space<vmem>>
          %dma_start3A_153 = tpu.memref_squeeze %dma_start3A_152 : memref<1x128xi32, #tpu.memory_space<vmem>> -> memref<128xi32, #tpu.memory_space<vmem>>
          %dma_start3A_154 = arith.constant 0 : i32
          %dma_start3A_155 = arith.constant 0 : i32
          %dma_start3A_156 = tpu.memref_slice %arg6[%dma_start3A_154, %dma_start3A_155] : memref<10112x16xf32, #tpu.memory_space<vmem_shared>> -> memref<10112x16xf32, #tpu.memory_space<vmem_shared>>
          tpu.enqueue_indirect_dma source(%arg11 : memref<128x16xf32, #tpu.memory_space<vmem>>) target(%dma_start3A_156 : memref<10112x16xf32, #tpu.memory_space<vmem_shared>>) offsets(%dma_start3A_153 : memref<128xi32, #tpu.memory_space<vmem>>) semaphore(%arg25 : memref<!tpu.dma_semaphore, #tpu.memory_space<semaphore_mem>>) {add = true}
          %dma_start3A_157 = arith.constant 0 : i32
          %dma_start3A_158 = tpu.memref_slice %arg9[%while3A_131, %dma_start3A_157] : memref<79x128xi32, #tpu.memory_space<vmem>> -> memref<1x128xi32, #tpu.memory_space<vmem>>
          %dma_start3A_159 = tpu.memref_squeeze %dma_start3A_158 : memref<1x128xi32, #tpu.memory_space<vmem>> -> memref<128xi32, #tpu.memory_space<vmem>>
          %dma_start3A_160 = arith.constant 0 : i32
          %dma_start3A_161 = arith.constant 0 : i32
          %dma_start3A_162 = tpu.memref_slice %arg7[%dma_start3A_160, %dma_start3A_161] : memref<10112x16xf32, #tpu.memory_space<vmem_shared>> -> memref<10112x16xf32, #tpu.memory_space<vmem_shared>>
          tpu.enqueue_indirect_dma source(%arg16 : memref<128x16xf32, #tpu.memory_space<vmem>>) target(%dma_start3A_162 : memref<10112x16xf32, #tpu.memory_space<vmem_shared>>) offsets(%dma_start3A_159 : memref<128xi32, #tpu.memory_space<vmem>>) semaphore(%arg30 : memref<!tpu.dma_semaphore, #tpu.memory_space<semaphore_mem>>) {add = true}
          %ge3A = arith.constant 1 : i32
          %ge3A_163 = arith.cmpi sge, %while3A_131, %ge3A : i32
          %convert_element_type3A_164 = arith.extui %ge3A_163 : i1 to i32
          %cond3A_165 = arith.constant 0 : i32
          %cond3A_166 = arith.cmpi ne, %convert_element_type3A_164, %cond3A_165 : i32
          scf.if %cond3A_166 {
            %dma_wait3A_174 = arith.constant 0 : i32
            %dma_wait3A_175 = arith.constant 0 : i32
            %dma_wait3A_176 = tpu.memref_slice %arg9[%dma_wait3A_174, %dma_wait3A_175] : memref<79x128xi32, #tpu.memory_space<vmem>> -> memref<1x128xi32, #tpu.memory_space<vmem>>
            %dma_wait3A_177 = tpu.memref_squeeze %dma_wait3A_176 : memref<1x128xi32, #tpu.memory_space<vmem>> -> memref<128xi32, #tpu.memory_space<vmem>>
            %dma_wait3A_178 = arith.constant 0 : i32
            %dma_wait3A_179 = arith.constant 0 : i32
            %dma_wait3A_180 = tpu.memref_slice %arg7[%dma_wait3A_178, %dma_wait3A_179] : memref<10112x16xf32, #tpu.memory_space<vmem_shared>> -> memref<10112x16xf32, #tpu.memory_space<vmem_shared>>
            tpu.wait_indirect_dma semaphore(%arg30 : memref<!tpu.dma_semaphore, #tpu.memory_space<semaphore_mem>>) src(%arg16 : memref<128x16xf32, #tpu.memory_space<vmem>>) dst(%dma_wait3A_180 : memref<10112x16xf32, #tpu.memory_space<vmem_shared>>)
          } else {
          }
          %add3A_167 = arith.constant 5 : i32
          %add3A_168 = arith.addi %while3A_131, %add3A_167 : i32
          %lt3A_169 = arith.cmpi slt, %add3A_168, %add3A_22 : i32
          %convert_element_type3A_170 = arith.extui %lt3A_169 : i1 to i32
          %cond3A_171 = arith.constant 0 : i32
          %cond3A_172 = arith.cmpi ne, %convert_element_type3A_170, %cond3A_171 : i32
          scf.if %cond3A_172 {
            %ge3A_174 = arith.constant 1 : i32
            %ge3A_175 = arith.cmpi sge, %while3A_131, %ge3A_174 : i32
            %convert_element_type3A_176 = arith.extui %ge3A_175 : i1 to i32
            %cond3A_177 = arith.constant 0 : i32
            %cond3A_178 = arith.cmpi ne, %convert_element_type3A_176, %cond3A_177 : i32
            scf.if %cond3A_178 {
              %dma_wait3A_187 = arith.constant 0 : i32
              %dma_wait3A_188 = arith.constant 0 : i32
              %dma_wait3A_189 = tpu.memref_slice %arg9[%dma_wait3A_187, %dma_wait3A_188] : memref<79x128xi32, #tpu.memory_space<vmem>> -> memref<1x128xi32, #tpu.memory_space<vmem>>
              %dma_wait3A_190 = tpu.memref_squeeze %dma_wait3A_189 : memref<1x128xi32, #tpu.memory_space<vmem>> -> memref<128xi32, #tpu.memory_space<vmem>>
              %dma_wait3A_191 = arith.constant 0 : i32
              %dma_wait3A_192 = arith.constant 0 : i32
              %dma_wait3A_193 = tpu.memref_slice %arg6[%dma_wait3A_191, %dma_wait3A_192] : memref<10112x16xf32, #tpu.memory_space<vmem_shared>> -> memref<10112x16xf32, #tpu.memory_space<vmem_shared>>
              tpu.wait_indirect_dma semaphore(%arg24 : memref<!tpu.dma_semaphore, #tpu.memory_space<semaphore_mem>>) src(%arg10 : memref<128x16xf32, #tpu.memory_space<vmem>>) dst(%dma_wait3A_193 : memref<10112x16xf32, #tpu.memory_space<vmem_shared>>)
            } else {
            }
            %add3A_179 = arith.constant 5 : i32
            %add3A_180 = arith.addi %while3A_131, %add3A_179 : i32
            %dma_start3A_181 = arith.constant 0 : i32
            %dma_start3A_182 = tpu.memref_slice %arg8[%add3A_180, %dma_start3A_181] : memref<79x128xi32, #tpu.memory_space<vmem>> -> memref<1x128xi32, #tpu.memory_space<vmem>>
            %dma_start3A_183 = tpu.memref_squeeze %dma_start3A_182 : memref<1x128xi32, #tpu.memory_space<vmem>> -> memref<128xi32, #tpu.memory_space<vmem>>
            %dma_start3A_184 = arith.constant 0 : i32
            %dma_start3A_185 = arith.constant 0 : i32
            %dma_start3A_186 = tpu.memref_slice %arg2[%dma_start3A_184, %dma_start3A_185] : memref<10112x16xf32, #tpu.memory_space<hbm>> -> memref<10112x16xf32, #tpu.memory_space<hbm>>
            tpu.enqueue_indirect_dma source(%dma_start3A_186 : memref<10112x16xf32, #tpu.memory_space<hbm>>) target(%arg10 : memref<128x16xf32, #tpu.memory_space<vmem>>) offsets(%dma_start3A_183 : memref<128xi32, #tpu.memory_space<vmem>>) semaphore(%arg18 : memref<!tpu.dma_semaphore, #tpu.memory_space<semaphore_mem>>)
          } else {
          }
          %cond3A_173 = arith.constant 0 : i32
          scf.yield %cond3A_173 : i32
        }
        scf.yield %cond3A_144 : i32
      } else {
        %dma_wait3A_140 = arith.constant 0 : i32
        %dma_wait3A_141 = tpu.memref_slice %arg8[%while3A_131, %dma_wait3A_140] : memref<79x128xi32, #tpu.memory_space<vmem>> -> memref<1x128xi32, #tpu.memory_space<vmem>>
        %dma_wait3A_142 = tpu.memref_squeeze %dma_wait3A_141 : memref<1x128xi32, #tpu.memory_space<vmem>> -> memref<128xi32, #tpu.memory_space<vmem>>
        %dma_wait3A_143 = arith.constant 0 : i32
        %dma_wait3A_144 = arith.constant 0 : i32
        %dma_wait3A_145 = tpu.memref_slice %arg2[%dma_wait3A_143, %dma_wait3A_144] : memref<10112x16xf32, #tpu.memory_space<hbm>> -> memref<10112x16xf32, #tpu.memory_space<hbm>>
        tpu.wait_indirect_dma semaphore(%arg18 : memref<!tpu.dma_semaphore, #tpu.memory_space<semaphore_mem>>) src(%dma_wait3A_145 : memref<10112x16xf32, #tpu.memory_space<hbm>>) dst(%arg10 : memref<128x16xf32, #tpu.memory_space<vmem>>)
        %dma_start3A_146 = arith.constant 0 : i32
        %dma_start3A_147 = tpu.memref_slice %arg9[%while3A_131, %dma_start3A_146] : memref<79x128xi32, #tpu.memory_space<vmem>> -> memref<1x128xi32, #tpu.memory_space<vmem>>
        %dma_start3A_148 = tpu.memref_squeeze %dma_start3A_147 : memref<1x128xi32, #tpu.memory_space<vmem>> -> memref<128xi32, #tpu.memory_space<vmem>>
        %dma_start3A_149 = arith.constant 0 : i32
        %dma_start3A_150 = arith.constant 0 : i32
        %dma_start3A_151 = tpu.memref_slice %arg6[%dma_start3A_149, %dma_start3A_150] : memref<10112x16xf32, #tpu.memory_space<vmem_shared>> -> memref<10112x16xf32, #tpu.memory_space<vmem_shared>>
        tpu.enqueue_indirect_dma source(%arg10 : memref<128x16xf32, #tpu.memory_space<vmem>>) target(%dma_start3A_151 : memref<10112x16xf32, #tpu.memory_space<vmem_shared>>) offsets(%dma_start3A_148 : memref<128xi32, #tpu.memory_space<vmem>>) semaphore(%arg24 : memref<!tpu.dma_semaphore, #tpu.memory_space<semaphore_mem>>) {add = true}
        %dma_start3A_152 = arith.constant 0 : i32
        %dma_start3A_153 = tpu.memref_slice %arg9[%while3A_131, %dma_start3A_152] : memref<79x128xi32, #tpu.memory_space<vmem>> -> memref<1x128xi32, #tpu.memory_space<vmem>>
        %dma_start3A_154 = tpu.memref_squeeze %dma_start3A_153 : memref<1x128xi32, #tpu.memory_space<vmem>> -> memref<128xi32, #tpu.memory_space<vmem>>
        %dma_start3A_155 = arith.constant 0 : i32
        %dma_start3A_156 = arith.constant 0 : i32
        %dma_start3A_157 = tpu.memref_slice %arg7[%dma_start3A_155, %dma_start3A_156] : memref<10112x16xf32, #tpu.memory_space<vmem_shared>> -> memref<10112x16xf32, #tpu.memory_space<vmem_shared>>
        tpu.enqueue_indirect_dma source(%arg16 : memref<128x16xf32, #tpu.memory_space<vmem>>) target(%dma_start3A_157 : memref<10112x16xf32, #tpu.memory_space<vmem_shared>>) offsets(%dma_start3A_154 : memref<128xi32, #tpu.memory_space<vmem>>) semaphore(%arg30 : memref<!tpu.dma_semaphore, #tpu.memory_space<semaphore_mem>>) {add = true}
        %ge3A = arith.constant 1 : i32
        %ge3A_158 = arith.cmpi sge, %while3A_131, %ge3A : i32
        %convert_element_type3A_159 = arith.extui %ge3A_158 : i1 to i32
        %cond3A_160 = arith.constant 0 : i32
        %cond3A_161 = arith.cmpi ne, %convert_element_type3A_159, %cond3A_160 : i32
        scf.if %cond3A_161 {
          %dma_wait3A_169 = arith.constant 0 : i32
          %dma_wait3A_170 = arith.constant 0 : i32
          %dma_wait3A_171 = tpu.memref_slice %arg9[%dma_wait3A_169, %dma_wait3A_170] : memref<79x128xi32, #tpu.memory_space<vmem>> -> memref<1x128xi32, #tpu.memory_space<vmem>>
          %dma_wait3A_172 = tpu.memref_squeeze %dma_wait3A_171 : memref<1x128xi32, #tpu.memory_space<vmem>> -> memref<128xi32, #tpu.memory_space<vmem>>
          %dma_wait3A_173 = arith.constant 0 : i32
          %dma_wait3A_174 = arith.constant 0 : i32
          %dma_wait3A_175 = tpu.memref_slice %arg7[%dma_wait3A_173, %dma_wait3A_174] : memref<10112x16xf32, #tpu.memory_space<vmem_shared>> -> memref<10112x16xf32, #tpu.memory_space<vmem_shared>>
          tpu.wait_indirect_dma semaphore(%arg30 : memref<!tpu.dma_semaphore, #tpu.memory_space<semaphore_mem>>) src(%arg16 : memref<128x16xf32, #tpu.memory_space<vmem>>) dst(%dma_wait3A_175 : memref<10112x16xf32, #tpu.memory_space<vmem_shared>>)
        } else {
        }
        %add3A_162 = arith.constant 5 : i32
        %add3A_163 = arith.addi %while3A_131, %add3A_162 : i32
        %lt3A_164 = arith.cmpi slt, %add3A_163, %add3A_22 : i32
        %convert_element_type3A_165 = arith.extui %lt3A_164 : i1 to i32
        %cond3A_166 = arith.constant 0 : i32
        %cond3A_167 = arith.cmpi ne, %convert_element_type3A_165, %cond3A_166 : i32
        scf.if %cond3A_167 {
          %ge3A_169 = arith.constant 1 : i32
          %ge3A_170 = arith.cmpi sge, %while3A_131, %ge3A_169 : i32
          %convert_element_type3A_171 = arith.extui %ge3A_170 : i1 to i32
          %cond3A_172 = arith.constant 0 : i32
          %cond3A_173 = arith.cmpi ne, %convert_element_type3A_171, %cond3A_172 : i32
          scf.if %cond3A_173 {
            %dma_wait3A_182 = arith.constant 0 : i32
            %dma_wait3A_183 = arith.constant 0 : i32
            %dma_wait3A_184 = tpu.memref_slice %arg9[%dma_wait3A_182, %dma_wait3A_183] : memref<79x128xi32, #tpu.memory_space<vmem>> -> memref<1x128xi32, #tpu.memory_space<vmem>>
            %dma_wait3A_185 = tpu.memref_squeeze %dma_wait3A_184 : memref<1x128xi32, #tpu.memory_space<vmem>> -> memref<128xi32, #tpu.memory_space<vmem>>
            %dma_wait3A_186 = arith.constant 0 : i32
            %dma_wait3A_187 = arith.constant 0 : i32
            %dma_wait3A_188 = tpu.memref_slice %arg6[%dma_wait3A_186, %dma_wait3A_187] : memref<10112x16xf32, #tpu.memory_space<vmem_shared>> -> memref<10112x16xf32, #tpu.memory_space<vmem_shared>>
            tpu.wait_indirect_dma semaphore(%arg29 : memref<!tpu.dma_semaphore, #tpu.memory_space<semaphore_mem>>) src(%arg15 : memref<128x16xf32, #tpu.memory_space<vmem>>) dst(%dma_wait3A_188 : memref<10112x16xf32, #tpu.memory_space<vmem_shared>>)
          } else {
          }
          %add3A_174 = arith.constant 5 : i32
          %add3A_175 = arith.addi %while3A_131, %add3A_174 : i32
          %dma_start3A_176 = arith.constant 0 : i32
          %dma_start3A_177 = tpu.memref_slice %arg8[%add3A_175, %dma_start3A_176] : memref<79x128xi32, #tpu.memory_space<vmem>> -> memref<1x128xi32, #tpu.memory_space<vmem>>
          %dma_start3A_178 = tpu.memref_squeeze %dma_start3A_177 : memref<1x128xi32, #tpu.memory_space<vmem>> -> memref<128xi32, #tpu.memory_space<vmem>>
          %dma_start3A_179 = arith.constant 0 : i32
          %dma_start3A_180 = arith.constant 0 : i32
          %dma_start3A_181 = tpu.memref_slice %arg2[%dma_start3A_179, %dma_start3A_180] : memref<10112x16xf32, #tpu.memory_space<hbm>> -> memref<10112x16xf32, #tpu.memory_space<hbm>>
          tpu.enqueue_indirect_dma source(%dma_start3A_181 : memref<10112x16xf32, #tpu.memory_space<hbm>>) target(%arg15 : memref<128x16xf32, #tpu.memory_space<vmem>>) offsets(%dma_start3A_178 : memref<128xi32, #tpu.memory_space<vmem>>) semaphore(%arg23 : memref<!tpu.dma_semaphore, #tpu.memory_space<semaphore_mem>>)
        } else {
        }
        %cond3A_168 = arith.constant 0 : i32
        scf.yield %cond3A_168 : i32
      }
    }
    %while3A_73 = arith.constant 1 : i32
    scf.for %while3A_131 = %while3A_71 to %while3A_67 step %while3A_73  : i32 {
      %rem3A = arith.constant 6 : i32
      %rem3A_132 = arith.remsi %while3A_131, %rem3A : i32
      %clamp3A = arith.constant 0 : i32
      %clamp3A_133 = arith.constant 5 : i32
      %clamp3A_134 = arith.maxsi %rem3A_132, %clamp3A : i32
      %clamp3A_135 = arith.minsi %clamp3A_134, %clamp3A_133 : i32
      %cond3A_136 = arith.constant 0 : i32
      %cond3A_137 = arith.constant 0 : i32
      %cond3A_138 = arith.cmpi ne, %clamp3A_135, %cond3A_137 : i32
      %cond3A_139 = scf.if %cond3A_138 -> (i32) {
        %cond3A_140 = arith.constant 1 : i32
        %cond3A_141 = arith.subi %clamp3A_135, %cond3A_140 : i32
        %cond3A_142 = arith.constant 0 : i32
        %cond3A_143 = arith.cmpi ne, %cond3A_141, %cond3A_142 : i32
        %cond3A_144 = scf.if %cond3A_143 -> (i32) {
          %cond3A_145 = arith.constant 1 : i32
          %cond3A_146 = arith.subi %cond3A_141, %cond3A_145 : i32
          %cond3A_147 = arith.constant 0 : i32
          %cond3A_148 = arith.cmpi ne, %cond3A_146, %cond3A_147 : i32
          %cond3A_149 = scf.if %cond3A_148 -> (i32) {
            %cond3A_150 = arith.constant 1 : i32
            %cond3A_151 = arith.subi %cond3A_146, %cond3A_150 : i32
            %cond3A_152 = arith.constant 0 : i32
            %cond3A_153 = arith.cmpi ne, %cond3A_151, %cond3A_152 : i32
            %cond3A_154 = scf.if %cond3A_153 -> (i32) {
              %cond3A_155 = arith.constant 1 : i32
              %cond3A_156 = arith.subi %cond3A_151, %cond3A_155 : i32
              %cond3A_157 = arith.constant 0 : i32
              %cond3A_158 = arith.cmpi ne, %cond3A_156, %cond3A_157 : i32
              %cond3A_159 = scf.if %cond3A_158 -> (i32) {
                %dma_wait3A_160 = arith.constant 0 : i32
                %dma_wait3A_161 = tpu.memref_slice %arg8[%while3A_131, %dma_wait3A_160] : memref<79x128xi32, #tpu.memory_space<vmem>> -> memref<1x128xi32, #tpu.memory_space<vmem>>
                %dma_wait3A_162 = tpu.memref_squeeze %dma_wait3A_161 : memref<1x128xi32, #tpu.memory_space<vmem>> -> memref<128xi32, #tpu.memory_space<vmem>>
                %dma_wait3A_163 = arith.constant 0 : i32
                %dma_wait3A_164 = arith.constant 0 : i32
                %dma_wait3A_165 = tpu.memref_slice %arg2[%dma_wait3A_163, %dma_wait3A_164] : memref<10112x16xf32, #tpu.memory_space<hbm>> -> memref<10112x16xf32, #tpu.memory_space<hbm>>
                tpu.wait_indirect_dma semaphore(%arg23 : memref<!tpu.dma_semaphore, #tpu.memory_space<semaphore_mem>>) src(%dma_wait3A_165 : memref<10112x16xf32, #tpu.memory_space<hbm>>) dst(%arg15 : memref<128x16xf32, #tpu.memory_space<vmem>>)
                %dma_start3A_166 = arith.constant 0 : i32
                %dma_start3A_167 = tpu.memref_slice %arg9[%while3A_131, %dma_start3A_166] : memref<79x128xi32, #tpu.memory_space<vmem>> -> memref<1x128xi32, #tpu.memory_space<vmem>>
                %dma_start3A_168 = tpu.memref_squeeze %dma_start3A_167 : memref<1x128xi32, #tpu.memory_space<vmem>> -> memref<128xi32, #tpu.memory_space<vmem>>
                %dma_start3A_169 = arith.constant 0 : i32
                %dma_start3A_170 = arith.constant 0 : i32
                %dma_start3A_171 = tpu.memref_slice %arg6[%dma_start3A_169, %dma_start3A_170] : memref<10112x16xf32, #tpu.memory_space<vmem_shared>> -> memref<10112x16xf32, #tpu.memory_space<vmem_shared>>
                tpu.enqueue_indirect_dma source(%arg15 : memref<128x16xf32, #tpu.memory_space<vmem>>) target(%dma_start3A_171 : memref<10112x16xf32, #tpu.memory_space<vmem_shared>>) offsets(%dma_start3A_168 : memref<128xi32, #tpu.memory_space<vmem>>) semaphore(%arg29 : memref<!tpu.dma_semaphore, #tpu.memory_space<semaphore_mem>>) {add = true}
                %dma_start3A_172 = arith.constant 0 : i32
                %dma_start3A_173 = tpu.memref_slice %arg9[%while3A_131, %dma_start3A_172] : memref<79x128xi32, #tpu.memory_space<vmem>> -> memref<1x128xi32, #tpu.memory_space<vmem>>
                %dma_start3A_174 = tpu.memref_squeeze %dma_start3A_173 : memref<1x128xi32, #tpu.memory_space<vmem>> -> memref<128xi32, #tpu.memory_space<vmem>>
                %dma_start3A_175 = arith.constant 0 : i32
                %dma_start3A_176 = arith.constant 0 : i32
                %dma_start3A_177 = tpu.memref_slice %arg7[%dma_start3A_175, %dma_start3A_176] : memref<10112x16xf32, #tpu.memory_space<vmem_shared>> -> memref<10112x16xf32, #tpu.memory_space<vmem_shared>>
                tpu.enqueue_indirect_dma source(%arg16 : memref<128x16xf32, #tpu.memory_space<vmem>>) target(%dma_start3A_177 : memref<10112x16xf32, #tpu.memory_space<vmem_shared>>) offsets(%dma_start3A_174 : memref<128xi32, #tpu.memory_space<vmem>>) semaphore(%arg30 : memref<!tpu.dma_semaphore, #tpu.memory_space<semaphore_mem>>) {add = true}
                %ge3A = arith.constant 1 : i32
                %ge3A_178 = arith.cmpi sge, %while3A_131, %ge3A : i32
                %convert_element_type3A_179 = arith.extui %ge3A_178 : i1 to i32
                %cond3A_180 = arith.constant 0 : i32
                %cond3A_181 = arith.cmpi ne, %convert_element_type3A_179, %cond3A_180 : i32
                scf.if %cond3A_181 {
                  %dma_wait3A_189 = arith.constant 0 : i32
                  %dma_wait3A_190 = arith.constant 0 : i32
                  %dma_wait3A_191 = tpu.memref_slice %arg9[%dma_wait3A_189, %dma_wait3A_190] : memref<79x128xi32, #tpu.memory_space<vmem>> -> memref<1x128xi32, #tpu.memory_space<vmem>>
                  %dma_wait3A_192 = tpu.memref_squeeze %dma_wait3A_191 : memref<1x128xi32, #tpu.memory_space<vmem>> -> memref<128xi32, #tpu.memory_space<vmem>>
                  %dma_wait3A_193 = arith.constant 0 : i32
                  %dma_wait3A_194 = arith.constant 0 : i32
                  %dma_wait3A_195 = tpu.memref_slice %arg7[%dma_wait3A_193, %dma_wait3A_194] : memref<10112x16xf32, #tpu.memory_space<vmem_shared>> -> memref<10112x16xf32, #tpu.memory_space<vmem_shared>>
                  tpu.wait_indirect_dma semaphore(%arg30 : memref<!tpu.dma_semaphore, #tpu.memory_space<semaphore_mem>>) src(%arg16 : memref<128x16xf32, #tpu.memory_space<vmem>>) dst(%dma_wait3A_195 : memref<10112x16xf32, #tpu.memory_space<vmem_shared>>)
                } else {
                }
                %add3A_182 = arith.constant 5 : i32
                %add3A_183 = arith.addi %while3A_131, %add3A_182 : i32
                %lt3A_184 = arith.cmpi slt, %add3A_183, %add3A_22 : i32
                %convert_element_type3A_185 = arith.extui %lt3A_184 : i1 to i32
                %cond3A_186 = arith.constant 0 : i32
                %cond3A_187 = arith.cmpi ne, %convert_element_type3A_185, %cond3A_186 : i32
                scf.if %cond3A_187 {
                  %ge3A_189 = arith.constant 1 : i32
                  %ge3A_190 = arith.cmpi sge, %while3A_131, %ge3A_189 : i32
                  %convert_element_type3A_191 = arith.extui %ge3A_190 : i1 to i32
                  %cond3A_192 = arith.constant 0 : i32
                  %cond3A_193 = arith.cmpi ne, %convert_element_type3A_191, %cond3A_192 : i32
                  scf.if %cond3A_193 {
                    %dma_wait3A_202 = arith.constant 0 : i32
                    %dma_wait3A_203 = arith.constant 0 : i32
                    %dma_wait3A_204 = tpu.memref_slice %arg9[%dma_wait3A_202, %dma_wait3A_203] : memref<79x128xi32, #tpu.memory_space<vmem>> -> memref<1x128xi32, #tpu.memory_space<vmem>>
                    %dma_wait3A_205 = tpu.memref_squeeze %dma_wait3A_204 : memref<1x128xi32, #tpu.memory_space<vmem>> -> memref<128xi32, #tpu.memory_space<vmem>>
                    %dma_wait3A_206 = arith.constant 0 : i32
                    %dma_wait3A_207 = arith.constant 0 : i32
                    %dma_wait3A_208 = tpu.memref_slice %arg6[%dma_wait3A_206, %dma_wait3A_207] : memref<10112x16xf32, #tpu.memory_space<vmem_shared>> -> memref<10112x16xf32, #tpu.memory_space<vmem_shared>>
                    tpu.wait_indirect_dma semaphore(%arg28 : memref<!tpu.dma_semaphore, #tpu.memory_space<semaphore_mem>>) src(%arg14 : memref<128x16xf32, #tpu.memory_space<vmem>>) dst(%dma_wait3A_208 : memref<10112x16xf32, #tpu.memory_space<vmem_shared>>)
                  } else {
                  }
                  %add3A_194 = arith.constant 5 : i32
                  %add3A_195 = arith.addi %while3A_131, %add3A_194 : i32
                  %dma_start3A_196 = arith.constant 0 : i32
                  %dma_start3A_197 = tpu.memref_slice %arg8[%add3A_195, %dma_start3A_196] : memref<79x128xi32, #tpu.memory_space<vmem>> -> memref<1x128xi32, #tpu.memory_space<vmem>>
                  %dma_start3A_198 = tpu.memref_squeeze %dma_start3A_197 : memref<1x128xi32, #tpu.memory_space<vmem>> -> memref<128xi32, #tpu.memory_space<vmem>>
                  %dma_start3A_199 = arith.constant 0 : i32
                  %dma_start3A_200 = arith.constant 0 : i32
                  %dma_start3A_201 = tpu.memref_slice %arg2[%dma_start3A_199, %dma_start3A_200] : memref<10112x16xf32, #tpu.memory_space<hbm>> -> memref<10112x16xf32, #tpu.memory_space<hbm>>
                  tpu.enqueue_indirect_dma source(%dma_start3A_201 : memref<10112x16xf32, #tpu.memory_space<hbm>>) target(%arg14 : memref<128x16xf32, #tpu.memory_space<vmem>>) offsets(%dma_start3A_198 : memref<128xi32, #tpu.memory_space<vmem>>) semaphore(%arg22 : memref<!tpu.dma_semaphore, #tpu.memory_space<semaphore_mem>>)
                } else {
                }
                %cond3A_188 = arith.constant 0 : i32
                scf.yield %cond3A_188 : i32
              } else {
                %dma_wait3A_160 = arith.constant 0 : i32
                %dma_wait3A_161 = tpu.memref_slice %arg8[%while3A_131, %dma_wait3A_160] : memref<79x128xi32, #tpu.memory_space<vmem>> -> memref<1x128xi32, #tpu.memory_space<vmem>>
                %dma_wait3A_162 = tpu.memref_squeeze %dma_wait3A_161 : memref<1x128xi32, #tpu.memory_space<vmem>> -> memref<128xi32, #tpu.memory_space<vmem>>
                %dma_wait3A_163 = arith.constant 0 : i32
                %dma_wait3A_164 = arith.constant 0 : i32
                %dma_wait3A_165 = tpu.memref_slice %arg2[%dma_wait3A_163, %dma_wait3A_164] : memref<10112x16xf32, #tpu.memory_space<hbm>> -> memref<10112x16xf32, #tpu.memory_space<hbm>>
                tpu.wait_indirect_dma semaphore(%arg22 : memref<!tpu.dma_semaphore, #tpu.memory_space<semaphore_mem>>) src(%dma_wait3A_165 : memref<10112x16xf32, #tpu.memory_space<hbm>>) dst(%arg14 : memref<128x16xf32, #tpu.memory_space<vmem>>)
                %dma_start3A_166 = arith.constant 0 : i32
                %dma_start3A_167 = tpu.memref_slice %arg9[%while3A_131, %dma_start3A_166] : memref<79x128xi32, #tpu.memory_space<vmem>> -> memref<1x128xi32, #tpu.memory_space<vmem>>
                %dma_start3A_168 = tpu.memref_squeeze %dma_start3A_167 : memref<1x128xi32, #tpu.memory_space<vmem>> -> memref<128xi32, #tpu.memory_space<vmem>>
                %dma_start3A_169 = arith.constant 0 : i32
                %dma_start3A_170 = arith.constant 0 : i32
                %dma_start3A_171 = tpu.memref_slice %arg6[%dma_start3A_169, %dma_start3A_170] : memref<10112x16xf32, #tpu.memory_space<vmem_shared>> -> memref<10112x16xf32, #tpu.memory_space<vmem_shared>>
                tpu.enqueue_indirect_dma source(%arg14 : memref<128x16xf32, #tpu.memory_space<vmem>>) target(%dma_start3A_171 : memref<10112x16xf32, #tpu.memory_space<vmem_shared>>) offsets(%dma_start3A_168 : memref<128xi32, #tpu.memory_space<vmem>>) semaphore(%arg28 : memref<!tpu.dma_semaphore, #tpu.memory_space<semaphore_mem>>) {add = true}
                %dma_start3A_172 = arith.constant 0 : i32
                %dma_start3A_173 = tpu.memref_slice %arg9[%while3A_131, %dma_start3A_172] : memref<79x128xi32, #tpu.memory_space<vmem>> -> memref<1x128xi32, #tpu.memory_space<vmem>>
                %dma_start3A_174 = tpu.memref_squeeze %dma_start3A_173 : memref<1x128xi32, #tpu.memory_space<vmem>> -> memref<128xi32, #tpu.memory_space<vmem>>
                %dma_start3A_175 = arith.constant 0 : i32
                %dma_start3A_176 = arith.constant 0 : i32
                %dma_start3A_177 = tpu.memref_slice %arg7[%dma_start3A_175, %dma_start3A_176] : memref<10112x16xf32, #tpu.memory_space<vmem_shared>> -> memref<10112x16xf32, #tpu.memory_space<vmem_shared>>
                tpu.enqueue_indirect_dma source(%arg16 : memref<128x16xf32, #tpu.memory_space<vmem>>) target(%dma_start3A_177 : memref<10112x16xf32, #tpu.memory_space<vmem_shared>>) offsets(%dma_start3A_174 : memref<128xi32, #tpu.memory_space<vmem>>) semaphore(%arg30 : memref<!tpu.dma_semaphore, #tpu.memory_space<semaphore_mem>>) {add = true}
                %ge3A = arith.constant 1 : i32
                %ge3A_178 = arith.cmpi sge, %while3A_131, %ge3A : i32
                %convert_element_type3A_179 = arith.extui %ge3A_178 : i1 to i32
                %cond3A_180 = arith.constant 0 : i32
                %cond3A_181 = arith.cmpi ne, %convert_element_type3A_179, %cond3A_180 : i32
                scf.if %cond3A_181 {
                  %dma_wait3A_189 = arith.constant 0 : i32
                  %dma_wait3A_190 = arith.constant 0 : i32
                  %dma_wait3A_191 = tpu.memref_slice %arg9[%dma_wait3A_189, %dma_wait3A_190] : memref<79x128xi32, #tpu.memory_space<vmem>> -> memref<1x128xi32, #tpu.memory_space<vmem>>
                  %dma_wait3A_192 = tpu.memref_squeeze %dma_wait3A_191 : memref<1x128xi32, #tpu.memory_space<vmem>> -> memref<128xi32, #tpu.memory_space<vmem>>
                  %dma_wait3A_193 = arith.constant 0 : i32
                  %dma_wait3A_194 = arith.constant 0 : i32
                  %dma_wait3A_195 = tpu.memref_slice %arg7[%dma_wait3A_193, %dma_wait3A_194] : memref<10112x16xf32, #tpu.memory_space<vmem_shared>> -> memref<10112x16xf32, #tpu.memory_space<vmem_shared>>
                  tpu.wait_indirect_dma semaphore(%arg30 : memref<!tpu.dma_semaphore, #tpu.memory_space<semaphore_mem>>) src(%arg16 : memref<128x16xf32, #tpu.memory_space<vmem>>) dst(%dma_wait3A_195 : memref<10112x16xf32, #tpu.memory_space<vmem_shared>>)
                } else {
                }
                %add3A_182 = arith.constant 5 : i32
                %add3A_183 = arith.addi %while3A_131, %add3A_182 : i32
                %lt3A_184 = arith.cmpi slt, %add3A_183, %add3A_22 : i32
                %convert_element_type3A_185 = arith.extui %lt3A_184 : i1 to i32
                %cond3A_186 = arith.constant 0 : i32
                %cond3A_187 = arith.cmpi ne, %convert_element_type3A_185, %cond3A_186 : i32
                scf.if %cond3A_187 {
                  %ge3A_189 = arith.constant 1 : i32
                  %ge3A_190 = arith.cmpi sge, %while3A_131, %ge3A_189 : i32
                  %convert_element_type3A_191 = arith.extui %ge3A_190 : i1 to i32
                  %cond3A_192 = arith.constant 0 : i32
                  %cond3A_193 = arith.cmpi ne, %convert_element_type3A_191, %cond3A_192 : i32
                  scf.if %cond3A_193 {
                    %dma_wait3A_202 = arith.constant 0 : i32
                    %dma_wait3A_203 = arith.constant 0 : i32
                    %dma_wait3A_204 = tpu.memref_slice %arg9[%dma_wait3A_202, %dma_wait3A_203] : memref<79x128xi32, #tpu.memory_space<vmem>> -> memref<1x128xi32, #tpu.memory_space<vmem>>
                    %dma_wait3A_205 = tpu.memref_squeeze %dma_wait3A_204 : memref<1x128xi32, #tpu.memory_space<vmem>> -> memref<128xi32, #tpu.memory_space<vmem>>
                    %dma_wait3A_206 = arith.constant 0 : i32
                    %dma_wait3A_207 = arith.constant 0 : i32
                    %dma_wait3A_208 = tpu.memref_slice %arg6[%dma_wait3A_206, %dma_wait3A_207] : memref<10112x16xf32, #tpu.memory_space<vmem_shared>> -> memref<10112x16xf32, #tpu.memory_space<vmem_shared>>
                    tpu.wait_indirect_dma semaphore(%arg27 : memref<!tpu.dma_semaphore, #tpu.memory_space<semaphore_mem>>) src(%arg13 : memref<128x16xf32, #tpu.memory_space<vmem>>) dst(%dma_wait3A_208 : memref<10112x16xf32, #tpu.memory_space<vmem_shared>>)
                  } else {
                  }
                  %add3A_194 = arith.constant 5 : i32
                  %add3A_195 = arith.addi %while3A_131, %add3A_194 : i32
                  %dma_start3A_196 = arith.constant 0 : i32
                  %dma_start3A_197 = tpu.memref_slice %arg8[%add3A_195, %dma_start3A_196] : memref<79x128xi32, #tpu.memory_space<vmem>> -> memref<1x128xi32, #tpu.memory_space<vmem>>
                  %dma_start3A_198 = tpu.memref_squeeze %dma_start3A_197 : memref<1x128xi32, #tpu.memory_space<vmem>> -> memref<128xi32, #tpu.memory_space<vmem>>
                  %dma_start3A_199 = arith.constant 0 : i32
                  %dma_start3A_200 = arith.constant 0 : i32
                  %dma_start3A_201 = tpu.memref_slice %arg2[%dma_start3A_199, %dma_start3A_200] : memref<10112x16xf32, #tpu.memory_space<hbm>> -> memref<10112x16xf32, #tpu.memory_space<hbm>>
                  tpu.enqueue_indirect_dma source(%dma_start3A_201 : memref<10112x16xf32, #tpu.memory_space<hbm>>) target(%arg13 : memref<128x16xf32, #tpu.memory_space<vmem>>) offsets(%dma_start3A_198 : memref<128xi32, #tpu.memory_space<vmem>>) semaphore(%arg21 : memref<!tpu.dma_semaphore, #tpu.memory_space<semaphore_mem>>)
                } else {
                }
                %cond3A_188 = arith.constant 0 : i32
                scf.yield %cond3A_188 : i32
              }
              scf.yield %cond3A_159 : i32
            } else {
              %dma_wait3A_155 = arith.constant 0 : i32
              %dma_wait3A_156 = tpu.memref_slice %arg8[%while3A_131, %dma_wait3A_155] : memref<79x128xi32, #tpu.memory_space<vmem>> -> memref<1x128xi32, #tpu.memory_space<vmem>>
              %dma_wait3A_157 = tpu.memref_squeeze %dma_wait3A_156 : memref<1x128xi32, #tpu.memory_space<vmem>> -> memref<128xi32, #tpu.memory_space<vmem>>
              %dma_wait3A_158 = arith.constant 0 : i32
              %dma_wait3A_159 = arith.constant 0 : i32
              %dma_wait3A_160 = tpu.memref_slice %arg2[%dma_wait3A_158, %dma_wait3A_159] : memref<10112x16xf32, #tpu.memory_space<hbm>> -> memref<10112x16xf32, #tpu.memory_space<hbm>>
              tpu.wait_indirect_dma semaphore(%arg21 : memref<!tpu.dma_semaphore, #tpu.memory_space<semaphore_mem>>) src(%dma_wait3A_160 : memref<10112x16xf32, #tpu.memory_space<hbm>>) dst(%arg13 : memref<128x16xf32, #tpu.memory_space<vmem>>)
              %dma_start3A_161 = arith.constant 0 : i32
              %dma_start3A_162 = tpu.memref_slice %arg9[%while3A_131, %dma_start3A_161] : memref<79x128xi32, #tpu.memory_space<vmem>> -> memref<1x128xi32, #tpu.memory_space<vmem>>
              %dma_start3A_163 = tpu.memref_squeeze %dma_start3A_162 : memref<1x128xi32, #tpu.memory_space<vmem>> -> memref<128xi32, #tpu.memory_space<vmem>>
              %dma_start3A_164 = arith.constant 0 : i32
              %dma_start3A_165 = arith.constant 0 : i32
              %dma_start3A_166 = tpu.memref_slice %arg6[%dma_start3A_164, %dma_start3A_165] : memref<10112x16xf32, #tpu.memory_space<vmem_shared>> -> memref<10112x16xf32, #tpu.memory_space<vmem_shared>>
              tpu.enqueue_indirect_dma source(%arg13 : memref<128x16xf32, #tpu.memory_space<vmem>>) target(%dma_start3A_166 : memref<10112x16xf32, #tpu.memory_space<vmem_shared>>) offsets(%dma_start3A_163 : memref<128xi32, #tpu.memory_space<vmem>>) semaphore(%arg27 : memref<!tpu.dma_semaphore, #tpu.memory_space<semaphore_mem>>) {add = true}
              %dma_start3A_167 = arith.constant 0 : i32
              %dma_start3A_168 = tpu.memref_slice %arg9[%while3A_131, %dma_start3A_167] : memref<79x128xi32, #tpu.memory_space<vmem>> -> memref<1x128xi32, #tpu.memory_space<vmem>>
              %dma_start3A_169 = tpu.memref_squeeze %dma_start3A_168 : memref<1x128xi32, #tpu.memory_space<vmem>> -> memref<128xi32, #tpu.memory_space<vmem>>
              %dma_start3A_170 = arith.constant 0 : i32
              %dma_start3A_171 = arith.constant 0 : i32
              %dma_start3A_172 = tpu.memref_slice %arg7[%dma_start3A_170, %dma_start3A_171] : memref<10112x16xf32, #tpu.memory_space<vmem_shared>> -> memref<10112x16xf32, #tpu.memory_space<vmem_shared>>
              tpu.enqueue_indirect_dma source(%arg16 : memref<128x16xf32, #tpu.memory_space<vmem>>) target(%dma_start3A_172 : memref<10112x16xf32, #tpu.memory_space<vmem_shared>>) offsets(%dma_start3A_169 : memref<128xi32, #tpu.memory_space<vmem>>) semaphore(%arg30 : memref<!tpu.dma_semaphore, #tpu.memory_space<semaphore_mem>>) {add = true}
              %ge3A = arith.constant 1 : i32
              %ge3A_173 = arith.cmpi sge, %while3A_131, %ge3A : i32
              %convert_element_type3A_174 = arith.extui %ge3A_173 : i1 to i32
              %cond3A_175 = arith.constant 0 : i32
              %cond3A_176 = arith.cmpi ne, %convert_element_type3A_174, %cond3A_175 : i32
              scf.if %cond3A_176 {
                %dma_wait3A_184 = arith.constant 0 : i32
                %dma_wait3A_185 = arith.constant 0 : i32
                %dma_wait3A_186 = tpu.memref_slice %arg9[%dma_wait3A_184, %dma_wait3A_185] : memref<79x128xi32, #tpu.memory_space<vmem>> -> memref<1x128xi32, #tpu.memory_space<vmem>>
                %dma_wait3A_187 = tpu.memref_squeeze %dma_wait3A_186 : memref<1x128xi32, #tpu.memory_space<vmem>> -> memref<128xi32, #tpu.memory_space<vmem>>
                %dma_wait3A_188 = arith.constant 0 : i32
                %dma_wait3A_189 = arith.constant 0 : i32
                %dma_wait3A_190 = tpu.memref_slice %arg7[%dma_wait3A_188, %dma_wait3A_189] : memref<10112x16xf32, #tpu.memory_space<vmem_shared>> -> memref<10112x16xf32, #tpu.memory_space<vmem_shared>>
                tpu.wait_indirect_dma semaphore(%arg30 : memref<!tpu.dma_semaphore, #tpu.memory_space<semaphore_mem>>) src(%arg16 : memref<128x16xf32, #tpu.memory_space<vmem>>) dst(%dma_wait3A_190 : memref<10112x16xf32, #tpu.memory_space<vmem_shared>>)
              } else {
              }
              %add3A_177 = arith.constant 5 : i32
              %add3A_178 = arith.addi %while3A_131, %add3A_177 : i32
              %lt3A_179 = arith.cmpi slt, %add3A_178, %add3A_22 : i32
              %convert_element_type3A_180 = arith.extui %lt3A_179 : i1 to i32
              %cond3A_181 = arith.constant 0 : i32
              %cond3A_182 = arith.cmpi ne, %convert_element_type3A_180, %cond3A_181 : i32
              scf.if %cond3A_182 {
                %ge3A_184 = arith.constant 1 : i32
                %ge3A_185 = arith.cmpi sge, %while3A_131, %ge3A_184 : i32
                %convert_element_type3A_186 = arith.extui %ge3A_185 : i1 to i32
                %cond3A_187 = arith.constant 0 : i32
                %cond3A_188 = arith.cmpi ne, %convert_element_type3A_186, %cond3A_187 : i32
                scf.if %cond3A_188 {
                  %dma_wait3A_197 = arith.constant 0 : i32
                  %dma_wait3A_198 = arith.constant 0 : i32
                  %dma_wait3A_199 = tpu.memref_slice %arg9[%dma_wait3A_197, %dma_wait3A_198] : memref<79x128xi32, #tpu.memory_space<vmem>> -> memref<1x128xi32, #tpu.memory_space<vmem>>
                  %dma_wait3A_200 = tpu.memref_squeeze %dma_wait3A_199 : memref<1x128xi32, #tpu.memory_space<vmem>> -> memref<128xi32, #tpu.memory_space<vmem>>
                  %dma_wait3A_201 = arith.constant 0 : i32
                  %dma_wait3A_202 = arith.constant 0 : i32
                  %dma_wait3A_203 = tpu.memref_slice %arg6[%dma_wait3A_201, %dma_wait3A_202] : memref<10112x16xf32, #tpu.memory_space<vmem_shared>> -> memref<10112x16xf32, #tpu.memory_space<vmem_shared>>
                  tpu.wait_indirect_dma semaphore(%arg26 : memref<!tpu.dma_semaphore, #tpu.memory_space<semaphore_mem>>) src(%arg12 : memref<128x16xf32, #tpu.memory_space<vmem>>) dst(%dma_wait3A_203 : memref<10112x16xf32, #tpu.memory_space<vmem_shared>>)
                } else {
                }
                %add3A_189 = arith.constant 5 : i32
                %add3A_190 = arith.addi %while3A_131, %add3A_189 : i32
                %dma_start3A_191 = arith.constant 0 : i32
                %dma_start3A_192 = tpu.memref_slice %arg8[%add3A_190, %dma_start3A_191] : memref<79x128xi32, #tpu.memory_space<vmem>> -> memref<1x128xi32, #tpu.memory_space<vmem>>
                %dma_start3A_193 = tpu.memref_squeeze %dma_start3A_192 : memref<1x128xi32, #tpu.memory_space<vmem>> -> memref<128xi32, #tpu.memory_space<vmem>>
                %dma_start3A_194 = arith.constant 0 : i32
                %dma_start3A_195 = arith.constant 0 : i32
                %dma_start3A_196 = tpu.memref_slice %arg2[%dma_start3A_194, %dma_start3A_195] : memref<10112x16xf32, #tpu.memory_space<hbm>> -> memref<10112x16xf32, #tpu.memory_space<hbm>>
                tpu.enqueue_indirect_dma source(%dma_start3A_196 : memref<10112x16xf32, #tpu.memory_space<hbm>>) target(%arg12 : memref<128x16xf32, #tpu.memory_space<vmem>>) offsets(%dma_start3A_193 : memref<128xi32, #tpu.memory_space<vmem>>) semaphore(%arg20 : memref<!tpu.dma_semaphore, #tpu.memory_space<semaphore_mem>>)
              } else {
              }
              %cond3A_183 = arith.constant 0 : i32
              scf.yield %cond3A_183 : i32
            }
            scf.yield %cond3A_154 : i32
          } else {
            %dma_wait3A_150 = arith.constant 0 : i32
            %dma_wait3A_151 = tpu.memref_slice %arg8[%while3A_131, %dma_wait3A_150] : memref<79x128xi32, #tpu.memory_space<vmem>> -> memref<1x128xi32, #tpu.memory_space<vmem>>
            %dma_wait3A_152 = tpu.memref_squeeze %dma_wait3A_151 : memref<1x128xi32, #tpu.memory_space<vmem>> -> memref<128xi32, #tpu.memory_space<vmem>>
            %dma_wait3A_153 = arith.constant 0 : i32
            %dma_wait3A_154 = arith.constant 0 : i32
            %dma_wait3A_155 = tpu.memref_slice %arg2[%dma_wait3A_153, %dma_wait3A_154] : memref<10112x16xf32, #tpu.memory_space<hbm>> -> memref<10112x16xf32, #tpu.memory_space<hbm>>
            tpu.wait_indirect_dma semaphore(%arg20 : memref<!tpu.dma_semaphore, #tpu.memory_space<semaphore_mem>>) src(%dma_wait3A_155 : memref<10112x16xf32, #tpu.memory_space<hbm>>) dst(%arg12 : memref<128x16xf32, #tpu.memory_space<vmem>>)
            %dma_start3A_156 = arith.constant 0 : i32
            %dma_start3A_157 = tpu.memref_slice %arg9[%while3A_131, %dma_start3A_156] : memref<79x128xi32, #tpu.memory_space<vmem>> -> memref<1x128xi32, #tpu.memory_space<vmem>>
            %dma_start3A_158 = tpu.memref_squeeze %dma_start3A_157 : memref<1x128xi32, #tpu.memory_space<vmem>> -> memref<128xi32, #tpu.memory_space<vmem>>
            %dma_start3A_159 = arith.constant 0 : i32
            %dma_start3A_160 = arith.constant 0 : i32
            %dma_start3A_161 = tpu.memref_slice %arg6[%dma_start3A_159, %dma_start3A_160] : memref<10112x16xf32, #tpu.memory_space<vmem_shared>> -> memref<10112x16xf32, #tpu.memory_space<vmem_shared>>
            tpu.enqueue_indirect_dma source(%arg12 : memref<128x16xf32, #tpu.memory_space<vmem>>) target(%dma_start3A_161 : memref<10112x16xf32, #tpu.memory_space<vmem_shared>>) offsets(%dma_start3A_158 : memref<128xi32, #tpu.memory_space<vmem>>) semaphore(%arg26 : memref<!tpu.dma_semaphore, #tpu.memory_space<semaphore_mem>>) {add = true}
            %dma_start3A_162 = arith.constant 0 : i32
            %dma_start3A_163 = tpu.memref_slice %arg9[%while3A_131, %dma_start3A_162] : memref<79x128xi32, #tpu.memory_space<vmem>> -> memref<1x128xi32, #tpu.memory_space<vmem>>
            %dma_start3A_164 = tpu.memref_squeeze %dma_start3A_163 : memref<1x128xi32, #tpu.memory_space<vmem>> -> memref<128xi32, #tpu.memory_space<vmem>>
            %dma_start3A_165 = arith.constant 0 : i32
            %dma_start3A_166 = arith.constant 0 : i32
            %dma_start3A_167 = tpu.memref_slice %arg7[%dma_start3A_165, %dma_start3A_166] : memref<10112x16xf32, #tpu.memory_space<vmem_shared>> -> memref<10112x16xf32, #tpu.memory_space<vmem_shared>>
            tpu.enqueue_indirect_dma source(%arg16 : memref<128x16xf32, #tpu.memory_space<vmem>>) target(%dma_start3A_167 : memref<10112x16xf32, #tpu.memory_space<vmem_shared>>) offsets(%dma_start3A_164 : memref<128xi32, #tpu.memory_space<vmem>>) semaphore(%arg30 : memref<!tpu.dma_semaphore, #tpu.memory_space<semaphore_mem>>) {add = true}
            %ge3A = arith.constant 1 : i32
            %ge3A_168 = arith.cmpi sge, %while3A_131, %ge3A : i32
            %convert_element_type3A_169 = arith.extui %ge3A_168 : i1 to i32
            %cond3A_170 = arith.constant 0 : i32
            %cond3A_171 = arith.cmpi ne, %convert_element_type3A_169, %cond3A_170 : i32
            scf.if %cond3A_171 {
              %dma_wait3A_179 = arith.constant 0 : i32
              %dma_wait3A_180 = arith.constant 0 : i32
              %dma_wait3A_181 = tpu.memref_slice %arg9[%dma_wait3A_179, %dma_wait3A_180] : memref<79x128xi32, #tpu.memory_space<vmem>> -> memref<1x128xi32, #tpu.memory_space<vmem>>
              %dma_wait3A_182 = tpu.memref_squeeze %dma_wait3A_181 : memref<1x128xi32, #tpu.memory_space<vmem>> -> memref<128xi32, #tpu.memory_space<vmem>>
              %dma_wait3A_183 = arith.constant 0 : i32
              %dma_wait3A_184 = arith.constant 0 : i32
              %dma_wait3A_185 = tpu.memref_slice %arg7[%dma_wait3A_183, %dma_wait3A_184] : memref<10112x16xf32, #tpu.memory_space<vmem_shared>> -> memref<10112x16xf32, #tpu.memory_space<vmem_shared>>
              tpu.wait_indirect_dma semaphore(%arg30 : memref<!tpu.dma_semaphore, #tpu.memory_space<semaphore_mem>>) src(%arg16 : memref<128x16xf32, #tpu.memory_space<vmem>>) dst(%dma_wait3A_185 : memref<10112x16xf32, #tpu.memory_space<vmem_shared>>)
            } else {
            }
            %add3A_172 = arith.constant 5 : i32
            %add3A_173 = arith.addi %while3A_131, %add3A_172 : i32
            %lt3A_174 = arith.cmpi slt, %add3A_173, %add3A_22 : i32
            %convert_element_type3A_175 = arith.extui %lt3A_174 : i1 to i32
            %cond3A_176 = arith.constant 0 : i32
            %cond3A_177 = arith.cmpi ne, %convert_element_type3A_175, %cond3A_176 : i32
            scf.if %cond3A_177 {
              %ge3A_179 = arith.constant 1 : i32
              %ge3A_180 = arith.cmpi sge, %while3A_131, %ge3A_179 : i32
              %convert_element_type3A_181 = arith.extui %ge3A_180 : i1 to i32
              %cond3A_182 = arith.constant 0 : i32
              %cond3A_183 = arith.cmpi ne, %convert_element_type3A_181, %cond3A_182 : i32
              scf.if %cond3A_183 {
                %dma_wait3A_192 = arith.constant 0 : i32
                %dma_wait3A_193 = arith.constant 0 : i32
                %dma_wait3A_194 = tpu.memref_slice %arg9[%dma_wait3A_192, %dma_wait3A_193] : memref<79x128xi32, #tpu.memory_space<vmem>> -> memref<1x128xi32, #tpu.memory_space<vmem>>
                %dma_wait3A_195 = tpu.memref_squeeze %dma_wait3A_194 : memref<1x128xi32, #tpu.memory_space<vmem>> -> memref<128xi32, #tpu.memory_space<vmem>>
                %dma_wait3A_196 = arith.constant 0 : i32
                %dma_wait3A_197 = arith.constant 0 : i32
                %dma_wait3A_198 = tpu.memref_slice %arg6[%dma_wait3A_196, %dma_wait3A_197] : memref<10112x16xf32, #tpu.memory_space<vmem_shared>> -> memref<10112x16xf32, #tpu.memory_space<vmem_shared>>
                tpu.wait_indirect_dma semaphore(%arg25 : memref<!tpu.dma_semaphore, #tpu.memory_space<semaphore_mem>>) src(%arg11 : memref<128x16xf32, #tpu.memory_space<vmem>>) dst(%dma_wait3A_198 : memref<10112x16xf32, #tpu.memory_space<vmem_shared>>)
              } else {
              }
              %add3A_184 = arith.constant 5 : i32
              %add3A_185 = arith.addi %while3A_131, %add3A_184 : i32
              %dma_start3A_186 = arith.constant 0 : i32
              %dma_start3A_187 = tpu.memref_slice %arg8[%add3A_185, %dma_start3A_186] : memref<79x128xi32, #tpu.memory_space<vmem>> -> memref<1x128xi32, #tpu.memory_space<vmem>>
              %dma_start3A_188 = tpu.memref_squeeze %dma_start3A_187 : memref<1x128xi32, #tpu.memory_space<vmem>> -> memref<128xi32, #tpu.memory_space<vmem>>
              %dma_start3A_189 = arith.constant 0 : i32
              %dma_start3A_190 = arith.constant 0 : i32
              %dma_start3A_191 = tpu.memref_slice %arg2[%dma_start3A_189, %dma_start3A_190] : memref<10112x16xf32, #tpu.memory_space<hbm>> -> memref<10112x16xf32, #tpu.memory_space<hbm>>
              tpu.enqueue_indirect_dma source(%dma_start3A_191 : memref<10112x16xf32, #tpu.memory_space<hbm>>) target(%arg11 : memref<128x16xf32, #tpu.memory_space<vmem>>) offsets(%dma_start3A_188 : memref<128xi32, #tpu.memory_space<vmem>>) semaphore(%arg19 : memref<!tpu.dma_semaphore, #tpu.memory_space<semaphore_mem>>)
            } else {
            }
            %cond3A_178 = arith.constant 0 : i32
            scf.yield %cond3A_178 : i32
          }
          scf.yield %cond3A_149 : i32
        } else {
          %dma_wait3A_145 = arith.constant 0 : i32
          %dma_wait3A_146 = tpu.memref_slice %arg8[%while3A_131, %dma_wait3A_145] : memref<79x128xi32, #tpu.memory_space<vmem>> -> memref<1x128xi32, #tpu.memory_space<vmem>>
          %dma_wait3A_147 = tpu.memref_squeeze %dma_wait3A_146 : memref<1x128xi32, #tpu.memory_space<vmem>> -> memref<128xi32, #tpu.memory_space<vmem>>
          %dma_wait3A_148 = arith.constant 0 : i32
          %dma_wait3A_149 = arith.constant 0 : i32
          %dma_wait3A_150 = tpu.memref_slice %arg2[%dma_wait3A_148, %dma_wait3A_149] : memref<10112x16xf32, #tpu.memory_space<hbm>> -> memref<10112x16xf32, #tpu.memory_space<hbm>>
          tpu.wait_indirect_dma semaphore(%arg19 : memref<!tpu.dma_semaphore, #tpu.memory_space<semaphore_mem>>) src(%dma_wait3A_150 : memref<10112x16xf32, #tpu.memory_space<hbm>>) dst(%arg11 : memref<128x16xf32, #tpu.memory_space<vmem>>)
          %dma_start3A_151 = arith.constant 0 : i32
          %dma_start3A_152 = tpu.memref_slice %arg9[%while3A_131, %dma_start3A_151] : memref<79x128xi32, #tpu.memory_space<vmem>> -> memref<1x128xi32, #tpu.memory_space<vmem>>
          %dma_start3A_153 = tpu.memref_squeeze %dma_start3A_152 : memref<1x128xi32, #tpu.memory_space<vmem>> -> memref<128xi32, #tpu.memory_space<vmem>>
          %dma_start3A_154 = arith.constant 0 : i32
          %dma_start3A_155 = arith.constant 0 : i32
          %dma_start3A_156 = tpu.memref_slice %arg6[%dma_start3A_154, %dma_start3A_155] : memref<10112x16xf32, #tpu.memory_space<vmem_shared>> -> memref<10112x16xf32, #tpu.memory_space<vmem_shared>>
          tpu.enqueue_indirect_dma source(%arg11 : memref<128x16xf32, #tpu.memory_space<vmem>>) target(%dma_start3A_156 : memref<10112x16xf32, #tpu.memory_space<vmem_shared>>) offsets(%dma_start3A_153 : memref<128xi32, #tpu.memory_space<vmem>>) semaphore(%arg25 : memref<!tpu.dma_semaphore, #tpu.memory_space<semaphore_mem>>) {add = true}
          %dma_start3A_157 = arith.constant 0 : i32
          %dma_start3A_158 = tpu.memref_slice %arg9[%while3A_131, %dma_start3A_157] : memref<79x128xi32, #tpu.memory_space<vmem>> -> memref<1x128xi32, #tpu.memory_space<vmem>>
          %dma_start3A_159 = tpu.memref_squeeze %dma_start3A_158 : memref<1x128xi32, #tpu.memory_space<vmem>> -> memref<128xi32, #tpu.memory_space<vmem>>
          %dma_start3A_160 = arith.constant 0 : i32
          %dma_start3A_161 = arith.constant 0 : i32
          %dma_start3A_162 = tpu.memref_slice %arg7[%dma_start3A_160, %dma_start3A_161] : memref<10112x16xf32, #tpu.memory_space<vmem_shared>> -> memref<10112x16xf32, #tpu.memory_space<vmem_shared>>
          tpu.enqueue_indirect_dma source(%arg16 : memref<128x16xf32, #tpu.memory_space<vmem>>) target(%dma_start3A_162 : memref<10112x16xf32, #tpu.memory_space<vmem_shared>>) offsets(%dma_start3A_159 : memref<128xi32, #tpu.memory_space<vmem>>) semaphore(%arg30 : memref<!tpu.dma_semaphore, #tpu.memory_space<semaphore_mem>>) {add = true}
          %ge3A = arith.constant 1 : i32
          %ge3A_163 = arith.cmpi sge, %while3A_131, %ge3A : i32
          %convert_element_type3A_164 = arith.extui %ge3A_163 : i1 to i32
          %cond3A_165 = arith.constant 0 : i32
          %cond3A_166 = arith.cmpi ne, %convert_element_type3A_164, %cond3A_165 : i32
          scf.if %cond3A_166 {
            %dma_wait3A_174 = arith.constant 0 : i32
            %dma_wait3A_175 = arith.constant 0 : i32
            %dma_wait3A_176 = tpu.memref_slice %arg9[%dma_wait3A_174, %dma_wait3A_175] : memref<79x128xi32, #tpu.memory_space<vmem>> -> memref<1x128xi32, #tpu.memory_space<vmem>>
            %dma_wait3A_177 = tpu.memref_squeeze %dma_wait3A_176 : memref<1x128xi32, #tpu.memory_space<vmem>> -> memref<128xi32, #tpu.memory_space<vmem>>
            %dma_wait3A_178 = arith.constant 0 : i32
            %dma_wait3A_179 = arith.constant 0 : i32
            %dma_wait3A_180 = tpu.memref_slice %arg7[%dma_wait3A_178, %dma_wait3A_179] : memref<10112x16xf32, #tpu.memory_space<vmem_shared>> -> memref<10112x16xf32, #tpu.memory_space<vmem_shared>>
            tpu.wait_indirect_dma semaphore(%arg30 : memref<!tpu.dma_semaphore, #tpu.memory_space<semaphore_mem>>) src(%arg16 : memref<128x16xf32, #tpu.memory_space<vmem>>) dst(%dma_wait3A_180 : memref<10112x16xf32, #tpu.memory_space<vmem_shared>>)
          } else {
          }
          %add3A_167 = arith.constant 5 : i32
          %add3A_168 = arith.addi %while3A_131, %add3A_167 : i32
          %lt3A_169 = arith.cmpi slt, %add3A_168, %add3A_22 : i32
          %convert_element_type3A_170 = arith.extui %lt3A_169 : i1 to i32
          %cond3A_171 = arith.constant 0 : i32
          %cond3A_172 = arith.cmpi ne, %convert_element_type3A_170, %cond3A_171 : i32
          scf.if %cond3A_172 {
            %ge3A_174 = arith.constant 1 : i32
            %ge3A_175 = arith.cmpi sge, %while3A_131, %ge3A_174 : i32
            %convert_element_type3A_176 = arith.extui %ge3A_175 : i1 to i32
            %cond3A_177 = arith.constant 0 : i32
            %cond3A_178 = arith.cmpi ne, %convert_element_type3A_176, %cond3A_177 : i32
            scf.if %cond3A_178 {
              %dma_wait3A_187 = arith.constant 0 : i32
              %dma_wait3A_188 = arith.constant 0 : i32
              %dma_wait3A_189 = tpu.memref_slice %arg9[%dma_wait3A_187, %dma_wait3A_188] : memref<79x128xi32, #tpu.memory_space<vmem>> -> memref<1x128xi32, #tpu.memory_space<vmem>>
              %dma_wait3A_190 = tpu.memref_squeeze %dma_wait3A_189 : memref<1x128xi32, #tpu.memory_space<vmem>> -> memref<128xi32, #tpu.memory_space<vmem>>
              %dma_wait3A_191 = arith.constant 0 : i32
              %dma_wait3A_192 = arith.constant 0 : i32
              %dma_wait3A_193 = tpu.memref_slice %arg6[%dma_wait3A_191, %dma_wait3A_192] : memref<10112x16xf32, #tpu.memory_space<vmem_shared>> -> memref<10112x16xf32, #tpu.memory_space<vmem_shared>>
              tpu.wait_indirect_dma semaphore(%arg24 : memref<!tpu.dma_semaphore, #tpu.memory_space<semaphore_mem>>) src(%arg10 : memref<128x16xf32, #tpu.memory_space<vmem>>) dst(%dma_wait3A_193 : memref<10112x16xf32, #tpu.memory_space<vmem_shared>>)
            } else {
            }
            %add3A_179 = arith.constant 5 : i32
            %add3A_180 = arith.addi %while3A_131, %add3A_179 : i32
            %dma_start3A_181 = arith.constant 0 : i32
            %dma_start3A_182 = tpu.memref_slice %arg8[%add3A_180, %dma_start3A_181] : memref<79x128xi32, #tpu.memory_space<vmem>> -> memref<1x128xi32, #tpu.memory_space<vmem>>
            %dma_start3A_183 = tpu.memref_squeeze %dma_start3A_182 : memref<1x128xi32, #tpu.memory_space<vmem>> -> memref<128xi32, #tpu.memory_space<vmem>>
            %dma_start3A_184 = arith.constant 0 : i32
            %dma_start3A_185 = arith.constant 0 : i32
            %dma_start3A_186 = tpu.memref_slice %arg2[%dma_start3A_184, %dma_start3A_185] : memref<10112x16xf32, #tpu.memory_space<hbm>> -> memref<10112x16xf32, #tpu.memory_space<hbm>>
            tpu.enqueue_indirect_dma source(%dma_start3A_186 : memref<10112x16xf32, #tpu.memory_space<hbm>>) target(%arg10 : memref<128x16xf32, #tpu.memory_space<vmem>>) offsets(%dma_start3A_183 : memref<128xi32, #tpu.memory_space<vmem>>) semaphore(%arg18 : memref<!tpu.dma_semaphore, #tpu.memory_space<semaphore_mem>>)
          } else {
          }
          %cond3A_173 = arith.constant 0 : i32
          scf.yield %cond3A_173 : i32
        }
        scf.yield %cond3A_144 : i32
      } else {
        %dma_wait3A_140 = arith.constant 0 : i32
        %dma_wait3A_141 = tpu.memref_slice %arg8[%while3A_131, %dma_wait3A_140] : memref<79x128xi32, #tpu.memory_space<vmem>> -> memref<1x128xi32, #tpu.memory_space<vmem>>
        %dma_wait3A_142 = tpu.memref_squeeze %dma_wait3A_141 : memref<1x128xi32, #tpu.memory_space<vmem>> -> memref<128xi32, #tpu.memory_space<vmem>>
        %dma_wait3A_143 = arith.constant 0 : i32
        %dma_wait3A_144 = arith.constant 0 : i32
        %dma_wait3A_145 = tpu.memref_slice %arg2[%dma_wait3A_143, %dma_wait3A_144] : memref<10112x16xf32, #tpu.memory_space<hbm>> -> memref<10112x16xf32, #tpu.memory_space<hbm>>
        tpu.wait_indirect_dma semaphore(%arg18 : memref<!tpu.dma_semaphore, #tpu.memory_space<semaphore_mem>>) src(%dma_wait3A_145 : memref<10112x16xf32, #tpu.memory_space<hbm>>) dst(%arg10 : memref<128x16xf32, #tpu.memory_space<vmem>>)
        %dma_start3A_146 = arith.constant 0 : i32
        %dma_start3A_147 = tpu.memref_slice %arg9[%while3A_131, %dma_start3A_146] : memref<79x128xi32, #tpu.memory_space<vmem>> -> memref<1x128xi32, #tpu.memory_space<vmem>>
        %dma_start3A_148 = tpu.memref_squeeze %dma_start3A_147 : memref<1x128xi32, #tpu.memory_space<vmem>> -> memref<128xi32, #tpu.memory_space<vmem>>
        %dma_start3A_149 = arith.constant 0 : i32
        %dma_start3A_150 = arith.constant 0 : i32
        %dma_start3A_151 = tpu.memref_slice %arg6[%dma_start3A_149, %dma_start3A_150] : memref<10112x16xf32, #tpu.memory_space<vmem_shared>> -> memref<10112x16xf32, #tpu.memory_space<vmem_shared>>
        tpu.enqueue_indirect_dma source(%arg10 : memref<128x16xf32, #tpu.memory_space<vmem>>) target(%dma_start3A_151 : memref<10112x16xf32, #tpu.memory_space<vmem_shared>>) offsets(%dma_start3A_148 : memref<128xi32, #tpu.memory_space<vmem>>) semaphore(%arg24 : memref<!tpu.dma_semaphore, #tpu.memory_space<semaphore_mem>>) {add = true}
        %dma_start3A_152 = arith.constant 0 : i32
        %dma_start3A_153 = tpu.memref_slice %arg9[%while3A_131, %dma_start3A_152] : memref<79x128xi32, #tpu.memory_space<vmem>> -> memref<1x128xi32, #tpu.memory_space<vmem>>
        %dma_start3A_154 = tpu.memref_squeeze %dma_start3A_153 : memref<1x128xi32, #tpu.memory_space<vmem>> -> memref<128xi32, #tpu.memory_space<vmem>>
        %dma_start3A_155 = arith.constant 0 : i32
        %dma_start3A_156 = arith.constant 0 : i32
        %dma_start3A_157 = tpu.memref_slice %arg7[%dma_start3A_155, %dma_start3A_156] : memref<10112x16xf32, #tpu.memory_space<vmem_shared>> -> memref<10112x16xf32, #tpu.memory_space<vmem_shared>>
        tpu.enqueue_indirect_dma source(%arg16 : memref<128x16xf32, #tpu.memory_space<vmem>>) target(%dma_start3A_157 : memref<10112x16xf32, #tpu.memory_space<vmem_shared>>) offsets(%dma_start3A_154 : memref<128xi32, #tpu.memory_space<vmem>>) semaphore(%arg30 : memref<!tpu.dma_semaphore, #tpu.memory_space<semaphore_mem>>) {add = true}
        %ge3A = arith.constant 1 : i32
        %ge3A_158 = arith.cmpi sge, %while3A_131, %ge3A : i32
        %convert_element_type3A_159 = arith.extui %ge3A_158 : i1 to i32
        %cond3A_160 = arith.constant 0 : i32
        %cond3A_161 = arith.cmpi ne, %convert_element_type3A_159, %cond3A_160 : i32
        scf.if %cond3A_161 {
          %dma_wait3A_169 = arith.constant 0 : i32
          %dma_wait3A_170 = arith.constant 0 : i32
          %dma_wait3A_171 = tpu.memref_slice %arg9[%dma_wait3A_169, %dma_wait3A_170] : memref<79x128xi32, #tpu.memory_space<vmem>> -> memref<1x128xi32, #tpu.memory_space<vmem>>
          %dma_wait3A_172 = tpu.memref_squeeze %dma_wait3A_171 : memref<1x128xi32, #tpu.memory_space<vmem>> -> memref<128xi32, #tpu.memory_space<vmem>>
          %dma_wait3A_173 = arith.constant 0 : i32
          %dma_wait3A_174 = arith.constant 0 : i32
          %dma_wait3A_175 = tpu.memref_slice %arg7[%dma_wait3A_173, %dma_wait3A_174] : memref<10112x16xf32, #tpu.memory_space<vmem_shared>> -> memref<10112x16xf32, #tpu.memory_space<vmem_shared>>
          tpu.wait_indirect_dma semaphore(%arg30 : memref<!tpu.dma_semaphore, #tpu.memory_space<semaphore_mem>>) src(%arg16 : memref<128x16xf32, #tpu.memory_space<vmem>>) dst(%dma_wait3A_175 : memref<10112x16xf32, #tpu.memory_space<vmem_shared>>)
        } else {
        }
        %add3A_162 = arith.constant 5 : i32
        %add3A_163 = arith.addi %while3A_131, %add3A_162 : i32
        %lt3A_164 = arith.cmpi slt, %add3A_163, %add3A_22 : i32
        %convert_element_type3A_165 = arith.extui %lt3A_164 : i1 to i32
        %cond3A_166 = arith.constant 0 : i32
        %cond3A_167 = arith.cmpi ne, %convert_element_type3A_165, %cond3A_166 : i32
        scf.if %cond3A_167 {
          %ge3A_169 = arith.constant 1 : i32
          %ge3A_170 = arith.cmpi sge, %while3A_131, %ge3A_169 : i32
          %convert_element_type3A_171 = arith.extui %ge3A_170 : i1 to i32
          %cond3A_172 = arith.constant 0 : i32
          %cond3A_173 = arith.cmpi ne, %convert_element_type3A_171, %cond3A_172 : i32
          scf.if %cond3A_173 {
            %dma_wait3A_182 = arith.constant 0 : i32
            %dma_wait3A_183 = arith.constant 0 : i32
            %dma_wait3A_184 = tpu.memref_slice %arg9[%dma_wait3A_182, %dma_wait3A_183] : memref<79x128xi32, #tpu.memory_space<vmem>> -> memref<1x128xi32, #tpu.memory_space<vmem>>
            %dma_wait3A_185 = tpu.memref_squeeze %dma_wait3A_184 : memref<1x128xi32, #tpu.memory_space<vmem>> -> memref<128xi32, #tpu.memory_space<vmem>>
            %dma_wait3A_186 = arith.constant 0 : i32
            %dma_wait3A_187 = arith.constant 0 : i32
            %dma_wait3A_188 = tpu.memref_slice %arg6[%dma_wait3A_186, %dma_wait3A_187] : memref<10112x16xf32, #tpu.memory_space<vmem_shared>> -> memref<10112x16xf32, #tpu.memory_space<vmem_shared>>
            tpu.wait_indirect_dma semaphore(%arg29 : memref<!tpu.dma_semaphore, #tpu.memory_space<semaphore_mem>>) src(%arg15 : memref<128x16xf32, #tpu.memory_space<vmem>>) dst(%dma_wait3A_188 : memref<10112x16xf32, #tpu.memory_space<vmem_shared>>)
          } else {
          }
          %add3A_174 = arith.constant 5 : i32
          %add3A_175 = arith.addi %while3A_131, %add3A_174 : i32
          %dma_start3A_176 = arith.constant 0 : i32
          %dma_start3A_177 = tpu.memref_slice %arg8[%add3A_175, %dma_start3A_176] : memref<79x128xi32, #tpu.memory_space<vmem>> -> memref<1x128xi32, #tpu.memory_space<vmem>>
          %dma_start3A_178 = tpu.memref_squeeze %dma_start3A_177 : memref<1x128xi32, #tpu.memory_space<vmem>> -> memref<128xi32, #tpu.memory_space<vmem>>
          %dma_start3A_179 = arith.constant 0 : i32
          %dma_start3A_180 = arith.constant 0 : i32
          %dma_start3A_181 = tpu.memref_slice %arg2[%dma_start3A_179, %dma_start3A_180] : memref<10112x16xf32, #tpu.memory_space<hbm>> -> memref<10112x16xf32, #tpu.memory_space<hbm>>
          tpu.enqueue_indirect_dma source(%dma_start3A_181 : memref<10112x16xf32, #tpu.memory_space<hbm>>) target(%arg15 : memref<128x16xf32, #tpu.memory_space<vmem>>) offsets(%dma_start3A_178 : memref<128xi32, #tpu.memory_space<vmem>>) semaphore(%arg23 : memref<!tpu.dma_semaphore, #tpu.memory_space<semaphore_mem>>)
        } else {
        }
        %cond3A_168 = arith.constant 0 : i32
        scf.yield %cond3A_168 : i32
      }
    }
    %dma_wait3A = arith.constant 0 : i32
    %dma_wait3A_74 = arith.constant 0 : i32
    %dma_wait3A_75 = tpu.memref_slice %arg9[%dma_wait3A, %dma_wait3A_74] : memref<79x128xi32, #tpu.memory_space<vmem>> -> memref<1x128xi32, #tpu.memory_space<vmem>>
    %dma_wait3A_76 = tpu.memref_squeeze %dma_wait3A_75 : memref<1x128xi32, #tpu.memory_space<vmem>> -> memref<128xi32, #tpu.memory_space<vmem>>
    %dma_wait3A_77 = arith.constant 0 : i32
    %dma_wait3A_78 = arith.constant 0 : i32
    %dma_wait3A_79 = tpu.memref_slice %arg6[%dma_wait3A_77, %dma_wait3A_78] : memref<10112x16xf32, #tpu.memory_space<vmem_shared>> -> memref<10112x16xf32, #tpu.memory_space<vmem_shared>>
    tpu.wait_indirect_dma semaphore(%arg24 : memref<!tpu.dma_semaphore, #tpu.memory_space<semaphore_mem>>) src(%arg10 : memref<128x16xf32, #tpu.memory_space<vmem>>) dst(%dma_wait3A_79 : memref<10112x16xf32, #tpu.memory_space<vmem_shared>>)
    %dma_wait3A_80 = arith.constant 0 : i32
    %dma_wait3A_81 = arith.constant 0 : i32
    %dma_wait3A_82 = tpu.memref_slice %arg9[%dma_wait3A_80, %dma_wait3A_81] : memref<79x128xi32, #tpu.memory_space<vmem>> -> memref<1x128xi32, #tpu.memory_space<vmem>>
    %dma_wait3A_83 = tpu.memref_squeeze %dma_wait3A_82 : memref<1x128xi32, #tpu.memory_space<vmem>> -> memref<128xi32, #tpu.memory_space<vmem>>
    %dma_wait3A_84 = arith.constant 0 : i32
    %dma_wait3A_85 = arith.constant 0 : i32
    %dma_wait3A_86 = tpu.memref_slice %arg6[%dma_wait3A_84, %dma_wait3A_85] : memref<10112x16xf32, #tpu.memory_space<vmem_shared>> -> memref<10112x16xf32, #tpu.memory_space<vmem_shared>>
    tpu.wait_indirect_dma semaphore(%arg25 : memref<!tpu.dma_semaphore, #tpu.memory_space<semaphore_mem>>) src(%arg11 : memref<128x16xf32, #tpu.memory_space<vmem>>) dst(%dma_wait3A_86 : memref<10112x16xf32, #tpu.memory_space<vmem_shared>>)
    %dma_wait3A_87 = arith.constant 0 : i32
    %dma_wait3A_88 = arith.constant 0 : i32
    %dma_wait3A_89 = tpu.memref_slice %arg9[%dma_wait3A_87, %dma_wait3A_88] : memref<79x128xi32, #tpu.memory_space<vmem>> -> memref<1x128xi32, #tpu.memory_space<vmem>>
    %dma_wait3A_90 = tpu.memref_squeeze %dma_wait3A_89 : memref<1x128xi32, #tpu.memory_space<vmem>> -> memref<128xi32, #tpu.memory_space<vmem>>
    %dma_wait3A_91 = arith.constant 0 : i32
    %dma_wait3A_92 = arith.constant 0 : i32
    %dma_wait3A_93 = tpu.memref_slice %arg6[%dma_wait3A_91, %dma_wait3A_92] : memref<10112x16xf32, #tpu.memory_space<vmem_shared>> -> memref<10112x16xf32, #tpu.memory_space<vmem_shared>>
    tpu.wait_indirect_dma semaphore(%arg26 : memref<!tpu.dma_semaphore, #tpu.memory_space<semaphore_mem>>) src(%arg12 : memref<128x16xf32, #tpu.memory_space<vmem>>) dst(%dma_wait3A_93 : memref<10112x16xf32, #tpu.memory_space<vmem_shared>>)
    %dma_wait3A_94 = arith.constant 0 : i32
    %dma_wait3A_95 = arith.constant 0 : i32
    %dma_wait3A_96 = tpu.memref_slice %arg9[%dma_wait3A_94, %dma_wait3A_95] : memref<79x128xi32, #tpu.memory_space<vmem>> -> memref<1x128xi32, #tpu.memory_space<vmem>>
    %dma_wait3A_97 = tpu.memref_squeeze %dma_wait3A_96 : memref<1x128xi32, #tpu.memory_space<vmem>> -> memref<128xi32, #tpu.memory_space<vmem>>
    %dma_wait3A_98 = arith.constant 0 : i32
    %dma_wait3A_99 = arith.constant 0 : i32
    %dma_wait3A_100 = tpu.memref_slice %arg6[%dma_wait3A_98, %dma_wait3A_99] : memref<10112x16xf32, #tpu.memory_space<vmem_shared>> -> memref<10112x16xf32, #tpu.memory_space<vmem_shared>>
    tpu.wait_indirect_dma semaphore(%arg27 : memref<!tpu.dma_semaphore, #tpu.memory_space<semaphore_mem>>) src(%arg13 : memref<128x16xf32, #tpu.memory_space<vmem>>) dst(%dma_wait3A_100 : memref<10112x16xf32, #tpu.memory_space<vmem_shared>>)
    %dma_wait3A_101 = arith.constant 0 : i32
    %dma_wait3A_102 = arith.constant 0 : i32
    %dma_wait3A_103 = tpu.memref_slice %arg9[%dma_wait3A_101, %dma_wait3A_102] : memref<79x128xi32, #tpu.memory_space<vmem>> -> memref<1x128xi32, #tpu.memory_space<vmem>>
    %dma_wait3A_104 = tpu.memref_squeeze %dma_wait3A_103 : memref<1x128xi32, #tpu.memory_space<vmem>> -> memref<128xi32, #tpu.memory_space<vmem>>
    %dma_wait3A_105 = arith.constant 0 : i32
    %dma_wait3A_106 = arith.constant 0 : i32
    %dma_wait3A_107 = tpu.memref_slice %arg6[%dma_wait3A_105, %dma_wait3A_106] : memref<10112x16xf32, #tpu.memory_space<vmem_shared>> -> memref<10112x16xf32, #tpu.memory_space<vmem_shared>>
    tpu.wait_indirect_dma semaphore(%arg28 : memref<!tpu.dma_semaphore, #tpu.memory_space<semaphore_mem>>) src(%arg14 : memref<128x16xf32, #tpu.memory_space<vmem>>) dst(%dma_wait3A_107 : memref<10112x16xf32, #tpu.memory_space<vmem_shared>>)
    %dma_wait3A_108 = arith.constant 0 : i32
    %dma_wait3A_109 = arith.constant 0 : i32
    %dma_wait3A_110 = tpu.memref_slice %arg9[%dma_wait3A_108, %dma_wait3A_109] : memref<79x128xi32, #tpu.memory_space<vmem>> -> memref<1x128xi32, #tpu.memory_space<vmem>>
    %dma_wait3A_111 = tpu.memref_squeeze %dma_wait3A_110 : memref<1x128xi32, #tpu.memory_space<vmem>> -> memref<128xi32, #tpu.memory_space<vmem>>
    %dma_wait3A_112 = arith.constant 0 : i32
    %dma_wait3A_113 = arith.constant 0 : i32
    %dma_wait3A_114 = tpu.memref_slice %arg6[%dma_wait3A_112, %dma_wait3A_113] : memref<10112x16xf32, #tpu.memory_space<vmem_shared>> -> memref<10112x16xf32, #tpu.memory_space<vmem_shared>>
    tpu.wait_indirect_dma semaphore(%arg29 : memref<!tpu.dma_semaphore, #tpu.memory_space<semaphore_mem>>) src(%arg15 : memref<128x16xf32, #tpu.memory_space<vmem>>) dst(%dma_wait3A_114 : memref<10112x16xf32, #tpu.memory_space<vmem_shared>>)
    %dma_wait3A_115 = arith.constant 0 : i32
    %dma_wait3A_116 = arith.constant 0 : i32
    %dma_wait3A_117 = tpu.memref_slice %arg9[%dma_wait3A_115, %dma_wait3A_116] : memref<79x128xi32, #tpu.memory_space<vmem>> -> memref<1x128xi32, #tpu.memory_space<vmem>>
    %dma_wait3A_118 = tpu.memref_squeeze %dma_wait3A_117 : memref<1x128xi32, #tpu.memory_space<vmem>> -> memref<128xi32, #tpu.memory_space<vmem>>
    %dma_wait3A_119 = arith.constant 0 : i32
    %dma_wait3A_120 = arith.constant 0 : i32
    %dma_wait3A_121 = tpu.memref_slice %arg7[%dma_wait3A_119, %dma_wait3A_120] : memref<10112x16xf32, #tpu.memory_space<vmem_shared>> -> memref<10112x16xf32, #tpu.memory_space<vmem_shared>>
    tpu.wait_indirect_dma semaphore(%arg30 : memref<!tpu.dma_semaphore, #tpu.memory_space<semaphore_mem>>) src(%arg16 : memref<128x16xf32, #tpu.memory_space<vmem>>) dst(%dma_wait3A_121 : memref<10112x16xf32, #tpu.memory_space<vmem_shared>>)
    %barrier3A_122 = arith.constant 0 : index
    tpu.barrier barrier_id(%barrier3A_122)
    %mul3A_123 = arith.constant 632 : i32
    %mul3A_124 = arith.muli %arg1, %mul3A_123 : i32
    "tpu.region"() ({
      %run_scoped3A_131 = tpu.sem_alloc : memref<!tpu.dma_semaphore, #tpu.memory_space<semaphore_mem>>
      %dma_start3A_132 = arith.constant 0 : i32
      %dma_start3A_133 = tpu.memref_slice %arg6[%mul3A_124, %dma_start3A_132] : memref<10112x16xf32, #tpu.memory_space<vmem_shared>> -> memref<632x16xf32, #tpu.memory_space<vmem_shared>>
      %dma_start3A_134 = arith.constant 0 : i32
      %dma_start3A_135 = tpu.memref_slice %arg6[%mul3A_124, %dma_start3A_134] : memref<10112x16xf32, #tpu.memory_space<vmem_shared>> -> memref<632x16xf32, #tpu.memory_space<vmem_shared>>
      tpu.enqueue_dma source(%dma_start3A_135 : memref<632x16xf32, #tpu.memory_space<vmem_shared>>) target(%arg17 : memref<632x16xf32, #tpu.memory_space<vmem>>) target_semaphore(%run_scoped3A_131 : memref<!tpu.dma_semaphore, #tpu.memory_space<semaphore_mem>>)
      %dma_wait3A_136 = arith.constant 0 : i32
      %dma_wait3A_137 = tpu.memref_slice %arg6[%mul3A_124, %dma_wait3A_136] : memref<10112x16xf32, #tpu.memory_space<vmem_shared>> -> memref<632x16xf32, #tpu.memory_space<vmem_shared>>
      %dma_wait3A_138 = arith.constant 0 : i32
      %dma_wait3A_139 = tpu.memref_slice %arg6[%mul3A_124, %dma_wait3A_138] : memref<10112x16xf32, #tpu.memory_space<vmem_shared>> -> memref<632x16xf32, #tpu.memory_space<vmem_shared>>
      tpu.wait_dma2 semaphore(%run_scoped3A_131 : memref<!tpu.dma_semaphore, #tpu.memory_space<semaphore_mem>>) src(%dma_wait3A_139 : memref<632x16xf32, #tpu.memory_space<vmem_shared>>) dst(%arg17 : memref<632x16xf32, #tpu.memory_space<vmem>>)
      tpu.yield
    }) : () -> ()
    %mul3A_125 = arith.constant 632 : i32
    %mul3A_126 = arith.muli %arg1, %mul3A_125 : i32
    "tpu.region"() ({
      %run_scoped3A_131 = tpu.sem_alloc : memref<!tpu.dma_semaphore, #tpu.memory_space<semaphore_mem>>
      %dma_start3A_132 = arith.constant 0 : i32
      %dma_start3A_133 = tpu.memref_slice %arg4[%arg0, %mul3A_126, %dma_start3A_132] : memref<2x10112x16xf32, #tpu.memory_space<hbm>> -> memref<1x632x16xf32, #tpu.memory_space<hbm>>
      %dma_start3A_134 = tpu.memref_squeeze %dma_start3A_133 : memref<1x632x16xf32, #tpu.memory_space<hbm>> -> memref<632x16xf32, #tpu.memory_space<hbm>>
      %dma_start3A_135 = arith.constant 0 : i32
      %dma_start3A_136 = tpu.memref_slice %arg4[%arg0, %mul3A_126, %dma_start3A_135] : memref<2x10112x16xf32, #tpu.memory_space<hbm>> -> memref<1x632x16xf32, #tpu.memory_space<hbm>>
      %dma_start3A_137 = tpu.memref_squeeze %dma_start3A_136 : memref<1x632x16xf32, #tpu.memory_space<hbm>> -> memref<632x16xf32, #tpu.memory_space<hbm>>
      tpu.enqueue_dma source(%arg17 : memref<632x16xf32, #tpu.memory_space<vmem>>) target(%dma_start3A_137 : memref<632x16xf32, #tpu.memory_space<hbm>>) target_semaphore(%run_scoped3A_131 : memref<!tpu.dma_semaphore, #tpu.memory_space<semaphore_mem>>)
      %dma_wait3A_138 = arith.constant 0 : i32
      %dma_wait3A_139 = tpu.memref_slice %arg4[%arg0, %mul3A_126, %dma_wait3A_138] : memref<2x10112x16xf32, #tpu.memory_space<hbm>> -> memref<1x632x16xf32, #tpu.memory_space<hbm>>
      %dma_wait3A_140 = tpu.memref_squeeze %dma_wait3A_139 : memref<1x632x16xf32, #tpu.memory_space<hbm>> -> memref<632x16xf32, #tpu.memory_space<hbm>>
      %dma_wait3A_141 = arith.constant 0 : i32
      %dma_wait3A_142 = tpu.memref_slice %arg4[%arg0, %mul3A_126, %dma_wait3A_141] : memref<2x10112x16xf32, #tpu.memory_space<hbm>> -> memref<1x632x16xf32, #tpu.memory_space<hbm>>
      %dma_wait3A_143 = tpu.memref_squeeze %dma_wait3A_142 : memref<1x632x16xf32, #tpu.memory_space<hbm>> -> memref<632x16xf32, #tpu.memory_space<hbm>>
      tpu.wait_dma2 semaphore(%run_scoped3A_131 : memref<!tpu.dma_semaphore, #tpu.memory_space<semaphore_mem>>) src(%arg17 : memref<632x16xf32, #tpu.memory_space<vmem>>) dst(%dma_wait3A_143 : memref<632x16xf32, #tpu.memory_space<hbm>>)
      tpu.yield
    }) : () -> ()
    %mul3A_127 = arith.constant 632 : i32
    %mul3A_128 = arith.muli %arg1, %mul3A_127 : i32
    "tpu.region"() ({
      %run_scoped3A_131 = tpu.sem_alloc : memref<!tpu.dma_semaphore, #tpu.memory_space<semaphore_mem>>
      %dma_start3A_132 = arith.constant 0 : i32
      %dma_start3A_133 = tpu.memref_slice %arg7[%mul3A_128, %dma_start3A_132] : memref<10112x16xf32, #tpu.memory_space<vmem_shared>> -> memref<632x16xf32, #tpu.memory_space<vmem_shared>>
      %dma_start3A_134 = arith.constant 0 : i32
      %dma_start3A_135 = tpu.memref_slice %arg7[%mul3A_128, %dma_start3A_134] : memref<10112x16xf32, #tpu.memory_space<vmem_shared>> -> memref<632x16xf32, #tpu.memory_space<vmem_shared>>
      tpu.enqueue_dma source(%dma_start3A_135 : memref<632x16xf32, #tpu.memory_space<vmem_shared>>) target(%arg17 : memref<632x16xf32, #tpu.memory_space<vmem>>) target_semaphore(%run_scoped3A_131 : memref<!tpu.dma_semaphore, #tpu.memory_space<semaphore_mem>>)
      %dma_wait3A_136 = arith.constant 0 : i32
      %dma_wait3A_137 = tpu.memref_slice %arg7[%mul3A_128, %dma_wait3A_136] : memref<10112x16xf32, #tpu.memory_space<vmem_shared>> -> memref<632x16xf32, #tpu.memory_space<vmem_shared>>
      %dma_wait3A_138 = arith.constant 0 : i32
      %dma_wait3A_139 = tpu.memref_slice %arg7[%mul3A_128, %dma_wait3A_138] : memref<10112x16xf32, #tpu.memory_space<vmem_shared>> -> memref<632x16xf32, #tpu.memory_space<vmem_shared>>
      tpu.wait_dma2 semaphore(%run_scoped3A_131 : memref<!tpu.dma_semaphore, #tpu.memory_space<semaphore_mem>>) src(%dma_wait3A_139 : memref<632x16xf32, #tpu.memory_space<vmem_shared>>) dst(%arg17 : memref<632x16xf32, #tpu.memory_space<vmem>>)
      tpu.yield
    }) : () -> ()
    %mul3A_129 = arith.constant 632 : i32
    %mul3A_130 = arith.muli %arg1, %mul3A_129 : i32
    "tpu.region"() ({
      %run_scoped3A_131 = tpu.sem_alloc : memref<!tpu.dma_semaphore, #tpu.memory_space<semaphore_mem>>
      %dma_start3A_132 = arith.constant 0 : i32
      %dma_start3A_133 = tpu.memref_slice %arg5[%arg0, %mul3A_130, %dma_start3A_132] : memref<2x10112x16xf32, #tpu.memory_space<hbm>> -> memref<1x632x16xf32, #tpu.memory_space<hbm>>
      %dma_start3A_134 = tpu.memref_squeeze %dma_start3A_133 : memref<1x632x16xf32, #tpu.memory_space<hbm>> -> memref<632x16xf32, #tpu.memory_space<hbm>>
      %dma_start3A_135 = arith.constant 0 : i32
      %dma_start3A_136 = tpu.memref_slice %arg5[%arg0, %mul3A_130, %dma_start3A_135] : memref<2x10112x16xf32, #tpu.memory_space<hbm>> -> memref<1x632x16xf32, #tpu.memory_space<hbm>>
      %dma_start3A_137 = tpu.memref_squeeze %dma_start3A_136 : memref<1x632x16xf32, #tpu.memory_space<hbm>> -> memref<632x16xf32, #tpu.memory_space<hbm>>
      tpu.enqueue_dma source(%arg17 : memref<632x16xf32, #tpu.memory_space<vmem>>) target(%dma_start3A_137 : memref<632x16xf32, #tpu.memory_space<hbm>>) target_semaphore(%run_scoped3A_131 : memref<!tpu.dma_semaphore, #tpu.memory_space<semaphore_mem>>)
      %dma_wait3A_138 = arith.constant 0 : i32
      %dma_wait3A_139 = tpu.memref_slice %arg5[%arg0, %mul3A_130, %dma_wait3A_138] : memref<2x10112x16xf32, #tpu.memory_space<hbm>> -> memref<1x632x16xf32, #tpu.memory_space<hbm>>
      %dma_wait3A_140 = tpu.memref_squeeze %dma_wait3A_139 : memref<1x632x16xf32, #tpu.memory_space<hbm>> -> memref<632x16xf32, #tpu.memory_space<hbm>>
      %dma_wait3A_141 = arith.constant 0 : i32
      %dma_wait3A_142 = tpu.memref_slice %arg5[%arg0, %mul3A_130, %dma_wait3A_141] : memref<2x10112x16xf32, #tpu.memory_space<hbm>> -> memref<1x632x16xf32, #tpu.memory_space<hbm>>
      %dma_wait3A_143 = tpu.memref_squeeze %dma_wait3A_142 : memref<1x632x16xf32, #tpu.memory_space<hbm>> -> memref<632x16xf32, #tpu.memory_space<hbm>>
      tpu.wait_dma2 semaphore(%run_scoped3A_131 : memref<!tpu.dma_semaphore, #tpu.memory_space<semaphore_mem>>) src(%arg17 : memref<632x16xf32, #tpu.memory_space<vmem>>) dst(%dma_wait3A_143 : memref<632x16xf32, #tpu.memory_space<hbm>>)
      tpu.yield
    }) : () -> ()
    return
  }
}

module attributes {stable_mosaic.version = 14 : i64} {
  func.func @body(%arg0: memref<10000x128xf32, #tpu.memory_space<vmem>>, %arg1: memref<128x16xf32, #tpu.memory_space<vmem>>, %arg2: memref<128x16xf32, #tpu.memory_space<vmem>>, %arg3: memref<1264x128xf32, #tpu.memory_space<vmem>>, %arg4: memref<1264x128xf32, #tpu.memory_space<vmem>>) attributes {dimension_semantics = [], scalar_prefetch = 0 : i64, scratch_operands = 0 : i64, tpu.core_type = #tpu.core_type<tc>} {
    %get3A = arith.constant 0 : index
    %get3A_0 = arith.constant 0 : index
    %get3A_1 = vector.load %arg0[%get3A, %get3A_0] : memref<10000x128xf32, #tpu.memory_space<vmem>>, vector<10000x128xf32>
    %reshape3A = vector.shape_cast %get3A_1 : vector<10000x128xf32> to vector<1250x1024xf32>
    %get3A_2 = arith.constant 0 : index
    %get3A_3 = arith.constant 0 : index
    %get3A_4 = vector.load %arg1[%get3A_2, %get3A_3] : memref<128x16xf32, #tpu.memory_space<vmem>>, vector<128x16xf32>
    %get3A_5 = arith.constant 0 : index
    %get3A_6 = arith.constant 0 : index
    %get3A_7 = vector.load %arg2[%get3A_5, %get3A_6] : memref<128x16xf32, #tpu.memory_space<vmem>>, vector<128x16xf32>
    %slice3A = vector.extract_strided_slice %reshape3A {offsets = [0, 0], sizes = [1250, 128], strides = [1, 1]} : vector<1250x1024xf32> to vector<1250x128xf32>
    %dot_general3A = arith.constant dense<0.000000e+00> : vector<1250x16xf32>
    %dot_general3A_8 = tpu.matmul %slice3A, %get3A_4, %dot_general3A {dimension_numbers = #tpu.dot_dimension_numbers<[1], [0], [0], [1], [0, 0, 1, 1], [], []>, transpose_lhs_hint = false} : vector<1250x128xf32>, vector<128x16xf32>, vector<1250x16xf32> -> vector<1250x16xf32>
    %swap3A = arith.constant 0 : index
    %swap3A_9 = arith.constant 0 : index
    %swap3A_10 = vector.load %arg3[%swap3A, %swap3A_9] : memref<1264x128xf32, #tpu.memory_space<vmem>>, vector<1250x16xf32>
    tpu.vector_store %arg3[%swap3A, %swap3A_9], %dot_general3A_8 {strides = array<i32>} : memref<1264x128xf32, #tpu.memory_space<vmem>>, vector<1250x16xf32>,
    %slice3A_11 = vector.extract_strided_slice %reshape3A {offsets = [0, 128], sizes = [1250, 128], strides = [1, 1]} : vector<1250x1024xf32> to vector<1250x128xf32>
    %dot_general3A_12 = arith.constant dense<0.000000e+00> : vector<1250x16xf32>
    %dot_general3A_13 = tpu.matmul %slice3A_11, %get3A_4, %dot_general3A_12 {dimension_numbers = #tpu.dot_dimension_numbers<[1], [0], [0], [1], [0, 0, 1, 1], [], []>, transpose_lhs_hint = false} : vector<1250x128xf32>, vector<128x16xf32>, vector<1250x16xf32> -> vector<1250x16xf32>
    %swap3A_14 = arith.constant 0 : index
    %swap3A_15 = arith.constant 16 : index
    %swap3A_16 = vector.load %arg3[%swap3A_14, %swap3A_15] : memref<1264x128xf32, #tpu.memory_space<vmem>>, vector<1250x16xf32>
    tpu.vector_store %arg3[%swap3A_14, %swap3A_15], %dot_general3A_13 {strides = array<i32>} : memref<1264x128xf32, #tpu.memory_space<vmem>>, vector<1250x16xf32>,
    %slice3A_17 = vector.extract_strided_slice %reshape3A {offsets = [0, 256], sizes = [1250, 128], strides = [1, 1]} : vector<1250x1024xf32> to vector<1250x128xf32>
    %dot_general3A_18 = arith.constant dense<0.000000e+00> : vector<1250x16xf32>
    %dot_general3A_19 = tpu.matmul %slice3A_17, %get3A_4, %dot_general3A_18 {dimension_numbers = #tpu.dot_dimension_numbers<[1], [0], [0], [1], [0, 0, 1, 1], [], []>, transpose_lhs_hint = false} : vector<1250x128xf32>, vector<128x16xf32>, vector<1250x16xf32> -> vector<1250x16xf32>
    %swap3A_20 = arith.constant 0 : index
    %swap3A_21 = arith.constant 32 : index
    %swap3A_22 = vector.load %arg3[%swap3A_20, %swap3A_21] : memref<1264x128xf32, #tpu.memory_space<vmem>>, vector<1250x16xf32>
    tpu.vector_store %arg3[%swap3A_20, %swap3A_21], %dot_general3A_19 {strides = array<i32>} : memref<1264x128xf32, #tpu.memory_space<vmem>>, vector<1250x16xf32>,
    %slice3A_23 = vector.extract_strided_slice %reshape3A {offsets = [0, 384], sizes = [1250, 128], strides = [1, 1]} : vector<1250x1024xf32> to vector<1250x128xf32>
    %dot_general3A_24 = arith.constant dense<0.000000e+00> : vector<1250x16xf32>
    %dot_general3A_25 = tpu.matmul %slice3A_23, %get3A_4, %dot_general3A_24 {dimension_numbers = #tpu.dot_dimension_numbers<[1], [0], [0], [1], [0, 0, 1, 1], [], []>, transpose_lhs_hint = false} : vector<1250x128xf32>, vector<128x16xf32>, vector<1250x16xf32> -> vector<1250x16xf32>
    %swap3A_26 = arith.constant 0 : index
    %swap3A_27 = arith.constant 48 : index
    %swap3A_28 = vector.load %arg3[%swap3A_26, %swap3A_27] : memref<1264x128xf32, #tpu.memory_space<vmem>>, vector<1250x16xf32>
    tpu.vector_store %arg3[%swap3A_26, %swap3A_27], %dot_general3A_25 {strides = array<i32>} : memref<1264x128xf32, #tpu.memory_space<vmem>>, vector<1250x16xf32>,
    %slice3A_29 = vector.extract_strided_slice %reshape3A {offsets = [0, 512], sizes = [1250, 128], strides = [1, 1]} : vector<1250x1024xf32> to vector<1250x128xf32>
    %dot_general3A_30 = arith.constant dense<0.000000e+00> : vector<1250x16xf32>
    %dot_general3A_31 = tpu.matmul %slice3A_29, %get3A_4, %dot_general3A_30 {dimension_numbers = #tpu.dot_dimension_numbers<[1], [0], [0], [1], [0, 0, 1, 1], [], []>, transpose_lhs_hint = false} : vector<1250x128xf32>, vector<128x16xf32>, vector<1250x16xf32> -> vector<1250x16xf32>
    %swap3A_32 = arith.constant 0 : index
    %swap3A_33 = arith.constant 64 : index
    %swap3A_34 = vector.load %arg3[%swap3A_32, %swap3A_33] : memref<1264x128xf32, #tpu.memory_space<vmem>>, vector<1250x16xf32>
    tpu.vector_store %arg3[%swap3A_32, %swap3A_33], %dot_general3A_31 {strides = array<i32>} : memref<1264x128xf32, #tpu.memory_space<vmem>>, vector<1250x16xf32>,
    %slice3A_35 = vector.extract_strided_slice %reshape3A {offsets = [0, 640], sizes = [1250, 128], strides = [1, 1]} : vector<1250x1024xf32> to vector<1250x128xf32>
    %dot_general3A_36 = arith.constant dense<0.000000e+00> : vector<1250x16xf32>
    %dot_general3A_37 = tpu.matmul %slice3A_35, %get3A_4, %dot_general3A_36 {dimension_numbers = #tpu.dot_dimension_numbers<[1], [0], [0], [1], [0, 0, 1, 1], [], []>, transpose_lhs_hint = false} : vector<1250x128xf32>, vector<128x16xf32>, vector<1250x16xf32> -> vector<1250x16xf32>
    %swap3A_38 = arith.constant 0 : index
    %swap3A_39 = arith.constant 80 : index
    %swap3A_40 = vector.load %arg3[%swap3A_38, %swap3A_39] : memref<1264x128xf32, #tpu.memory_space<vmem>>, vector<1250x16xf32>
    tpu.vector_store %arg3[%swap3A_38, %swap3A_39], %dot_general3A_37 {strides = array<i32>} : memref<1264x128xf32, #tpu.memory_space<vmem>>, vector<1250x16xf32>,
    %slice3A_41 = vector.extract_strided_slice %reshape3A {offsets = [0, 768], sizes = [1250, 128], strides = [1, 1]} : vector<1250x1024xf32> to vector<1250x128xf32>
    %dot_general3A_42 = arith.constant dense<0.000000e+00> : vector<1250x16xf32>
    %dot_general3A_43 = tpu.matmul %slice3A_41, %get3A_4, %dot_general3A_42 {dimension_numbers = #tpu.dot_dimension_numbers<[1], [0], [0], [1], [0, 0, 1, 1], [], []>, transpose_lhs_hint = false} : vector<1250x128xf32>, vector<128x16xf32>, vector<1250x16xf32> -> vector<1250x16xf32>
    %swap3A_44 = arith.constant 0 : index
    %swap3A_45 = arith.constant 96 : index
    %swap3A_46 = vector.load %arg3[%swap3A_44, %swap3A_45] : memref<1264x128xf32, #tpu.memory_space<vmem>>, vector<1250x16xf32>
    tpu.vector_store %arg3[%swap3A_44, %swap3A_45], %dot_general3A_43 {strides = array<i32>} : memref<1264x128xf32, #tpu.memory_space<vmem>>, vector<1250x16xf32>,
    %slice3A_47 = vector.extract_strided_slice %reshape3A {offsets = [0, 896], sizes = [1250, 128], strides = [1, 1]} : vector<1250x1024xf32> to vector<1250x128xf32>
    %dot_general3A_48 = arith.constant dense<0.000000e+00> : vector<1250x16xf32>
    %dot_general3A_49 = tpu.matmul %slice3A_47, %get3A_4, %dot_general3A_48 {dimension_numbers = #tpu.dot_dimension_numbers<[1], [0], [0], [1], [0, 0, 1, 1], [], []>, transpose_lhs_hint = false} : vector<1250x128xf32>, vector<128x16xf32>, vector<1250x16xf32> -> vector<1250x16xf32>
    %swap3A_50 = arith.constant 0 : index
    %swap3A_51 = arith.constant 112 : index
    %swap3A_52 = vector.load %arg3[%swap3A_50, %swap3A_51] : memref<1264x128xf32, #tpu.memory_space<vmem>>, vector<1250x16xf32>
    tpu.vector_store %arg3[%swap3A_50, %swap3A_51], %dot_general3A_49 {strides = array<i32>} : memref<1264x128xf32, #tpu.memory_space<vmem>>, vector<1250x16xf32>,
    %broadcast_in_dim3A = arith.constant 0.000000e+00 : f32
    %broadcast_in_dim3A_53 = vector.broadcast %broadcast_in_dim3A : f32 to vector<14x128xf32>
    %swap3A_54 = arith.constant 1250 : index
    %swap3A_55 = arith.constant 0 : index
    %swap3A_56 = vector.load %arg3[%swap3A_54, %swap3A_55] : memref<1264x128xf32, #tpu.memory_space<vmem>>, vector<14x128xf32>
    tpu.vector_store %arg3[%swap3A_54, %swap3A_55], %broadcast_in_dim3A_53 {strides = array<i32>} : memref<1264x128xf32, #tpu.memory_space<vmem>>, vector<14x128xf32>,
    %slice3A_57 = vector.extract_strided_slice %reshape3A {offsets = [0, 0], sizes = [1250, 128], strides = [1, 1]} : vector<1250x1024xf32> to vector<1250x128xf32>
    %dot_general3A_58 = arith.constant dense<0.000000e+00> : vector<1250x16xf32>
    %dot_general3A_59 = tpu.matmul %slice3A_57, %get3A_7, %dot_general3A_58 {dimension_numbers = #tpu.dot_dimension_numbers<[1], [0], [0], [1], [0, 0, 1, 1], [], []>, transpose_lhs_hint = false} : vector<1250x128xf32>, vector<128x16xf32>, vector<1250x16xf32> -> vector<1250x16xf32>
    %swap3A_60 = arith.constant 0 : index
    %swap3A_61 = arith.constant 0 : index
    %swap3A_62 = vector.load %arg4[%swap3A_60, %swap3A_61] : memref<1264x128xf32, #tpu.memory_space<vmem>>, vector<1250x16xf32>
    tpu.vector_store %arg4[%swap3A_60, %swap3A_61], %dot_general3A_59 {strides = array<i32>} : memref<1264x128xf32, #tpu.memory_space<vmem>>, vector<1250x16xf32>,
    %slice3A_63 = vector.extract_strided_slice %reshape3A {offsets = [0, 128], sizes = [1250, 128], strides = [1, 1]} : vector<1250x1024xf32> to vector<1250x128xf32>
    %dot_general3A_64 = arith.constant dense<0.000000e+00> : vector<1250x16xf32>
    %dot_general3A_65 = tpu.matmul %slice3A_63, %get3A_7, %dot_general3A_64 {dimension_numbers = #tpu.dot_dimension_numbers<[1], [0], [0], [1], [0, 0, 1, 1], [], []>, transpose_lhs_hint = false} : vector<1250x128xf32>, vector<128x16xf32>, vector<1250x16xf32> -> vector<1250x16xf32>
    %swap3A_66 = arith.constant 0 : index
    %swap3A_67 = arith.constant 16 : index
    %swap3A_68 = vector.load %arg4[%swap3A_66, %swap3A_67] : memref<1264x128xf32, #tpu.memory_space<vmem>>, vector<1250x16xf32>
    tpu.vector_store %arg4[%swap3A_66, %swap3A_67], %dot_general3A_65 {strides = array<i32>} : memref<1264x128xf32, #tpu.memory_space<vmem>>, vector<1250x16xf32>,
    %slice3A_69 = vector.extract_strided_slice %reshape3A {offsets = [0, 256], sizes = [1250, 128], strides = [1, 1]} : vector<1250x1024xf32> to vector<1250x128xf32>
    %dot_general3A_70 = arith.constant dense<0.000000e+00> : vector<1250x16xf32>
    %dot_general3A_71 = tpu.matmul %slice3A_69, %get3A_7, %dot_general3A_70 {dimension_numbers = #tpu.dot_dimension_numbers<[1], [0], [0], [1], [0, 0, 1, 1], [], []>, transpose_lhs_hint = false} : vector<1250x128xf32>, vector<128x16xf32>, vector<1250x16xf32> -> vector<1250x16xf32>
    %swap3A_72 = arith.constant 0 : index
    %swap3A_73 = arith.constant 32 : index
    %swap3A_74 = vector.load %arg4[%swap3A_72, %swap3A_73] : memref<1264x128xf32, #tpu.memory_space<vmem>>, vector<1250x16xf32>
    tpu.vector_store %arg4[%swap3A_72, %swap3A_73], %dot_general3A_71 {strides = array<i32>} : memref<1264x128xf32, #tpu.memory_space<vmem>>, vector<1250x16xf32>,
    %slice3A_75 = vector.extract_strided_slice %reshape3A {offsets = [0, 384], sizes = [1250, 128], strides = [1, 1]} : vector<1250x1024xf32> to vector<1250x128xf32>
    %dot_general3A_76 = arith.constant dense<0.000000e+00> : vector<1250x16xf32>
    %dot_general3A_77 = tpu.matmul %slice3A_75, %get3A_7, %dot_general3A_76 {dimension_numbers = #tpu.dot_dimension_numbers<[1], [0], [0], [1], [0, 0, 1, 1], [], []>, transpose_lhs_hint = false} : vector<1250x128xf32>, vector<128x16xf32>, vector<1250x16xf32> -> vector<1250x16xf32>
    %swap3A_78 = arith.constant 0 : index
    %swap3A_79 = arith.constant 48 : index
    %swap3A_80 = vector.load %arg4[%swap3A_78, %swap3A_79] : memref<1264x128xf32, #tpu.memory_space<vmem>>, vector<1250x16xf32>
    tpu.vector_store %arg4[%swap3A_78, %swap3A_79], %dot_general3A_77 {strides = array<i32>} : memref<1264x128xf32, #tpu.memory_space<vmem>>, vector<1250x16xf32>,
    %slice3A_81 = vector.extract_strided_slice %reshape3A {offsets = [0, 512], sizes = [1250, 128], strides = [1, 1]} : vector<1250x1024xf32> to vector<1250x128xf32>
    %dot_general3A_82 = arith.constant dense<0.000000e+00> : vector<1250x16xf32>
    %dot_general3A_83 = tpu.matmul %slice3A_81, %get3A_7, %dot_general3A_82 {dimension_numbers = #tpu.dot_dimension_numbers<[1], [0], [0], [1], [0, 0, 1, 1], [], []>, transpose_lhs_hint = false} : vector<1250x128xf32>, vector<128x16xf32>, vector<1250x16xf32> -> vector<1250x16xf32>
    %swap3A_84 = arith.constant 0 : index
    %swap3A_85 = arith.constant 64 : index
    %swap3A_86 = vector.load %arg4[%swap3A_84, %swap3A_85] : memref<1264x128xf32, #tpu.memory_space<vmem>>, vector<1250x16xf32>
    tpu.vector_store %arg4[%swap3A_84, %swap3A_85], %dot_general3A_83 {strides = array<i32>} : memref<1264x128xf32, #tpu.memory_space<vmem>>, vector<1250x16xf32>,
    %slice3A_87 = vector.extract_strided_slice %reshape3A {offsets = [0, 640], sizes = [1250, 128], strides = [1, 1]} : vector<1250x1024xf32> to vector<1250x128xf32>
    %dot_general3A_88 = arith.constant dense<0.000000e+00> : vector<1250x16xf32>
    %dot_general3A_89 = tpu.matmul %slice3A_87, %get3A_7, %dot_general3A_88 {dimension_numbers = #tpu.dot_dimension_numbers<[1], [0], [0], [1], [0, 0, 1, 1], [], []>, transpose_lhs_hint = false} : vector<1250x128xf32>, vector<128x16xf32>, vector<1250x16xf32> -> vector<1250x16xf32>
    %swap3A_90 = arith.constant 0 : index
    %swap3A_91 = arith.constant 80 : index
    %swap3A_92 = vector.load %arg4[%swap3A_90, %swap3A_91] : memref<1264x128xf32, #tpu.memory_space<vmem>>, vector<1250x16xf32>
    tpu.vector_store %arg4[%swap3A_90, %swap3A_91], %dot_general3A_89 {strides = array<i32>} : memref<1264x128xf32, #tpu.memory_space<vmem>>, vector<1250x16xf32>,
    %slice3A_93 = vector.extract_strided_slice %reshape3A {offsets = [0, 768], sizes = [1250, 128], strides = [1, 1]} : vector<1250x1024xf32> to vector<1250x128xf32>
    %dot_general3A_94 = arith.constant dense<0.000000e+00> : vector<1250x16xf32>
    %dot_general3A_95 = tpu.matmul %slice3A_93, %get3A_7, %dot_general3A_94 {dimension_numbers = #tpu.dot_dimension_numbers<[1], [0], [0], [1], [0, 0, 1, 1], [], []>, transpose_lhs_hint = false} : vector<1250x128xf32>, vector<128x16xf32>, vector<1250x16xf32> -> vector<1250x16xf32>
    %swap3A_96 = arith.constant 0 : index
    %swap3A_97 = arith.constant 96 : index
    %swap3A_98 = vector.load %arg4[%swap3A_96, %swap3A_97] : memref<1264x128xf32, #tpu.memory_space<vmem>>, vector<1250x16xf32>
    tpu.vector_store %arg4[%swap3A_96, %swap3A_97], %dot_general3A_95 {strides = array<i32>} : memref<1264x128xf32, #tpu.memory_space<vmem>>, vector<1250x16xf32>,
    %slice3A_99 = vector.extract_strided_slice %reshape3A {offsets = [0, 896], sizes = [1250, 128], strides = [1, 1]} : vector<1250x1024xf32> to vector<1250x128xf32>
    %dot_general3A_100 = arith.constant dense<0.000000e+00> : vector<1250x16xf32>
    %dot_general3A_101 = tpu.matmul %slice3A_99, %get3A_7, %dot_general3A_100 {dimension_numbers = #tpu.dot_dimension_numbers<[1], [0], [0], [1], [0, 0, 1, 1], [], []>, transpose_lhs_hint = false} : vector<1250x128xf32>, vector<128x16xf32>, vector<1250x16xf32> -> vector<1250x16xf32>
    %swap3A_102 = arith.constant 0 : index
    %swap3A_103 = arith.constant 112 : index
    %swap3A_104 = vector.load %arg4[%swap3A_102, %swap3A_103] : memref<1264x128xf32, #tpu.memory_space<vmem>>, vector<1250x16xf32>
    tpu.vector_store %arg4[%swap3A_102, %swap3A_103], %dot_general3A_101 {strides = array<i32>} : memref<1264x128xf32, #tpu.memory_space<vmem>>, vector<1250x16xf32>,
    %broadcast_in_dim3A_105 = arith.constant 0.000000e+00 : f32
    %broadcast_in_dim3A_106 = vector.broadcast %broadcast_in_dim3A_105 : f32 to vector<14x128xf32>
    %swap3A_107 = arith.constant 1250 : index
    %swap3A_108 = arith.constant 0 : index
    %swap3A_109 = vector.load %arg4[%swap3A_107, %swap3A_108] : memref<1264x128xf32, #tpu.memory_space<vmem>>, vector<14x128xf32>
    tpu.vector_store %arg4[%swap3A_107, %swap3A_108], %broadcast_in_dim3A_106 {strides = array<i32>} : memref<1264x128xf32, #tpu.memory_space<vmem>>, vector<14x128xf32>,
    return
  }
}

module attributes {stable_mosaic.version = 14 : i64} {
  func.func @body(%arg0: memref<2x1264x128xf32, #tpu.memory_space<vmem>>, %arg1: memref<2x1264x128xf32, #tpu.memory_space<vmem>>, %arg2: memref<1264x128xf32, #tpu.memory_space<vmem>>, %arg3: memref<1x128xf32, #tpu.memory_space<vmem>>, %arg4: memref<128x128xf32, #tpu.memory_space<vmem>>, %arg5: memref<128x128xf32, #tpu.memory_space<vmem>>, %arg6: memref<128x128xf32, #tpu.memory_space<vmem>>, %arg7: memref<128x128xf32, #tpu.memory_space<vmem>>, %arg8: memref<1264x128xf32, #tpu.memory_space<vmem>>, %arg9: memref<1264x128xf32, #tpu.memory_space<vmem>>, %arg10: memref<1264x128xf32, #tpu.memory_space<vmem>>, %arg11: memref<1264x128xf32, #tpu.memory_space<vmem>>) attributes {dimension_semantics = [], scalar_prefetch = 0 : i64, scratch_operands = 0 : i64, tpu.core_type = #tpu.core_type<tc>} {
    %get3A = arith.constant 0 : index
    %get3A_0 = arith.constant 0 : index
    %get3A_1 = arith.constant 0 : index
    %get3A_2 = vector.load %arg1[%get3A, %get3A_0, %get3A_1] : memref<2x1264x128xf32, #tpu.memory_space<vmem>>, vector<1x1264x128xf32>
    %get3A_3 = vector.shape_cast %get3A_2 : vector<1x1264x128xf32> to vector<1264x128xf32>
    %get3A_4 = arith.constant 1 : index
    %get3A_5 = arith.constant 0 : index
    %get3A_6 = arith.constant 0 : index
    %get3A_7 = vector.load %arg1[%get3A_4, %get3A_5, %get3A_6] : memref<2x1264x128xf32, #tpu.memory_space<vmem>>, vector<1x1264x128xf32>
    %get3A_8 = vector.shape_cast %get3A_7 : vector<1x1264x128xf32> to vector<1264x128xf32>
    %add3A = arith.addf %get3A_3, %get3A_8 : vector<1264x128xf32>
    %max3A = arith.constant 1.000000e+00 : f32
    %max3A_9 = vector.broadcast %max3A : f32 to vector<1264x128xf32>
    %max3A_10 = arith.maximumf %add3A, %max3A_9 : vector<1264x128xf32>
    %get3A_11 = arith.constant 0 : index
    %get3A_12 = arith.constant 0 : index
    %get3A_13 = arith.constant 0 : index
    %get3A_14 = vector.load %arg0[%get3A_11, %get3A_12, %get3A_13] : memref<2x1264x128xf32, #tpu.memory_space<vmem>>, vector<1x1264x128xf32>
    %get3A_15 = vector.shape_cast %get3A_14 : vector<1x1264x128xf32> to vector<1264x128xf32>
    %get3A_16 = arith.constant 1 : index
    %get3A_17 = arith.constant 0 : index
    %get3A_18 = arith.constant 0 : index
    %get3A_19 = vector.load %arg0[%get3A_16, %get3A_17, %get3A_18] : memref<2x1264x128xf32, #tpu.memory_space<vmem>>, vector<1x1264x128xf32>
    %get3A_20 = vector.shape_cast %get3A_19 : vector<1x1264x128xf32> to vector<1264x128xf32>
    %add3A_21 = arith.addf %get3A_15, %get3A_20 : vector<1264x128xf32>
    %div3A = arith.divf %add3A_21, %max3A_10 : vector<1264x128xf32>
    %get3A_22 = arith.constant 0 : index
    %get3A_23 = arith.constant 0 : index
    %get3A_24 = vector.load %arg3[%get3A_22, %get3A_23] : memref<1x128xf32, #tpu.memory_space<vmem>>, vector<1x128xf32>
    %add3A_25 = vector.broadcast %get3A_24 : vector<1x128xf32> to vector<1264x128xf32>
    %add3A_26 = arith.addf %div3A, %add3A_25 : vector<1264x128xf32>
    %get3A_27 = arith.constant 0 : index
    %get3A_28 = arith.constant 0 : index
    %get3A_29 = vector.load %arg2[%get3A_27, %get3A_28] : memref<1264x128xf32, #tpu.memory_space<vmem>>, vector<1264x128xf32>
    %add3A_30 = arith.addf %add3A_26, %get3A_29 : vector<1264x128xf32>
    %max3A_31 = arith.constant 0.000000e+00 : f32
    %max3A_32 = vector.broadcast %max3A_31 : f32 to vector<1264x128xf32>
    %max3A_33 = arith.maximumf %add3A_30, %max3A_32 : vector<1264x128xf32>
    %get3A_34 = arith.constant 0 : index
    %get3A_35 = arith.constant 0 : index
    %get3A_36 = vector.load %arg4[%get3A_34, %get3A_35] : memref<128x128xf32, #tpu.memory_space<vmem>>, vector<128x128xf32>
    %dot_general3A = arith.constant dense<0.000000e+00> : vector<1264x128xf32>
    %dot_general3A_37 = tpu.matmul %max3A_33, %get3A_36, %dot_general3A {dimension_numbers = #tpu.dot_dimension_numbers<[1], [0], [0], [1], [0, 0, 1, 1], [], []>, transpose_lhs_hint = false} : vector<1264x128xf32>, vector<128x128xf32>, vector<1264x128xf32> -> vector<1264x128xf32>
    %swap3A = arith.constant 0 : index
    %swap3A_38 = arith.constant 0 : index
    %swap3A_39 = vector.load %arg8[%swap3A, %swap3A_38] : memref<1264x128xf32, #tpu.memory_space<vmem>>, vector<1264x128xf32>
    tpu.vector_store %arg8[%swap3A, %swap3A_38], %dot_general3A_37 {strides = array<i32>} : memref<1264x128xf32, #tpu.memory_space<vmem>>, vector<1264x128xf32>,
    %get3A_40 = arith.constant 0 : index
    %get3A_41 = arith.constant 0 : index
    %get3A_42 = vector.load %arg5[%get3A_40, %get3A_41] : memref<128x128xf32, #tpu.memory_space<vmem>>, vector<128x128xf32>
    %dot_general3A_43 = arith.constant dense<0.000000e+00> : vector<1264x128xf32>
    %dot_general3A_44 = tpu.matmul %max3A_33, %get3A_42, %dot_general3A_43 {dimension_numbers = #tpu.dot_dimension_numbers<[1], [0], [0], [1], [0, 0, 1, 1], [], []>, transpose_lhs_hint = false} : vector<1264x128xf32>, vector<128x128xf32>, vector<1264x128xf32> -> vector<1264x128xf32>
    %swap3A_45 = arith.constant 0 : index
    %swap3A_46 = arith.constant 0 : index
    %swap3A_47 = vector.load %arg9[%swap3A_45, %swap3A_46] : memref<1264x128xf32, #tpu.memory_space<vmem>>, vector<1264x128xf32>
    tpu.vector_store %arg9[%swap3A_45, %swap3A_46], %dot_general3A_44 {strides = array<i32>} : memref<1264x128xf32, #tpu.memory_space<vmem>>, vector<1264x128xf32>,
    %get3A_48 = arith.constant 0 : index
    %get3A_49 = arith.constant 0 : index
    %get3A_50 = vector.load %arg6[%get3A_48, %get3A_49] : memref<128x128xf32, #tpu.memory_space<vmem>>, vector<128x128xf32>
    %dot_general3A_51 = arith.constant dense<0.000000e+00> : vector<1264x128xf32>
    %dot_general3A_52 = tpu.matmul %max3A_33, %get3A_50, %dot_general3A_51 {dimension_numbers = #tpu.dot_dimension_numbers<[1], [0], [0], [1], [0, 0, 1, 1], [], []>, transpose_lhs_hint = false} : vector<1264x128xf32>, vector<128x128xf32>, vector<1264x128xf32> -> vector<1264x128xf32>
    %swap3A_53 = arith.constant 0 : index
    %swap3A_54 = arith.constant 0 : index
    %swap3A_55 = vector.load %arg10[%swap3A_53, %swap3A_54] : memref<1264x128xf32, #tpu.memory_space<vmem>>, vector<1264x128xf32>
    tpu.vector_store %arg10[%swap3A_53, %swap3A_54], %dot_general3A_52 {strides = array<i32>} : memref<1264x128xf32, #tpu.memory_space<vmem>>, vector<1264x128xf32>,
    %get3A_56 = arith.constant 0 : index
    %get3A_57 = arith.constant 0 : index
    %get3A_58 = vector.load %arg7[%get3A_56, %get3A_57] : memref<128x128xf32, #tpu.memory_space<vmem>>, vector<128x128xf32>
    %dot_general3A_59 = arith.constant dense<0.000000e+00> : vector<1264x128xf32>
    %dot_general3A_60 = tpu.matmul %max3A_33, %get3A_58, %dot_general3A_59 {dimension_numbers = #tpu.dot_dimension_numbers<[1], [0], [0], [1], [0, 0, 1, 1], [], []>, transpose_lhs_hint = false} : vector<1264x128xf32>, vector<128x128xf32>, vector<1264x128xf32> -> vector<1264x128xf32>
    %swap3A_61 = arith.constant 0 : index
    %swap3A_62 = arith.constant 0 : index
    %swap3A_63 = vector.load %arg11[%swap3A_61, %swap3A_62] : memref<1264x128xf32, #tpu.memory_space<vmem>>, vector<1264x128xf32>
    tpu.vector_store %arg11[%swap3A_61, %swap3A_62], %dot_general3A_60 {strides = array<i32>} : memref<1264x128xf32, #tpu.memory_space<vmem>>, vector<1264x128xf32>,
    return
  }
}

module attributes {stable_mosaic.version = 14 : i64} {
  func.func @body(%arg0: memref<2x1264x128xf32, #tpu.memory_space<vmem>>, %arg1: memref<2x1264x128xf32, #tpu.memory_space<vmem>>, %arg2: memref<2x1264x128xf32, #tpu.memory_space<vmem>>, %arg3: memref<1264x128xf32, #tpu.memory_space<vmem>>, %arg4: memref<1264x128xf32, #tpu.memory_space<vmem>>, %arg5: memref<1x128xf32, #tpu.memory_space<vmem>>, %arg6: memref<1x128xf32, #tpu.memory_space<vmem>>, %arg7: memref<128x128xf32, #tpu.memory_space<vmem>>, %arg8: memref<1264x128xf32, #tpu.memory_space<vmem>>, %arg9: memref<1264x128xf32, #tpu.memory_space<vmem>>) attributes {dimension_semantics = [], scalar_prefetch = 0 : i64, scratch_operands = 0 : i64, tpu.core_type = #tpu.core_type<tc>} {
    %get3A = arith.constant 0 : index
    %get3A_0 = arith.constant 0 : index
    %get3A_1 = arith.constant 0 : index
    %get3A_2 = vector.load %arg2[%get3A, %get3A_0, %get3A_1] : memref<2x1264x128xf32, #tpu.memory_space<vmem>>, vector<1x1264x128xf32>
    %get3A_3 = vector.shape_cast %get3A_2 : vector<1x1264x128xf32> to vector<1264x128xf32>
    %get3A_4 = arith.constant 1 : index
    %get3A_5 = arith.constant 0 : index
    %get3A_6 = arith.constant 0 : index
    %get3A_7 = vector.load %arg2[%get3A_4, %get3A_5, %get3A_6] : memref<2x1264x128xf32, #tpu.memory_space<vmem>>, vector<1x1264x128xf32>
    %get3A_8 = vector.shape_cast %get3A_7 : vector<1x1264x128xf32> to vector<1264x128xf32>
    %add3A = arith.addf %get3A_3, %get3A_8 : vector<1264x128xf32>
    %max3A = arith.constant 1.000000e+00 : f32
    %max3A_9 = vector.broadcast %max3A : f32 to vector<1264x128xf32>
    %max3A_10 = arith.maximumf %add3A, %max3A_9 : vector<1264x128xf32>
    %get3A_11 = arith.constant 0 : index
    %get3A_12 = arith.constant 0 : index
    %get3A_13 = arith.constant 0 : index
    %get3A_14 = vector.load %arg0[%get3A_11, %get3A_12, %get3A_13] : memref<2x1264x128xf32, #tpu.memory_space<vmem>>, vector<1x1264x128xf32>
    %get3A_15 = vector.shape_cast %get3A_14 : vector<1x1264x128xf32> to vector<1264x128xf32>
    %get3A_16 = arith.constant 1 : index
    %get3A_17 = arith.constant 0 : index
    %get3A_18 = arith.constant 0 : index
    %get3A_19 = vector.load %arg0[%get3A_16, %get3A_17, %get3A_18] : memref<2x1264x128xf32, #tpu.memory_space<vmem>>, vector<1x1264x128xf32>
    %get3A_20 = vector.shape_cast %get3A_19 : vector<1x1264x128xf32> to vector<1264x128xf32>
    %add3A_21 = arith.addf %get3A_15, %get3A_20 : vector<1264x128xf32>
    %div3A = arith.divf %add3A_21, %max3A_10 : vector<1264x128xf32>
    %get3A_22 = arith.constant 0 : index
    %get3A_23 = arith.constant 0 : index
    %get3A_24 = vector.load %arg5[%get3A_22, %get3A_23] : memref<1x128xf32, #tpu.memory_space<vmem>>, vector<1x128xf32>
    %add3A_25 = vector.broadcast %get3A_24 : vector<1x128xf32> to vector<1264x128xf32>
    %add3A_26 = arith.addf %div3A, %add3A_25 : vector<1264x128xf32>
    %get3A_27 = arith.constant 0 : index
    %get3A_28 = arith.constant 0 : index
    %get3A_29 = vector.load %arg3[%get3A_27, %get3A_28] : memref<1264x128xf32, #tpu.memory_space<vmem>>, vector<1264x128xf32>
    %add3A_30 = arith.addf %add3A_26, %get3A_29 : vector<1264x128xf32>
    %get3A_31 = arith.constant 0 : index
    %get3A_32 = arith.constant 0 : index
    %get3A_33 = arith.constant 0 : index
    %get3A_34 = vector.load %arg1[%get3A_31, %get3A_32, %get3A_33] : memref<2x1264x128xf32, #tpu.memory_space<vmem>>, vector<1x1264x128xf32>
    %get3A_35 = vector.shape_cast %get3A_34 : vector<1x1264x128xf32> to vector<1264x128xf32>
    %get3A_36 = arith.constant 1 : index
    %get3A_37 = arith.constant 0 : index
    %get3A_38 = arith.constant 0 : index
    %get3A_39 = vector.load %arg1[%get3A_36, %get3A_37, %get3A_38] : memref<2x1264x128xf32, #tpu.memory_space<vmem>>, vector<1x1264x128xf32>
    %get3A_40 = vector.shape_cast %get3A_39 : vector<1x1264x128xf32> to vector<1264x128xf32>
    %add3A_41 = arith.addf %get3A_35, %get3A_40 : vector<1264x128xf32>
    %div3A_42 = arith.divf %add3A_41, %max3A_10 : vector<1264x128xf32>
    %get3A_43 = arith.constant 0 : index
    %get3A_44 = arith.constant 0 : index
    %get3A_45 = vector.load %arg6[%get3A_43, %get3A_44] : memref<1x128xf32, #tpu.memory_space<vmem>>, vector<1x128xf32>
    %add3A_46 = vector.broadcast %get3A_45 : vector<1x128xf32> to vector<1264x128xf32>
    %add3A_47 = arith.addf %div3A_42, %add3A_46 : vector<1264x128xf32>
    %get3A_48 = arith.constant 0 : index
    %get3A_49 = arith.constant 0 : index
    %get3A_50 = vector.load %arg4[%get3A_48, %get3A_49] : memref<1264x128xf32, #tpu.memory_space<vmem>>, vector<1264x128xf32>
    %add3A_51 = arith.addf %add3A_47, %get3A_50 : vector<1264x128xf32>
    %max3A_52 = arith.maximumf %add3A_30, %add3A_51 : vector<1264x128xf32>
    %reduce_max3A = arith.constant dense<0xFF800000> : vector<1264xf32>
    %reduce_max3A_53 = vector.multi_reduction <maximumf>, %max3A_52, %reduce_max3A [1] : vector<1264x128xf32> to vector<1264xf32>
    %broadcast_in_dim3A = vector.shape_cast %reduce_max3A_53 : vector<1264xf32> to vector<1264x1xf32>
    %sub3A = vector.broadcast %broadcast_in_dim3A : vector<1264x1xf32> to vector<1264x128xf32>
    %sub3A_54 = arith.subf %add3A_30, %sub3A : vector<1264x128xf32>
    %exp3A = math.exp %sub3A_54 : vector<1264x128xf32>
    %sub3A_55 = vector.broadcast %broadcast_in_dim3A : vector<1264x1xf32> to vector<1264x128xf32>
    %sub3A_56 = arith.subf %add3A_51, %sub3A_55 : vector<1264x128xf32>
    %exp3A_57 = math.exp %sub3A_56 : vector<1264x128xf32>
    %add3A_58 = arith.addf %exp3A, %exp3A_57 : vector<1264x128xf32>
    %get3A_59 = arith.constant 0 : index
    %get3A_60 = arith.constant 0 : index
    %get3A_61 = vector.load %arg7[%get3A_59, %get3A_60] : memref<128x128xf32, #tpu.memory_space<vmem>>, vector<128x128xf32>
    %dot_general3A = arith.constant dense<0.000000e+00> : vector<1264x128xf32>
    %dot_general3A_62 = tpu.matmul %add3A_58, %get3A_61, %dot_general3A {dimension_numbers = #tpu.dot_dimension_numbers<[1], [0], [0], [1], [0, 0, 1, 1], [], []>, transpose_lhs_hint = false} : vector<1264x128xf32>, vector<128x128xf32>, vector<1264x128xf32> -> vector<1264x128xf32>
    %log3A = math.log %dot_general3A_62 : vector<1264x128xf32>
    %add3A_63 = vector.broadcast %broadcast_in_dim3A : vector<1264x1xf32> to vector<1264x128xf32>
    %add3A_64 = arith.addf %add3A_63, %log3A : vector<1264x128xf32>
    %sub3A_65 = arith.subf %add3A_30, %add3A_64 : vector<1264x128xf32>
    %swap3A = arith.constant 0 : index
    %swap3A_66 = arith.constant 0 : index
    %swap3A_67 = vector.load %arg8[%swap3A, %swap3A_66] : memref<1264x128xf32, #tpu.memory_space<vmem>>, vector<1264x128xf32>
    tpu.vector_store %arg8[%swap3A, %swap3A_66], %sub3A_65 {strides = array<i32>} : memref<1264x128xf32, #tpu.memory_space<vmem>>, vector<1264x128xf32>,
    %sub3A_68 = arith.subf %add3A_51, %add3A_64 : vector<1264x128xf32>
    %swap3A_69 = arith.constant 0 : index
    %swap3A_70 = arith.constant 0 : index
    %swap3A_71 = vector.load %arg9[%swap3A_69, %swap3A_70] : memref<1264x128xf32, #tpu.memory_space<vmem>>, vector<1264x128xf32>
    tpu.vector_store %arg9[%swap3A_69, %swap3A_70], %sub3A_68 {strides = array<i32>} : memref<1264x128xf32, #tpu.memory_space<vmem>>, vector<1264x128xf32>,
    return
  }
}

</mosaic_0001>

<sc_bundles>
// kernel: kernel.10.cloned.1.call-start
scs
__scs_entry_jumppad:
0x0: {  	(pc) =	sbr.rel $0x88, $3  }
0x1: {  	(tag) =	ssettag $0x0;
	lr =	simm.s32 $0x1  }
0x2: {  	[smem:$0x3F99] =	sst lr;
	_ =	strace $0xD0000000  }
0x3: {  	_ = 	snop  }
0x4: {  	_ = 	snop  }
0x5: {  	_ = 	snop  }
0x6: {  	_ = 	snop  }
0x7: {  	_ = 	snop  }
__scs_overlays_trampoline_lowered:
0x8: {  	[smem:$0x3FA8] =	sst s0  }
0x9: {  	[smem:$0x3FA9] =	sst s1  }
0xa: {  	[smem:$0x3FAA] =	sst s2  }
0xb: {  	[smem:$0x3FAB] =	sst s3  }
0xc: {  	[smem:$0x3FAC] =	sst s4  }
0xd: {  	[smem:$0x3FAD] =	sst s5  }
0xe: {  	[smem:$0x3FAE] =	sst s6  }
0xf: {  	[smem:$0x3FAF] =	sst s7  }
0x10: {  	[smem:$0x3FB0] =	sst s8  }
0x11: {  	[smem:$0x3FB1] =	sst s9;
	s0 =	simm.s32 @!p0 $0x0  }
0x12: {  	s1 =	sld [smem:$0x3F97];
	s0 =	simm.s32 @p0 $0x1  }
0x13: {  	[smem:$0x3FB2] =	sst s0;
	s0 =	simm.s32 @!p1 $0x0  }
0x14: {  	s2 =	sld [smem:$0x3F96];
	s0 =	simm.s32 @p1 $0x1  }
0x15: {  	[smem:$0x3FB3] =	sst s0;
	s0 =	simm.s32 @!p2 $0x0  }
0x16: {  	s3 =	sld [smem:$0x3FDB];
	s0 =	simm.s32 @p2 $0x1  }
0x17: {  	s4 =	simm.s32 $0x1BF5;
	[smem:$0x3FB5] =	sst s0  }
0x18: {  	s0 =	sld [smem:$0x3F98];
	_ =	swait.ge [sflag:s4], $0x0  }
0x19: {  	s7 =	sld [smem:$0x3F99]  }
0x1a: {  	s8 =	sadd.s32 $0xFFFFE003, lr  }
0x1b: {  	s9 =	sadd.s32 $0xFFFFFEF7, lr;
	s5 =	simm.s32 $0xFFFFFFFF;
	p2 =	slt.u32 s8, $0xFFFFF086  }
0x1c: {  	p1 =	slt.u32 s9, $0xF7A;
	s5 =	simm.s32 @!p2 $0x0  }
0x1d: {  	s5 =	simm.s32 @p1 $0x1;
	p0 =	seq.s32 s7, s2  }
0x1e: {  	s7 =	smul.u32 @!p0 $0xF7A, s2;
	p2 =	seq.s32 @!p0 s5, $0x0  }
0x1f: {  	s9 =	smul.u32 $0xF7A, s1;
	s8 =	simm.s32 @!p0 $0x1BF5;
	p2 =	por !p2, p0  }
0x20: {  	[sflag:s8] =	ssyncset.s32 @!p0 $0xFFFFF086;
	s6 =	sadd.s32 @!p0 s3, s7;
	s7 =	simm.s32 @!p0 $0x108  }
0x21: {  	s3 =	sadd.s32 s3, s9;
	s6 =	sadd.s32 @!p0 $0x88, s6;
	s7 =	simm.s32 @p2 $0x1082  }
0x22: {  	[simem:s7], [sflag:s8] =	dma.local @!p0 [hbm:s6], $0xF7A  }
0x23: {  	s9 =	sor.u32 $0xD0000000, s2;
	s6 =	simm.s32 $0x108;
	_ =	swait.ge @!p0 [sflag:s8], $0x0  }
0x24: {  	s3 =	sadd.s32 $0x88, s3;
	s6 =	simm.s32 @!p1 $0x1082;
	[sflag:s4] =	ssyncset.s32 $0xFFFFF086  }
0x25: {  	[simem:s6], [sflag:s4] =	dma.local [hbm:s3], $0xF7A  }
0x26: {  	[smem:$0x3F99] =	sst s1;
	(tag) =	ssettag s2;
	_ =	strace s9  }
0x27: {  	s1 =	sld [smem:$0x3FA9]  }
0x28: {  	s2 =	sld [smem:$0x3FAA]  }
0x29: {  	s4 =	sld [smem:$0x3FAC]  }
0x2a: {  	p0 =	seq.s32 s5, $0x0;
	s5 =	sld [smem:$0x3FAD]  }
0x2b: {  	s6 =	sld [smem:$0x3FAE]  }
0x2c: {  	s7 =	sld [smem:$0x3FAF]  }
0x2d: {  	s3 =	simm.s32 $0x108;
	s8 =	sld [smem:$0x3FB0]  }
0x2e: {  	s3 =	simm.s32 @!p0 $0x1082;
	s9 =	sld [smem:$0x3FB1]  }
0x2f: {  	lr =	sadd.s32 s0, s3;
	s0 =	sld [smem:$0x3FA8]  }
0x30: {  	s3 =	sld [smem:$0x3FAB]  }
0x31: {  	[smem:$0x3FB4] =	sst s10  }
0x32: {  	s10 =	sld [smem:$0x3FB2];
	_ =	sdelay $0x3  }
0x33: {  	p0 =	seq.s32 s10, $0x1;
	s10 =	sld [smem:$0x3FB4];
	_ =	sdelay $0x3  }
0x34: {  	[smem:$0x3FB4] =	sst s10  }
0x35: {  	s10 =	sld [smem:$0x3FB3];
	_ =	sdelay $0x3  }
0x36: {  	p1 =	seq.s32 s10, $0x1;
	s10 =	sld [smem:$0x3FB4];
	_ =	sdelay $0x3  }
0x37: {  	[smem:$0x3FB4] =	sst s10  }
0x38: {  	s10 =	sld [smem:$0x3FB5]  }
0x39: {  	_ = 	snop;
	(pc) =	sbr.ind lr, $3  }
0x3a: {  	_ = 	snop  }
0x3b: {  	_ = 	snop  }
0x3c: {  	p2 =	seq.s32 s10, $0x1;
	s10 =	sld [smem:$0x3FB4]  }
0x3d: {  	_ =	shalt  }
0x3e: {  	_ =	shalt  }
0x3f: {  	_ =	shalt  }
0x40: {  	_ =	shalt  }
0x41: {  	_ =	shalt  }
0x42: {  	_ =	shalt  }
0x43: {  	_ =	shalt  }
0x44: {  	_ =	shalt  }
0x45: {  	_ =	shalt  }
0x46: {  	_ =	shalt  }
0x47: {  	_ =	shalt  }
0x48: {  	_ =	shalt  }
0x49: {  	_ =	shalt  }
0x4a: {  	_ =	shalt  }
0x4b: {  	_ =	shalt  }
0x4c: {  	_ =	shalt  }
0x4d: {  	_ =	shalt  }
0x4e: {  	_ =	shalt  }
0x4f: {  	_ =	shalt  }
0x50: {  	_ =	shalt  }
0x51: {  	_ =	shalt  }
0x52: {  	_ =	shalt  }
0x53: {  	_ =	shalt  }
0x54: {  	_ =	shalt  }
0x55: {  	_ =	shalt  }
0x56: {  	_ =	shalt  }
0x57: {  	_ =	shalt  }
0x58: {  	_ =	shalt  }
0x59: {  	_ =	shalt  }
0x5a: {  	_ =	shalt  }
0x5b: {  	_ =	shalt  }
0x5c: {  	_ =	shalt  }
0x5d: {  	_ =	shalt  }
0x5e: {  	_ =	shalt  }
0x5f: {  	_ =	shalt  }
0x60: {  	_ =	shalt  }
0x61: {  	_ =	shalt  }
0x62: {  	_ =	shalt  }
0x63: {  	_ =	shalt  }
0x64: {  	_ =	shalt  }
0x65: {  	_ =	shalt  }
0x66: {  	_ =	shalt  }
0x67: {  	_ =	shalt  }
0x68: {  	_ =	shalt  }
0x69: {  	_ =	shalt  }
0x6a: {  	_ =	shalt  }
0x6b: {  	_ =	shalt  }
0x6c: {  	_ =	shalt  }
0x6d: {  	_ =	shalt  }
0x6e: {  	_ =	shalt  }
0x6f: {  	_ =	shalt  }
0x70: {  	_ =	shalt  }
0x71: {  	_ =	shalt  }
0x72: {  	_ =	shalt  }
0x73: {  	_ =	shalt  }
0x74: {  	_ =	shalt  }
0x75: {  	_ =	shalt  }
0x76: {  	_ =	shalt  }
0x77: {  	_ =	shalt  }
0x78: {  	_ =	shalt  }
0x79: {  	_ =	shalt  }
0x7a: {  	_ =	shalt  }
0x7b: {  	_ =	shalt  }
0x7c: {  	_ =	shalt  }
0x7d: {  	_ =	shalt  }
0x7e: {  	_ =	shalt  }
0x7f: {  	_ =	shalt  }
0x80: {  	_ =	shalt  }
0x81: {  	_ =	shalt  }
0x82: {  	_ =	shalt  }
0x83: {  	_ =	shalt  }
0x84: {  	_ =	shalt  }
0x85: {  	_ =	shalt  }
0x86: {  	_ =	shalt  }
0x87: {  	_ =	shalt  }
.Lfunc_end0:
.L_simem_size_0:
called_computation.1_lowered:
.L_overlay_start_0:
0x88: {  	s2 =	sld [smem:$0x3FD9]  }
0x89: {  	s3 =	sld [smem:$0x3FFE];
	_ =	sdelay $0x1  }
0x8a: {  	s1 =	srdreg.scid  }
0x8b: {  	s0 =	sand.u32 $0x1, s1  }
0x8c: {  	s17 =	sshll.u32 s0, $0xA;
	s2 =	sadd.s32 s3, s2  }
0x8d: {  	s2 =	sadd.s32 s2, s17  }
0x8e: {  	[smem:$0x3FC0] =	sst s2  }
0x8f: {  	_ = 	snop  }
0x90: {  	s2 =	sld [smem:$0x3FD0];
	(tm) =	ssettm $0x1  }
0x91: {  	s18 =	sld [smem:$0x3FFB];
	_ =	sdelay $0x3  }
0x92: {  	_ =	strace s18  }
0x93: {  	s3 =	sld [smem:$0x3FFC];
	_ =	sdelay $0x3  }
0x94: {  	_ =	strace s3  }
0x95: {  	s3 =	sld [smem:$0x3FFD];
	_ =	sdelay $0x3  }
0x96: {  	_ =	strace s3  }
0x97: {  	_ =	strace $0x8FFFFFFF  }
0x98: {  	s19 =	sld [smem:$0x3FDB];
	_ =	sdelay $0x1  }
0x99: {  	s4 =	simm.s32 $_scs_section_size  }
0x9a: {  	s5 =	simm.s32 $_size__tile_overlayer_lowered;
	s6 =	simm.s32 $_tile_overlayer_lowered  }
0x9b: {  	s22 =	simm.s32 $0x1BFF;
	s21 =	sshll.u32 s6, $0x1;
	s3 =	sadd.s32 s4, s19  }
0x9c: {  	s7 =	simm.s32 $0x0;
	s20 =	sshll.u32 s5, $0x1;
	s5 =	sadd.s32 s21, s3  }
0x9d: {  	[timem:s7], [sflag:s22] =	dma.local [hbm:s5], s20  }
0x9e: {  	_ =	swait.ge [sflag:s22], s20  }
0x9f: {  	s4 =	ssub.s32 $0x0, s20;
	[sflag:s22] =	ssyncset.done $0x0  }
0xa0: {  	[sflag:s22] =	ssyncadd.s32 s4;
	_ =	sdelay $0x1  }
0xa1: {  	s23 =	simm.s32 $0x1B8B  }
0xa2: {  	_ =	swait.ge [sflag:s23], $0x1  }
0xa3: {  	[sflag:s23] =	ssyncset.done $0x0  }
0xa4: {  	s25 =	simm.s32 $0x1B8E;
	s24 =	sld [smem:$0x3FFE];
	[sflag:s23] =	ssyncadd.s32 $0xFFFFFFFF  }
0xa5: {  	s26 =	simm.s32 $execute0_lowered;
	[smem:$0x3FD2] =	sst s25  }
0xa6: {  	s5 =	sshll.u32 s26, $0x1;
	_ =	strace $0x80000049;
	[dreg:$0x1] =	wrdreg $0xFFFFFFFF  }
0xa7: {  	s28 =	simm.s32 $_size_execute0_lowered;
	s3 =	sadd.s32 s3, s5;
	[dreg:$0x0] =	wrdreg $0x0  }
0xa8: {  	s5 =	sshll.u32 s28, $0x1;
	[dreg:$0x2] =	wrdreg s3  }
0xa9: {  	[dreg:$0x3] =	wrdreg s5  }
0xaa: {  	[dreg:$0x4] =	wrdreg $0xC0  }
0xab: {  	_ =	task [dreg:s7], $0x5FFFF  }
0xac: {  	[dreg:$0x1] =	wrdreg $0xFFFFFFFF  }
0xad: {  	[dreg:$0x0] =	wrdreg $0x60  }
0xae: {  	[dreg:$0x2] =	wrdreg s24  }
0xaf: {  	[dreg:$0x3] =	wrdreg s2  }
0xb0: {  	[dreg:$0x4] =	wrdreg $0x0  }
0xb1: {  	[dreg:$0x5] =	wrdreg $0x27800  }
0xb2: {  	[dreg:$0x6] =	wrdreg $0x9  }
0xb3: {  	_ =	task.clear_ibuf [dreg:s7], $0x7FFFF;
	_ =	strace $0x90000049  }
0xb4: {  	s29 =	simm.s32 $0x9;
	_ =	strace $0x8000004B  }
0xb5: {  	_ =	swait.ge [sflag:s29], $0x1  }
0xb6: {  	[sflag:s29] =	ssyncadd.s32 $0xFFFFFFFF  }
0xb7: {  	_ =	strace $0x9000004B  }
0xb8: {  	_ =	sfence  }
0xb9: {  	s30 =	sld [smem:$0x0];
	_ =	sdelay $0x2  }
0xba: {  	s31 =	sshll.u32 s1, $0xD;
	s1 =	sshrl.u32 s1, $0x2  }
0xbb: {  	s3 =	sand.u32 $0x4000, s31;
	s1 =	sadd.s32 s1, s30  }
0xbc: {  	s0 =	sor.u32 s3, s0;
	s1 =	sshll.u32 s1, $0x11  }
0xbd: {  	s0 =	sor.u32 s1, s0  }
0xbe: {  	s0 =	sadd.s32 $0x8F2B, s0  }
0xbf: {  	[sflag:s0] =	ssyncadd.remote.s32 $0x1  }
0xc0: {  	_ =	sfence.sel $0xFFFF  }
0xc1: {  	[dreg:$0x0] =	wrdreg $0xFFFFFFFF;
	(pc) =	sbr.abs _section_cstart, $3  }
0xc2: {  	[dreg:$0x1] =	wrdreg $0xFFFFFFFF  }
0xc3: {  	_ =	task.clear_ibuf [dreg:s7], $0x2FFFF;
	_ =	strace $0x9FFFFFFF  }
0xc4: {  	(tm) =	ssettm $0x7FFFFFFF  }
0xc5: {  	_ =	shalt  }
tec
execute0_lowered:
.L_overlay_start_1:
0x0: {  	(tag) =	ssettag $0x1  }
0x1: {  	s0 =	rddreg [dreg:$0x0]  }
0x2: {  	s1 =	srdreg.scid;
	s4 =	rddreg [dreg:$0x1]  }
0x3: {  	s11 =	stileid.u32;
	s2 =	rddreg [dreg:$0x2]  }
0x4: {  	s23 =	simm.s32 $0x0;
	s29 =	simm.s32 $0xAE00;
	s30 =	simm.s32 $0xDE00  }
0x5: {  	s12 =	simm.s32 $0x1;
	s13 =	simm.s32 $0x7;
	s14 =	simm.s32 $0x2  }
0x6: {  	s15 =	simm.s32 $0x8;
	s16 =	simm.s32 $0x6;
	s28 =	simm.s32 $0xB  }
0x7: {  	s31 =	simm.s32 $0x0;
	s1 =	sand.u32 $0x1, s1;
	s3 =	sshll.u32 s11, $0x1  }
0x8: {  	s8 =	smul.u32 $0x2780, s11;
	[smem:$0x7FF] =	sst s23;
	s5 =	sadd.s32 $0x17400, s0  }
0x9: {  	p0 =	slt.u32 s11, $0x2;
	s6 =	sor.u32 s1, s3;
	s3 =	rddreg [dreg:$0x3]  }
0xa: {  	s9 =	smul.u32 $0x27800, s1;
	_ =	strace $0x8000004A;
	s1 =	ssub.s32 $0x2, s1  }
0xb: {  	s7 =	smul.u32 $0x4E, s6;
	s10 =	smin.u32 s6, $0x4;
	s6 =	sadd.s32 $0x26200, s0  }
0xc: {  	s18 =	sshrl.u32 s1, $0x1;
	s25 =	sadd.s32 s8, s2;
	s26 =	sadd.s32 s8, s3  }
0xd: {  	s9 =	sadd.s32 s8, s9;
	s1 =	ssub.s32 s1, s18;
	[dreg:$0x5] =	wrdreg s25  }
0xe: {  	s18 =	simm.s32 $0x19;
	s8 =	simm.s32 $0xA;
	[dreg:$0x6] =	wrdreg s26  }
0xf: {  	s7 =	sadd.s32 s10, s7;
	s9 =	sshrl.u32 s9, $0x3;
	s24 =	smax.u32 s1, $0x1  }
0x10: {  	s1 =	simm.s32 $0xB600;
	s10 =	simm.s32 $0xBE00;
	s7 =	sshll.u32 s7, $0x4  }
0x11: {  	s4 =	sadd.s32 s4, s9;
	[dreg:$0xd] =	wrdreg s24;
	s24 =	simm.s32 $0xC  }
0x12: {  	s17 =	sadd.s32 s7, s0;
	s0 =	sadd.s32 s9, s0;
	s7 =	simm.s32 $0x4F  }
0x13: {  	[dreg:$0xb] =	wrdreg s4;
	s4 =	simm.s32 $0x4;
	s19 =	sadd.s32 $0x3A00, s17  }
0x14: {  	s9 =	simm.s32 $0x5;
	s20 =	sadd.s32 $0xD640, s17;
	[dreg:$0x7] =	wrdreg s19  }
.Ltmp0:
0x15: {  	s21 =	sadd.s32 $0x3EE0, s17;
	[dreg:$0x8] =	wrdreg s20;
	(pc) =	sbr.rel .LBB2_1-.Ltmp0, $4  }
0x16: {  	s7 =	simm.s32 @!p0 $0x4E;
	s22 =	sadd.s32 $0xDB20, s17;
	[dreg:$0x9] =	wrdreg s21  }
0x17: {  	s0 =	sadd.s32 $0x2B200, s0;
	p0 =	sgt.u32 s11, $0x1;
	[dreg:$0xa] =	wrdreg s22  }
0x18: {  	s11 =	simm.s32 $0xEE00;
	[dreg:$0xc] =	wrdreg s0;
	s21 =	simm.s32 $0x80  }
0x19: {  	v0 =	vimm.f32 $0.0e+00;
	s0 =	simm.s32 $0xE600;
	s20 =	simm.s32 $0x3;
	s19 =	simm.s32 $0x9  }
.LBB2_17:
0x1a: {  	s17 =	simm.s32 $0xD  }
0x1b: {  	_ =	swait.ge [sflag:s17], $0x800  }
0x1c: {  	[sflag:s17] =	ssyncset.done $0x0  }
0x1d: {  	s22 =	simm.s32 $0x13;
	[sflag:s17] =	ssyncadd.s32 $0xFFFFF800  }
0x1e: {  	_ =	swait.ge [sflag:s22], $0x800  }
0x1f: {  	[sflag:s22] =	ssyncset.done $0x0  }
0x20: {  	s23 =	simm.s32 $0xE;
	[sflag:s22] =	ssyncadd.s32 $0xFFFFF800  }
0x21: {  	_ =	swait.ge [sflag:s23], $0x800  }
0x22: {  	[sflag:s23] =	ssyncset.done $0x0  }
0x23: {  	s25 =	simm.s32 $0x14;
	[sflag:s23] =	ssyncadd.s32 $0xFFFFF800  }
0x24: {  	_ =	swait.ge [sflag:s25], $0x800  }
0x25: {  	[sflag:s25] =	ssyncset.done $0x0  }
0x26: {  	s26 =	simm.s32 $0xF;
	[sflag:s25] =	ssyncadd.s32 $0xFFFFF800  }
0x27: {  	_ =	swait.ge [sflag:s26], $0x800  }
0x28: {  	[sflag:s26] =	ssyncset.done $0x0  }
0x29: {  	s22 =	simm.s32 $0x15;
	[sflag:s26] =	ssyncadd.s32 $0xFFFFF800  }
0x2a: {  	_ =	swait.ge [sflag:s22], $0x800  }
0x2b: {  	[sflag:s22] =	ssyncset.done $0x0  }
0x2c: {  	s23 =	simm.s32 $0x10;
	[sflag:s22] =	ssyncadd.s32 $0xFFFFF800  }
0x2d: {  	_ =	swait.ge [sflag:s23], $0x800  }
0x2e: {  	[sflag:s23] =	ssyncset.done $0x0  }
0x2f: {  	s25 =	simm.s32 $0x16;
	[sflag:s23] =	ssyncadd.s32 $0xFFFFF800  }
0x30: {  	_ =	swait.ge [sflag:s25], $0x800  }
0x31: {  	[sflag:s25] =	ssyncset.done $0x0  }
0x32: {  	s26 =	simm.s32 $0x11;
	[sflag:s25] =	ssyncadd.s32 $0xFFFFF800  }
0x33: {  	_ =	swait.ge [sflag:s26], $0x800  }
0x34: {  	[sflag:s26] =	ssyncset.done $0x0  }
0x35: {  	s22 =	simm.s32 $0x17;
	[sflag:s26] =	ssyncadd.s32 $0xFFFFF800  }
0x36: {  	_ =	swait.ge [sflag:s22], $0x800  }
0x37: {  	[sflag:s22] =	ssyncset.done $0x0  }
0x38: {  	s23 =	simm.s32 $0x12;
	[sflag:s22] =	ssyncadd.s32 $0xFFFFF800  }
0x39: {  	_ =	swait.ge [sflag:s23], $0x800  }
0x3a: {  	[sflag:s23] =	ssyncset.done $0x0  }
0x3b: {  	s25 =	simm.s32 $0x18;
	[sflag:s23] =	ssyncadd.s32 $0xFFFFF800  }
0x3c: {  	_ =	swait.ge [sflag:s25], $0x800  }
0x3d: {  	[sflag:s25] =	ssyncset.done $0x0  }
0x3e: {  	[sflag:s25] =	ssyncadd.s32 $0xFFFFF800  }
0x3f: {  	[bflag:$0x0] =	sbarrier.arrive $0xFFFF  }
0x40: {  	s22 =	simm.s32 $0xFE00;
	s25 =	rddreg [dreg:$0x5]  }
0x41: {  	[tilespmem:s22], [sflag:$0x19] =	stream.linear.gather [spmem:s25], $0x2780, $0x38;
	[tilespmem:$0x12580] =	vst v63  }
0x42: {  	_ =	swait.ge [sflag:s18], $0x2780  }
0x43: {  	[sflag:s18] =	ssyncset.done $0x0  }
0x44: {  	s23 =	simm.s32 $0x0;
	s26 =	rddreg [dreg:$0xb];
	[sflag:s18] =	ssyncadd.s32 $0xFFFFD880  }
0x45: {  	[hbm4b:s26+s23] =	stream.linear.scatter [tilespmem:s22], [sflag:$0x19], $0x2780, $0x38;
	[tilespmem:$0x12580] =	vst v63  }
0x46: {  	_ =	swait.ge [sflag:s18], $0x2780  }
0x47: {  	[sflag:s18] =	ssyncset.done $0x0  }
0x48: {  	s26 =	rddreg [dreg:$0x6];
	[sflag:s18] =	ssyncadd.s32 $0xFFFFD880  }
0x49: {  	[tilespmem:s22], [sflag:$0x19] =	stream.linear.gather [spmem:s26], $0x2780, $0x38;
	[tilespmem:$0x12580] =	vst v63  }
0x4a: {  	_ =	swait.ge [sflag:s18], $0x2780  }
0x4b: {  	[sflag:s18] =	ssyncset.done $0x0  }
0x4c: {  	s17 =	rddreg [dreg:$0xc];
	[sflag:s18] =	ssyncadd.s32 $0xFFFFD880  }
0x4d: {  	[hbm4b:s17+s23] =	stream.linear.scatter [tilespmem:s22], [sflag:$0x19], $0x2780, $0x38;
	[tilespmem:$0x12580] =	vst v63  }
0x4e: {  	_ =	swait.ge [sflag:s18], $0x2780  }
0x4f: {  	s31 =	sadd.s32 $0x1, s31;
	s22 =	rddreg [dreg:$0xd]  }
0x50: {  	p1 =	sne.s32 s31, s22  }
.Ltmp1:
0x51: {  	_ = 	snop;
	(pc) =	sbr.rel @!p1 .LBB2_18-.Ltmp1, $3  }
0x52: {  	_ =	sdelay $0x1  }
0x53: {  	[sflag:s18] =	ssyncset.done $0x0  }
0x54: {  	[sflag:s18] =	ssyncadd.s32 $0xFFFFD880  }
.LBB2_1:
0x55: {  	s17 =	simm.s32 $0x40;
	s22 =	simm.s32 $0x0  }
.LBB2_2:
0x56: {  	p1 =	sne.s32 s17, $0x9DC0;
	[tilespmem:s22+$0xFE00] =	vst v0;
	s22 =	smov.u32 s17;
	s17 =	sadd.s32 $0x40, s17  }
.Ltmp2:
0x57: {  	(pc) =	sbr.rel @p1 .LBB2_2-.Ltmp2, $2  }
0x58: {  	_ =	sdelay $0x2  }
0x59: {  	s22 =	sshra.s32 s22, $0x2  }
0x5a: {  	[tilespmem:s22+$0xFE00] =	vst v0;
	s17 =	simm.s32 $0xFE00  }
0x5b: {  	[spmem:s25] =	stream.linear.scatter [tilespmem:s17], [sflag:$0x19], $0x2780, $0x38;
	[tilespmem:$0x12580] =	vst v63  }
0x5c: {  	_ =	swait.ge [sflag:s18], $0x2780  }
0x5d: {  	[sflag:s18] =	ssyncset.done $0x0  }
0x5e: {  	[sflag:s18] =	ssyncadd.s32 $0xFFFFD880  }
0x5f: {  	[spmem:s26] =	stream.linear.scatter [tilespmem:s17], [sflag:$0x19], $0x2780, $0x38;
	[tilespmem:$0x12580] =	vst v63  }
0x60: {  	_ =	swait.ge [sflag:s18], $0x2780  }
0x61: {  	[sflag:s18] =	ssyncset.done $0x0  }
0x62: {  	[sflag:s18] =	ssyncadd.s32 $0xFFFFD880  }
0x63: {  	[bflag:$0x0] =	sbarrier.arrive $0xFFFF  }
0x64: {  	s26 =	simm.s32 $0x4F00;
	s25 =	rddreg [dreg:$0x7]  }
0x65: {  	[tilespmem:s26], [sflag:$0x19] =	stream.linear.gather [hbm4b:s25+s23], $0x2700, $0x38;
	[tilespmem:$0x12580] =	vst v63  }
0x66: {  	_ =	swait.ge [sflag:s18], $0x2700  }
0x67: {  	[sflag:s18] =	ssyncset.done $0x0  }
0x68: {  	s25 =	simm.s32 $0x7680;
	s22 =	rddreg [dreg:$0x8];
	[sflag:s18] =	ssyncadd.s32 $0xFFFFD900  }
0x69: {  	[tilespmem:s25], [sflag:$0x19] =	stream.linear.gather [hbm4b:s22+s23], $0x2700, $0x38;
	[tilespmem:$0x12580] =	vst v63  }
0x6a: {  	_ =	swait.ge [sflag:s18], $0x2700  }
0x6b: {  	s17 =	simm.s32 @!p0 $0x0;
	[sflag:s18] =	ssyncset.done $0x0  }
0x6c: {  	s22 =	simm.s32 @!p0 $0x7600;
	s23 =	rddreg [dreg:$0x9];
	[sflag:s18] =	ssyncadd.s32 $0xFFFFD900  }
0x6d: {  	[tilespmem:s22], [sflag:$0x19] =	stream.linear.gather @!p0 [hbm4b:s23+s17], $0x80, $0x38;
	[tilespmem:$0x12580] =	vst v63  }
0x6e: {  	s22 =	simm.s32 @!p0 $0x19  }
0x6f: {  	_ =	swait.ge @!p0 [sflag:s22], $0x80  }
0x70: {  	[sflag:s22] =	ssyncset.done @!p0 $0x0  }
0x71: {  	s23 =	simm.s32 @!p0 $0x9D80;
	s25 =	rddreg [dreg:$0xa];
	[sflag:s22] =	ssyncadd.s32 @!p0 $0xFFFFFF80  }
0x72: {  	[tilespmem:s23], [sflag:$0x19] =	stream.linear.gather @!p0 [hbm4b:s25+s17], $0x80, $0x38;
	[tilespmem:$0x12580] =	vst v63  }
0x73: {  	_ =	swait.ge @!p0 [sflag:s22], $0x80  }
0x74: {  	[sflag:s22] =	ssyncset.done @!p0 $0x0  }
0x75: {  	s25 =	simm.s32 $0x9E00;
	[sflag:s22] =	ssyncadd.s32 @!p0 $0xFFFFFF80  }
0x76: {  	[tilespmem:s25], [sflag:$0x1] =	stream.indirect.gather [hbm4b:s5+s21], $0x10, s26, s21, $0xb8;
	[tilespmem:$0x12580] =	vst v63  }
0x77: {  	s22 =	simm.s32 $0xCE00  }
0x78: {  	[tilespmem:s22], [sflag:$0x7] =	stream.indirect.gather [hbm4b:s6+s21], $0x10, s26, s21, $0xb8;
	[tilespmem:$0x12580] =	vst v63  }
0x79: {  	s23 =	simm.s32 $0x4F80;
	s25 =	simm.s32 $0xA600  }
0x7a: {  	[tilespmem:s25], [sflag:$0x2] =	stream.indirect.gather [hbm4b:s5+s21], $0x10, s23, s21, $0xb8;
	[tilespmem:$0x12580] =	vst v63  }
0x7b: {  	s26 =	simm.s32 $0xD600  }
0x7c: {  	[tilespmem:s26], [sflag:$0x8] =	stream.indirect.gather [hbm4b:s6+s21], $0x10, s23, s21, $0xb8;
	[tilespmem:$0x12580] =	vst v63  }
0x7d: {  	s23 =	simm.s32 $0x5000  }
0x7e: {  	[tilespmem:s29], [sflag:$0x3] =	stream.indirect.gather [hbm4b:s5+s21], $0x10, s23, s21, $0xb8;
	[tilespmem:$0x12580] =	vst v63  }
0x7f: {  	_ = 	snop  }
0x80: {  	[tilespmem:s30], [sflag:$0x9] =	stream.indirect.gather [hbm4b:s6+s21], $0x10, s23, s21, $0xb8;
	[tilespmem:$0x12580] =	vst v63  }
0x81: {  	s25 =	simm.s32 $0x5080  }
0x82: {  	[tilespmem:s1], [sflag:$0x4] =	stream.indirect.gather [hbm4b:s5+s21], $0x10, s25, s21, $0xb8;
	[tilespmem:$0x12580] =	vst v63  }
0x83: {  	_ = 	snop  }
0x84: {  	[tilespmem:s0], [sflag:$0xA] =	stream.indirect.gather [hbm4b:s6+s21], $0x10, s25, s21, $0xb8;
	[tilespmem:$0x12580] =	vst v63  }
.Ltmp3:
0x85: {  	_ = 	snop;
	(pc) =	sbr.rel .LBB2_4-.Ltmp3, $4  }
0x86: {  	s26 =	simm.s32 $0x5100  }
0x87: {  	[tilespmem:s10], [sflag:$0x5] =	stream.indirect.gather [hbm4b:s5+s21], $0x10, s26, s21, $0xb8;
	[tilespmem:$0x12580] =	vst v63  }
0x88: {  	s17 =	simm.s32 $0x0;
	s22 =	simm.s32 $0x5180;
	s23 =	simm.s32 $0x7680  }
0x89: {  	[tilespmem:s11], [sflag:$0xB] =	stream.indirect.gather [hbm4b:s6+s21], $0x10, s26, s21, $0xb8;
	[tilespmem:$0x12580] =	vst v63  }
.LBB2_14:
0x8a: {  	_ =	swait.ge [sflag:s20], $0x800  }
0x8b: {  	[sflag:s20] =	ssyncset.done $0x0  }
0x8c: {  	[sflag:s20] =	ssyncadd.s32 $0xFFFFF800  }
0x8d: {  	_ =	swait.ge [sflag:s19], $0x800  }
0x8e: {  	[sflag:s19] =	ssyncset.done $0x0  }
0x8f: {  	p1 =	sge.u32 s25, s7;
	[sflag:s19] =	ssyncadd.s32 $0xFFFFF800  }
0x90: {  	[spmem:s2] =	stream.indirect.scatter.add.f32 [tilespmem:s29], [sflag:$0xF], $0x10, s23, s21, $0xb8;
	[tilespmem:$0x12580] =	vst v63  }
0x91: {  	s25 =	simm.s32 @!p1 $0xE  }
0x92: {  	[spmem:s3] =	stream.indirect.scatter.add.f32 [tilespmem:s30], [sflag:$0x15], $0x10, s23, s21, $0xb8;
	[tilespmem:$0x12580] =	vst v63  }
0x93: {  	_ =	swait.ge @!p1 [sflag:s25], $0x800  }
0x94: {  	[sflag:s25] =	ssyncset.done @!p1 $0x0  }
0x95: {  	[sflag:s25] =	ssyncadd.s32 @!p1 $0xFFFFF800;
	s25 =	simm.s32 @!p1 $0x14  }
0x96: {  	_ =	swait.ge @!p1 [sflag:s25], $0x800  }
0x97: {  	[sflag:s25] =	ssyncset.done @!p1 $0x0  }
0x98: {  	s26 =	simm.s32 @!p1 $0xA600;
	[sflag:s25] =	ssyncadd.s32 @!p1 $0xFFFFF800;
	s25 =	simm.s32 @!p1 $0x80  }
0x99: {  	[tilespmem:s26], [sflag:$0x2] =	stream.indirect.gather @!p1 [hbm4b:s5+s25], $0x10, s22, s25, $0xb8;
	[tilespmem:$0x12580] =	vst v63  }
0x9a: {  	s26 =	simm.s32 @!p1 $0xD600  }
0x9b: {  	[tilespmem:s26], [sflag:$0x8] =	stream.indirect.gather @!p1 [hbm4b:s6+s25], $0x10, s22, s25, $0xb8;
	[tilespmem:$0x12580] =	vst v63  }
.LBB2_16:
0x9c: {  	s17 =	sadd.s32 $0x1, s17  }
0x9d: {  	p1 =	sne.s32 s7, s17  }
.Ltmp4:
0x9e: {  	_ = 	snop;
	(pc) =	sbr.rel @!p1 .LBB2_17-.Ltmp4, $2  }
0x9f: {  	_ =	sdelay $0x2  }
0xa0: {  	s22 =	sadd.s32 $0x80, s22;
	s23 =	sadd.s32 $0x80, s23  }
.LBB2_4:
0xa1: {  	s25 =	smulhi.u32 $0xAAAAAAAB, s17;
	_ =	sdelay $0x1  }
0xa2: {  	s25 =	sshrl.u32 s25, $0x2  }
0xa3: {  	s25 =	smul.u32 $0xFFFFFFFA, s25;
	_ =	sdelay $0x1  }
0xa4: {  	s26 =	sadd.s32 s25, s17  }
0xa5: {  	p1 =	sgt.s32 s26, $0x1  }
.Ltmp5:
0xa6: {  	_ = 	snop;
	(pc) =	sbr.rel @!p1 .LBB2_5-.Ltmp5, $2  }
0xa7: {  	_ =	sdelay $0x2  }
0xa8: {  	s25 =	sadd.s32 $0x5, s17  }
0xa9: {  	p1 =	seq.s32 s26, $0x2  }
.Ltmp6:
0xaa: {  	_ = 	snop;
	(pc) =	sbr.rel @p1 .LBB2_14-.Ltmp6, $1  }
0xab: {  	_ =	sdelay $0x3  }
0xac: {  	p1 =	seq.s32 s26, $0x3  }
.Ltmp7:
0xad: {  	_ = 	snop;
	(pc) =	sbr.rel @p1 .LBB2_13-.Ltmp7, $1  }
0xae: {  	_ =	sdelay $0x3  }
0xaf: {  	p1 =	seq.s32 s26, $0x4  }
.Ltmp8:
0xb0: {  	_ = 	snop;
	(pc) =	sbr.rel @!p1 .LBB2_11-.Ltmp8, $1  }
0xb1: {  	_ =	sdelay $0x3  }
0xb2: {  	_ =	swait.ge [sflag:s9], $0x800  }
0xb3: {  	[sflag:s9] =	ssyncset.done $0x0  }
0xb4: {  	[sflag:s9] =	ssyncadd.s32 $0xFFFFF800  }
0xb5: {  	_ =	swait.ge [sflag:s28], $0x800  }
0xb6: {  	[sflag:s28] =	ssyncset.done $0x0  }
0xb7: {  	p1 =	sge.u32 s25, s7;
	[sflag:s28] =	ssyncadd.s32 $0xFFFFF800  }
0xb8: {  	[spmem:s2] =	stream.indirect.scatter.add.f32 [tilespmem:s10], [sflag:$0x11], $0x10, s23, s21, $0xb8;
	[tilespmem:$0x12580] =	vst v63  }
0xb9: {  	s25 =	simm.s32 @!p1 $0x10  }
0xba: {  	[spmem:s3] =	stream.indirect.scatter.add.f32 [tilespmem:s11], [sflag:$0x17], $0x10, s23, s21, $0xb8;
	[tilespmem:$0x12580] =	vst v63  }
0xbb: {  	_ =	swait.ge @!p1 [sflag:s25], $0x800  }
0xbc: {  	[sflag:s25] =	ssyncset.done @!p1 $0x0  }
0xbd: {  	[sflag:s25] =	ssyncadd.s32 @!p1 $0xFFFFF800;
	s25 =	simm.s32 @!p1 $0x16  }
0xbe: {  	_ =	swait.ge @!p1 [sflag:s25], $0x800  }
.Ltmp9:
0xbf: {  	[sflag:s25] =	ssyncset.done @!p1 $0x0;
	(pc) =	sbr.rel .LBB2_16-.Ltmp9, $4  }
0xc0: {  	s26 =	simm.s32 @!p1 $0xB600;
	[sflag:s25] =	ssyncadd.s32 @!p1 $0xFFFFF800;
	s25 =	simm.s32 @!p1 $0x80  }
0xc1: {  	[tilespmem:s26], [sflag:$0x4] =	stream.indirect.gather @!p1 [hbm4b:s5+s25], $0x10, s22, s25, $0xb8;
	[tilespmem:$0x12580] =	vst v63  }
0xc2: {  	s26 =	simm.s32 @!p1 $0xE600  }
0xc3: {  	[tilespmem:s26], [sflag:$0xA] =	stream.indirect.gather @!p1 [hbm4b:s6+s25], $0x10, s22, s25, $0xb8;
	[tilespmem:$0x12580] =	vst v63  }
.LBB2_5:
0xc4: {  	p1 =	seq.s32 s26, $0x0  }
.Ltmp10:
0xc5: {  	_ = 	snop;
	(pc) =	sbr.rel @p1 .LBB2_15-.Ltmp10, $1  }
0xc6: {  	_ =	sdelay $0x3  }
0xc7: {  	p1 =	seq.s32 s26, $0x1  }
.Ltmp11:
0xc8: {  	_ = 	snop;
	(pc) =	sbr.rel @!p1 .LBB2_11-.Ltmp11, $1  }
0xc9: {  	_ =	sdelay $0x3  }
0xca: {  	_ =	swait.ge [sflag:s14], $0x800  }
0xcb: {  	[sflag:s14] =	ssyncset.done $0x0  }
0xcc: {  	[sflag:s14] =	ssyncadd.s32 $0xFFFFF800  }
0xcd: {  	_ =	swait.ge [sflag:s15], $0x800  }
0xce: {  	[sflag:s15] =	ssyncset.done $0x0  }
0xcf: {  	s26 =	simm.s32 $0xA600;
	p1 =	sge.u32 s25, s7;
	[sflag:s15] =	ssyncadd.s32 $0xFFFFF800  }
0xd0: {  	[spmem:s2] =	stream.indirect.scatter.add.f32 [tilespmem:s26], [sflag:$0xE], $0x10, s23, s21, $0xb8;
	[tilespmem:$0x12580] =	vst v63  }
0xd1: {  	s25 =	simm.s32 @!p1 $0xD;
	s26 =	simm.s32 $0xD600  }
0xd2: {  	[spmem:s3] =	stream.indirect.scatter.add.f32 [tilespmem:s26], [sflag:$0x14], $0x10, s23, s21, $0xb8;
	[tilespmem:$0x12580] =	vst v63  }
0xd3: {  	_ =	swait.ge @!p1 [sflag:s25], $0x800  }
0xd4: {  	[sflag:s25] =	ssyncset.done @!p1 $0x0  }
0xd5: {  	[sflag:s25] =	ssyncadd.s32 @!p1 $0xFFFFF800;
	s25 =	simm.s32 @!p1 $0x13  }
0xd6: {  	_ =	swait.ge @!p1 [sflag:s25], $0x800  }
.Ltmp12:
0xd7: {  	[sflag:s25] =	ssyncset.done @!p1 $0x0;
	(pc) =	sbr.rel .LBB2_16-.Ltmp12, $4  }
0xd8: {  	s26 =	simm.s32 @!p1 $0x9E00;
	[sflag:s25] =	ssyncadd.s32 @!p1 $0xFFFFF800;
	s25 =	simm.s32 @!p1 $0x80  }
0xd9: {  	[tilespmem:s26], [sflag:$0x1] =	stream.indirect.gather @!p1 [hbm4b:s5+s25], $0x10, s22, s25, $0xb8;
	[tilespmem:$0x12580] =	vst v63  }
0xda: {  	s26 =	simm.s32 @!p1 $0xCE00  }
0xdb: {  	[tilespmem:s26], [sflag:$0x7] =	stream.indirect.gather @!p1 [hbm4b:s6+s25], $0x10, s22, s25, $0xb8;
	[tilespmem:$0x12580] =	vst v63  }
.LBB2_13:
0xdc: {  	_ =	swait.ge [sflag:s4], $0x800  }
0xdd: {  	[sflag:s4] =	ssyncset.done $0x0  }
0xde: {  	[sflag:s4] =	ssyncadd.s32 $0xFFFFF800  }
0xdf: {  	_ =	swait.ge [sflag:s8], $0x800  }
0xe0: {  	[sflag:s8] =	ssyncset.done $0x0  }
0xe1: {  	p1 =	sge.u32 s25, s7;
	[sflag:s8] =	ssyncadd.s32 $0xFFFFF800  }
0xe2: {  	[spmem:s2] =	stream.indirect.scatter.add.f32 [tilespmem:s1], [sflag:$0x10], $0x10, s23, s21, $0xb8;
	[tilespmem:$0x12580] =	vst v63  }
0xe3: {  	s25 =	simm.s32 @!p1 $0xF  }
0xe4: {  	[spmem:s3] =	stream.indirect.scatter.add.f32 [tilespmem:s0], [sflag:$0x16], $0x10, s23, s21, $0xb8;
	[tilespmem:$0x12580] =	vst v63  }
0xe5: {  	_ =	swait.ge @!p1 [sflag:s25], $0x800  }
0xe6: {  	[sflag:s25] =	ssyncset.done @!p1 $0x0  }
0xe7: {  	[sflag:s25] =	ssyncadd.s32 @!p1 $0xFFFFF800;
	s25 =	simm.s32 @!p1 $0x15  }
0xe8: {  	_ =	swait.ge @!p1 [sflag:s25], $0x800  }
.Ltmp13:
0xe9: {  	[sflag:s25] =	ssyncset.done @!p1 $0x0;
	(pc) =	sbr.rel .LBB2_16-.Ltmp13, $4  }
0xea: {  	s26 =	simm.s32 @!p1 $0xAE00;
	[sflag:s25] =	ssyncadd.s32 @!p1 $0xFFFFF800;
	s25 =	simm.s32 @!p1 $0x80  }
0xeb: {  	[tilespmem:s26], [sflag:$0x3] =	stream.indirect.gather @!p1 [hbm4b:s5+s25], $0x10, s22, s25, $0xb8;
	[tilespmem:$0x12580] =	vst v63  }
0xec: {  	s26 =	simm.s32 @!p1 $0xDE00  }
0xed: {  	[tilespmem:s26], [sflag:$0x9] =	stream.indirect.gather @!p1 [hbm4b:s6+s25], $0x10, s22, s25, $0xb8;
	[tilespmem:$0x12580] =	vst v63  }
.LBB2_15:
0xee: {  	_ =	swait.ge [sflag:s12], $0x800  }
0xef: {  	[sflag:s12] =	ssyncset.done $0x0  }
0xf0: {  	[sflag:s12] =	ssyncadd.s32 $0xFFFFF800  }
0xf1: {  	p1 =	sge.u32 s25, s7;
	_ =	swait.ge [sflag:s13], $0x800  }
0xf2: {  	p2 =	seq.s32 @!p1 s17, $0x0;
	[sflag:s13] =	ssyncset.done $0x0  }
0xf3: {  	s26 =	simm.s32 $0x9E00;
	p2 =	por p2, p1;
	[sflag:s13] =	ssyncadd.s32 $0xFFFFF800  }
0xf4: {  	[spmem:s2] =	stream.indirect.scatter.add.f32 [tilespmem:s26], [sflag:$0xD], $0x10, s23, s21, $0xb8;
	[tilespmem:$0x12580] =	vst v63  }
0xf5: {  	s25 =	simm.s32 @!p2 $0x12;
	s26 =	simm.s32 $0xCE00  }
0xf6: {  	[spmem:s3] =	stream.indirect.scatter.add.f32 [tilespmem:s26], [sflag:$0x13], $0x10, s23, s21, $0xb8;
	[tilespmem:$0x12580] =	vst v63  }
0xf7: {  	_ =	swait.ge @!p2 [sflag:s25], $0x800  }
0xf8: {  	[sflag:s25] =	ssyncset.done @!p2 $0x0  }
0xf9: {  	[sflag:s25] =	ssyncadd.s32 @!p2 $0xFFFFF800;
	s25 =	simm.s32 @!p2 $0x18  }
0xfa: {  	_ =	swait.ge @!p2 [sflag:s25], $0x800  }
.Ltmp14:
0xfb: {  	[sflag:s25] =	ssyncset.done @!p2 $0x0;
	(pc) =	sbr.rel .LBB2_16-.Ltmp14, $4  }
0xfc: {  	s26 =	simm.s32 @!p1 $0xC600;
	[sflag:s25] =	ssyncadd.s32 @!p2 $0xFFFFF800;
	s25 =	simm.s32 @!p1 $0x80  }
0xfd: {  	[tilespmem:s26], [sflag:$0x6] =	stream.indirect.gather @!p1 [hbm4b:s5+s25], $0x10, s22, s25, $0xb8;
	[tilespmem:$0x12580] =	vst v63  }
0xfe: {  	s26 =	simm.s32 @!p1 $0xF600  }
0xff: {  	[tilespmem:s26], [sflag:$0xC] =	stream.indirect.gather @!p1 [hbm4b:s6+s25], $0x10, s22, s25, $0xb8;
	[tilespmem:$0x12580] =	vst v63  }
.LBB2_11:
0x100: {  	_ =	swait.ge [sflag:s16], $0x800  }
0x101: {  	[sflag:s16] =	ssyncset.done $0x0  }
0x102: {  	[sflag:s16] =	ssyncadd.s32 $0xFFFFF800  }
0x103: {  	p1 =	sge.u32 s25, s7;
	_ =	swait.ge [sflag:s24], $0x800  }
0x104: {  	p2 =	seq.s32 @!p1 s17, $0x0;
	[sflag:s24] =	ssyncset.done $0x0  }
0x105: {  	s26 =	simm.s32 $0xC600;
	p2 =	por p2, p1;
	[sflag:s24] =	ssyncadd.s32 $0xFFFFF800  }
0x106: {  	[spmem:s2] =	stream.indirect.scatter.add.f32 [tilespmem:s26], [sflag:$0x12], $0x10, s23, s21, $0xb8;
	[tilespmem:$0x12580] =	vst v63  }
0x107: {  	s25 =	simm.s32 @!p2 $0x11;
	s26 =	simm.s32 $0xF600  }
0x108: {  	[spmem:s3] =	stream.indirect.scatter.add.f32 [tilespmem:s26], [sflag:$0x18], $0x10, s23, s21, $0xb8;
	[tilespmem:$0x12580] =	vst v63  }
0x109: {  	_ =	swait.ge @!p2 [sflag:s25], $0x800  }
0x10a: {  	[sflag:s25] =	ssyncset.done @!p2 $0x0  }
0x10b: {  	[sflag:s25] =	ssyncadd.s32 @!p2 $0xFFFFF800;
	s25 =	simm.s32 @!p2 $0x17  }
0x10c: {  	_ =	swait.ge @!p2 [sflag:s25], $0x800  }
.Ltmp15:
0x10d: {  	[sflag:s25] =	ssyncset.done @!p2 $0x0;
	(pc) =	sbr.rel .LBB2_16-.Ltmp15, $4  }
0x10e: {  	s26 =	simm.s32 @!p1 $0xBE00;
	[sflag:s25] =	ssyncadd.s32 @!p2 $0xFFFFF800;
	s25 =	simm.s32 @!p1 $0x80  }
0x10f: {  	[tilespmem:s26], [sflag:$0x5] =	stream.indirect.gather @!p1 [hbm4b:s5+s25], $0x10, s22, s25, $0xb8;
	[tilespmem:$0x12580] =	vst v63  }
0x110: {  	s26 =	simm.s32 @!p1 $0xEE00  }
0x111: {  	[tilespmem:s26], [sflag:$0xB] =	stream.indirect.gather @!p1 [hbm4b:s6+s25], $0x10, s22, s25, $0xb8;
	[tilespmem:$0x12580] =	vst v63  }
.LBB2_18:
0x112: {  	_ =	sfence.sel $0x180000  }
0x113: {  	[bflag:$0x0] =	sbarrier.arrive $0xFFFF  }
0x114: {  	_ =	strace $0x9000004A  }
0x115: {  	s0 =	stileid.u32;
	[bflag:$0x2] =	sbarrier.arrive $0xFFFF  }
0x116: {  	p0 =	sne.s32 s0, $0x0;
	s0 =	rddreg [dreg:$0x4]  }
0x117: {  	s0 =	sadd.s32 @!p0 $0x100000, s0  }
0x118: {  	[sflag:s0] =	ssyncadd.tile.s32 @!p0 $0x1;
	_ =	shalt  }
.Lfunc_end2:
_tile_overlayer_lowered:
.L_overlay_start_2:
0x119: {  	(tag) =	ssettag $0x2  }
0x11a: {  	s0 =	rddreg [dreg:$0x0];
	s2 =	stileid.u32  }
0x11b: {  	s1 =	rddreg [dreg:$0x1];
	p0 =	sne.s32 s2, $0x0  }
0x11c: {  	s3 =	rddreg [dreg:$0x2];
	[bflag:$0x3] =	sbarrier.arrive $0xFFFF;
	s2 =	simm.s32 @!p0 $0x1C19  }
0x11d: {  	[timem:s3], [sflag:s2] =	dma.local @!p0 [hbm:s0], s1  }
0x11e: {  	s0 =	simm.s32 @!p0 $0x19  }
0x11f: {  	_ =	swait.ge @!p0 [sflag:s0], s1  }
0x120: {  	s1 =	ssub.s32 @!p0 $0x0, s1;
	[sflag:s0] =	ssyncset.done @!p0 $0x0  }
0x121: {  	[sflag:s0] =	ssyncadd.s32 @!p0 s1  }
0x122: {  	[bflag:$0x3] =	sbarrier.arrive $0xFFFF  }
0x123: {  	_ =	shalt  }

// kernel: kernel.7.cloned.1.call-start
scs
__scs_entry_jumppad:
0x0: {  	(pc) =	sbr.rel $0x88, $3  }
0x1: {  	(tag) =	ssettag $0x0;
	lr =	simm.s32 $0x1  }
0x2: {  	[smem:$0x3F99] =	sst lr;
	_ =	strace $0xD0000000  }
0x3: {  	_ = 	snop  }
0x4: {  	_ = 	snop  }
0x5: {  	_ = 	snop  }
0x6: {  	_ = 	snop  }
0x7: {  	_ = 	snop  }
__scs_overlays_trampoline_lowered:
0x8: {  	[smem:$0x3FA8] =	sst s0  }
0x9: {  	[smem:$0x3FA9] =	sst s1  }
0xa: {  	[smem:$0x3FAA] =	sst s2  }
0xb: {  	[smem:$0x3FAB] =	sst s3  }
0xc: {  	[smem:$0x3FAC] =	sst s4  }
0xd: {  	[smem:$0x3FAD] =	sst s5  }
0xe: {  	[smem:$0x3FAE] =	sst s6  }
0xf: {  	[smem:$0x3FAF] =	sst s7  }
0x10: {  	[smem:$0x3FB0] =	sst s8  }
0x11: {  	[smem:$0x3FB1] =	sst s9;
	s0 =	simm.s32 @!p0 $0x0  }
0x12: {  	s1 =	sld [smem:$0x3F97];
	s0 =	simm.s32 @p0 $0x1  }
0x13: {  	[smem:$0x3FB2] =	sst s0;
	s0 =	simm.s32 @!p1 $0x0  }
0x14: {  	s2 =	sld [smem:$0x3F96];
	s0 =	simm.s32 @p1 $0x1  }
0x15: {  	[smem:$0x3FB3] =	sst s0;
	s0 =	simm.s32 @!p2 $0x0  }
0x16: {  	s3 =	sld [smem:$0x3FDB];
	s0 =	simm.s32 @p2 $0x1  }
0x17: {  	s4 =	simm.s32 $0x1BF5;
	[smem:$0x3FB5] =	sst s0  }
0x18: {  	s0 =	sld [smem:$0x3F98];
	_ =	swait.ge [sflag:s4], $0x0  }
0x19: {  	s7 =	sld [smem:$0x3F99]  }
0x1a: {  	s8 =	sadd.s32 $0xFFFFE003, lr  }
0x1b: {  	s9 =	sadd.s32 $0xFFFFFEF7, lr;
	s5 =	simm.s32 $0xFFFFFFFF;
	p2 =	slt.u32 s8, $0xFFFFF086  }
0x1c: {  	p1 =	slt.u32 s9, $0xF7A;
	s5 =	simm.s32 @!p2 $0x0  }
0x1d: {  	s5 =	simm.s32 @p1 $0x1;
	p0 =	seq.s32 s7, s2  }
0x1e: {  	s7 =	smul.u32 @!p0 $0xF7A, s2;
	p2 =	seq.s32 @!p0 s5, $0x0  }
0x1f: {  	s9 =	smul.u32 $0xF7A, s1;
	s8 =	simm.s32 @!p0 $0x1BF5;
	p2 =	por !p2, p0  }
0x20: {  	[sflag:s8] =	ssyncset.s32 @!p0 $0xFFFFF086;
	s6 =	sadd.s32 @!p0 s3, s7;
	s7 =	simm.s32 @!p0 $0x108  }
0x21: {  	s3 =	sadd.s32 s3, s9;
	s6 =	sadd.s32 @!p0 $0x88, s6;
	s7 =	simm.s32 @p2 $0x1082  }
0x22: {  	[simem:s7], [sflag:s8] =	dma.local @!p0 [hbm:s6], $0xF7A  }
0x23: {  	s9 =	sor.u32 $0xD0000000, s2;
	s6 =	simm.s32 $0x108;
	_ =	swait.ge @!p0 [sflag:s8], $0x0  }
0x24: {  	s3 =	sadd.s32 $0x88, s3;
	s6 =	simm.s32 @!p1 $0x1082;
	[sflag:s4] =	ssyncset.s32 $0xFFFFF086  }
0x25: {  	[simem:s6], [sflag:s4] =	dma.local [hbm:s3], $0xF7A  }
0x26: {  	[smem:$0x3F99] =	sst s1;
	(tag) =	ssettag s2;
	_ =	strace s9  }
0x27: {  	s1 =	sld [smem:$0x3FA9]  }
0x28: {  	s2 =	sld [smem:$0x3FAA]  }
0x29: {  	s4 =	sld [smem:$0x3FAC]  }
0x2a: {  	p0 =	seq.s32 s5, $0x0;
	s5 =	sld [smem:$0x3FAD]  }
0x2b: {  	s6 =	sld [smem:$0x3FAE]  }
0x2c: {  	s7 =	sld [smem:$0x3FAF]  }
0x2d: {  	s3 =	simm.s32 $0x108;
	s8 =	sld [smem:$0x3FB0]  }
0x2e: {  	s3 =	simm.s32 @!p0 $0x1082;
	s9 =	sld [smem:$0x3FB1]  }
0x2f: {  	lr =	sadd.s32 s0, s3;
	s0 =	sld [smem:$0x3FA8]  }
0x30: {  	s3 =	sld [smem:$0x3FAB]  }
0x31: {  	[smem:$0x3FB4] =	sst s10  }
0x32: {  	s10 =	sld [smem:$0x3FB2];
	_ =	sdelay $0x3  }
0x33: {  	p0 =	seq.s32 s10, $0x1;
	s10 =	sld [smem:$0x3FB4];
	_ =	sdelay $0x3  }
0x34: {  	[smem:$0x3FB4] =	sst s10  }
0x35: {  	s10 =	sld [smem:$0x3FB3];
	_ =	sdelay $0x3  }
0x36: {  	p1 =	seq.s32 s10, $0x1;
	s10 =	sld [smem:$0x3FB4];
	_ =	sdelay $0x3  }
0x37: {  	[smem:$0x3FB4] =	sst s10  }
0x38: {  	s10 =	sld [smem:$0x3FB5]  }
0x39: {  	_ = 	snop;
	(pc) =	sbr.ind lr, $3  }
0x3a: {  	_ = 	snop  }
0x3b: {  	_ = 	snop  }
0x3c: {  	p2 =	seq.s32 s10, $0x1;
	s10 =	sld [smem:$0x3FB4]  }
0x3d: {  	_ =	shalt  }
0x3e: {  	_ =	shalt  }
0x3f: {  	_ =	shalt  }
0x40: {  	_ =	shalt  }
0x41: {  	_ =	shalt  }
0x42: {  	_ =	shalt  }
0x43: {  	_ =	shalt  }
0x44: {  	_ =	shalt  }
0x45: {  	_ =	shalt  }
0x46: {  	_ =	shalt  }
0x47: {  	_ =	shalt  }
0x48: {  	_ =	shalt  }
0x49: {  	_ =	shalt  }
0x4a: {  	_ =	shalt  }
0x4b: {  	_ =	shalt  }
0x4c: {  	_ =	shalt  }
0x4d: {  	_ =	shalt  }
0x4e: {  	_ =	shalt  }
0x4f: {  	_ =	shalt  }
0x50: {  	_ =	shalt  }
0x51: {  	_ =	shalt  }
0x52: {  	_ =	shalt  }
0x53: {  	_ =	shalt  }
0x54: {  	_ =	shalt  }
0x55: {  	_ =	shalt  }
0x56: {  	_ =	shalt  }
0x57: {  	_ =	shalt  }
0x58: {  	_ =	shalt  }
0x59: {  	_ =	shalt  }
0x5a: {  	_ =	shalt  }
0x5b: {  	_ =	shalt  }
0x5c: {  	_ =	shalt  }
0x5d: {  	_ =	shalt  }
0x5e: {  	_ =	shalt  }
0x5f: {  	_ =	shalt  }
0x60: {  	_ =	shalt  }
0x61: {  	_ =	shalt  }
0x62: {  	_ =	shalt  }
0x63: {  	_ =	shalt  }
0x64: {  	_ =	shalt  }
0x65: {  	_ =	shalt  }
0x66: {  	_ =	shalt  }
0x67: {  	_ =	shalt  }
0x68: {  	_ =	shalt  }
0x69: {  	_ =	shalt  }
0x6a: {  	_ =	shalt  }
0x6b: {  	_ =	shalt  }
0x6c: {  	_ =	shalt  }
0x6d: {  	_ =	shalt  }
0x6e: {  	_ =	shalt  }
0x6f: {  	_ =	shalt  }
0x70: {  	_ =	shalt  }
0x71: {  	_ =	shalt  }
0x72: {  	_ =	shalt  }
0x73: {  	_ =	shalt  }
0x74: {  	_ =	shalt  }
0x75: {  	_ =	shalt  }
0x76: {  	_ =	shalt  }
0x77: {  	_ =	shalt  }
0x78: {  	_ =	shalt  }
0x79: {  	_ =	shalt  }
0x7a: {  	_ =	shalt  }
0x7b: {  	_ =	shalt  }
0x7c: {  	_ =	shalt  }
0x7d: {  	_ =	shalt  }
0x7e: {  	_ =	shalt  }
0x7f: {  	_ =	shalt  }
0x80: {  	_ =	shalt  }
0x81: {  	_ =	shalt  }
0x82: {  	_ =	shalt  }
0x83: {  	_ =	shalt  }
0x84: {  	_ =	shalt  }
0x85: {  	_ =	shalt  }
0x86: {  	_ =	shalt  }
0x87: {  	_ =	shalt  }
.Lfunc_end0:
.L_simem_size_0:
called_computation_lowered:
.L_overlay_start_0:
0x88: {  	s2 =	sld [smem:$0x3FD9]  }
0x89: {  	s3 =	sld [smem:$0x3FFE];
	_ =	sdelay $0x1  }
0x8a: {  	s1 =	srdreg.scid  }
0x8b: {  	s0 =	sand.u32 $0x1, s1  }
0x8c: {  	s17 =	sshll.u32 s0, $0xA;
	s2 =	sadd.s32 s3, s2  }
0x8d: {  	s2 =	sadd.s32 s2, s17  }
0x8e: {  	[smem:$0x3FC0] =	sst s2  }
0x8f: {  	_ = 	snop  }
0x90: {  	s2 =	sld [smem:$0x3FD0];
	(tm) =	ssettm $0x1  }
0x91: {  	s18 =	sld [smem:$0x3FFB];
	_ =	sdelay $0x3  }
0x92: {  	_ =	strace s18  }
0x93: {  	s3 =	sld [smem:$0x3FFC];
	_ =	sdelay $0x3  }
0x94: {  	_ =	strace s3  }
0x95: {  	s3 =	sld [smem:$0x3FFD];
	_ =	sdelay $0x3  }
0x96: {  	_ =	strace s3  }
0x97: {  	_ =	strace $0x8FFFFFFF  }
0x98: {  	s19 =	sld [smem:$0x3FDB];
	_ =	sdelay $0x1  }
0x99: {  	s4 =	simm.s32 $_scs_section_size  }
0x9a: {  	s5 =	simm.s32 $_size__tile_overlayer_lowered;
	s6 =	simm.s32 $_tile_overlayer_lowered  }
0x9b: {  	s22 =	simm.s32 $0x1BFF;
	s21 =	sshll.u32 s6, $0x1;
	s3 =	sadd.s32 s4, s19  }
0x9c: {  	s7 =	simm.s32 $0x0;
	s20 =	sshll.u32 s5, $0x1;
	s5 =	sadd.s32 s21, s3  }
0x9d: {  	[timem:s7], [sflag:s22] =	dma.local [hbm:s5], s20  }
0x9e: {  	_ =	swait.ge [sflag:s22], s20  }
0x9f: {  	s4 =	ssub.s32 $0x0, s20;
	[sflag:s22] =	ssyncset.done $0x0  }
0xa0: {  	[sflag:s22] =	ssyncadd.s32 s4;
	_ =	sdelay $0x1  }
0xa1: {  	s23 =	simm.s32 $0x1B8B  }
0xa2: {  	_ =	swait.ge [sflag:s23], $0x1  }
0xa3: {  	[sflag:s23] =	ssyncset.done $0x0  }
0xa4: {  	s25 =	simm.s32 $0x1B8E;
	s24 =	sld [smem:$0x3FFE];
	[sflag:s23] =	ssyncadd.s32 $0xFFFFFFFF  }
0xa5: {  	s26 =	simm.s32 $execute0_lowered;
	[smem:$0x3FD2] =	sst s25  }
0xa6: {  	s5 =	sshll.u32 s26, $0x1;
	_ =	strace $0x80000046;
	[dreg:$0x1] =	wrdreg $0xFFFFFFFF  }
0xa7: {  	s28 =	simm.s32 $_size_execute0_lowered;
	s3 =	sadd.s32 s3, s5;
	[dreg:$0x0] =	wrdreg $0x0  }
0xa8: {  	s5 =	sshll.u32 s28, $0x1;
	[dreg:$0x2] =	wrdreg s3  }
0xa9: {  	[dreg:$0x3] =	wrdreg s5  }
0xaa: {  	[dreg:$0x4] =	wrdreg $0xC0  }
0xab: {  	_ =	task [dreg:s7], $0x5FFFF  }
0xac: {  	[dreg:$0x1] =	wrdreg $0xFFFFFFFF  }
0xad: {  	[dreg:$0x0] =	wrdreg $0x60  }
0xae: {  	[dreg:$0x2] =	wrdreg s24  }
0xaf: {  	[dreg:$0x3] =	wrdreg s2  }
0xb0: {  	[dreg:$0x4] =	wrdreg $0x0  }
0xb1: {  	[dreg:$0x5] =	wrdreg $0x27800  }
0xb2: {  	[dreg:$0x6] =	wrdreg $0x9  }
0xb3: {  	_ =	task.clear_ibuf [dreg:s7], $0x7FFFF;
	_ =	strace $0x90000046  }
0xb4: {  	s29 =	simm.s32 $0x9;
	_ =	strace $0x80000048  }
0xb5: {  	_ =	swait.ge [sflag:s29], $0x1  }
0xb6: {  	[sflag:s29] =	ssyncadd.s32 $0xFFFFFFFF  }
0xb7: {  	_ =	strace $0x90000048  }
0xb8: {  	_ =	sfence  }
0xb9: {  	s30 =	sld [smem:$0x0];
	_ =	sdelay $0x2  }
0xba: {  	s31 =	sshll.u32 s1, $0xD;
	s1 =	sshrl.u32 s1, $0x2  }
0xbb: {  	s3 =	sand.u32 $0x4000, s31;
	s1 =	sadd.s32 s1, s30  }
0xbc: {  	s0 =	sor.u32 s3, s0;
	s1 =	sshll.u32 s1, $0x11  }
0xbd: {  	s0 =	sor.u32 s1, s0  }
0xbe: {  	s0 =	sadd.s32 $0x8F2B, s0  }
0xbf: {  	[sflag:s0] =	ssyncadd.remote.s32 $0x1  }
0xc0: {  	_ =	sfence.sel $0xFFFF  }
0xc1: {  	[dreg:$0x0] =	wrdreg $0xFFFFFFFF;
	(pc) =	sbr.abs _section_cstart, $3  }
0xc2: {  	[dreg:$0x1] =	wrdreg $0xFFFFFFFF  }
0xc3: {  	_ =	task.clear_ibuf [dreg:s7], $0x2FFFF;
	_ =	strace $0x9FFFFFFF  }
0xc4: {  	(tm) =	ssettm $0x7FFFFFFF  }
0xc5: {  	_ =	shalt  }
tec
execute0_lowered:
.L_overlay_start_1:
0x0: {  	(tag) =	ssettag $0x1  }
0x1: {  	s0 =	rddreg [dreg:$0x0];
	s1 =	srdreg.scid  }
0x2: {  	s4 =	stileid.u32;
	s9 =	rddreg [dreg:$0x1]  }
0x3: {  	s2 =	rddreg [dreg:$0x2];
	s26 =	simm.s32 $0x0;
	s16 =	simm.s32 $0xD600  }
0x4: {  	s17 =	simm.s32 $0xE;
	s20 =	simm.s32 $0x80;
	s28 =	simm.s32 $0xB600  }
0x5: {  	s30 =	simm.s32 $0xBE00;
	s31 =	simm.s32 $0x1;
	s19 =	simm.s32 $0xD  }
0x6: {  	s13 =	simm.s32 $0x3;
	s18 =	simm.s32 $0x4;
	s14 =	simm.s32 $0x5  }
0x7: {  	s15 =	simm.s32 $0x0;
	s1 =	sand.u32 $0x1, s1;
	s3 =	sshll.u32 s4, $0x1  }
0x8: {  	s7 =	smul.u32 $0x2780, s4;
	[smem:$0x7FF] =	sst s26;
	p0 =	slt.u32 s4, $0x2  }
0x9: {  	s5 =	sor.u32 s1, s3;
	s3 =	rddreg [dreg:$0x3];
	s10 =	smul.u32 $0x27800, s1  }
0xa: {  	_ =	strace $0x80000047;
	s1 =	ssub.s32 $0x2, s1;
	s6 =	smul.u32 $0x4E, s5  }
0xb: {  	s8 =	smin.u32 s5, $0x4;
	s5 =	sadd.s32 $0x17400, s0;
	s23 =	sshrl.u32 s1, $0x1  }
0xc: {  	s21 =	sadd.s32 s7, s10;
	s1 =	ssub.s32 s1, s23;
	s23 =	simm.s32 $0xA600  }
0xd: {  	s6 =	sadd.s32 s8, s6;
	s11 =	sshrl.u32 s21, $0x3;
	s8 =	simm.s32 $0x4F  }
0xe: {  	s29 =	smax.u32 s1, $0x1;
	s21 =	simm.s32 $0x9E00;
	s1 =	simm.s32 $0xCE00  }
0xf: {  	s6 =	sshll.u32 s6, $0x4;
	s8 =	simm.s32 @!p0 $0x4E;
	s9 =	sadd.s32 s9, s11  }
0x10: {  	[dreg:$0xb] =	wrdreg s29;
	p0 =	sgt.u32 s4, $0x1;
	s22 =	sadd.s32 s6, s0  }
0x11: {  	s0 =	sadd.s32 s11, s0;
	[dreg:$0x9] =	wrdreg s9;
	s12 =	sadd.s32 $0x3A00, s22  }
0x12: {  	s6 =	sadd.s32 s7, s2;
	s24 =	sadd.s32 $0xD640, s22;
	[dreg:$0x5] =	wrdreg s12  }
.Ltmp0:
0x13: {  	s25 =	sadd.s32 $0x3EE0, s22;
	[dreg:$0x6] =	wrdreg s24;
	(pc) =	sbr.rel .LBB2_1-.Ltmp0, $4  }
0x14: {  	s7 =	sadd.s32 s7, s3;
	s10 =	sadd.s32 $0xDB20, s22;
	[dreg:$0x7] =	wrdreg s25  }
0x15: {  	s11 =	simm.s32 $0xB;
	s0 =	sadd.s32 $0x1C400, s0;
	[dreg:$0x8] =	wrdreg s10  }
0x16: {  	s22 =	simm.s32 $0xC;
	[dreg:$0xa] =	wrdreg s0;
	s25 =	simm.s32 $0xAE00  }
0x17: {  	v0 =	vimm.f32 $0.0e+00;
	v1 =	vimm.f32 $1.000000000e+00;
	s0 =	simm.s32 $0xC600;
	s24 =	simm.s32 $0x2;
	s12 =	simm.s32 $0x6  }
.LBB2_27:
0x18: {  	s4 =	simm.s32 $0x7  }
0x19: {  	_ =	swait.ge [sflag:s4], $0x800  }
0x1a: {  	[sflag:s4] =	ssyncset.done $0x0  }
0x1b: {  	s10 =	simm.s32 $0x8;
	[sflag:s4] =	ssyncadd.s32 $0xFFFFF800  }
0x1c: {  	_ =	swait.ge [sflag:s10], $0x800  }
0x1d: {  	[sflag:s10] =	ssyncset.done $0x0  }
0x1e: {  	s26 =	simm.s32 $0x9;
	[sflag:s10] =	ssyncadd.s32 $0xFFFFF800  }
0x1f: {  	_ =	swait.ge [sflag:s26], $0x800  }
0x20: {  	[sflag:s26] =	ssyncset.done $0x0  }
0x21: {  	s29 =	simm.s32 $0xA;
	[sflag:s26] =	ssyncadd.s32 $0xFFFFF800  }
0x22: {  	_ =	swait.ge [sflag:s29], $0x800  }
0x23: {  	[sflag:s29] =	ssyncset.done $0x0  }
0x24: {  	[sflag:s29] =	ssyncadd.s32 $0xFFFFF800  }
0x25: {  	_ =	swait.ge [sflag:s11], $0x800  }
0x26: {  	[sflag:s11] =	ssyncset.done $0x0  }
0x27: {  	[sflag:s11] =	ssyncadd.s32 $0xFFFFF800  }
0x28: {  	_ =	swait.ge [sflag:s22], $0x800  }
0x29: {  	[sflag:s22] =	ssyncset.done $0x0  }
0x2a: {  	[sflag:s22] =	ssyncadd.s32 $0xFFFFF800  }
0x2b: {  	_ =	swait.ge [sflag:s19], $0x800  }
0x2c: {  	[sflag:s19] =	ssyncset.done $0x0  }
0x2d: {  	[sflag:s19] =	ssyncadd.s32 $0xFFFFF800  }
0x2e: {  	[bflag:$0x0] =	sbarrier.arrive $0xFFFF  }
0x2f: {  	[tilespmem:s16], [sflag:$0xE] =	stream.linear.gather [spmem:s6], $0x2780, $0x38;
	[tilespmem:$0xFD80] =	vst v63  }
0x30: {  	_ =	swait.ge [sflag:s17], $0x2780  }
0x31: {  	[sflag:s17] =	ssyncset.done $0x0  }
0x32: {  	s26 =	simm.s32 $0x0;
	s9 =	rddreg [dreg:$0x9];
	[sflag:s17] =	ssyncadd.s32 $0xFFFFD880  }
0x33: {  	[hbm4b:s9+s26] =	stream.linear.scatter [tilespmem:s16], [sflag:$0xE], $0x2780, $0x38;
	[tilespmem:$0xFD80] =	vst v63  }
0x34: {  	_ =	swait.ge [sflag:s17], $0x2780  }
0x35: {  	[sflag:s17] =	ssyncset.done $0x0  }
0x36: {  	[sflag:s17] =	ssyncadd.s32 $0xFFFFD880  }
0x37: {  	[tilespmem:s16], [sflag:$0xE] =	stream.linear.gather [spmem:s7], $0x2780, $0x38;
	[tilespmem:$0xFD80] =	vst v63  }
0x38: {  	_ =	swait.ge [sflag:s17], $0x2780  }
0x39: {  	[sflag:s17] =	ssyncset.done $0x0  }
0x3a: {  	s10 =	rddreg [dreg:$0xa];
	[sflag:s17] =	ssyncadd.s32 $0xFFFFD880  }
0x3b: {  	[hbm4b:s10+s26] =	stream.linear.scatter [tilespmem:s16], [sflag:$0xE], $0x2780, $0x38;
	[tilespmem:$0xFD80] =	vst v63  }
0x3c: {  	_ =	swait.ge [sflag:s17], $0x2780  }
0x3d: {  	s15 =	sadd.s32 $0x1, s15;
	s29 =	rddreg [dreg:$0xb]  }
0x3e: {  	p1 =	sne.s32 s15, s29  }
.Ltmp1:
0x3f: {  	_ = 	snop;
	(pc) =	sbr.rel @!p1 .LBB2_28-.Ltmp1, $3  }
0x40: {  	_ =	sdelay $0x1  }
0x41: {  	[sflag:s17] =	ssyncset.done $0x0  }
0x42: {  	[sflag:s17] =	ssyncadd.s32 $0xFFFFD880  }
.LBB2_1:
0x43: {  	s9 =	simm.s32 $0x0  }
.LBB2_2:
0x44: {  	p1 =	sne.s32 s9, $0x9DC0  }
.Ltmp2:
0x45: {  	_ = 	snop;
	(pc) =	sbr.rel @p1 .LBB2_2-.Ltmp2, $3  }
0x46: {  	_ =	sdelay $0x1  }
0x47: {  	s10 =	sshra.s32 s9, $0x2  }
0x48: {  	s9 =	sadd.s32 $0x40, s9;
	[tilespmem:s10+$0xD600] =	vst v0  }
0x49: {  	s9 =	simm.s32 $0x40;
	s10 =	simm.s32 $0x0  }
.LBB2_4:
0x4a: {  	p1 =	sne.s32 s9, $0x1FC0;
	[tilespmem:s10+$0xCE00] =	vst v1;
	s10 =	smov.u32 s9;
	s9 =	sadd.s32 $0x40, s9  }
.Ltmp3:
0x4b: {  	(pc) =	sbr.rel @p1 .LBB2_4-.Ltmp3, $2  }
0x4c: {  	_ =	sdelay $0x2  }
0x4d: {  	s10 =	sshra.s32 s10, $0x2  }
0x4e: {  	[tilespmem:s10+$0xCE00] =	vst v1  }
0x4f: {  	[spmem:s6] =	stream.linear.scatter [tilespmem:s16], [sflag:$0xE], $0x2780, $0x38;
	[tilespmem:$0xFD80] =	vst v63  }
0x50: {  	_ =	swait.ge [sflag:s17], $0x2780  }
0x51: {  	[sflag:s17] =	ssyncset.done $0x0  }
0x52: {  	[sflag:s17] =	ssyncadd.s32 $0xFFFFD880  }
0x53: {  	[spmem:s7] =	stream.linear.scatter [tilespmem:s16], [sflag:$0xE], $0x2780, $0x38;
	[tilespmem:$0xFD80] =	vst v63  }
0x54: {  	_ =	swait.ge [sflag:s17], $0x2780  }
0x55: {  	[sflag:s17] =	ssyncset.done $0x0  }
0x56: {  	[sflag:s17] =	ssyncadd.s32 $0xFFFFD880  }
0x57: {  	[bflag:$0x0] =	sbarrier.arrive $0xFFFF  }
0x58: {  	s29 =	simm.s32 $0x4F00;
	s4 =	rddreg [dreg:$0x5]  }
0x59: {  	[tilespmem:s29], [sflag:$0xE] =	stream.linear.gather [hbm4b:s4+s26], $0x2700, $0x38;
	[tilespmem:$0xFD80] =	vst v63  }
0x5a: {  	_ =	swait.ge [sflag:s17], $0x2700  }
0x5b: {  	[sflag:s17] =	ssyncset.done $0x0  }
0x5c: {  	s9 =	simm.s32 $0x7680;
	s10 =	rddreg [dreg:$0x6];
	[sflag:s17] =	ssyncadd.s32 $0xFFFFD900  }
0x5d: {  	[tilespmem:s9], [sflag:$0xE] =	stream.linear.gather [hbm4b:s10+s26], $0x2700, $0x38;
	[tilespmem:$0xFD80] =	vst v63  }
0x5e: {  	_ =	swait.ge [sflag:s17], $0x2700  }
0x5f: {  	s9 =	simm.s32 @!p0 $0x0;
	[sflag:s17] =	ssyncset.done $0x0  }
0x60: {  	s10 =	simm.s32 @!p0 $0x7600;
	s4 =	rddreg [dreg:$0x7];
	[sflag:s17] =	ssyncadd.s32 $0xFFFFD900  }
0x61: {  	[tilespmem:s10], [sflag:$0xE] =	stream.linear.gather @!p0 [hbm4b:s4+s9], $0x80, $0x38;
	[tilespmem:$0xFD80] =	vst v63  }
0x62: {  	s10 =	simm.s32 @!p0 $0xE  }
0x63: {  	_ =	swait.ge @!p0 [sflag:s10], $0x80  }
0x64: {  	[sflag:s10] =	ssyncset.done @!p0 $0x0  }
0x65: {  	s26 =	simm.s32 @!p0 $0x9D80;
	s4 =	rddreg [dreg:$0x8];
	[sflag:s10] =	ssyncadd.s32 @!p0 $0xFFFFFF80  }
0x66: {  	[tilespmem:s26], [sflag:$0xE] =	stream.linear.gather @!p0 [hbm4b:s4+s9], $0x80, $0x38;
	[tilespmem:$0xFD80] =	vst v63  }
0x67: {  	_ =	swait.ge @!p0 [sflag:s10], $0x80  }
0x68: {  	[sflag:s10] =	ssyncset.done @!p0 $0x0  }
0x69: {  	[sflag:s10] =	ssyncadd.s32 @!p0 $0xFFFFFF80  }
0x6a: {  	[tilespmem:s21], [sflag:$0x1] =	stream.indirect.gather [hbm4b:s5+s20], $0x10, s29, s20, $0xb8;
	[tilespmem:$0xFD80] =	vst v63  }
0x6b: {  	s26 =	simm.s32 $0x4F80  }
0x6c: {  	[tilespmem:s23], [sflag:$0x2] =	stream.indirect.gather [hbm4b:s5+s20], $0x10, s26, s20, $0xb8;
	[tilespmem:$0xFD80] =	vst v63  }
0x6d: {  	s9 =	simm.s32 $0x5000  }
0x6e: {  	[tilespmem:s25], [sflag:$0x3] =	stream.indirect.gather [hbm4b:s5+s20], $0x10, s9, s20, $0xb8;
	[tilespmem:$0xFD80] =	vst v63  }
.Ltmp4:
0x6f: {  	s10 =	simm.s32 $0x5080;
	(pc) =	sbr.rel .LBB2_6-.Ltmp4, $4  }
0x70: {  	[tilespmem:s28], [sflag:$0x4] =	stream.indirect.gather [hbm4b:s5+s20], $0x10, s10, s20, $0xb8;
	[tilespmem:$0xFD80] =	vst v63  }
0x71: {  	s26 =	simm.s32 $0x5100  }
0x72: {  	[tilespmem:s30], [sflag:$0x5] =	stream.indirect.gather [hbm4b:s5+s20], $0x10, s26, s20, $0xb8;
	[tilespmem:$0xFD80] =	vst v63  }
0x73: {  	s29 =	simm.s32 $0xA00;
	s26 =	simm.s32 $0x0  }
.LBB2_20:
0x74: {  	_ =	swait.ge [sflag:s13], $0x800  }
0x75: {  	[sflag:s13] =	ssyncset.done $0x0  }
0x76: {  	[sflag:s13] =	ssyncadd.s32 $0xFFFFF800  }
0x77: {  	[spmem:s2] =	stream.indirect.scatter.add.f32 [tilespmem:s25], [sflag:$0x9], $0x10, s9, s20, $0xb8;
	[tilespmem:$0xFD80] =	vst v63  }
0x78: {  	_ = 	snop  }
0x79: {  	[spmem:s3] =	stream.indirect.scatter.add.f32 [tilespmem:s1], [sflag:$0xD], $0x10, s9, s20, $0xb8;
	[tilespmem:$0xFD80] =	vst v63  }
0x7a: {  	s4 =	sadd.s32 $0x5, s26;
	_ =	swait.ge [sflag:s19], $0x800  }
0x7b: {  	p1 =	sge.u32 s4, s8;
	[sflag:s19] =	ssyncset.done $0x0  }
0x7c: {  	s4 =	simm.s32 @!p1 $0x8;
	[sflag:s19] =	ssyncadd.s32 $0xFFFFF800  }
0x7d: {  	_ =	swait.ge @!p1 [sflag:s4], $0x800  }
0x7e: {  	[sflag:s4] =	ssyncset.done @!p1 $0x0  }
0x7f: {  	[sflag:s4] =	ssyncadd.s32 @!p1 $0xFFFFF800;
	s4 =	sshra.s32 @!p1 s29, $0x2  }
0x80: {  	s10 =	simm.s32 @!p1 $0xA600;
	s9 =	simm.s32 @!p1 $0x80;
	s4 =	sadd.s32 @!p1 $0x4F00, s4  }
0x81: {  	[tilespmem:s10], [sflag:$0x2] =	stream.indirect.gather @!p1 [hbm4b:s5+s9], $0x10, s4, s9, $0xb8;
	[tilespmem:$0xFD80] =	vst v63  }
.LBB2_26:
0x82: {  	s26 =	sadd.s32 $0x1, s26  }
0x83: {  	p1 =	sne.s32 s8, s26  }
.Ltmp5:
0x84: {  	_ = 	snop;
	(pc) =	sbr.rel @!p1 .LBB2_27-.Ltmp5, $2  }
0x85: {  	_ =	sdelay $0x2  }
0x86: {  	s29 =	sadd.s32 $0x200, s29  }
.LBB2_6:
0x87: {  	s9 =	smulhi.u32 $0xAAAAAAAB, s26;
	_ =	sdelay $0x1  }
0x88: {  	s9 =	sshrl.u32 s9, $0x2  }
0x89: {  	s9 =	smul.u32 $0xFFFFFFFA, s9;
	_ =	sdelay $0x1  }
0x8a: {  	s10 =	sadd.s32 s9, s26  }
0x8b: {  	p1 =	sgt.s32 s10, $0x1  }
.Ltmp6:
0x8c: {  	_ = 	snop;
	(pc) =	sbr.rel @!p1 .LBB2_7-.Ltmp6, $3  }
0x8d: {  	_ =	sdelay $0x1  }
0x8e: {  	s4 =	sshra.s32 s29, $0x2  }
0x8f: {  	s9 =	sadd.s32 $0x7400, s4  }
0x90: {  	p1 =	seq.s32 s10, $0x2  }
.Ltmp7:
0x91: {  	_ = 	snop;
	(pc) =	sbr.rel @p1 .LBB2_20-.Ltmp7, $1  }
0x92: {  	_ =	sdelay $0x3  }
0x93: {  	p1 =	seq.s32 s10, $0x3  }
.Ltmp8:
0x94: {  	_ = 	snop;
	(pc) =	sbr.rel @p1 .LBB2_19-.Ltmp8, $1  }
0x95: {  	_ =	sdelay $0x3  }
0x96: {  	p1 =	seq.s32 s10, $0x4  }
.Ltmp9:
0x97: {  	_ = 	snop;
	(pc) =	sbr.rel @!p1 .LBB2_13-.Ltmp9, $1  }
0x98: {  	_ =	sdelay $0x3  }
0x99: {  	_ =	swait.ge [sflag:s14], $0x800  }
0x9a: {  	[sflag:s14] =	ssyncset.done $0x0  }
0x9b: {  	[sflag:s14] =	ssyncadd.s32 $0xFFFFF800  }
0x9c: {  	[spmem:s2] =	stream.indirect.scatter.add.f32 [tilespmem:s30], [sflag:$0xB], $0x10, s9, s20, $0xb8;
	[tilespmem:$0xFD80] =	vst v63  }
0x9d: {  	_ = 	snop  }
0x9e: {  	[spmem:s3] =	stream.indirect.scatter.add.f32 [tilespmem:s1], [sflag:$0xD], $0x10, s9, s20, $0xb8;
	[tilespmem:$0xFD80] =	vst v63  }
0x9f: {  	s10 =	sadd.s32 $0x5, s26;
	_ =	swait.ge [sflag:s19], $0x800  }
0xa0: {  	p1 =	sge.u32 s10, s8;
	[sflag:s19] =	ssyncset.done $0x0  }
0xa1: {  	s9 =	simm.s32 @!p1 $0xA;
	[sflag:s19] =	ssyncadd.s32 $0xFFFFF800  }
.Ltmp10:
0xa2: {  	_ =	swait.ge @!p1 [sflag:s9], $0x800;
	(pc) =	sbr.rel .LBB2_26-.Ltmp10, $4  }
0xa3: {  	[sflag:s9] =	ssyncset.done @!p1 $0x0  }
0xa4: {  	[sflag:s9] =	ssyncadd.s32 @!p1 $0xFFFFF800;
	s9 =	sshra.s32 @!p1 s29, $0x2  }
0xa5: {  	s10 =	simm.s32 @!p1 $0x80;
	s4 =	simm.s32 @!p1 $0xB600;
	s9 =	sadd.s32 @!p1 $0x4F00, s9  }
0xa6: {  	[tilespmem:s4], [sflag:$0x4] =	stream.indirect.gather @!p1 [hbm4b:s5+s10], $0x10, s9, s10, $0xb8;
	[tilespmem:$0xFD80] =	vst v63  }
.LBB2_7:
0xa7: {  	p1 =	seq.s32 s10, $0x0  }
.Ltmp11:
0xa8: {  	_ = 	snop;
	(pc) =	sbr.rel @p1 .LBB2_21-.Ltmp11, $1  }
0xa9: {  	_ =	sdelay $0x3  }
0xaa: {  	p1 =	seq.s32 s10, $0x1  }
.Ltmp12:
0xab: {  	_ = 	snop;
	(pc) =	sbr.rel @!p1 .LBB2_13-.Ltmp12, $1  }
0xac: {  	_ =	sdelay $0x3  }
0xad: {  	_ =	swait.ge [sflag:s24], $0x800  }
0xae: {  	[sflag:s24] =	ssyncset.done $0x0  }
0xaf: {  	[sflag:s24] =	ssyncadd.s32 $0xFFFFF800  }
0xb0: {  	[spmem:s2] =	stream.indirect.scatter.add.f32 [tilespmem:s23], [sflag:$0x8], $0x10, s9, s20, $0xb8;
	[tilespmem:$0xFD80] =	vst v63  }
0xb1: {  	_ = 	snop  }
0xb2: {  	[spmem:s3] =	stream.indirect.scatter.add.f32 [tilespmem:s1], [sflag:$0xD], $0x10, s9, s20, $0xb8;
	[tilespmem:$0xFD80] =	vst v63  }
0xb3: {  	s4 =	sadd.s32 $0x5, s26;
	_ =	swait.ge [sflag:s19], $0x800  }
0xb4: {  	p1 =	sge.u32 s4, s8;
	[sflag:s19] =	ssyncset.done $0x0  }
0xb5: {  	s4 =	simm.s32 @!p1 $0x7;
	[sflag:s19] =	ssyncadd.s32 $0xFFFFF800  }
.Ltmp13:
0xb6: {  	_ =	swait.ge @!p1 [sflag:s4], $0x800;
	(pc) =	sbr.rel .LBB2_26-.Ltmp13, $4  }
0xb7: {  	[sflag:s4] =	ssyncset.done @!p1 $0x0  }
0xb8: {  	[sflag:s4] =	ssyncadd.s32 @!p1 $0xFFFFF800;
	s4 =	sshra.s32 @!p1 s29, $0x2  }
0xb9: {  	s10 =	simm.s32 @!p1 $0x9E00;
	s9 =	simm.s32 @!p1 $0x80;
	s4 =	sadd.s32 @!p1 $0x4F00, s4  }
0xba: {  	[tilespmem:s10], [sflag:$0x1] =	stream.indirect.gather @!p1 [hbm4b:s5+s9], $0x10, s4, s9, $0xb8;
	[tilespmem:$0xFD80] =	vst v63  }
.LBB2_19:
0xbb: {  	_ =	swait.ge [sflag:s18], $0x800  }
0xbc: {  	[sflag:s18] =	ssyncset.done $0x0  }
0xbd: {  	[sflag:s18] =	ssyncadd.s32 $0xFFFFF800  }
0xbe: {  	[spmem:s2] =	stream.indirect.scatter.add.f32 [tilespmem:s28], [sflag:$0xA], $0x10, s9, s20, $0xb8;
	[tilespmem:$0xFD80] =	vst v63  }
0xbf: {  	_ = 	snop  }
0xc0: {  	[spmem:s3] =	stream.indirect.scatter.add.f32 [tilespmem:s1], [sflag:$0xD], $0x10, s9, s20, $0xb8;
	[tilespmem:$0xFD80] =	vst v63  }
0xc1: {  	s4 =	sadd.s32 $0x5, s26;
	_ =	swait.ge [sflag:s19], $0x800  }
0xc2: {  	p1 =	sge.u32 s4, s8;
	[sflag:s19] =	ssyncset.done $0x0  }
0xc3: {  	s4 =	simm.s32 @!p1 $0x9;
	[sflag:s19] =	ssyncadd.s32 $0xFFFFF800  }
.Ltmp14:
0xc4: {  	_ =	swait.ge @!p1 [sflag:s4], $0x800;
	(pc) =	sbr.rel .LBB2_26-.Ltmp14, $4  }
0xc5: {  	[sflag:s4] =	ssyncset.done @!p1 $0x0  }
0xc6: {  	[sflag:s4] =	ssyncadd.s32 @!p1 $0xFFFFF800;
	s4 =	sshra.s32 @!p1 s29, $0x2  }
0xc7: {  	s10 =	simm.s32 @!p1 $0xAE00;
	s9 =	simm.s32 @!p1 $0x80;
	s4 =	sadd.s32 @!p1 $0x4F00, s4  }
0xc8: {  	[tilespmem:s10], [sflag:$0x3] =	stream.indirect.gather @!p1 [hbm4b:s5+s9], $0x10, s4, s9, $0xb8;
	[tilespmem:$0xFD80] =	vst v63  }
.LBB2_21:
0xc9: {  	_ =	swait.ge [sflag:s31], $0x800;
	p1 =	seq.s32 s26, $0x0  }
.Ltmp15:
0xca: {  	[sflag:s31] =	ssyncset.done $0x0;
	(pc) =	sbr.rel @p1 .LBB2_22-.Ltmp15, $4  }
0xcb: {  	[sflag:s31] =	ssyncadd.s32 $0xFFFFF800  }
0xcc: {  	[spmem:s2] =	stream.indirect.scatter.add.f32 [tilespmem:s21], [sflag:$0x7], $0x10, s9, s20, $0xb8;
	[tilespmem:$0xFD80] =	vst v63  }
0xcd: {  	_ = 	snop  }
0xce: {  	[spmem:s3] =	stream.indirect.scatter.add.f32 [tilespmem:s1], [sflag:$0xD], $0x10, s9, s20, $0xb8;
	[tilespmem:$0xFD80] =	vst v63  }
0xcf: {  	s4 =	sadd.s32 $0x5, s26  }
0xd0: {  	p1 =	sge.u32 s4, s8  }
.Ltmp16:
0xd1: {  	_ = 	snop;
	(pc) =	sbr.rel @p1 .LBB2_26-.Ltmp16, $4  }
0xd2: {  	_ = 	snop  }
0xd3: {  	_ =	swait.ge [sflag:s19], $0x800  }
0xd4: {  	[sflag:s19] =	ssyncset.done $0x0  }
0xd5: {  	[sflag:s19] =	ssyncadd.s32 $0xFFFFF800  }
.Ltmp17:
0xd6: {  	(pc) =	sbr.rel .LBB2_25-.Ltmp17, $4  }
0xd7: {  	_ = 	snop  }
0xd8: {  	_ =	swait.ge [sflag:s22], $0x800  }
0xd9: {  	[sflag:s22] =	ssyncset.done $0x0  }
0xda: {  	s9 =	smov.u32 s29;
	[sflag:s22] =	ssyncadd.s32 $0xFFFFF800  }
.LBB2_13:
0xdb: {  	_ =	swait.ge [sflag:s12], $0x800;
	p1 =	seq.s32 s26, $0x0  }
.Ltmp18:
0xdc: {  	[sflag:s12] =	ssyncset.done $0x0;
	(pc) =	sbr.rel @p1 .LBB2_14-.Ltmp18, $4  }
0xdd: {  	[sflag:s12] =	ssyncadd.s32 $0xFFFFF800  }
0xde: {  	[spmem:s2] =	stream.indirect.scatter.add.f32 [tilespmem:s0], [sflag:$0xC], $0x10, s9, s20, $0xb8;
	[tilespmem:$0xFD80] =	vst v63  }
0xdf: {  	_ = 	snop  }
0xe0: {  	[spmem:s3] =	stream.indirect.scatter.add.f32 [tilespmem:s1], [sflag:$0xD], $0x10, s9, s20, $0xb8;
	[tilespmem:$0xFD80] =	vst v63  }
0xe1: {  	s9 =	sadd.s32 $0x5, s26  }
0xe2: {  	p1 =	sge.u32 s9, s8  }
.Ltmp19:
0xe3: {  	_ = 	snop;
	(pc) =	sbr.rel @p1 .LBB2_26-.Ltmp19, $4  }
0xe4: {  	_ = 	snop  }
0xe5: {  	_ =	swait.ge [sflag:s19], $0x800  }
0xe6: {  	[sflag:s19] =	ssyncset.done $0x0  }
0xe7: {  	[sflag:s19] =	ssyncadd.s32 $0xFFFFF800  }
.Ltmp20:
0xe8: {  	(pc) =	sbr.rel .LBB2_17-.Ltmp20, $4  }
0xe9: {  	_ = 	snop  }
0xea: {  	_ =	swait.ge [sflag:s11], $0x800  }
0xeb: {  	[sflag:s11] =	ssyncset.done $0x0  }
0xec: {  	s9 =	smov.u32 s29;
	[sflag:s11] =	ssyncadd.s32 $0xFFFFF800  }
.LBB2_22:
0xed: {  	s9 =	simm.s32 $0xA00  }
.LBB2_25:
.Ltmp21:
0xee: {  	(pc) =	sbr.rel .LBB2_26-.Ltmp21, $4  }
0xef: {  	_ = 	snop  }
0xf0: {  	s4 =	sshra.s32 s9, $0x2  }
0xf1: {  	s4 =	sadd.s32 $0x4F00, s4  }
0xf2: {  	[tilespmem:s0], [sflag:$0x6] =	stream.indirect.gather [hbm4b:s5+s20], $0x10, s4, s20, $0xb8;
	[tilespmem:$0xFD80] =	vst v63  }
.LBB2_14:
0xf3: {  	s9 =	simm.s32 $0xA00  }
.LBB2_17:
.Ltmp22:
0xf4: {  	(pc) =	sbr.rel .LBB2_26-.Ltmp22, $4  }
0xf5: {  	_ = 	snop  }
0xf6: {  	s9 =	sshra.s32 s9, $0x2  }
0xf7: {  	s9 =	sadd.s32 $0x4F00, s9  }
0xf8: {  	[tilespmem:s30], [sflag:$0x5] =	stream.indirect.gather [hbm4b:s5+s20], $0x10, s9, s20, $0xb8;
	[tilespmem:$0xFD80] =	vst v63  }
.LBB2_28:
0xf9: {  	_ =	sfence.sel $0x180000  }
0xfa: {  	[bflag:$0x0] =	sbarrier.arrive $0xFFFF  }
0xfb: {  	_ =	strace $0x90000047  }
0xfc: {  	s0 =	stileid.u32;
	[bflag:$0x2] =	sbarrier.arrive $0xFFFF  }
0xfd: {  	p0 =	sne.s32 s0, $0x0;
	s0 =	rddreg [dreg:$0x4]  }
0xfe: {  	s0 =	sadd.s32 @!p0 $0x100000, s0  }
0xff: {  	[sflag:s0] =	ssyncadd.tile.s32 @!p0 $0x1;
	_ =	shalt  }
.Lfunc_end2:
_tile_overlayer_lowered:
.L_overlay_start_2:
0x100: {  	(tag) =	ssettag $0x2  }
0x101: {  	s0 =	rddreg [dreg:$0x0];
	s2 =	stileid.u32  }
0x102: {  	s1 =	rddreg [dreg:$0x1];
	p0 =	sne.s32 s2, $0x0  }
0x103: {  	s3 =	rddreg [dreg:$0x2];
	[bflag:$0x3] =	sbarrier.arrive $0xFFFF;
	s2 =	simm.s32 @!p0 $0x1C0E  }
0x104: {  	[timem:s3], [sflag:s2] =	dma.local @!p0 [hbm:s0], s1  }
0x105: {  	s0 =	simm.s32 @!p0 $0xE  }
0x106: {  	_ =	swait.ge @!p0 [sflag:s0], s1  }
0x107: {  	s1 =	ssub.s32 @!p0 $0x0, s1;
	[sflag:s0] =	ssyncset.done @!p0 $0x0  }
0x108: {  	[sflag:s0] =	ssyncadd.s32 @!p0 s1  }
0x109: {  	[bflag:$0x3] =	sbarrier.arrive $0xFFFF  }
0x10a: {  	_ =	shalt  }

</sc_bundles>
